<compile_context>
chip_gen: v7x
topology: tpu7x:2x2x1
jax: 0.10.2.dev20260603
libtpu: 0.0.44.dev20260713+nightly
codegen_flags: <defaults>
</compile_context>

<pallas_src>
import functools

import jax
import jax.numpy as jnp
from jax import lax
from jax.experimental import pallas as pl
from jax.experimental.pallas import tpu as pltpu
from jax.experimental.pallas import tpu_sc as plsc

D = 128
D3 = 3 * D
NKEY = 10000
NCTR = 10000
NP = 10240
NE = 320000
CHUNK = 128
NTILES = 32
CPT = 79
EP = NTILES * CPT * CHUNK
PAD_IDX = 10000
RPT = NP // NTILES
RPS = NP // 16
NBLK = NP // 128
KEY_BUCKETS = 100000
CTR_BUCKETS = 100000

_PREC = jax.lax.Precision.HIGHEST

_MESH = dict(core_axis_name="c", subcore_axis_name="s", num_cores=2, num_subcores=16)



def _sc_prologue_body(kemb, cemb, kh, ch,
                      hkey_out, crow_out,
                      idx128, idx64, rows128, rows64, sem):
    cid = lax.axis_index("c")
    sid = lax.axis_index("s")
    wid = sid * 2 + cid
    gb = wid * RPT
    for off, cnt, ib, rb in ((0, CHUNK, idx128, rows128),
                             (CHUNK, CHUNK, idx128, rows128),
                             (2 * CHUNK, 64, idx64, rows64)):
        pltpu.sync_copy(kh.at[pl.ds(gb + off, cnt)], ib)
        pltpu.async_copy(kemb.at[ib], rb, sem).wait()
        pltpu.sync_copy(rb, hkey_out.at[pl.ds(gb + off, cnt)])
        pltpu.sync_copy(ch.at[pl.ds(gb + off, cnt)], ib)
        pltpu.async_copy(cemb.at[ib], rb, sem).wait()
        pltpu.sync_copy(rb, crow_out.at[pl.ds(gb + off, cnt)])


@functools.cache
def _sc_prologue():
    return pl.kernel(
        _sc_prologue_body,
        mesh=plsc.VectorSubcoreMesh(**_MESH),
        out_type=[
            jax.ShapeDtypeStruct((NP, D), jnp.float32),
            jax.ShapeDtypeStruct((NP, D), jnp.float32),
        ],
        scratch_types=[
            pltpu.VMEM((CHUNK,), jnp.int32),
            pltpu.VMEM((64,), jnp.int32),
            pltpu.VMEM((CHUNK, D), jnp.float32),
            pltpu.VMEM((64, D), jnp.float32),
            pltpu.SemaphoreType.DMA,
        ],
    )


def _sc_agg_body(table, gidx2, sidx, zrows, out, gslab_v, si_v, rows_v, acc, sem):
    cid = lax.axis_index("c")
    sid = lax.axis_index("s")
    wid = sid * 2 + cid
    pltpu.sync_copy(zrows, acc.at[pl.ds(sid * RPS, RPS)])
    pltpu.sync_copy(gidx2.at[wid], gslab_v)
    plsc.subcore_barrier()

    def body(t, carry):
        gbase = (wid * CPT + t) * CHUNK
        pltpu.sync_copy(sidx.at[pl.ds(gbase, CHUNK)], si_v)
        pltpu.async_copy(table.at[gslab_v.at[t]], rows_v, sem).wait()
        pltpu.sync_copy(rows_v, acc.at[si_v], add=True)
        return carry

    lax.fori_loop(jnp.int32(0), jnp.int32(CPT), body, jnp.int32(0))
    plsc.subcore_barrier()
    pltpu.sync_copy(acc.at[pl.ds(sid * RPS, RPS)],
                    out.at[cid, pl.ds(sid * RPS, RPS)])


@functools.cache
def _sc_agg():
    return pl.kernel(
        _sc_agg_body,
        mesh=plsc.VectorSubcoreMesh(**_MESH),
        out_type=jax.ShapeDtypeStruct((2, NP, D), jnp.float32),
        scratch_types=[
            pltpu.VMEM((CPT, CHUNK), jnp.int32),
            pltpu.VMEM((CHUNK,), jnp.int32),
            pltpu.VMEM((CHUNK, D), jnp.float32),
            pltpu.VMEM_SHARED((NP, D), jnp.float32),
            pltpu.SemaphoreType.DMA,
        ],
    )


def _sc_deg_body(srci, dsti, ones_hbm, zrows, outk, outc, idx_v, ones_v, acc, sem):
    cid = lax.axis_index("c")
    sid = lax.axis_index("s")
    wid = sid * 2 + cid
    slab = pl.ds(sid * RPS, RPS)
    pltpu.sync_copy(zrows, acc.at[slab])
    pltpu.sync_copy(ones_hbm, ones_v)
    plsc.subcore_barrier()

    def body_src(t, carry):
        gbase = (wid * CPT + t) * CHUNK
        pltpu.sync_copy(srci.at[pl.ds(gbase, CHUNK)], idx_v)
        pltpu.sync_copy(ones_v, acc.at[idx_v], add=True)
        return carry

    lax.fori_loop(jnp.int32(0), jnp.int32(CPT), body_src, jnp.int32(0))
    plsc.subcore_barrier()
    pltpu.sync_copy(acc.at[slab], outk.at[cid, slab])
    pltpu.sync_copy(zrows, acc.at[slab])
    plsc.subcore_barrier()

    def body_dst(t, carry):
        gbase = (wid * CPT + t) * CHUNK
        pltpu.sync_copy(dsti.at[pl.ds(gbase, CHUNK)], idx_v)
        pltpu.sync_copy(ones_v, acc.at[idx_v], add=True)
        return carry

    lax.fori_loop(jnp.int32(0), jnp.int32(CPT), body_dst, jnp.int32(0))
    plsc.subcore_barrier()
    pltpu.sync_copy(acc.at[slab], outc.at[cid, slab])


@functools.cache
def _sc_deg():
    return pl.kernel(
        _sc_deg_body,
        mesh=plsc.VectorSubcoreMesh(**_MESH),
        out_type=[
            jax.ShapeDtypeStruct((2, NP, D), jnp.float32),
            jax.ShapeDtypeStruct((2, NP, D), jnp.float32),
        ],
        scratch_types=[
            pltpu.VMEM((CHUNK,), jnp.int32),
            pltpu.VMEM((CHUNK, D), jnp.float32),
            pltpu.VMEM_SHARED((NP, D), jnp.float32),
            pltpu.SemaphoreType.DMA,
        ],
    )



def _full(shape):
    return pl.BlockSpec(shape, lambda i: tuple(jnp.int32(0) for _ in shape))


def _rows(width):
    return pl.BlockSpec((128, width), lambda i: (i, jnp.int32(0)))


def _mlp_blk(x, w1t, b1, w2t, b2):
    h = jnp.maximum(jnp.dot(x, w1t, precision=_PREC) + b1, 0.0)
    return jnp.dot(h, w2t, precision=_PREC) + b2


def _tc_prologue_body(crow_ref, y_ref, vwt_ref, vb_ref,
                      w1t_ref, b1_ref, w2t_ref, b2_ref,
                      hctr_ref, tab_ref):
    y = y_ref[...]
    l1p = jnp.log1p(jnp.maximum(y, 0.0))
    pre = y * vwt_ref[0:1, :] + l1p * vwt_ref[1:2, :] + vb_ref[...]
    hc = crow_ref[...] + jnp.maximum(pre, 0.0)
    hctr_ref[...] = hc
    tab_ref[...] = _mlp_blk(hc, w1t_ref[...], b1_ref[...], w2t_ref[...], b2_ref[...])


_tc_prologue = pl.pallas_call(
    _tc_prologue_body,
    grid=(NBLK,),
    in_specs=[_rows(D), _rows(1), _full((2, D)), _full((1, D)),
              _full((D, D)), _full((1, D)), _full((D, D)), _full((1, D))],
    out_specs=[_rows(D), _rows(D)],
    out_shape=[jax.ShapeDtypeStruct((NP, D), jnp.float32),
               jax.ShapeDtypeStruct((NP, D), jnp.float32)],
)


def _mk_update(with_table):
    def body(p_ref, dp_ref, h_ref, wiht_ref, bih_ref, whht_ref, bhh_ref,
             g_ref, b_ref, *rest):
        x = (p_ref[0] + p_ref[1]) / jnp.maximum(dp_ref[0, :, 0:1] + dp_ref[1, :, 0:1], 1.0)
        h = h_ref[...]
        gi = jnp.dot(x, wiht_ref[...], precision=_PREC) + bih_ref[...]
        gh = jnp.dot(h, whht_ref[...], precision=_PREC) + bhh_ref[...]
        r = jax.nn.sigmoid(gi[:, :D] + gh[:, :D])
        z = jax.nn.sigmoid(gi[:, D:2 * D] + gh[:, D:2 * D])
        n = jnp.tanh(gi[:, 2 * D:] + r * gh[:, 2 * D:])
        hn = (1.0 - z) * n + z * h
        mu = jnp.mean(hn, axis=1, keepdims=True)
        var = jnp.mean((hn - mu) ** 2, axis=1, keepdims=True)
        ln = (hn - mu) / jnp.sqrt(var + 1e-5) * g_ref[...] + b_ref[...]
        if with_table:
            w1t_ref, b1_ref, w2t_ref, b2_ref, hout_ref, tab_ref = rest
            hout_ref[...] = ln
            tab_ref[...] = _mlp_blk(ln, w1t_ref[...], b1_ref[...], w2t_ref[...], b2_ref[...])
        else:
            (hout_ref,) = rest
            hout_ref[...] = ln

    in_specs = [
        pl.BlockSpec((2, 128, D), lambda i: (jnp.int32(0), i, jnp.int32(0))),
        pl.BlockSpec((2, 128, D), lambda i: (jnp.int32(0), i, jnp.int32(0))),
        _rows(D),
        _full((D, D3)), _full((1, D3)), _full((D, D3)), _full((1, D3)),
        _full((1, D)), _full((1, D)),
    ]
    out_shape = [jax.ShapeDtypeStruct((NP, D), jnp.float32)]
    out_specs = [_rows(D)]
    if with_table:
        in_specs += [_full((D, D)), _full((1, D)), _full((D, D)), _full((1, D))]
        out_shape += [jax.ShapeDtypeStruct((NP, D), jnp.float32)]
        out_specs += [_rows(D)]
    return pl.pallas_call(
        body, grid=(NBLK,), in_specs=in_specs,
        out_specs=out_specs, out_shape=out_shape,
    )


_tc_update_tab = _mk_update(True)
_tc_update_notab = _mk_update(False)


def _tc_epilogue_body(h_ref, cw1t, cb1, cw2t, cb2, vw1t, vb1, vw2t, vb2,
                      hkc_ref, hkv_ref, sc_ref, sv_ref):
    i = pl.program_id(0)
    h = h_ref[...]
    hc = _mlp_blk(h, cw1t[...], cb1[...], cw2t[...], cb2[...])
    hv = _mlp_blk(h, vw1t[...], vb1[...], vw2t[...], vb2[...])
    hkc_ref[...] = hc
    hkv_ref[...] = hv
    rows = i * 128 + lax.broadcasted_iota(jnp.int32, (128, 1), 0)
    mask = rows < NKEY

    @pl.when(i == 0)
    def _():
        sc_ref[...] = jnp.zeros((1, D), jnp.float32)
        sv_ref[...] = jnp.zeros((1, D), jnp.float32)

    sc_ref[...] += jnp.sum(jnp.where(mask, hc, 0.0), axis=0, keepdims=True)
    sv_ref[...] += jnp.sum(jnp.where(mask, hv, 0.0), axis=0, keepdims=True)


_tc_epilogue = pl.pallas_call(
    _tc_epilogue_body,
    grid=(NBLK,),
    in_specs=[_rows(D)] + [_full((D, D)), _full((1, D)), _full((D, D)), _full((1, D))] * 2,
    out_specs=[_rows(D), _rows(D),
               pl.BlockSpec((1, D), lambda i: (jnp.int32(0), jnp.int32(0))),
               pl.BlockSpec((1, D), lambda i: (jnp.int32(0), jnp.int32(0)))],
    out_shape=[jax.ShapeDtypeStruct((NP, D), jnp.float32),
               jax.ShapeDtypeStruct((NP, D), jnp.float32),
               jax.ShapeDtypeStruct((1, D), jnp.float32),
               jax.ShapeDtypeStruct((1, D), jnp.float32)],
)


def _tc_pool_body(sc_ref, sv_ref, cw1t, cb1, cw2t, cb2, vw1t, vb1, vw2t, vb2,
                  zc_ref, zv_ref):
    zc_ref[...] = _mlp_blk(sc_ref[...] * (1.0 / NKEY), cw1t[...], cb1[...], cw2t[...], cb2[...])
    zv_ref[...] = _mlp_blk(sv_ref[...] * (1.0 / NKEY), vw1t[...], vb1[...], vw2t[...], vb2[...])


_tc_pool = pl.pallas_call(
    _tc_pool_body,
    out_shape=[jax.ShapeDtypeStruct((1, D), jnp.float32),
               jax.ShapeDtypeStruct((1, D), jnp.float32)],
)



def _mlp_args(p):
    return (p["w1"].T.astype(jnp.float32), p["b1"].astype(jnp.float32).reshape(1, D),
            p["w2"].T.astype(jnp.float32), p["b2"].astype(jnp.float32).reshape(1, D))


def kernel(y, edge_index, key_ids, counter_ids_global, params):
    p = params
    f32 = jnp.float32
    mult = jnp.uint64(2654435761)
    kh = ((key_ids.astype(jnp.uint64) * mult) % jnp.uint64(KEY_BUCKETS)).astype(jnp.int32)
    ch = ((counter_ids_global.astype(jnp.uint64) * mult) % jnp.uint64(CTR_BUCKETS)).astype(jnp.int32)
    khp = jnp.concatenate([kh, jnp.zeros((NP - NKEY,), jnp.int32)])
    chp = jnp.concatenate([ch, jnp.zeros((NP - NCTR,), jnp.int32)])
    pad = jnp.full((EP - NE,), PAD_IDX, jnp.int32)
    src = jnp.concatenate([edge_index[0].astype(jnp.int32), pad])
    dst = jnp.concatenate([edge_index[1].astype(jnp.int32), pad])
    src3 = src.reshape(NTILES, CPT, CHUNK)
    dst3 = dst.reshape(NTILES, CPT, CHUNK)
    zrows = jnp.zeros((RPS, D), f32)
    yp = jnp.concatenate([y.astype(f32), jnp.zeros((NP - NCTR,), f32)]).reshape(NP, 1)

    kemb = p["key_emb"].astype(f32)
    cemb = p["ctr_emb"].astype(f32)
    vwt = p["val_w"].T.astype(f32)
    vb = p["val_b"].astype(f32).reshape(1, D)
    c2k = _mlp_args(p["msg_c2k"])
    k2c = _mlp_args(p["msg_k2c"])

    def gru_args(g):
        return (g["wih"].T.astype(f32), g["bih"].astype(f32).reshape(1, D3),
                g["whh"].T.astype(f32), g["bhh"].astype(f32).reshape(1, D3))

    gk = gru_args(p["gru_key"])
    gc = gru_args(p["gru_ctr"])
    lnk = (p["ln_key_g"].astype(f32).reshape(1, D), p["ln_key_b"].astype(f32).reshape(1, D))
    lnc = (p["ln_ctr_g"].astype(f32).reshape(1, D), p["ln_ctr_b"].astype(f32).reshape(1, D))

    hkey, crows = _sc_prologue()(kemb, cemb, khp, chp)
    ones128 = jnp.ones((CHUNK, D), f32)
    degk, degc = _sc_deg()(src, dst, ones128, zrows)
    hctr, tab = _tc_prologue(crows, yp, vwt, vb, *c2k)
    agg_fn = _sc_agg()
    for l in range(3):
        aggp = agg_fn(tab, dst3, src, zrows)
        hkey, tab2 = _tc_update_tab(aggp, degk, hkey, *gk, *lnk, *k2c)
        aggp2 = agg_fn(tab2, src3, dst, zrows)
        if l < 2:
            hctr, tab = _tc_update_tab(aggp2, degc, hctr, *gc, *lnc, *c2k)
        else:
            (hctr,) = _tc_update_notab(aggp2, degc, hctr, *gc, *lnc)
    hkc, hkv, sc_, sv_ = _tc_epilogue(hkey, *_mlp_args(p["proj_key_c"]),
                                      *_mlp_args(p["proj_key_v"]))
    zc, zv = _tc_pool(sc_, sv_, *_mlp_args(p["pool_zc"]), *_mlp_args(p["pool_zv"]))
    f64 = jnp.float64
    return (zc.reshape(D).astype(f64), zv.reshape(D).astype(f64),
            hkc[:NKEY].astype(f64), hkv[:NKEY].astype(f64),
            hctr[:NCTR].astype(f64))

# --- scband reference (transcript-rebuilt; emitter-appended) ---
"""Pipeline reference for scband-bipartite-gnnencoder-60730837566102 (READ-ONLY COPY).

The authoritative reference and input builder live on the scoring server;
editing this copy changes nothing except your own understanding.
"""

import jax, jax.numpy as jnp
import numpy as np

jax.config.update("jax_enable_x64", True)

D = 128
DZ = 128
NUM_LAYERS = 3
NUM_KEYS = 10000
NUM_CTRS = 10000
NUM_EDGES = 320000
KEY_BUCKETS = 100000
CTR_BUCKETS = 100000


def _mlp_params(key, din, dh, dout):
    k1, k2 = jax.random.split(key)
    return {
        "w1": jax.random.normal(k1, (dh, din), dtype=jnp.float32) / np.sqrt(din),
        "b1": jnp.zeros((dh,), dtype=jnp.float32),
        "w2": jax.random.normal(k2, (dout, dh), dtype=jnp.float32) / np.sqrt(dh),
        "b2": jnp.zeros((dout,), dtype=jnp.float32),
    }


def _gru_params(key, d):
    k1, k2 = jax.random.split(key)
    s = 1.0 / np.sqrt(d)
    return {
        "wih": jax.random.uniform(k1, (3 * d, d), dtype=jnp.float32, minval=-s, maxval=s),
        "whh": jax.random.uniform(k2, (3 * d, d), dtype=jnp.float32, minval=-s, maxval=s),
        "bih": jnp.zeros((3 * d,), dtype=jnp.float32),
        "bhh": jnp.zeros((3 * d,), dtype=jnp.float32),
    }


def setup_inputs(seed: int = 0):
    key = jax.random.key(seed)
    ks = jax.random.split(key, 16)
    y = jax.random.uniform(ks[0], (NUM_CTRS,), dtype=jnp.float32) * 10.0
    edge_index = jax.random.randint(ks[1], (2, NUM_EDGES), 0, NUM_KEYS, dtype=jnp.int64)
    key_ids = jnp.arange(NUM_KEYS, dtype=jnp.int64)
    counter_ids_global = jnp.arange(NUM_CTRS, dtype=jnp.int64)
    params = {
        "key_emb": jax.random.normal(ks[2], (KEY_BUCKETS, D), dtype=jnp.float32) * 0.02,
        "ctr_emb": jax.random.normal(ks[3], (CTR_BUCKETS, D), dtype=jnp.float32) * 0.02,
        "val_w": jax.random.normal(ks[4], (D, 2), dtype=jnp.float32) / np.sqrt(2.0),
        "val_b": jnp.zeros((D,), dtype=jnp.float32),
        "msg_c2k": _mlp_params(ks[5], D, D, D),
        "msg_k2c": _mlp_params(ks[6], D, D, D),
        "gru_key": _gru_params(ks[7], D),
        "gru_ctr": _gru_params(ks[8], D),
        "ln_key_g": jnp.ones((D,), dtype=jnp.float32),
        "ln_key_b": jnp.zeros((D,), dtype=jnp.float32),
        "ln_ctr_g": jnp.ones((D,), dtype=jnp.float32),
        "ln_ctr_b": jnp.zeros((D,), dtype=jnp.float32),
        "proj_key_c": _mlp_params(ks[9], D, D, D),
        "proj_key_v": _mlp_params(ks[10], D, D, D),
        "pool_zc": _mlp_params(ks[11], D, D, DZ),
        "pool_zv": _mlp_params(ks[12], D, D, DZ),
    }
    return {"y": y, "edge_index": edge_index, "key_ids": key_ids, "counter_ids_global": counter_ids_global, "params": params}


def _mlp(p, x):
    h = jnp.maximum(x @ p["w1"].T + p["b1"], 0.0)
    return h @ p["w2"].T + p["b2"]


def _gru(p, x, h):
    gi = x @ p["wih"].T + p["bih"]
    gh = h @ p["whh"].T + p["bhh"]
    ir, iz, inn = jnp.split(gi, 3, axis=-1)
    hr, hz, hn = jnp.split(gh, 3, axis=-1)
    r = jax.nn.sigmoid(ir + hr)
    z = jax.nn.sigmoid(iz + hz)
    n = jnp.tanh(inn + r * hn)
    return (1.0 - z) * n + z * h


def _ln(x, g, b):
    mu = jnp.mean(x, axis=-1, keepdims=True)
    var = jnp.mean((x - mu) ** 2, axis=-1, keepdims=True)
    return (x - mu) / jnp.sqrt(var + 1e-5) * g + b


def _hash_ids(ids, buckets):
    x = ids.astype(jnp.uint64) * jnp.uint64(2654435761)
    return (x % jnp.uint64(buckets)).astype(jnp.int64)


def _forward(y, params, edge_index, key_ids, counter_ids_global):
    kh = _hash_ids(key_ids, KEY_BUCKETS)
    ch = _hash_ids(counter_ids_global, CTR_BUCKETS)
    h_key = params["key_emb"][kh]
    ctr_feat = jnp.stack([y, jnp.log1p(jnp.maximum(y, 0.0))], axis=-1)
    h_ctr = params["ctr_emb"][ch] + jnp.maximum(ctr_feat @ params["val_w"].T + params["val_b"], 0.0)
    src_k = edge_index[0]
    dst_c = edge_index[1]
    ones_e = jnp.ones((NUM_EDGES,), dtype=jnp.float32)
    deg_k = jnp.maximum(jax.ops.segment_sum(ones_e, src_k, num_segments=NUM_KEYS), 1.0)
    deg_c = jnp.maximum(jax.ops.segment_sum(ones_e, dst_c, num_segments=NUM_CTRS), 1.0)
    for _ in range(NUM_LAYERS):
        msg = _mlp(params["msg_c2k"], h_ctr[dst_c])
        agg = jax.ops.segment_sum(msg, src_k, num_segments=NUM_KEYS) / deg_k[:, None]
        h_key = _ln(_gru(params["gru_key"], agg, h_key), params["ln_key_g"], params["ln_key_b"])
        msg2 = _mlp(params["msg_k2c"], h_key[src_k])
        agg2 = jax.ops.segment_sum(msg2, dst_c, num_segments=NUM_CTRS) / deg_c[:, None]
        h_ctr = _ln(_gru(params["gru_ctr"], agg2, h_ctr), params["ln_ctr_g"], params["ln_ctr_b"])
    h_key_c = _mlp(params["proj_key_c"], h_key)
    h_key_v = _mlp(params["proj_key_v"], h_key)
    z_c = _mlp(params["pool_zc"], jnp.mean(h_key_c, axis=0))
    z_v = _mlp(params["pool_zv"], jnp.mean(h_key_v, axis=0))
    return (z_c, z_v, h_key_c, h_key_v, h_ctr)


def reference(y, edge_index, key_ids, counter_ids_global, params):
    return _forward(y, params, edge_index, key_ids, counter_ids_global)

if __name__ == "__main__":
    import jax
    _d = setup_inputs()
    print(jax.jit(kernel)(*tuple(_d.values())))

</pallas_src>

<mosaic_0001>
#map = affine_map<(d0, d1) -> (0)>
#map1 = affine_map<(d0, d1) -> (0, 0)>
#map2 = affine_map<(d0, d1) -> (0, 0, 0)>
module attributes {stable_mosaic.version = 14 : i64} {
  func.func @_sc_deg_body(%arg0: i32, %arg1: i32, %arg2: memref<323584xi32, #tpu.memory_space<hbm>>, %arg3: memref<323584xi32, #tpu.memory_space<hbm>>, %arg4: memref<128x128xf32, #tpu.memory_space<hbm>>, %arg5: memref<640x128xf32, #tpu.memory_space<hbm>>, %arg6: memref<2x10240x128xf32, #tpu.memory_space<hbm>>, %arg7: memref<2x10240x128xf32, #tpu.memory_space<hbm>>, %arg8: memref<128xi32, #tpu.memory_space<vmem>>, %arg9: memref<128x128xf32, #tpu.memory_space<vmem>>, %arg10: memref<10240x128xf32, #tpu.memory_space<vmem_shared>>, %arg11: memref<!tpu.dma_semaphore, #tpu.memory_space<semaphore_mem>>) attributes {dimension_semantics = [#tpu.dimension_semantics<core_parallel>, #tpu.dimension_semantics<subcore_parallel>], iteration_bounds = array<i64: 2, 16>, scalar_prefetch = 0 : i64, scratch_operands = 4 : i64, tpu.core_type = #tpu.core_type<sc_vector_subcore>, window_params = [{transform_indices = #map}, {transform_indices = #map}, {transform_indices = #map1}, {transform_indices = #map1}, {transform_indices = #map2}, {transform_indices = #map2}]} {
    %mul3A = arith.constant 2 : i32
    %mul3A_0 = arith.muli %arg1, %mul3A : i32
    %add3A = arith.addi %mul3A_0, %arg0 : i32
    %mul3A_1 = arith.constant 640 : i32
    %mul3A_2 = arith.muli %arg1, %mul3A_1 : i32
    "tpu.region"() ({
      %run_scoped3A = tpu.sem_alloc : memref<!tpu.dma_semaphore, #tpu.memory_space<semaphore_mem>>
      %dma_start3A = arith.constant 0 : i32
      %dma_start3A_27 = tpu.memref_slice %arg10[%mul3A_2, %dma_start3A] : memref<10240x128xf32, #tpu.memory_space<vmem_shared>> -> memref<640x128xf32, #tpu.memory_space<vmem_shared>>
      tpu.enqueue_dma source(%arg5 : memref<640x128xf32, #tpu.memory_space<hbm>>) target(%dma_start3A_27 : memref<640x128xf32, #tpu.memory_space<vmem_shared>>) target_semaphore(%run_scoped3A : memref<!tpu.dma_semaphore, #tpu.memory_space<semaphore_mem>>)
      %dma_wait3A = arith.constant 0 : i32
      %dma_wait3A_28 = tpu.memref_slice %arg10[%mul3A_2, %dma_wait3A] : memref<10240x128xf32, #tpu.memory_space<vmem_shared>> -> memref<640x128xf32, #tpu.memory_space<vmem_shared>>
      tpu.wait_dma2 semaphore(%run_scoped3A : memref<!tpu.dma_semaphore, #tpu.memory_space<semaphore_mem>>) src(%arg5 : memref<640x128xf32, #tpu.memory_space<hbm>>) dst(%dma_wait3A_28 : memref<640x128xf32, #tpu.memory_space<vmem_shared>>)
      tpu.yield
    }) : () -> ()
    "tpu.region"() ({
      %run_scoped3A = tpu.sem_alloc : memref<!tpu.dma_semaphore, #tpu.memory_space<semaphore_mem>>
      tpu.enqueue_dma source(%arg4 : memref<128x128xf32, #tpu.memory_space<hbm>>) target(%arg9 : memref<128x128xf32, #tpu.memory_space<vmem>>) target_semaphore(%run_scoped3A : memref<!tpu.dma_semaphore, #tpu.memory_space<semaphore_mem>>)
      tpu.wait_dma2 semaphore(%run_scoped3A : memref<!tpu.dma_semaphore, #tpu.memory_space<semaphore_mem>>) src(%arg4 : memref<128x128xf32, #tpu.memory_space<hbm>>) dst(%arg9 : memref<128x128xf32, #tpu.memory_space<vmem>>)
      tpu.yield
    }) : () -> ()
    %barrier3A = arith.constant 0 : index
    tpu.barrier barrier_id(%barrier3A)
    %while3A = arith.constant 0 : i32
    %while3A_3 = arith.constant 0 : i32
    %while3A_4 = arith.constant 79 : i32
    %while3A_5 = arith.subi %while3A_4, %while3A_3 : i32
    %while3A_6 = arith.addi %while3A_3, %while3A_5 : i32
    %while3A_7 = arith.constant 1 : i32
    %while3A_8 = arith.divsi %while3A_5, %while3A_7 : i32
    %while3A_9 = arith.muli %while3A_8, %while3A_7 : i32
    %while3A_10 = arith.addi %while3A_3, %while3A_9 : i32
    %while3A_11 = arith.constant 1 : i32
    scf.for %while3A_27 = %while3A_3 to %while3A_10 step %while3A_11  : i32 {
      %mul3A_28 = arith.constant 79 : i32
      %mul3A_29 = arith.muli %add3A, %mul3A_28 : i32
      %add3A_30 = arith.addi %mul3A_29, %while3A_27 : i32
      %mul3A_31 = arith.constant 128 : i32
      %mul3A_32 = arith.muli %add3A_30, %mul3A_31 : i32
      "tpu.region"() ({
        %run_scoped3A = tpu.sem_alloc : memref<!tpu.dma_semaphore, #tpu.memory_space<semaphore_mem>>
        %dma_start3A = tpu.memref_slice %arg2[%mul3A_32] : memref<323584xi32, #tpu.memory_space<hbm>> -> memref<128xi32, #tpu.memory_space<hbm>>
        %dma_start3A_33 = tpu.memref_slice %arg2[%mul3A_32] : memref<323584xi32, #tpu.memory_space<hbm>> -> memref<128xi32, #tpu.memory_space<hbm>>
        tpu.enqueue_dma source(%dma_start3A_33 : memref<128xi32, #tpu.memory_space<hbm>>) target(%arg8 : memref<128xi32, #tpu.memory_space<vmem>>) target_semaphore(%run_scoped3A : memref<!tpu.dma_semaphore, #tpu.memory_space<semaphore_mem>>)
        %dma_wait3A = tpu.memref_slice %arg2[%mul3A_32] : memref<323584xi32, #tpu.memory_space<hbm>> -> memref<128xi32, #tpu.memory_space<hbm>>
        %dma_wait3A_34 = tpu.memref_slice %arg2[%mul3A_32] : memref<323584xi32, #tpu.memory_space<hbm>> -> memref<128xi32, #tpu.memory_space<hbm>>
        tpu.wait_dma2 semaphore(%run_scoped3A : memref<!tpu.dma_semaphore, #tpu.memory_space<semaphore_mem>>) src(%dma_wait3A_34 : memref<128xi32, #tpu.memory_space<hbm>>) dst(%arg8 : memref<128xi32, #tpu.memory_space<vmem>>)
        tpu.yield
      }) : () -> ()
      "tpu.region"() ({
        %run_scoped3A = tpu.sem_alloc : memref<!tpu.dma_semaphore, #tpu.memory_space<semaphore_mem>>
        %dma_start3A = arith.constant 0 : i32
        %dma_start3A_33 = arith.constant 0 : i32
        %dma_start3A_34 = tpu.memref_slice %arg10[%dma_start3A, %dma_start3A_33] : memref<10240x128xf32, #tpu.memory_space<vmem_shared>> -> memref<10240x128xf32, #tpu.memory_space<vmem_shared>>
        tpu.enqueue_indirect_dma source(%arg9 : memref<128x128xf32, #tpu.memory_space<vmem>>) target(%dma_start3A_34 : memref<10240x128xf32, #tpu.memory_space<vmem_shared>>) offsets(%arg8 : memref<128xi32, #tpu.memory_space<vmem>>) semaphore(%run_scoped3A : memref<!tpu.dma_semaphore, #tpu.memory_space<semaphore_mem>>) {add = true}
        %dma_wait3A = arith.constant 0 : i32
        %dma_wait3A_35 = arith.constant 0 : i32
        %dma_wait3A_36 = tpu.memref_slice %arg10[%dma_wait3A, %dma_wait3A_35] : memref<10240x128xf32, #tpu.memory_space<vmem_shared>> -> memref<10240x128xf32, #tpu.memory_space<vmem_shared>>
        tpu.wait_indirect_dma semaphore(%run_scoped3A : memref<!tpu.dma_semaphore, #tpu.memory_space<semaphore_mem>>) src(%arg9 : memref<128x128xf32, #tpu.memory_space<vmem>>) dst(%dma_wait3A_36 : memref<10240x128xf32, #tpu.memory_space<vmem_shared>>)
        tpu.yield
      }) : () -> ()
    }
    %while3A_12 = arith.constant 1 : i32
    scf.for %while3A_27 = %while3A_10 to %while3A_6 step %while3A_12  : i32 {
      %mul3A_28 = arith.constant 79 : i32
      %mul3A_29 = arith.muli %add3A, %mul3A_28 : i32
      %add3A_30 = arith.addi %mul3A_29, %while3A_27 : i32
      %mul3A_31 = arith.constant 128 : i32
      %mul3A_32 = arith.muli %add3A_30, %mul3A_31 : i32
      "tpu.region"() ({
        %run_scoped3A = tpu.sem_alloc : memref<!tpu.dma_semaphore, #tpu.memory_space<semaphore_mem>>
        %dma_start3A = tpu.memref_slice %arg2[%mul3A_32] : memref<323584xi32, #tpu.memory_space<hbm>> -> memref<128xi32, #tpu.memory_space<hbm>>
        %dma_start3A_33 = tpu.memref_slice %arg2[%mul3A_32] : memref<323584xi32, #tpu.memory_space<hbm>> -> memref<128xi32, #tpu.memory_space<hbm>>
        tpu.enqueue_dma source(%dma_start3A_33 : memref<128xi32, #tpu.memory_space<hbm>>) target(%arg8 : memref<128xi32, #tpu.memory_space<vmem>>) target_semaphore(%run_scoped3A : memref<!tpu.dma_semaphore, #tpu.memory_space<semaphore_mem>>)
        %dma_wait3A = tpu.memref_slice %arg2[%mul3A_32] : memref<323584xi32, #tpu.memory_space<hbm>> -> memref<128xi32, #tpu.memory_space<hbm>>
        %dma_wait3A_34 = tpu.memref_slice %arg2[%mul3A_32] : memref<323584xi32, #tpu.memory_space<hbm>> -> memref<128xi32, #tpu.memory_space<hbm>>
        tpu.wait_dma2 semaphore(%run_scoped3A : memref<!tpu.dma_semaphore, #tpu.memory_space<semaphore_mem>>) src(%dma_wait3A_34 : memref<128xi32, #tpu.memory_space<hbm>>) dst(%arg8 : memref<128xi32, #tpu.memory_space<vmem>>)
        tpu.yield
      }) : () -> ()
      "tpu.region"() ({
        %run_scoped3A = tpu.sem_alloc : memref<!tpu.dma_semaphore, #tpu.memory_space<semaphore_mem>>
        %dma_start3A = arith.constant 0 : i32
        %dma_start3A_33 = arith.constant 0 : i32
        %dma_start3A_34 = tpu.memref_slice %arg10[%dma_start3A, %dma_start3A_33] : memref<10240x128xf32, #tpu.memory_space<vmem_shared>> -> memref<10240x128xf32, #tpu.memory_space<vmem_shared>>
        tpu.enqueue_indirect_dma source(%arg9 : memref<128x128xf32, #tpu.memory_space<vmem>>) target(%dma_start3A_34 : memref<10240x128xf32, #tpu.memory_space<vmem_shared>>) offsets(%arg8 : memref<128xi32, #tpu.memory_space<vmem>>) semaphore(%run_scoped3A : memref<!tpu.dma_semaphore, #tpu.memory_space<semaphore_mem>>) {add = true}
        %dma_wait3A = arith.constant 0 : i32
        %dma_wait3A_35 = arith.constant 0 : i32
        %dma_wait3A_36 = tpu.memref_slice %arg10[%dma_wait3A, %dma_wait3A_35] : memref<10240x128xf32, #tpu.memory_space<vmem_shared>> -> memref<10240x128xf32, #tpu.memory_space<vmem_shared>>
        tpu.wait_indirect_dma semaphore(%run_scoped3A : memref<!tpu.dma_semaphore, #tpu.memory_space<semaphore_mem>>) src(%arg9 : memref<128x128xf32, #tpu.memory_space<vmem>>) dst(%dma_wait3A_36 : memref<10240x128xf32, #tpu.memory_space<vmem_shared>>)
        tpu.yield
      }) : () -> ()
    }
    %barrier3A_13 = arith.constant 0 : index
    tpu.barrier barrier_id(%barrier3A_13)
    "tpu.region"() ({
      %run_scoped3A = tpu.sem_alloc : memref<!tpu.dma_semaphore, #tpu.memory_space<semaphore_mem>>
      %dma_start3A = arith.constant 0 : i32
      %dma_start3A_27 = tpu.memref_slice %arg6[%arg0, %mul3A_2, %dma_start3A] : memref<2x10240x128xf32, #tpu.memory_space<hbm>> -> memref<1x640x128xf32, #tpu.memory_space<hbm>>
      %dma_start3A_28 = tpu.memref_squeeze %dma_start3A_27 : memref<1x640x128xf32, #tpu.memory_space<hbm>> -> memref<640x128xf32, #tpu.memory_space<hbm>>
      %dma_start3A_29 = arith.constant 0 : i32
      %dma_start3A_30 = tpu.memref_slice %arg10[%mul3A_2, %dma_start3A_29] : memref<10240x128xf32, #tpu.memory_space<vmem_shared>> -> memref<640x128xf32, #tpu.memory_space<vmem_shared>>
      tpu.enqueue_dma source(%dma_start3A_30 : memref<640x128xf32, #tpu.memory_space<vmem_shared>>) target(%dma_start3A_28 : memref<640x128xf32, #tpu.memory_space<hbm>>) target_semaphore(%run_scoped3A : memref<!tpu.dma_semaphore, #tpu.memory_space<semaphore_mem>>)
      %dma_wait3A = arith.constant 0 : i32
      %dma_wait3A_31 = tpu.memref_slice %arg6[%arg0, %mul3A_2, %dma_wait3A] : memref<2x10240x128xf32, #tpu.memory_space<hbm>> -> memref<1x640x128xf32, #tpu.memory_space<hbm>>
      %dma_wait3A_32 = tpu.memref_squeeze %dma_wait3A_31 : memref<1x640x128xf32, #tpu.memory_space<hbm>> -> memref<640x128xf32, #tpu.memory_space<hbm>>
      %dma_wait3A_33 = arith.constant 0 : i32
      %dma_wait3A_34 = tpu.memref_slice %arg10[%mul3A_2, %dma_wait3A_33] : memref<10240x128xf32, #tpu.memory_space<vmem_shared>> -> memref<640x128xf32, #tpu.memory_space<vmem_shared>>
      tpu.wait_dma2 semaphore(%run_scoped3A : memref<!tpu.dma_semaphore, #tpu.memory_space<semaphore_mem>>) src(%dma_wait3A_34 : memref<640x128xf32, #tpu.memory_space<vmem_shared>>) dst(%dma_wait3A_32 : memref<640x128xf32, #tpu.memory_space<hbm>>)
      tpu.yield
    }) : () -> ()
    "tpu.region"() ({
      %run_scoped3A = tpu.sem_alloc : memref<!tpu.dma_semaphore, #tpu.memory_space<semaphore_mem>>
      %dma_start3A = arith.constant 0 : i32
      %dma_start3A_27 = tpu.memref_slice %arg10[%mul3A_2, %dma_start3A] : memref<10240x128xf32, #tpu.memory_space<vmem_shared>> -> memref<640x128xf32, #tpu.memory_space<vmem_shared>>
      tpu.enqueue_dma source(%arg5 : memref<640x128xf32, #tpu.memory_space<hbm>>) target(%dma_start3A_27 : memref<640x128xf32, #tpu.memory_space<vmem_shared>>) target_semaphore(%run_scoped3A : memref<!tpu.dma_semaphore, #tpu.memory_space<semaphore_mem>>)
      %dma_wait3A = arith.constant 0 : i32
      %dma_wait3A_28 = tpu.memref_slice %arg10[%mul3A_2, %dma_wait3A] : memref<10240x128xf32, #tpu.memory_space<vmem_shared>> -> memref<640x128xf32, #tpu.memory_space<vmem_shared>>
      tpu.wait_dma2 semaphore(%run_scoped3A : memref<!tpu.dma_semaphore, #tpu.memory_space<semaphore_mem>>) src(%arg5 : memref<640x128xf32, #tpu.memory_space<hbm>>) dst(%dma_wait3A_28 : memref<640x128xf32, #tpu.memory_space<vmem_shared>>)
      tpu.yield
    }) : () -> ()
    %barrier3A_14 = arith.constant 0 : index
    tpu.barrier barrier_id(%barrier3A_14)
    %while3A_15 = arith.constant 0 : i32
    %while3A_16 = arith.constant 0 : i32
    %while3A_17 = arith.constant 79 : i32
    %while3A_18 = arith.subi %while3A_17, %while3A_16 : i32
    %while3A_19 = arith.addi %while3A_16, %while3A_18 : i32
    %while3A_20 = arith.constant 1 : i32
    %while3A_21 = arith.divsi %while3A_18, %while3A_20 : i32
    %while3A_22 = arith.muli %while3A_21, %while3A_20 : i32
    %while3A_23 = arith.addi %while3A_16, %while3A_22 : i32
    %while3A_24 = arith.constant 1 : i32
    scf.for %while3A_27 = %while3A_16 to %while3A_23 step %while3A_24  : i32 {
      %mul3A_28 = arith.constant 79 : i32
      %mul3A_29 = arith.muli %add3A, %mul3A_28 : i32
      %add3A_30 = arith.addi %mul3A_29, %while3A_27 : i32
      %mul3A_31 = arith.constant 128 : i32
      %mul3A_32 = arith.muli %add3A_30, %mul3A_31 : i32
      "tpu.region"() ({
        %run_scoped3A = tpu.sem_alloc : memref<!tpu.dma_semaphore, #tpu.memory_space<semaphore_mem>>
        %dma_start3A = tpu.memref_slice %arg3[%mul3A_32] : memref<323584xi32, #tpu.memory_space<hbm>> -> memref<128xi32, #tpu.memory_space<hbm>>
        %dma_start3A_33 = tpu.memref_slice %arg3[%mul3A_32] : memref<323584xi32, #tpu.memory_space<hbm>> -> memref<128xi32, #tpu.memory_space<hbm>>
        tpu.enqueue_dma source(%dma_start3A_33 : memref<128xi32, #tpu.memory_space<hbm>>) target(%arg8 : memref<128xi32, #tpu.memory_space<vmem>>) target_semaphore(%run_scoped3A : memref<!tpu.dma_semaphore, #tpu.memory_space<semaphore_mem>>)
        %dma_wait3A = tpu.memref_slice %arg3[%mul3A_32] : memref<323584xi32, #tpu.memory_space<hbm>> -> memref<128xi32, #tpu.memory_space<hbm>>
        %dma_wait3A_34 = tpu.memref_slice %arg3[%mul3A_32] : memref<323584xi32, #tpu.memory_space<hbm>> -> memref<128xi32, #tpu.memory_space<hbm>>
        tpu.wait_dma2 semaphore(%run_scoped3A : memref<!tpu.dma_semaphore, #tpu.memory_space<semaphore_mem>>) src(%dma_wait3A_34 : memref<128xi32, #tpu.memory_space<hbm>>) dst(%arg8 : memref<128xi32, #tpu.memory_space<vmem>>)
        tpu.yield
      }) : () -> ()
      "tpu.region"() ({
        %run_scoped3A = tpu.sem_alloc : memref<!tpu.dma_semaphore, #tpu.memory_space<semaphore_mem>>
        %dma_start3A = arith.constant 0 : i32
        %dma_start3A_33 = arith.constant 0 : i32
        %dma_start3A_34 = tpu.memref_slice %arg10[%dma_start3A, %dma_start3A_33] : memref<10240x128xf32, #tpu.memory_space<vmem_shared>> -> memref<10240x128xf32, #tpu.memory_space<vmem_shared>>
        tpu.enqueue_indirect_dma source(%arg9 : memref<128x128xf32, #tpu.memory_space<vmem>>) target(%dma_start3A_34 : memref<10240x128xf32, #tpu.memory_space<vmem_shared>>) offsets(%arg8 : memref<128xi32, #tpu.memory_space<vmem>>) semaphore(%run_scoped3A : memref<!tpu.dma_semaphore, #tpu.memory_space<semaphore_mem>>) {add = true}
        %dma_wait3A = arith.constant 0 : i32
        %dma_wait3A_35 = arith.constant 0 : i32
        %dma_wait3A_36 = tpu.memref_slice %arg10[%dma_wait3A, %dma_wait3A_35] : memref<10240x128xf32, #tpu.memory_space<vmem_shared>> -> memref<10240x128xf32, #tpu.memory_space<vmem_shared>>
        tpu.wait_indirect_dma semaphore(%run_scoped3A : memref<!tpu.dma_semaphore, #tpu.memory_space<semaphore_mem>>) src(%arg9 : memref<128x128xf32, #tpu.memory_space<vmem>>) dst(%dma_wait3A_36 : memref<10240x128xf32, #tpu.memory_space<vmem_shared>>)
        tpu.yield
      }) : () -> ()
    }
    %while3A_25 = arith.constant 1 : i32
    scf.for %while3A_27 = %while3A_23 to %while3A_19 step %while3A_25  : i32 {
      %mul3A_28 = arith.constant 79 : i32
      %mul3A_29 = arith.muli %add3A, %mul3A_28 : i32
      %add3A_30 = arith.addi %mul3A_29, %while3A_27 : i32
      %mul3A_31 = arith.constant 128 : i32
      %mul3A_32 = arith.muli %add3A_30, %mul3A_31 : i32
      "tpu.region"() ({
        %run_scoped3A = tpu.sem_alloc : memref<!tpu.dma_semaphore, #tpu.memory_space<semaphore_mem>>
        %dma_start3A = tpu.memref_slice %arg3[%mul3A_32] : memref<323584xi32, #tpu.memory_space<hbm>> -> memref<128xi32, #tpu.memory_space<hbm>>
        %dma_start3A_33 = tpu.memref_slice %arg3[%mul3A_32] : memref<323584xi32, #tpu.memory_space<hbm>> -> memref<128xi32, #tpu.memory_space<hbm>>
        tpu.enqueue_dma source(%dma_start3A_33 : memref<128xi32, #tpu.memory_space<hbm>>) target(%arg8 : memref<128xi32, #tpu.memory_space<vmem>>) target_semaphore(%run_scoped3A : memref<!tpu.dma_semaphore, #tpu.memory_space<semaphore_mem>>)
        %dma_wait3A = tpu.memref_slice %arg3[%mul3A_32] : memref<323584xi32, #tpu.memory_space<hbm>> -> memref<128xi32, #tpu.memory_space<hbm>>
        %dma_wait3A_34 = tpu.memref_slice %arg3[%mul3A_32] : memref<323584xi32, #tpu.memory_space<hbm>> -> memref<128xi32, #tpu.memory_space<hbm>>
        tpu.wait_dma2 semaphore(%run_scoped3A : memref<!tpu.dma_semaphore, #tpu.memory_space<semaphore_mem>>) src(%dma_wait3A_34 : memref<128xi32, #tpu.memory_space<hbm>>) dst(%arg8 : memref<128xi32, #tpu.memory_space<vmem>>)
        tpu.yield
      }) : () -> ()
      "tpu.region"() ({
        %run_scoped3A = tpu.sem_alloc : memref<!tpu.dma_semaphore, #tpu.memory_space<semaphore_mem>>
        %dma_start3A = arith.constant 0 : i32
        %dma_start3A_33 = arith.constant 0 : i32
        %dma_start3A_34 = tpu.memref_slice %arg10[%dma_start3A, %dma_start3A_33] : memref<10240x128xf32, #tpu.memory_space<vmem_shared>> -> memref<10240x128xf32, #tpu.memory_space<vmem_shared>>
        tpu.enqueue_indirect_dma source(%arg9 : memref<128x128xf32, #tpu.memory_space<vmem>>) target(%dma_start3A_34 : memref<10240x128xf32, #tpu.memory_space<vmem_shared>>) offsets(%arg8 : memref<128xi32, #tpu.memory_space<vmem>>) semaphore(%run_scoped3A : memref<!tpu.dma_semaphore, #tpu.memory_space<semaphore_mem>>) {add = true}
        %dma_wait3A = arith.constant 0 : i32
        %dma_wait3A_35 = arith.constant 0 : i32
        %dma_wait3A_36 = tpu.memref_slice %arg10[%dma_wait3A, %dma_wait3A_35] : memref<10240x128xf32, #tpu.memory_space<vmem_shared>> -> memref<10240x128xf32, #tpu.memory_space<vmem_shared>>
        tpu.wait_indirect_dma semaphore(%run_scoped3A : memref<!tpu.dma_semaphore, #tpu.memory_space<semaphore_mem>>) src(%arg9 : memref<128x128xf32, #tpu.memory_space<vmem>>) dst(%dma_wait3A_36 : memref<10240x128xf32, #tpu.memory_space<vmem_shared>>)
        tpu.yield
      }) : () -> ()
    }
    %barrier3A_26 = arith.constant 0 : index
    tpu.barrier barrier_id(%barrier3A_26)
    "tpu.region"() ({
      %run_scoped3A = tpu.sem_alloc : memref<!tpu.dma_semaphore, #tpu.memory_space<semaphore_mem>>
      %dma_start3A = arith.constant 0 : i32
      %dma_start3A_27 = tpu.memref_slice %arg7[%arg0, %mul3A_2, %dma_start3A] : memref<2x10240x128xf32, #tpu.memory_space<hbm>> -> memref<1x640x128xf32, #tpu.memory_space<hbm>>
      %dma_start3A_28 = tpu.memref_squeeze %dma_start3A_27 : memref<1x640x128xf32, #tpu.memory_space<hbm>> -> memref<640x128xf32, #tpu.memory_space<hbm>>
      %dma_start3A_29 = arith.constant 0 : i32
      %dma_start3A_30 = tpu.memref_slice %arg10[%mul3A_2, %dma_start3A_29] : memref<10240x128xf32, #tpu.memory_space<vmem_shared>> -> memref<640x128xf32, #tpu.memory_space<vmem_shared>>
      tpu.enqueue_dma source(%dma_start3A_30 : memref<640x128xf32, #tpu.memory_space<vmem_shared>>) target(%dma_start3A_28 : memref<640x128xf32, #tpu.memory_space<hbm>>) target_semaphore(%run_scoped3A : memref<!tpu.dma_semaphore, #tpu.memory_space<semaphore_mem>>)
      %dma_wait3A = arith.constant 0 : i32
      %dma_wait3A_31 = tpu.memref_slice %arg7[%arg0, %mul3A_2, %dma_wait3A] : memref<2x10240x128xf32, #tpu.memory_space<hbm>> -> memref<1x640x128xf32, #tpu.memory_space<hbm>>
      %dma_wait3A_32 = tpu.memref_squeeze %dma_wait3A_31 : memref<1x640x128xf32, #tpu.memory_space<hbm>> -> memref<640x128xf32, #tpu.memory_space<hbm>>
      %dma_wait3A_33 = arith.constant 0 : i32
      %dma_wait3A_34 = tpu.memref_slice %arg10[%mul3A_2, %dma_wait3A_33] : memref<10240x128xf32, #tpu.memory_space<vmem_shared>> -> memref<640x128xf32, #tpu.memory_space<vmem_shared>>
      tpu.wait_dma2 semaphore(%run_scoped3A : memref<!tpu.dma_semaphore, #tpu.memory_space<semaphore_mem>>) src(%dma_wait3A_34 : memref<640x128xf32, #tpu.memory_space<vmem_shared>>) dst(%dma_wait3A_32 : memref<640x128xf32, #tpu.memory_space<hbm>>)
      tpu.yield
    }) : () -> ()
    return
  }
}

#map = affine_map<(d0, d1) -> (0, 0)>
#map1 = affine_map<(d0, d1) -> (0)>
module attributes {stable_mosaic.version = 14 : i64} {
  func.func @_sc_prologue_body(%arg0: i32, %arg1: i32, %arg2: memref<100000x128xf32, #tpu.memory_space<hbm>>, %arg3: memref<100000x128xf32, #tpu.memory_space<hbm>>, %arg4: memref<10240xi32, #tpu.memory_space<hbm>>, %arg5: memref<10240xi32, #tpu.memory_space<hbm>>, %arg6: memref<10240x128xf32, #tpu.memory_space<hbm>>, %arg7: memref<10240x128xf32, #tpu.memory_space<hbm>>, %arg8: memref<128xi32, #tpu.memory_space<vmem>>, %arg9: memref<64xi32, #tpu.memory_space<vmem>>, %arg10: memref<128x128xf32, #tpu.memory_space<vmem>>, %arg11: memref<64x128xf32, #tpu.memory_space<vmem>>, %arg12: memref<!tpu.dma_semaphore, #tpu.memory_space<semaphore_mem>>) attributes {dimension_semantics = [#tpu.dimension_semantics<core_parallel>, #tpu.dimension_semantics<subcore_parallel>], iteration_bounds = array<i64: 2, 16>, scalar_prefetch = 0 : i64, scratch_operands = 5 : i64, tpu.core_type = #tpu.core_type<sc_vector_subcore>, window_params = [{transform_indices = #map}, {transform_indices = #map}, {transform_indices = #map1}, {transform_indices = #map1}, {transform_indices = #map}, {transform_indices = #map}]} {
    %mul3A = arith.constant 2 : i32
    %mul3A_0 = arith.muli %arg1, %mul3A : i32
    %add3A = arith.addi %mul3A_0, %arg0 : i32
    %mul3A_1 = arith.constant 320 : i32
    %mul3A_2 = arith.muli %add3A, %mul3A_1 : i32
    %add3A_3 = arith.constant 0 : i32
    %add3A_4 = arith.addi %mul3A_2, %add3A_3 : i32
    "tpu.region"() ({
      %run_scoped3A = tpu.sem_alloc : memref<!tpu.dma_semaphore, #tpu.memory_space<semaphore_mem>>
      %dma_start3A_61 = tpu.memref_slice %arg4[%add3A_4] : memref<10240xi32, #tpu.memory_space<hbm>> -> memref<128xi32, #tpu.memory_space<hbm>>
      %dma_start3A_62 = tpu.memref_slice %arg4[%add3A_4] : memref<10240xi32, #tpu.memory_space<hbm>> -> memref<128xi32, #tpu.memory_space<hbm>>
      tpu.enqueue_dma source(%dma_start3A_62 : memref<128xi32, #tpu.memory_space<hbm>>) target(%arg8 : memref<128xi32, #tpu.memory_space<vmem>>) target_semaphore(%run_scoped3A : memref<!tpu.dma_semaphore, #tpu.memory_space<semaphore_mem>>)
      %dma_wait3A_63 = tpu.memref_slice %arg4[%add3A_4] : memref<10240xi32, #tpu.memory_space<hbm>> -> memref<128xi32, #tpu.memory_space<hbm>>
      %dma_wait3A_64 = tpu.memref_slice %arg4[%add3A_4] : memref<10240xi32, #tpu.memory_space<hbm>> -> memref<128xi32, #tpu.memory_space<hbm>>
      tpu.wait_dma2 semaphore(%run_scoped3A : memref<!tpu.dma_semaphore, #tpu.memory_space<semaphore_mem>>) src(%dma_wait3A_64 : memref<128xi32, #tpu.memory_space<hbm>>) dst(%arg8 : memref<128xi32, #tpu.memory_space<vmem>>)
      tpu.yield
    }) : () -> ()
    %dma_start3A = arith.constant 0 : i32
    %dma_start3A_5 = arith.constant 0 : i32
    %dma_start3A_6 = tpu.memref_slice %arg2[%dma_start3A, %dma_start3A_5] : memref<100000x128xf32, #tpu.memory_space<hbm>> -> memref<100000x128xf32, #tpu.memory_space<hbm>>
    tpu.enqueue_indirect_dma source(%dma_start3A_6 : memref<100000x128xf32, #tpu.memory_space<hbm>>) target(%arg10 : memref<128x128xf32, #tpu.memory_space<vmem>>) offsets(%arg8 : memref<128xi32, #tpu.memory_space<vmem>>) semaphore(%arg12 : memref<!tpu.dma_semaphore, #tpu.memory_space<semaphore_mem>>)
    %dma_wait3A = arith.constant 0 : i32
    %dma_wait3A_7 = arith.constant 0 : i32
    %dma_wait3A_8 = tpu.memref_slice %arg2[%dma_wait3A, %dma_wait3A_7] : memref<100000x128xf32, #tpu.memory_space<hbm>> -> memref<100000x128xf32, #tpu.memory_space<hbm>>
    tpu.wait_indirect_dma semaphore(%arg12 : memref<!tpu.dma_semaphore, #tpu.memory_space<semaphore_mem>>) src(%dma_wait3A_8 : memref<100000x128xf32, #tpu.memory_space<hbm>>) dst(%arg10 : memref<128x128xf32, #tpu.memory_space<vmem>>)
    %add3A_9 = arith.constant 0 : i32
    %add3A_10 = arith.addi %mul3A_2, %add3A_9 : i32
    "tpu.region"() ({
      %run_scoped3A = tpu.sem_alloc : memref<!tpu.dma_semaphore, #tpu.memory_space<semaphore_mem>>
      %dma_start3A_61 = arith.constant 0 : i32
      %dma_start3A_62 = tpu.memref_slice %arg6[%add3A_10, %dma_start3A_61] : memref<10240x128xf32, #tpu.memory_space<hbm>> -> memref<128x128xf32, #tpu.memory_space<hbm>>
      %dma_start3A_63 = arith.constant 0 : i32
      %dma_start3A_64 = tpu.memref_slice %arg6[%add3A_10, %dma_start3A_63] : memref<10240x128xf32, #tpu.memory_space<hbm>> -> memref<128x128xf32, #tpu.memory_space<hbm>>
      tpu.enqueue_dma source(%arg10 : memref<128x128xf32, #tpu.memory_space<vmem>>) target(%dma_start3A_64 : memref<128x128xf32, #tpu.memory_space<hbm>>) target_semaphore(%run_scoped3A : memref<!tpu.dma_semaphore, #tpu.memory_space<semaphore_mem>>)
      %dma_wait3A_65 = arith.constant 0 : i32
      %dma_wait3A_66 = tpu.memref_slice %arg6[%add3A_10, %dma_wait3A_65] : memref<10240x128xf32, #tpu.memory_space<hbm>> -> memref<128x128xf32, #tpu.memory_space<hbm>>
      %dma_wait3A_67 = arith.constant 0 : i32
      %dma_wait3A_68 = tpu.memref_slice %arg6[%add3A_10, %dma_wait3A_67] : memref<10240x128xf32, #tpu.memory_space<hbm>> -> memref<128x128xf32, #tpu.memory_space<hbm>>
      tpu.wait_dma2 semaphore(%run_scoped3A : memref<!tpu.dma_semaphore, #tpu.memory_space<semaphore_mem>>) src(%arg10 : memref<128x128xf32, #tpu.memory_space<vmem>>) dst(%dma_wait3A_68 : memref<128x128xf32, #tpu.memory_space<hbm>>)
      tpu.yield
    }) : () -> ()
    %add3A_11 = arith.constant 0 : i32
    %add3A_12 = arith.addi %mul3A_2, %add3A_11 : i32
    "tpu.region"() ({
      %run_scoped3A = tpu.sem_alloc : memref<!tpu.dma_semaphore, #tpu.memory_space<semaphore_mem>>
      %dma_start3A_61 = tpu.memref_slice %arg5[%add3A_12] : memref<10240xi32, #tpu.memory_space<hbm>> -> memref<128xi32, #tpu.memory_space<hbm>>
      %dma_start3A_62 = tpu.memref_slice %arg5[%add3A_12] : memref<10240xi32, #tpu.memory_space<hbm>> -> memref<128xi32, #tpu.memory_space<hbm>>
      tpu.enqueue_dma source(%dma_start3A_62 : memref<128xi32, #tpu.memory_space<hbm>>) target(%arg8 : memref<128xi32, #tpu.memory_space<vmem>>) target_semaphore(%run_scoped3A : memref<!tpu.dma_semaphore, #tpu.memory_space<semaphore_mem>>)
      %dma_wait3A_63 = tpu.memref_slice %arg5[%add3A_12] : memref<10240xi32, #tpu.memory_space<hbm>> -> memref<128xi32, #tpu.memory_space<hbm>>
      %dma_wait3A_64 = tpu.memref_slice %arg5[%add3A_12] : memref<10240xi32, #tpu.memory_space<hbm>> -> memref<128xi32, #tpu.memory_space<hbm>>
      tpu.wait_dma2 semaphore(%run_scoped3A : memref<!tpu.dma_semaphore, #tpu.memory_space<semaphore_mem>>) src(%dma_wait3A_64 : memref<128xi32, #tpu.memory_space<hbm>>) dst(%arg8 : memref<128xi32, #tpu.memory_space<vmem>>)
      tpu.yield
    }) : () -> ()
    %dma_start3A_13 = arith.constant 0 : i32
    %dma_start3A_14 = arith.constant 0 : i32
    %dma_start3A_15 = tpu.memref_slice %arg3[%dma_start3A_13, %dma_start3A_14] : memref<100000x128xf32, #tpu.memory_space<hbm>> -> memref<100000x128xf32, #tpu.memory_space<hbm>>
    tpu.enqueue_indirect_dma source(%dma_start3A_15 : memref<100000x128xf32, #tpu.memory_space<hbm>>) target(%arg10 : memref<128x128xf32, #tpu.memory_space<vmem>>) offsets(%arg8 : memref<128xi32, #tpu.memory_space<vmem>>) semaphore(%arg12 : memref<!tpu.dma_semaphore, #tpu.memory_space<semaphore_mem>>)
    %dma_wait3A_16 = arith.constant 0 : i32
    %dma_wait3A_17 = arith.constant 0 : i32
    %dma_wait3A_18 = tpu.memref_slice %arg3[%dma_wait3A_16, %dma_wait3A_17] : memref<100000x128xf32, #tpu.memory_space<hbm>> -> memref<100000x128xf32, #tpu.memory_space<hbm>>
    tpu.wait_indirect_dma semaphore(%arg12 : memref<!tpu.dma_semaphore, #tpu.memory_space<semaphore_mem>>) src(%dma_wait3A_18 : memref<100000x128xf32, #tpu.memory_space<hbm>>) dst(%arg10 : memref<128x128xf32, #tpu.memory_space<vmem>>)
    %add3A_19 = arith.constant 0 : i32
    %add3A_20 = arith.addi %mul3A_2, %add3A_19 : i32
    "tpu.region"() ({
      %run_scoped3A = tpu.sem_alloc : memref<!tpu.dma_semaphore, #tpu.memory_space<semaphore_mem>>
      %dma_start3A_61 = arith.constant 0 : i32
      %dma_start3A_62 = tpu.memref_slice %arg7[%add3A_20, %dma_start3A_61] : memref<10240x128xf32, #tpu.memory_space<hbm>> -> memref<128x128xf32, #tpu.memory_space<hbm>>
      %dma_start3A_63 = arith.constant 0 : i32
      %dma_start3A_64 = tpu.memref_slice %arg7[%add3A_20, %dma_start3A_63] : memref<10240x128xf32, #tpu.memory_space<hbm>> -> memref<128x128xf32, #tpu.memory_space<hbm>>
      tpu.enqueue_dma source(%arg10 : memref<128x128xf32, #tpu.memory_space<vmem>>) target(%dma_start3A_64 : memref<128x128xf32, #tpu.memory_space<hbm>>) target_semaphore(%run_scoped3A : memref<!tpu.dma_semaphore, #tpu.memory_space<semaphore_mem>>)
      %dma_wait3A_65 = arith.constant 0 : i32
      %dma_wait3A_66 = tpu.memref_slice %arg7[%add3A_20, %dma_wait3A_65] : memref<10240x128xf32, #tpu.memory_space<hbm>> -> memref<128x128xf32, #tpu.memory_space<hbm>>
      %dma_wait3A_67 = arith.constant 0 : i32
      %dma_wait3A_68 = tpu.memref_slice %arg7[%add3A_20, %dma_wait3A_67] : memref<10240x128xf32, #tpu.memory_space<hbm>> -> memref<128x128xf32, #tpu.memory_space<hbm>>
      tpu.wait_dma2 semaphore(%run_scoped3A : memref<!tpu.dma_semaphore, #tpu.memory_space<semaphore_mem>>) src(%arg10 : memref<128x128xf32, #tpu.memory_space<vmem>>) dst(%dma_wait3A_68 : memref<128x128xf32, #tpu.memory_space<hbm>>)
      tpu.yield
    }) : () -> ()
    %add3A_21 = arith.constant 128 : i32
    %add3A_22 = arith.addi %mul3A_2, %add3A_21 : i32
    "tpu.region"() ({
      %run_scoped3A = tpu.sem_alloc : memref<!tpu.dma_semaphore, #tpu.memory_space<semaphore_mem>>
      %dma_start3A_61 = tpu.memref_slice %arg4[%add3A_22] : memref<10240xi32, #tpu.memory_space<hbm>> -> memref<128xi32, #tpu.memory_space<hbm>>
      %dma_start3A_62 = tpu.memref_slice %arg4[%add3A_22] : memref<10240xi32, #tpu.memory_space<hbm>> -> memref<128xi32, #tpu.memory_space<hbm>>
      tpu.enqueue_dma source(%dma_start3A_62 : memref<128xi32, #tpu.memory_space<hbm>>) target(%arg8 : memref<128xi32, #tpu.memory_space<vmem>>) target_semaphore(%run_scoped3A : memref<!tpu.dma_semaphore, #tpu.memory_space<semaphore_mem>>)
      %dma_wait3A_63 = tpu.memref_slice %arg4[%add3A_22] : memref<10240xi32, #tpu.memory_space<hbm>> -> memref<128xi32, #tpu.memory_space<hbm>>
      %dma_wait3A_64 = tpu.memref_slice %arg4[%add3A_22] : memref<10240xi32, #tpu.memory_space<hbm>> -> memref<128xi32, #tpu.memory_space<hbm>>
      tpu.wait_dma2 semaphore(%run_scoped3A : memref<!tpu.dma_semaphore, #tpu.memory_space<semaphore_mem>>) src(%dma_wait3A_64 : memref<128xi32, #tpu.memory_space<hbm>>) dst(%arg8 : memref<128xi32, #tpu.memory_space<vmem>>)
      tpu.yield
    }) : () -> ()
    %dma_start3A_23 = arith.constant 0 : i32
    %dma_start3A_24 = arith.constant 0 : i32
    %dma_start3A_25 = tpu.memref_slice %arg2[%dma_start3A_23, %dma_start3A_24] : memref<100000x128xf32, #tpu.memory_space<hbm>> -> memref<100000x128xf32, #tpu.memory_space<hbm>>
    tpu.enqueue_indirect_dma source(%dma_start3A_25 : memref<100000x128xf32, #tpu.memory_space<hbm>>) target(%arg10 : memref<128x128xf32, #tpu.memory_space<vmem>>) offsets(%arg8 : memref<128xi32, #tpu.memory_space<vmem>>) semaphore(%arg12 : memref<!tpu.dma_semaphore, #tpu.memory_space<semaphore_mem>>)
    %dma_wait3A_26 = arith.constant 0 : i32
    %dma_wait3A_27 = arith.constant 0 : i32
    %dma_wait3A_28 = tpu.memref_slice %arg2[%dma_wait3A_26, %dma_wait3A_27] : memref<100000x128xf32, #tpu.memory_space<hbm>> -> memref<100000x128xf32, #tpu.memory_space<hbm>>
    tpu.wait_indirect_dma semaphore(%arg12 : memref<!tpu.dma_semaphore, #tpu.memory_space<semaphore_mem>>) src(%dma_wait3A_28 : memref<100000x128xf32, #tpu.memory_space<hbm>>) dst(%arg10 : memref<128x128xf32, #tpu.memory_space<vmem>>)
    %add3A_29 = arith.constant 128 : i32
    %add3A_30 = arith.addi %mul3A_2, %add3A_29 : i32
    "tpu.region"() ({
      %run_scoped3A = tpu.sem_alloc : memref<!tpu.dma_semaphore, #tpu.memory_space<semaphore_mem>>
      %dma_start3A_61 = arith.constant 0 : i32
      %dma_start3A_62 = tpu.memref_slice %arg6[%add3A_30, %dma_start3A_61] : memref<10240x128xf32, #tpu.memory_space<hbm>> -> memref<128x128xf32, #tpu.memory_space<hbm>>
      %dma_start3A_63 = arith.constant 0 : i32
      %dma_start3A_64 = tpu.memref_slice %arg6[%add3A_30, %dma_start3A_63] : memref<10240x128xf32, #tpu.memory_space<hbm>> -> memref<128x128xf32, #tpu.memory_space<hbm>>
      tpu.enqueue_dma source(%arg10 : memref<128x128xf32, #tpu.memory_space<vmem>>) target(%dma_start3A_64 : memref<128x128xf32, #tpu.memory_space<hbm>>) target_semaphore(%run_scoped3A : memref<!tpu.dma_semaphore, #tpu.memory_space<semaphore_mem>>)
      %dma_wait3A_65 = arith.constant 0 : i32
      %dma_wait3A_66 = tpu.memref_slice %arg6[%add3A_30, %dma_wait3A_65] : memref<10240x128xf32, #tpu.memory_space<hbm>> -> memref<128x128xf32, #tpu.memory_space<hbm>>
      %dma_wait3A_67 = arith.constant 0 : i32
      %dma_wait3A_68 = tpu.memref_slice %arg6[%add3A_30, %dma_wait3A_67] : memref<10240x128xf32, #tpu.memory_space<hbm>> -> memref<128x128xf32, #tpu.memory_space<hbm>>
      tpu.wait_dma2 semaphore(%run_scoped3A : memref<!tpu.dma_semaphore, #tpu.memory_space<semaphore_mem>>) src(%arg10 : memref<128x128xf32, #tpu.memory_space<vmem>>) dst(%dma_wait3A_68 : memref<128x128xf32, #tpu.memory_space<hbm>>)
      tpu.yield
    }) : () -> ()
    %add3A_31 = arith.constant 128 : i32
    %add3A_32 = arith.addi %mul3A_2, %add3A_31 : i32
    "tpu.region"() ({
      %run_scoped3A = tpu.sem_alloc : memref<!tpu.dma_semaphore, #tpu.memory_space<semaphore_mem>>
      %dma_start3A_61 = tpu.memref_slice %arg5[%add3A_32] : memref<10240xi32, #tpu.memory_space<hbm>> -> memref<128xi32, #tpu.memory_space<hbm>>
      %dma_start3A_62 = tpu.memref_slice %arg5[%add3A_32] : memref<10240xi32, #tpu.memory_space<hbm>> -> memref<128xi32, #tpu.memory_space<hbm>>
      tpu.enqueue_dma source(%dma_start3A_62 : memref<128xi32, #tpu.memory_space<hbm>>) target(%arg8 : memref<128xi32, #tpu.memory_space<vmem>>) target_semaphore(%run_scoped3A : memref<!tpu.dma_semaphore, #tpu.memory_space<semaphore_mem>>)
      %dma_wait3A_63 = tpu.memref_slice %arg5[%add3A_32] : memref<10240xi32, #tpu.memory_space<hbm>> -> memref<128xi32, #tpu.memory_space<hbm>>
      %dma_wait3A_64 = tpu.memref_slice %arg5[%add3A_32] : memref<10240xi32, #tpu.memory_space<hbm>> -> memref<128xi32, #tpu.memory_space<hbm>>
      tpu.wait_dma2 semaphore(%run_scoped3A : memref<!tpu.dma_semaphore, #tpu.memory_space<semaphore_mem>>) src(%dma_wait3A_64 : memref<128xi32, #tpu.memory_space<hbm>>) dst(%arg8 : memref<128xi32, #tpu.memory_space<vmem>>)
      tpu.yield
    }) : () -> ()
    %dma_start3A_33 = arith.constant 0 : i32
    %dma_start3A_34 = arith.constant 0 : i32
    %dma_start3A_35 = tpu.memref_slice %arg3[%dma_start3A_33, %dma_start3A_34] : memref<100000x128xf32, #tpu.memory_space<hbm>> -> memref<100000x128xf32, #tpu.memory_space<hbm>>
    tpu.enqueue_indirect_dma source(%dma_start3A_35 : memref<100000x128xf32, #tpu.memory_space<hbm>>) target(%arg10 : memref<128x128xf32, #tpu.memory_space<vmem>>) offsets(%arg8 : memref<128xi32, #tpu.memory_space<vmem>>) semaphore(%arg12 : memref<!tpu.dma_semaphore, #tpu.memory_space<semaphore_mem>>)
    %dma_wait3A_36 = arith.constant 0 : i32
    %dma_wait3A_37 = arith.constant 0 : i32
    %dma_wait3A_38 = tpu.memref_slice %arg3[%dma_wait3A_36, %dma_wait3A_37] : memref<100000x128xf32, #tpu.memory_space<hbm>> -> memref<100000x128xf32, #tpu.memory_space<hbm>>
    tpu.wait_indirect_dma semaphore(%arg12 : memref<!tpu.dma_semaphore, #tpu.memory_space<semaphore_mem>>) src(%dma_wait3A_38 : memref<100000x128xf32, #tpu.memory_space<hbm>>) dst(%arg10 : memref<128x128xf32, #tpu.memory_space<vmem>>)
    %add3A_39 = arith.constant 128 : i32
    %add3A_40 = arith.addi %mul3A_2, %add3A_39 : i32
    "tpu.region"() ({
      %run_scoped3A = tpu.sem_alloc : memref<!tpu.dma_semaphore, #tpu.memory_space<semaphore_mem>>
      %dma_start3A_61 = arith.constant 0 : i32
      %dma_start3A_62 = tpu.memref_slice %arg7[%add3A_40, %dma_start3A_61] : memref<10240x128xf32, #tpu.memory_space<hbm>> -> memref<128x128xf32, #tpu.memory_space<hbm>>
      %dma_start3A_63 = arith.constant 0 : i32
      %dma_start3A_64 = tpu.memref_slice %arg7[%add3A_40, %dma_start3A_63] : memref<10240x128xf32, #tpu.memory_space<hbm>> -> memref<128x128xf32, #tpu.memory_space<hbm>>
      tpu.enqueue_dma source(%arg10 : memref<128x128xf32, #tpu.memory_space<vmem>>) target(%dma_start3A_64 : memref<128x128xf32, #tpu.memory_space<hbm>>) target_semaphore(%run_scoped3A : memref<!tpu.dma_semaphore, #tpu.memory_space<semaphore_mem>>)
      %dma_wait3A_65 = arith.constant 0 : i32
      %dma_wait3A_66 = tpu.memref_slice %arg7[%add3A_40, %dma_wait3A_65] : memref<10240x128xf32, #tpu.memory_space<hbm>> -> memref<128x128xf32, #tpu.memory_space<hbm>>
      %dma_wait3A_67 = arith.constant 0 : i32
      %dma_wait3A_68 = tpu.memref_slice %arg7[%add3A_40, %dma_wait3A_67] : memref<10240x128xf32, #tpu.memory_space<hbm>> -> memref<128x128xf32, #tpu.memory_space<hbm>>
      tpu.wait_dma2 semaphore(%run_scoped3A : memref<!tpu.dma_semaphore, #tpu.memory_space<semaphore_mem>>) src(%arg10 : memref<128x128xf32, #tpu.memory_space<vmem>>) dst(%dma_wait3A_68 : memref<128x128xf32, #tpu.memory_space<hbm>>)
      tpu.yield
    }) : () -> ()
    %add3A_41 = arith.constant 256 : i32
    %add3A_42 = arith.addi %mul3A_2, %add3A_41 : i32
    "tpu.region"() ({
      %run_scoped3A = tpu.sem_alloc : memref<!tpu.dma_semaphore, #tpu.memory_space<semaphore_mem>>
      %dma_start3A_61 = tpu.memref_slice %arg4[%add3A_42] : memref<10240xi32, #tpu.memory_space<hbm>> -> memref<64xi32, #tpu.memory_space<hbm>>
      %dma_start3A_62 = tpu.memref_slice %arg4[%add3A_42] : memref<10240xi32, #tpu.memory_space<hbm>> -> memref<64xi32, #tpu.memory_space<hbm>>
      tpu.enqueue_dma source(%dma_start3A_62 : memref<64xi32, #tpu.memory_space<hbm>>) target(%arg9 : memref<64xi32, #tpu.memory_space<vmem>>) target_semaphore(%run_scoped3A : memref<!tpu.dma_semaphore, #tpu.memory_space<semaphore_mem>>)
      %dma_wait3A_63 = tpu.memref_slice %arg4[%add3A_42] : memref<10240xi32, #tpu.memory_space<hbm>> -> memref<64xi32, #tpu.memory_space<hbm>>
      %dma_wait3A_64 = tpu.memref_slice %arg4[%add3A_42] : memref<10240xi32, #tpu.memory_space<hbm>> -> memref<64xi32, #tpu.memory_space<hbm>>
      tpu.wait_dma2 semaphore(%run_scoped3A : memref<!tpu.dma_semaphore, #tpu.memory_space<semaphore_mem>>) src(%dma_wait3A_64 : memref<64xi32, #tpu.memory_space<hbm>>) dst(%arg9 : memref<64xi32, #tpu.memory_space<vmem>>)
      tpu.yield
    }) : () -> ()
    %dma_start3A_43 = arith.constant 0 : i32
    %dma_start3A_44 = arith.constant 0 : i32
    %dma_start3A_45 = tpu.memref_slice %arg2[%dma_start3A_43, %dma_start3A_44] : memref<100000x128xf32, #tpu.memory_space<hbm>> -> memref<100000x128xf32, #tpu.memory_space<hbm>>
    tpu.enqueue_indirect_dma source(%dma_start3A_45 : memref<100000x128xf32, #tpu.memory_space<hbm>>) target(%arg11 : memref<64x128xf32, #tpu.memory_space<vmem>>) offsets(%arg9 : memref<64xi32, #tpu.memory_space<vmem>>) semaphore(%arg12 : memref<!tpu.dma_semaphore, #tpu.memory_space<semaphore_mem>>)
    %dma_wait3A_46 = arith.constant 0 : i32
    %dma_wait3A_47 = arith.constant 0 : i32
    %dma_wait3A_48 = tpu.memref_slice %arg2[%dma_wait3A_46, %dma_wait3A_47] : memref<100000x128xf32, #tpu.memory_space<hbm>> -> memref<100000x128xf32, #tpu.memory_space<hbm>>
    tpu.wait_indirect_dma semaphore(%arg12 : memref<!tpu.dma_semaphore, #tpu.memory_space<semaphore_mem>>) src(%dma_wait3A_48 : memref<100000x128xf32, #tpu.memory_space<hbm>>) dst(%arg11 : memref<64x128xf32, #tpu.memory_space<vmem>>)
    %add3A_49 = arith.constant 256 : i32
    %add3A_50 = arith.addi %mul3A_2, %add3A_49 : i32
    "tpu.region"() ({
      %run_scoped3A = tpu.sem_alloc : memref<!tpu.dma_semaphore, #tpu.memory_space<semaphore_mem>>
      %dma_start3A_61 = arith.constant 0 : i32
      %dma_start3A_62 = tpu.memref_slice %arg6[%add3A_50, %dma_start3A_61] : memref<10240x128xf32, #tpu.memory_space<hbm>> -> memref<64x128xf32, #tpu.memory_space<hbm>>
      %dma_start3A_63 = arith.constant 0 : i32
      %dma_start3A_64 = tpu.memref_slice %arg6[%add3A_50, %dma_start3A_63] : memref<10240x128xf32, #tpu.memory_space<hbm>> -> memref<64x128xf32, #tpu.memory_space<hbm>>
      tpu.enqueue_dma source(%arg11 : memref<64x128xf32, #tpu.memory_space<vmem>>) target(%dma_start3A_64 : memref<64x128xf32, #tpu.memory_space<hbm>>) target_semaphore(%run_scoped3A : memref<!tpu.dma_semaphore, #tpu.memory_space<semaphore_mem>>)
      %dma_wait3A_65 = arith.constant 0 : i32
      %dma_wait3A_66 = tpu.memref_slice %arg6[%add3A_50, %dma_wait3A_65] : memref<10240x128xf32, #tpu.memory_space<hbm>> -> memref<64x128xf32, #tpu.memory_space<hbm>>
      %dma_wait3A_67 = arith.constant 0 : i32
      %dma_wait3A_68 = tpu.memref_slice %arg6[%add3A_50, %dma_wait3A_67] : memref<10240x128xf32, #tpu.memory_space<hbm>> -> memref<64x128xf32, #tpu.memory_space<hbm>>
      tpu.wait_dma2 semaphore(%run_scoped3A : memref<!tpu.dma_semaphore, #tpu.memory_space<semaphore_mem>>) src(%arg11 : memref<64x128xf32, #tpu.memory_space<vmem>>) dst(%dma_wait3A_68 : memref<64x128xf32, #tpu.memory_space<hbm>>)
      tpu.yield
    }) : () -> ()
    %add3A_51 = arith.constant 256 : i32
    %add3A_52 = arith.addi %mul3A_2, %add3A_51 : i32
    "tpu.region"() ({
      %run_scoped3A = tpu.sem_alloc : memref<!tpu.dma_semaphore, #tpu.memory_space<semaphore_mem>>
      %dma_start3A_61 = tpu.memref_slice %arg5[%add3A_52] : memref<10240xi32, #tpu.memory_space<hbm>> -> memref<64xi32, #tpu.memory_space<hbm>>
      %dma_start3A_62 = tpu.memref_slice %arg5[%add3A_52] : memref<10240xi32, #tpu.memory_space<hbm>> -> memref<64xi32, #tpu.memory_space<hbm>>
      tpu.enqueue_dma source(%dma_start3A_62 : memref<64xi32, #tpu.memory_space<hbm>>) target(%arg9 : memref<64xi32, #tpu.memory_space<vmem>>) target_semaphore(%run_scoped3A : memref<!tpu.dma_semaphore, #tpu.memory_space<semaphore_mem>>)
      %dma_wait3A_63 = tpu.memref_slice %arg5[%add3A_52] : memref<10240xi32, #tpu.memory_space<hbm>> -> memref<64xi32, #tpu.memory_space<hbm>>
      %dma_wait3A_64 = tpu.memref_slice %arg5[%add3A_52] : memref<10240xi32, #tpu.memory_space<hbm>> -> memref<64xi32, #tpu.memory_space<hbm>>
      tpu.wait_dma2 semaphore(%run_scoped3A : memref<!tpu.dma_semaphore, #tpu.memory_space<semaphore_mem>>) src(%dma_wait3A_64 : memref<64xi32, #tpu.memory_space<hbm>>) dst(%arg9 : memref<64xi32, #tpu.memory_space<vmem>>)
      tpu.yield
    }) : () -> ()
    %dma_start3A_53 = arith.constant 0 : i32
    %dma_start3A_54 = arith.constant 0 : i32
    %dma_start3A_55 = tpu.memref_slice %arg3[%dma_start3A_53, %dma_start3A_54] : memref<100000x128xf32, #tpu.memory_space<hbm>> -> memref<100000x128xf32, #tpu.memory_space<hbm>>
    tpu.enqueue_indirect_dma source(%dma_start3A_55 : memref<100000x128xf32, #tpu.memory_space<hbm>>) target(%arg11 : memref<64x128xf32, #tpu.memory_space<vmem>>) offsets(%arg9 : memref<64xi32, #tpu.memory_space<vmem>>) semaphore(%arg12 : memref<!tpu.dma_semaphore, #tpu.memory_space<semaphore_mem>>)
    %dma_wait3A_56 = arith.constant 0 : i32
    %dma_wait3A_57 = arith.constant 0 : i32
    %dma_wait3A_58 = tpu.memref_slice %arg3[%dma_wait3A_56, %dma_wait3A_57] : memref<100000x128xf32, #tpu.memory_space<hbm>> -> memref<100000x128xf32, #tpu.memory_space<hbm>>
    tpu.wait_indirect_dma semaphore(%arg12 : memref<!tpu.dma_semaphore, #tpu.memory_space<semaphore_mem>>) src(%dma_wait3A_58 : memref<100000x128xf32, #tpu.memory_space<hbm>>) dst(%arg11 : memref<64x128xf32, #tpu.memory_space<vmem>>)
    %add3A_59 = arith.constant 256 : i32
    %add3A_60 = arith.addi %mul3A_2, %add3A_59 : i32
    "tpu.region"() ({
      %run_scoped3A = tpu.sem_alloc : memref<!tpu.dma_semaphore, #tpu.memory_space<semaphore_mem>>
      %dma_start3A_61 = arith.constant 0 : i32
      %dma_start3A_62 = tpu.memref_slice %arg7[%add3A_60, %dma_start3A_61] : memref<10240x128xf32, #tpu.memory_space<hbm>> -> memref<64x128xf32, #tpu.memory_space<hbm>>
      %dma_start3A_63 = arith.constant 0 : i32
      %dma_start3A_64 = tpu.memref_slice %arg7[%add3A_60, %dma_start3A_63] : memref<10240x128xf32, #tpu.memory_space<hbm>> -> memref<64x128xf32, #tpu.memory_space<hbm>>
      tpu.enqueue_dma source(%arg11 : memref<64x128xf32, #tpu.memory_space<vmem>>) target(%dma_start3A_64 : memref<64x128xf32, #tpu.memory_space<hbm>>) target_semaphore(%run_scoped3A : memref<!tpu.dma_semaphore, #tpu.memory_space<semaphore_mem>>)
      %dma_wait3A_65 = arith.constant 0 : i32
      %dma_wait3A_66 = tpu.memref_slice %arg7[%add3A_60, %dma_wait3A_65] : memref<10240x128xf32, #tpu.memory_space<hbm>> -> memref<64x128xf32, #tpu.memory_space<hbm>>
      %dma_wait3A_67 = arith.constant 0 : i32
      %dma_wait3A_68 = tpu.memref_slice %arg7[%add3A_60, %dma_wait3A_67] : memref<10240x128xf32, #tpu.memory_space<hbm>> -> memref<64x128xf32, #tpu.memory_space<hbm>>
      tpu.wait_dma2 semaphore(%run_scoped3A : memref<!tpu.dma_semaphore, #tpu.memory_space<semaphore_mem>>) src(%arg11 : memref<64x128xf32, #tpu.memory_space<vmem>>) dst(%dma_wait3A_68 : memref<64x128xf32, #tpu.memory_space<hbm>>)
      tpu.yield
    }) : () -> ()
    return
  }
}

#map = affine_map<(d0, d1) -> (0, 0)>
#map1 = affine_map<(d0, d1) -> (0, 0, 0)>
#map2 = affine_map<(d0, d1) -> (0)>
module attributes {stable_mosaic.version = 14 : i64} {
  func.func @_sc_agg_body(%arg0: i32, %arg1: i32, %arg2: memref<10240x128xf32, #tpu.memory_space<hbm>>, %arg3: memref<32x79x128xi32, #tpu.memory_space<hbm>>, %arg4: memref<323584xi32, #tpu.memory_space<hbm>>, %arg5: memref<640x128xf32, #tpu.memory_space<hbm>>, %arg6: memref<2x10240x128xf32, #tpu.memory_space<hbm>>, %arg7: memref<79x128xi32, #tpu.memory_space<vmem>>, %arg8: memref<128xi32, #tpu.memory_space<vmem>>, %arg9: memref<128x128xf32, #tpu.memory_space<vmem>>, %arg10: memref<10240x128xf32, #tpu.memory_space<vmem_shared>>, %arg11: memref<!tpu.dma_semaphore, #tpu.memory_space<semaphore_mem>>) attributes {dimension_semantics = [#tpu.dimension_semantics<core_parallel>, #tpu.dimension_semantics<subcore_parallel>], iteration_bounds = array<i64: 2, 16>, scalar_prefetch = 0 : i64, scratch_operands = 5 : i64, tpu.core_type = #tpu.core_type<sc_vector_subcore>, window_params = [{transform_indices = #map}, {transform_indices = #map1}, {transform_indices = #map2}, {transform_indices = #map}, {transform_indices = #map1}]} {
    %mul3A = arith.constant 2 : i32
    %mul3A_0 = arith.muli %arg1, %mul3A : i32
    %add3A = arith.addi %mul3A_0, %arg0 : i32
    %mul3A_1 = arith.constant 640 : i32
    %mul3A_2 = arith.muli %arg1, %mul3A_1 : i32
    "tpu.region"() ({
      %run_scoped3A = tpu.sem_alloc : memref<!tpu.dma_semaphore, #tpu.memory_space<semaphore_mem>>
      %dma_start3A = arith.constant 0 : i32
      %dma_start3A_18 = tpu.memref_slice %arg10[%mul3A_2, %dma_start3A] : memref<10240x128xf32, #tpu.memory_space<vmem_shared>> -> memref<640x128xf32, #tpu.memory_space<vmem_shared>>
      tpu.enqueue_dma source(%arg5 : memref<640x128xf32, #tpu.memory_space<hbm>>) target(%dma_start3A_18 : memref<640x128xf32, #tpu.memory_space<vmem_shared>>) target_semaphore(%run_scoped3A : memref<!tpu.dma_semaphore, #tpu.memory_space<semaphore_mem>>)
      %dma_wait3A = arith.constant 0 : i32
      %dma_wait3A_19 = tpu.memref_slice %arg10[%mul3A_2, %dma_wait3A] : memref<10240x128xf32, #tpu.memory_space<vmem_shared>> -> memref<640x128xf32, #tpu.memory_space<vmem_shared>>
      tpu.wait_dma2 semaphore(%run_scoped3A : memref<!tpu.dma_semaphore, #tpu.memory_space<semaphore_mem>>) src(%arg5 : memref<640x128xf32, #tpu.memory_space<hbm>>) dst(%dma_wait3A_19 : memref<640x128xf32, #tpu.memory_space<vmem_shared>>)
      tpu.yield
    }) : () -> ()
    "tpu.region"() ({
      %run_scoped3A = tpu.sem_alloc : memref<!tpu.dma_semaphore, #tpu.memory_space<semaphore_mem>>
      %dma_start3A = arith.constant 0 : i32
      %dma_start3A_18 = arith.constant 0 : i32
      %dma_start3A_19 = tpu.memref_slice %arg3[%add3A, %dma_start3A, %dma_start3A_18] : memref<32x79x128xi32, #tpu.memory_space<hbm>> -> memref<1x79x128xi32, #tpu.memory_space<hbm>>
      %dma_start3A_20 = tpu.memref_squeeze %dma_start3A_19 : memref<1x79x128xi32, #tpu.memory_space<hbm>> -> memref<79x128xi32, #tpu.memory_space<hbm>>
      %dma_start3A_21 = arith.constant 0 : i32
      %dma_start3A_22 = arith.constant 0 : i32
      %dma_start3A_23 = tpu.memref_slice %arg3[%add3A, %dma_start3A_21, %dma_start3A_22] : memref<32x79x128xi32, #tpu.memory_space<hbm>> -> memref<1x79x128xi32, #tpu.memory_space<hbm>>
      %dma_start3A_24 = tpu.memref_squeeze %dma_start3A_23 : memref<1x79x128xi32, #tpu.memory_space<hbm>> -> memref<79x128xi32, #tpu.memory_space<hbm>>
      tpu.enqueue_dma source(%dma_start3A_24 : memref<79x128xi32, #tpu.memory_space<hbm>>) target(%arg7 : memref<79x128xi32, #tpu.memory_space<vmem>>) target_semaphore(%run_scoped3A : memref<!tpu.dma_semaphore, #tpu.memory_space<semaphore_mem>>)
      %dma_wait3A = arith.constant 0 : i32
      %dma_wait3A_25 = arith.constant 0 : i32
      %dma_wait3A_26 = tpu.memref_slice %arg3[%add3A, %dma_wait3A, %dma_wait3A_25] : memref<32x79x128xi32, #tpu.memory_space<hbm>> -> memref<1x79x128xi32, #tpu.memory_space<hbm>>
      %dma_wait3A_27 = tpu.memref_squeeze %dma_wait3A_26 : memref<1x79x128xi32, #tpu.memory_space<hbm>> -> memref<79x128xi32, #tpu.memory_space<hbm>>
      %dma_wait3A_28 = arith.constant 0 : i32
      %dma_wait3A_29 = arith.constant 0 : i32
      %dma_wait3A_30 = tpu.memref_slice %arg3[%add3A, %dma_wait3A_28, %dma_wait3A_29] : memref<32x79x128xi32, #tpu.memory_space<hbm>> -> memref<1x79x128xi32, #tpu.memory_space<hbm>>
      %dma_wait3A_31 = tpu.memref_squeeze %dma_wait3A_30 : memref<1x79x128xi32, #tpu.memory_space<hbm>> -> memref<79x128xi32, #tpu.memory_space<hbm>>
      tpu.wait_dma2 semaphore(%run_scoped3A : memref<!tpu.dma_semaphore, #tpu.memory_space<semaphore_mem>>) src(%dma_wait3A_31 : memref<79x128xi32, #tpu.memory_space<hbm>>) dst(%arg7 : memref<79x128xi32, #tpu.memory_space<vmem>>)
      tpu.yield
    }) : () -> ()
    %barrier3A = arith.constant 0 : index
    tpu.barrier barrier_id(%barrier3A)
    %while3A = arith.constant 0 : i32
    %while3A_3 = arith.constant 0 : i32
    %while3A_4 = arith.constant 79 : i32
    %while3A_5 = arith.subi %while3A_4, %while3A_3 : i32
    %while3A_6 = arith.addi %while3A_3, %while3A_5 : i32
    %while3A_7 = arith.constant 1 : i32
    %while3A_8 = arith.divsi %while3A_5, %while3A_7 : i32
    %while3A_9 = arith.muli %while3A_8, %while3A_7 : i32
    %while3A_10 = arith.addi %while3A_3, %while3A_9 : i32
    %while3A_11 = arith.constant 1 : i32
    scf.for %while3A_18 = %while3A_3 to %while3A_10 step %while3A_11  : i32 {
      %mul3A_19 = arith.constant 79 : i32
      %mul3A_20 = arith.muli %add3A, %mul3A_19 : i32
      %add3A_21 = arith.addi %mul3A_20, %while3A_18 : i32
      %mul3A_22 = arith.constant 128 : i32
      %mul3A_23 = arith.muli %add3A_21, %mul3A_22 : i32
      "tpu.region"() ({
        %run_scoped3A = tpu.sem_alloc : memref<!tpu.dma_semaphore, #tpu.memory_space<semaphore_mem>>
        %dma_start3A_34 = tpu.memref_slice %arg4[%mul3A_23] : memref<323584xi32, #tpu.memory_space<hbm>> -> memref<128xi32, #tpu.memory_space<hbm>>
        %dma_start3A_35 = tpu.memref_slice %arg4[%mul3A_23] : memref<323584xi32, #tpu.memory_space<hbm>> -> memref<128xi32, #tpu.memory_space<hbm>>
        tpu.enqueue_dma source(%dma_start3A_35 : memref<128xi32, #tpu.memory_space<hbm>>) target(%arg8 : memref<128xi32, #tpu.memory_space<vmem>>) target_semaphore(%run_scoped3A : memref<!tpu.dma_semaphore, #tpu.memory_space<semaphore_mem>>)
        %dma_wait3A_36 = tpu.memref_slice %arg4[%mul3A_23] : memref<323584xi32, #tpu.memory_space<hbm>> -> memref<128xi32, #tpu.memory_space<hbm>>
        %dma_wait3A_37 = tpu.memref_slice %arg4[%mul3A_23] : memref<323584xi32, #tpu.memory_space<hbm>> -> memref<128xi32, #tpu.memory_space<hbm>>
        tpu.wait_dma2 semaphore(%run_scoped3A : memref<!tpu.dma_semaphore, #tpu.memory_space<semaphore_mem>>) src(%dma_wait3A_37 : memref<128xi32, #tpu.memory_space<hbm>>) dst(%arg8 : memref<128xi32, #tpu.memory_space<vmem>>)
        tpu.yield
      }) : () -> ()
      %dma_start3A = arith.constant 0 : i32
      %dma_start3A_24 = tpu.memref_slice %arg7[%while3A_18, %dma_start3A] : memref<79x128xi32, #tpu.memory_space<vmem>> -> memref<1x128xi32, #tpu.memory_space<vmem>>
      %dma_start3A_25 = tpu.memref_squeeze %dma_start3A_24 : memref<1x128xi32, #tpu.memory_space<vmem>> -> memref<128xi32, #tpu.memory_space<vmem>>
      %dma_start3A_26 = arith.constant 0 : i32
      %dma_start3A_27 = arith.constant 0 : i32
      %dma_start3A_28 = tpu.memref_slice %arg2[%dma_start3A_26, %dma_start3A_27] : memref<10240x128xf32, #tpu.memory_space<hbm>> -> memref<10240x128xf32, #tpu.memory_space<hbm>>
      tpu.enqueue_indirect_dma source(%dma_start3A_28 : memref<10240x128xf32, #tpu.memory_space<hbm>>) target(%arg9 : memref<128x128xf32, #tpu.memory_space<vmem>>) offsets(%dma_start3A_25 : memref<128xi32, #tpu.memory_space<vmem>>) semaphore(%arg11 : memref<!tpu.dma_semaphore, #tpu.memory_space<semaphore_mem>>)
      %dma_wait3A = arith.constant 0 : i32
      %dma_wait3A_29 = tpu.memref_slice %arg7[%while3A_18, %dma_wait3A] : memref<79x128xi32, #tpu.memory_space<vmem>> -> memref<1x128xi32, #tpu.memory_space<vmem>>
      %dma_wait3A_30 = tpu.memref_squeeze %dma_wait3A_29 : memref<1x128xi32, #tpu.memory_space<vmem>> -> memref<128xi32, #tpu.memory_space<vmem>>
      %dma_wait3A_31 = arith.constant 0 : i32
      %dma_wait3A_32 = arith.constant 0 : i32
      %dma_wait3A_33 = tpu.memref_slice %arg2[%dma_wait3A_31, %dma_wait3A_32] : memref<10240x128xf32, #tpu.memory_space<hbm>> -> memref<10240x128xf32, #tpu.memory_space<hbm>>
      tpu.wait_indirect_dma semaphore(%arg11 : memref<!tpu.dma_semaphore, #tpu.memory_space<semaphore_mem>>) src(%dma_wait3A_33 : memref<10240x128xf32, #tpu.memory_space<hbm>>) dst(%arg9 : memref<128x128xf32, #tpu.memory_space<vmem>>)
      "tpu.region"() ({
        %run_scoped3A = tpu.sem_alloc : memref<!tpu.dma_semaphore, #tpu.memory_space<semaphore_mem>>
        %dma_start3A_34 = arith.constant 0 : i32
        %dma_start3A_35 = arith.constant 0 : i32
        %dma_start3A_36 = tpu.memref_slice %arg10[%dma_start3A_34, %dma_start3A_35] : memref<10240x128xf32, #tpu.memory_space<vmem_shared>> -> memref<10240x128xf32, #tpu.memory_space<vmem_shared>>
        tpu.enqueue_indirect_dma source(%arg9 : memref<128x128xf32, #tpu.memory_space<vmem>>) target(%dma_start3A_36 : memref<10240x128xf32, #tpu.memory_space<vmem_shared>>) offsets(%arg8 : memref<128xi32, #tpu.memory_space<vmem>>) semaphore(%run_scoped3A : memref<!tpu.dma_semaphore, #tpu.memory_space<semaphore_mem>>) {add = true}
        %dma_wait3A_37 = arith.constant 0 : i32
        %dma_wait3A_38 = arith.constant 0 : i32
        %dma_wait3A_39 = tpu.memref_slice %arg10[%dma_wait3A_37, %dma_wait3A_38] : memref<10240x128xf32, #tpu.memory_space<vmem_shared>> -> memref<10240x128xf32, #tpu.memory_space<vmem_shared>>
        tpu.wait_indirect_dma semaphore(%run_scoped3A : memref<!tpu.dma_semaphore, #tpu.memory_space<semaphore_mem>>) src(%arg9 : memref<128x128xf32, #tpu.memory_space<vmem>>) dst(%dma_wait3A_39 : memref<10240x128xf32, #tpu.memory_space<vmem_shared>>)
        tpu.yield
      }) : () -> ()
    }
    %while3A_12 = arith.constant 1 : i32
    scf.for %while3A_18 = %while3A_10 to %while3A_6 step %while3A_12  : i32 {
      %mul3A_19 = arith.constant 79 : i32
      %mul3A_20 = arith.muli %add3A, %mul3A_19 : i32
      %add3A_21 = arith.addi %mul3A_20, %while3A_18 : i32
      %mul3A_22 = arith.constant 128 : i32
      %mul3A_23 = arith.muli %add3A_21, %mul3A_22 : i32
      "tpu.region"() ({
        %run_scoped3A = tpu.sem_alloc : memref<!tpu.dma_semaphore, #tpu.memory_space<semaphore_mem>>
        %dma_start3A_34 = tpu.memref_slice %arg4[%mul3A_23] : memref<323584xi32, #tpu.memory_space<hbm>> -> memref<128xi32, #tpu.memory_space<hbm>>
        %dma_start3A_35 = tpu.memref_slice %arg4[%mul3A_23] : memref<323584xi32, #tpu.memory_space<hbm>> -> memref<128xi32, #tpu.memory_space<hbm>>
        tpu.enqueue_dma source(%dma_start3A_35 : memref<128xi32, #tpu.memory_space<hbm>>) target(%arg8 : memref<128xi32, #tpu.memory_space<vmem>>) target_semaphore(%run_scoped3A : memref<!tpu.dma_semaphore, #tpu.memory_space<semaphore_mem>>)
        %dma_wait3A_36 = tpu.memref_slice %arg4[%mul3A_23] : memref<323584xi32, #tpu.memory_space<hbm>> -> memref<128xi32, #tpu.memory_space<hbm>>
        %dma_wait3A_37 = tpu.memref_slice %arg4[%mul3A_23] : memref<323584xi32, #tpu.memory_space<hbm>> -> memref<128xi32, #tpu.memory_space<hbm>>
        tpu.wait_dma2 semaphore(%run_scoped3A : memref<!tpu.dma_semaphore, #tpu.memory_space<semaphore_mem>>) src(%dma_wait3A_37 : memref<128xi32, #tpu.memory_space<hbm>>) dst(%arg8 : memref<128xi32, #tpu.memory_space<vmem>>)
        tpu.yield
      }) : () -> ()
      %dma_start3A = arith.constant 0 : i32
      %dma_start3A_24 = tpu.memref_slice %arg7[%while3A_18, %dma_start3A] : memref<79x128xi32, #tpu.memory_space<vmem>> -> memref<1x128xi32, #tpu.memory_space<vmem>>
      %dma_start3A_25 = tpu.memref_squeeze %dma_start3A_24 : memref<1x128xi32, #tpu.memory_space<vmem>> -> memref<128xi32, #tpu.memory_space<vmem>>
      %dma_start3A_26 = arith.constant 0 : i32
      %dma_start3A_27 = arith.constant 0 : i32
      %dma_start3A_28 = tpu.memref_slice %arg2[%dma_start3A_26, %dma_start3A_27] : memref<10240x128xf32, #tpu.memory_space<hbm>> -> memref<10240x128xf32, #tpu.memory_space<hbm>>
      tpu.enqueue_indirect_dma source(%dma_start3A_28 : memref<10240x128xf32, #tpu.memory_space<hbm>>) target(%arg9 : memref<128x128xf32, #tpu.memory_space<vmem>>) offsets(%dma_start3A_25 : memref<128xi32, #tpu.memory_space<vmem>>) semaphore(%arg11 : memref<!tpu.dma_semaphore, #tpu.memory_space<semaphore_mem>>)
      %dma_wait3A = arith.constant 0 : i32
      %dma_wait3A_29 = tpu.memref_slice %arg7[%while3A_18, %dma_wait3A] : memref<79x128xi32, #tpu.memory_space<vmem>> -> memref<1x128xi32, #tpu.memory_space<vmem>>
      %dma_wait3A_30 = tpu.memref_squeeze %dma_wait3A_29 : memref<1x128xi32, #tpu.memory_space<vmem>> -> memref<128xi32, #tpu.memory_space<vmem>>
      %dma_wait3A_31 = arith.constant 0 : i32
      %dma_wait3A_32 = arith.constant 0 : i32
      %dma_wait3A_33 = tpu.memref_slice %arg2[%dma_wait3A_31, %dma_wait3A_32] : memref<10240x128xf32, #tpu.memory_space<hbm>> -> memref<10240x128xf32, #tpu.memory_space<hbm>>
      tpu.wait_indirect_dma semaphore(%arg11 : memref<!tpu.dma_semaphore, #tpu.memory_space<semaphore_mem>>) src(%dma_wait3A_33 : memref<10240x128xf32, #tpu.memory_space<hbm>>) dst(%arg9 : memref<128x128xf32, #tpu.memory_space<vmem>>)
      "tpu.region"() ({
        %run_scoped3A = tpu.sem_alloc : memref<!tpu.dma_semaphore, #tpu.memory_space<semaphore_mem>>
        %dma_start3A_34 = arith.constant 0 : i32
        %dma_start3A_35 = arith.constant 0 : i32
        %dma_start3A_36 = tpu.memref_slice %arg10[%dma_start3A_34, %dma_start3A_35] : memref<10240x128xf32, #tpu.memory_space<vmem_shared>> -> memref<10240x128xf32, #tpu.memory_space<vmem_shared>>
        tpu.enqueue_indirect_dma source(%arg9 : memref<128x128xf32, #tpu.memory_space<vmem>>) target(%dma_start3A_36 : memref<10240x128xf32, #tpu.memory_space<vmem_shared>>) offsets(%arg8 : memref<128xi32, #tpu.memory_space<vmem>>) semaphore(%run_scoped3A : memref<!tpu.dma_semaphore, #tpu.memory_space<semaphore_mem>>) {add = true}
        %dma_wait3A_37 = arith.constant 0 : i32
        %dma_wait3A_38 = arith.constant 0 : i32
        %dma_wait3A_39 = tpu.memref_slice %arg10[%dma_wait3A_37, %dma_wait3A_38] : memref<10240x128xf32, #tpu.memory_space<vmem_shared>> -> memref<10240x128xf32, #tpu.memory_space<vmem_shared>>
        tpu.wait_indirect_dma semaphore(%run_scoped3A : memref<!tpu.dma_semaphore, #tpu.memory_space<semaphore_mem>>) src(%arg9 : memref<128x128xf32, #tpu.memory_space<vmem>>) dst(%dma_wait3A_39 : memref<10240x128xf32, #tpu.memory_space<vmem_shared>>)
        tpu.yield
      }) : () -> ()
    }
    %barrier3A_13 = arith.constant 0 : index
    tpu.barrier barrier_id(%barrier3A_13)
    %mul3A_14 = arith.constant 640 : i32
    %mul3A_15 = arith.muli %arg1, %mul3A_14 : i32
    %mul3A_16 = arith.constant 640 : i32
    %mul3A_17 = arith.muli %arg1, %mul3A_16 : i32
    "tpu.region"() ({
      %run_scoped3A = tpu.sem_alloc : memref<!tpu.dma_semaphore, #tpu.memory_space<semaphore_mem>>
      %dma_start3A = arith.constant 0 : i32
      %dma_start3A_18 = tpu.memref_slice %arg6[%arg0, %mul3A_17, %dma_start3A] : memref<2x10240x128xf32, #tpu.memory_space<hbm>> -> memref<1x640x128xf32, #tpu.memory_space<hbm>>
      %dma_start3A_19 = tpu.memref_squeeze %dma_start3A_18 : memref<1x640x128xf32, #tpu.memory_space<hbm>> -> memref<640x128xf32, #tpu.memory_space<hbm>>
      %dma_start3A_20 = arith.constant 0 : i32
      %dma_start3A_21 = tpu.memref_slice %arg10[%mul3A_15, %dma_start3A_20] : memref<10240x128xf32, #tpu.memory_space<vmem_shared>> -> memref<640x128xf32, #tpu.memory_space<vmem_shared>>
      tpu.enqueue_dma source(%dma_start3A_21 : memref<640x128xf32, #tpu.memory_space<vmem_shared>>) target(%dma_start3A_19 : memref<640x128xf32, #tpu.memory_space<hbm>>) target_semaphore(%run_scoped3A : memref<!tpu.dma_semaphore, #tpu.memory_space<semaphore_mem>>)
      %dma_wait3A = arith.constant 0 : i32
      %dma_wait3A_22 = tpu.memref_slice %arg6[%arg0, %mul3A_17, %dma_wait3A] : memref<2x10240x128xf32, #tpu.memory_space<hbm>> -> memref<1x640x128xf32, #tpu.memory_space<hbm>>
      %dma_wait3A_23 = tpu.memref_squeeze %dma_wait3A_22 : memref<1x640x128xf32, #tpu.memory_space<hbm>> -> memref<640x128xf32, #tpu.memory_space<hbm>>
      %dma_wait3A_24 = arith.constant 0 : i32
      %dma_wait3A_25 = tpu.memref_slice %arg10[%mul3A_15, %dma_wait3A_24] : memref<10240x128xf32, #tpu.memory_space<vmem_shared>> -> memref<640x128xf32, #tpu.memory_space<vmem_shared>>
      tpu.wait_dma2 semaphore(%run_scoped3A : memref<!tpu.dma_semaphore, #tpu.memory_space<semaphore_mem>>) src(%dma_wait3A_25 : memref<640x128xf32, #tpu.memory_space<vmem_shared>>) dst(%dma_wait3A_23 : memref<640x128xf32, #tpu.memory_space<hbm>>)
      tpu.yield
    }) : () -> ()
    return
  }
}

#map = affine_map<(d0, d1) -> (0, 0)>
#map1 = affine_map<(d0, d1) -> (0, 0, 0)>
#map2 = affine_map<(d0, d1) -> (0)>
module attributes {stable_mosaic.version = 14 : i64} {
  func.func @_sc_agg_body(%arg0: i32, %arg1: i32, %arg2: memref<10240x128xf32, #tpu.memory_space<hbm>>, %arg3: memref<32x79x128xi32, #tpu.memory_space<hbm>>, %arg4: memref<323584xi32, #tpu.memory_space<hbm>>, %arg5: memref<640x128xf32, #tpu.memory_space<hbm>>, %arg6: memref<2x10240x128xf32, #tpu.memory_space<hbm>>, %arg7: memref<79x128xi32, #tpu.memory_space<vmem>>, %arg8: memref<128xi32, #tpu.memory_space<vmem>>, %arg9: memref<128x128xf32, #tpu.memory_space<vmem>>, %arg10: memref<10240x128xf32, #tpu.memory_space<vmem_shared>>, %arg11: memref<!tpu.dma_semaphore, #tpu.memory_space<semaphore_mem>>) attributes {dimension_semantics = [#tpu.dimension_semantics<core_parallel>, #tpu.dimension_semantics<subcore_parallel>], iteration_bounds = array<i64: 2, 16>, scalar_prefetch = 0 : i64, scratch_operands = 5 : i64, tpu.core_type = #tpu.core_type<sc_vector_subcore>, window_params = [{transform_indices = #map}, {transform_indices = #map1}, {transform_indices = #map2}, {transform_indices = #map}, {transform_indices = #map1}]} {
    %mul3A = arith.constant 2 : i32
    %mul3A_0 = arith.muli %arg1, %mul3A : i32
    %add3A = arith.addi %mul3A_0, %arg0 : i32
    %mul3A_1 = arith.constant 640 : i32
    %mul3A_2 = arith.muli %arg1, %mul3A_1 : i32
    "tpu.region"() ({
      %run_scoped3A = tpu.sem_alloc : memref<!tpu.dma_semaphore, #tpu.memory_space<semaphore_mem>>
      %dma_start3A = arith.constant 0 : i32
      %dma_start3A_18 = tpu.memref_slice %arg10[%mul3A_2, %dma_start3A] : memref<10240x128xf32, #tpu.memory_space<vmem_shared>> -> memref<640x128xf32, #tpu.memory_space<vmem_shared>>
      tpu.enqueue_dma source(%arg5 : memref<640x128xf32, #tpu.memory_space<hbm>>) target(%dma_start3A_18 : memref<640x128xf32, #tpu.memory_space<vmem_shared>>) target_semaphore(%run_scoped3A : memref<!tpu.dma_semaphore, #tpu.memory_space<semaphore_mem>>)
      %dma_wait3A = arith.constant 0 : i32
      %dma_wait3A_19 = tpu.memref_slice %arg10[%mul3A_2, %dma_wait3A] : memref<10240x128xf32, #tpu.memory_space<vmem_shared>> -> memref<640x128xf32, #tpu.memory_space<vmem_shared>>
      tpu.wait_dma2 semaphore(%run_scoped3A : memref<!tpu.dma_semaphore, #tpu.memory_space<semaphore_mem>>) src(%arg5 : memref<640x128xf32, #tpu.memory_space<hbm>>) dst(%dma_wait3A_19 : memref<640x128xf32, #tpu.memory_space<vmem_shared>>)
      tpu.yield
    }) : () -> ()
    "tpu.region"() ({
      %run_scoped3A = tpu.sem_alloc : memref<!tpu.dma_semaphore, #tpu.memory_space<semaphore_mem>>
      %dma_start3A = arith.constant 0 : i32
      %dma_start3A_18 = arith.constant 0 : i32
      %dma_start3A_19 = tpu.memref_slice %arg3[%add3A, %dma_start3A, %dma_start3A_18] : memref<32x79x128xi32, #tpu.memory_space<hbm>> -> memref<1x79x128xi32, #tpu.memory_space<hbm>>
      %dma_start3A_20 = tpu.memref_squeeze %dma_start3A_19 : memref<1x79x128xi32, #tpu.memory_space<hbm>> -> memref<79x128xi32, #tpu.memory_space<hbm>>
      %dma_start3A_21 = arith.constant 0 : i32
      %dma_start3A_22 = arith.constant 0 : i32
      %dma_start3A_23 = tpu.memref_slice %arg3[%add3A, %dma_start3A_21, %dma_start3A_22] : memref<32x79x128xi32, #tpu.memory_space<hbm>> -> memref<1x79x128xi32, #tpu.memory_space<hbm>>
      %dma_start3A_24 = tpu.memref_squeeze %dma_start3A_23 : memref<1x79x128xi32, #tpu.memory_space<hbm>> -> memref<79x128xi32, #tpu.memory_space<hbm>>
      tpu.enqueue_dma source(%dma_start3A_24 : memref<79x128xi32, #tpu.memory_space<hbm>>) target(%arg7 : memref<79x128xi32, #tpu.memory_space<vmem>>) target_semaphore(%run_scoped3A : memref<!tpu.dma_semaphore, #tpu.memory_space<semaphore_mem>>)
      %dma_wait3A = arith.constant 0 : i32
      %dma_wait3A_25 = arith.constant 0 : i32
      %dma_wait3A_26 = tpu.memref_slice %arg3[%add3A, %dma_wait3A, %dma_wait3A_25] : memref<32x79x128xi32, #tpu.memory_space<hbm>> -> memref<1x79x128xi32, #tpu.memory_space<hbm>>
      %dma_wait3A_27 = tpu.memref_squeeze %dma_wait3A_26 : memref<1x79x128xi32, #tpu.memory_space<hbm>> -> memref<79x128xi32, #tpu.memory_space<hbm>>
      %dma_wait3A_28 = arith.constant 0 : i32
      %dma_wait3A_29 = arith.constant 0 : i32
      %dma_wait3A_30 = tpu.memref_slice %arg3[%add3A, %dma_wait3A_28, %dma_wait3A_29] : memref<32x79x128xi32, #tpu.memory_space<hbm>> -> memref<1x79x128xi32, #tpu.memory_space<hbm>>
      %dma_wait3A_31 = tpu.memref_squeeze %dma_wait3A_30 : memref<1x79x128xi32, #tpu.memory_space<hbm>> -> memref<79x128xi32, #tpu.memory_space<hbm>>
      tpu.wait_dma2 semaphore(%run_scoped3A : memref<!tpu.dma_semaphore, #tpu.memory_space<semaphore_mem>>) src(%dma_wait3A_31 : memref<79x128xi32, #tpu.memory_space<hbm>>) dst(%arg7 : memref<79x128xi32, #tpu.memory_space<vmem>>)
      tpu.yield
    }) : () -> ()
    %barrier3A = arith.constant 0 : index
    tpu.barrier barrier_id(%barrier3A)
    %while3A = arith.constant 0 : i32
    %while3A_3 = arith.constant 0 : i32
    %while3A_4 = arith.constant 79 : i32
    %while3A_5 = arith.subi %while3A_4, %while3A_3 : i32
    %while3A_6 = arith.addi %while3A_3, %while3A_5 : i32
    %while3A_7 = arith.constant 1 : i32
    %while3A_8 = arith.divsi %while3A_5, %while3A_7 : i32
    %while3A_9 = arith.muli %while3A_8, %while3A_7 : i32
    %while3A_10 = arith.addi %while3A_3, %while3A_9 : i32
    %while3A_11 = arith.constant 1 : i32
    scf.for %while3A_18 = %while3A_3 to %while3A_10 step %while3A_11  : i32 {
      %mul3A_19 = arith.constant 79 : i32
      %mul3A_20 = arith.muli %add3A, %mul3A_19 : i32
      %add3A_21 = arith.addi %mul3A_20, %while3A_18 : i32
      %mul3A_22 = arith.constant 128 : i32
      %mul3A_23 = arith.muli %add3A_21, %mul3A_22 : i32
      "tpu.region"() ({
        %run_scoped3A = tpu.sem_alloc : memref<!tpu.dma_semaphore, #tpu.memory_space<semaphore_mem>>
        %dma_start3A_34 = tpu.memref_slice %arg4[%mul3A_23] : memref<323584xi32, #tpu.memory_space<hbm>> -> memref<128xi32, #tpu.memory_space<hbm>>
        %dma_start3A_35 = tpu.memref_slice %arg4[%mul3A_23] : memref<323584xi32, #tpu.memory_space<hbm>> -> memref<128xi32, #tpu.memory_space<hbm>>
        tpu.enqueue_dma source(%dma_start3A_35 : memref<128xi32, #tpu.memory_space<hbm>>) target(%arg8 : memref<128xi32, #tpu.memory_space<vmem>>) target_semaphore(%run_scoped3A : memref<!tpu.dma_semaphore, #tpu.memory_space<semaphore_mem>>)
        %dma_wait3A_36 = tpu.memref_slice %arg4[%mul3A_23] : memref<323584xi32, #tpu.memory_space<hbm>> -> memref<128xi32, #tpu.memory_space<hbm>>
        %dma_wait3A_37 = tpu.memref_slice %arg4[%mul3A_23] : memref<323584xi32, #tpu.memory_space<hbm>> -> memref<128xi32, #tpu.memory_space<hbm>>
        tpu.wait_dma2 semaphore(%run_scoped3A : memref<!tpu.dma_semaphore, #tpu.memory_space<semaphore_mem>>) src(%dma_wait3A_37 : memref<128xi32, #tpu.memory_space<hbm>>) dst(%arg8 : memref<128xi32, #tpu.memory_space<vmem>>)
        tpu.yield
      }) : () -> ()
      %dma_start3A = arith.constant 0 : i32
      %dma_start3A_24 = tpu.memref_slice %arg7[%while3A_18, %dma_start3A] : memref<79x128xi32, #tpu.memory_space<vmem>> -> memref<1x128xi32, #tpu.memory_space<vmem>>
      %dma_start3A_25 = tpu.memref_squeeze %dma_start3A_24 : memref<1x128xi32, #tpu.memory_space<vmem>> -> memref<128xi32, #tpu.memory_space<vmem>>
      %dma_start3A_26 = arith.constant 0 : i32
      %dma_start3A_27 = arith.constant 0 : i32
      %dma_start3A_28 = tpu.memref_slice %arg2[%dma_start3A_26, %dma_start3A_27] : memref<10240x128xf32, #tpu.memory_space<hbm>> -> memref<10240x128xf32, #tpu.memory_space<hbm>>
      tpu.enqueue_indirect_dma source(%dma_start3A_28 : memref<10240x128xf32, #tpu.memory_space<hbm>>) target(%arg9 : memref<128x128xf32, #tpu.memory_space<vmem>>) offsets(%dma_start3A_25 : memref<128xi32, #tpu.memory_space<vmem>>) semaphore(%arg11 : memref<!tpu.dma_semaphore, #tpu.memory_space<semaphore_mem>>)
      %dma_wait3A = arith.constant 0 : i32
      %dma_wait3A_29 = tpu.memref_slice %arg7[%while3A_18, %dma_wait3A] : memref<79x128xi32, #tpu.memory_space<vmem>> -> memref<1x128xi32, #tpu.memory_space<vmem>>
      %dma_wait3A_30 = tpu.memref_squeeze %dma_wait3A_29 : memref<1x128xi32, #tpu.memory_space<vmem>> -> memref<128xi32, #tpu.memory_space<vmem>>
      %dma_wait3A_31 = arith.constant 0 : i32
      %dma_wait3A_32 = arith.constant 0 : i32
      %dma_wait3A_33 = tpu.memref_slice %arg2[%dma_wait3A_31, %dma_wait3A_32] : memref<10240x128xf32, #tpu.memory_space<hbm>> -> memref<10240x128xf32, #tpu.memory_space<hbm>>
      tpu.wait_indirect_dma semaphore(%arg11 : memref<!tpu.dma_semaphore, #tpu.memory_space<semaphore_mem>>) src(%dma_wait3A_33 : memref<10240x128xf32, #tpu.memory_space<hbm>>) dst(%arg9 : memref<128x128xf32, #tpu.memory_space<vmem>>)
      "tpu.region"() ({
        %run_scoped3A = tpu.sem_alloc : memref<!tpu.dma_semaphore, #tpu.memory_space<semaphore_mem>>
        %dma_start3A_34 = arith.constant 0 : i32
        %dma_start3A_35 = arith.constant 0 : i32
        %dma_start3A_36 = tpu.memref_slice %arg10[%dma_start3A_34, %dma_start3A_35] : memref<10240x128xf32, #tpu.memory_space<vmem_shared>> -> memref<10240x128xf32, #tpu.memory_space<vmem_shared>>
        tpu.enqueue_indirect_dma source(%arg9 : memref<128x128xf32, #tpu.memory_space<vmem>>) target(%dma_start3A_36 : memref<10240x128xf32, #tpu.memory_space<vmem_shared>>) offsets(%arg8 : memref<128xi32, #tpu.memory_space<vmem>>) semaphore(%run_scoped3A : memref<!tpu.dma_semaphore, #tpu.memory_space<semaphore_mem>>) {add = true}
        %dma_wait3A_37 = arith.constant 0 : i32
        %dma_wait3A_38 = arith.constant 0 : i32
        %dma_wait3A_39 = tpu.memref_slice %arg10[%dma_wait3A_37, %dma_wait3A_38] : memref<10240x128xf32, #tpu.memory_space<vmem_shared>> -> memref<10240x128xf32, #tpu.memory_space<vmem_shared>>
        tpu.wait_indirect_dma semaphore(%run_scoped3A : memref<!tpu.dma_semaphore, #tpu.memory_space<semaphore_mem>>) src(%arg9 : memref<128x128xf32, #tpu.memory_space<vmem>>) dst(%dma_wait3A_39 : memref<10240x128xf32, #tpu.memory_space<vmem_shared>>)
        tpu.yield
      }) : () -> ()
    }
    %while3A_12 = arith.constant 1 : i32
    scf.for %while3A_18 = %while3A_10 to %while3A_6 step %while3A_12  : i32 {
      %mul3A_19 = arith.constant 79 : i32
      %mul3A_20 = arith.muli %add3A, %mul3A_19 : i32
      %add3A_21 = arith.addi %mul3A_20, %while3A_18 : i32
      %mul3A_22 = arith.constant 128 : i32
      %mul3A_23 = arith.muli %add3A_21, %mul3A_22 : i32
      "tpu.region"() ({
        %run_scoped3A = tpu.sem_alloc : memref<!tpu.dma_semaphore, #tpu.memory_space<semaphore_mem>>
        %dma_start3A_34 = tpu.memref_slice %arg4[%mul3A_23] : memref<323584xi32, #tpu.memory_space<hbm>> -> memref<128xi32, #tpu.memory_space<hbm>>
        %dma_start3A_35 = tpu.memref_slice %arg4[%mul3A_23] : memref<323584xi32, #tpu.memory_space<hbm>> -> memref<128xi32, #tpu.memory_space<hbm>>
        tpu.enqueue_dma source(%dma_start3A_35 : memref<128xi32, #tpu.memory_space<hbm>>) target(%arg8 : memref<128xi32, #tpu.memory_space<vmem>>) target_semaphore(%run_scoped3A : memref<!tpu.dma_semaphore, #tpu.memory_space<semaphore_mem>>)
        %dma_wait3A_36 = tpu.memref_slice %arg4[%mul3A_23] : memref<323584xi32, #tpu.memory_space<hbm>> -> memref<128xi32, #tpu.memory_space<hbm>>
        %dma_wait3A_37 = tpu.memref_slice %arg4[%mul3A_23] : memref<323584xi32, #tpu.memory_space<hbm>> -> memref<128xi32, #tpu.memory_space<hbm>>
        tpu.wait_dma2 semaphore(%run_scoped3A : memref<!tpu.dma_semaphore, #tpu.memory_space<semaphore_mem>>) src(%dma_wait3A_37 : memref<128xi32, #tpu.memory_space<hbm>>) dst(%arg8 : memref<128xi32, #tpu.memory_space<vmem>>)
        tpu.yield
      }) : () -> ()
      %dma_start3A = arith.constant 0 : i32
      %dma_start3A_24 = tpu.memref_slice %arg7[%while3A_18, %dma_start3A] : memref<79x128xi32, #tpu.memory_space<vmem>> -> memref<1x128xi32, #tpu.memory_space<vmem>>
      %dma_start3A_25 = tpu.memref_squeeze %dma_start3A_24 : memref<1x128xi32, #tpu.memory_space<vmem>> -> memref<128xi32, #tpu.memory_space<vmem>>
      %dma_start3A_26 = arith.constant 0 : i32
      %dma_start3A_27 = arith.constant 0 : i32
      %dma_start3A_28 = tpu.memref_slice %arg2[%dma_start3A_26, %dma_start3A_27] : memref<10240x128xf32, #tpu.memory_space<hbm>> -> memref<10240x128xf32, #tpu.memory_space<hbm>>
      tpu.enqueue_indirect_dma source(%dma_start3A_28 : memref<10240x128xf32, #tpu.memory_space<hbm>>) target(%arg9 : memref<128x128xf32, #tpu.memory_space<vmem>>) offsets(%dma_start3A_25 : memref<128xi32, #tpu.memory_space<vmem>>) semaphore(%arg11 : memref<!tpu.dma_semaphore, #tpu.memory_space<semaphore_mem>>)
      %dma_wait3A = arith.constant 0 : i32
      %dma_wait3A_29 = tpu.memref_slice %arg7[%while3A_18, %dma_wait3A] : memref<79x128xi32, #tpu.memory_space<vmem>> -> memref<1x128xi32, #tpu.memory_space<vmem>>
      %dma_wait3A_30 = tpu.memref_squeeze %dma_wait3A_29 : memref<1x128xi32, #tpu.memory_space<vmem>> -> memref<128xi32, #tpu.memory_space<vmem>>
      %dma_wait3A_31 = arith.constant 0 : i32
      %dma_wait3A_32 = arith.constant 0 : i32
      %dma_wait3A_33 = tpu.memref_slice %arg2[%dma_wait3A_31, %dma_wait3A_32] : memref<10240x128xf32, #tpu.memory_space<hbm>> -> memref<10240x128xf32, #tpu.memory_space<hbm>>
      tpu.wait_indirect_dma semaphore(%arg11 : memref<!tpu.dma_semaphore, #tpu.memory_space<semaphore_mem>>) src(%dma_wait3A_33 : memref<10240x128xf32, #tpu.memory_space<hbm>>) dst(%arg9 : memref<128x128xf32, #tpu.memory_space<vmem>>)
      "tpu.region"() ({
        %run_scoped3A = tpu.sem_alloc : memref<!tpu.dma_semaphore, #tpu.memory_space<semaphore_mem>>
        %dma_start3A_34 = arith.constant 0 : i32
        %dma_start3A_35 = arith.constant 0 : i32
        %dma_start3A_36 = tpu.memref_slice %arg10[%dma_start3A_34, %dma_start3A_35] : memref<10240x128xf32, #tpu.memory_space<vmem_shared>> -> memref<10240x128xf32, #tpu.memory_space<vmem_shared>>
        tpu.enqueue_indirect_dma source(%arg9 : memref<128x128xf32, #tpu.memory_space<vmem>>) target(%dma_start3A_36 : memref<10240x128xf32, #tpu.memory_space<vmem_shared>>) offsets(%arg8 : memref<128xi32, #tpu.memory_space<vmem>>) semaphore(%run_scoped3A : memref<!tpu.dma_semaphore, #tpu.memory_space<semaphore_mem>>) {add = true}
        %dma_wait3A_37 = arith.constant 0 : i32
        %dma_wait3A_38 = arith.constant 0 : i32
        %dma_wait3A_39 = tpu.memref_slice %arg10[%dma_wait3A_37, %dma_wait3A_38] : memref<10240x128xf32, #tpu.memory_space<vmem_shared>> -> memref<10240x128xf32, #tpu.memory_space<vmem_shared>>
        tpu.wait_indirect_dma semaphore(%run_scoped3A : memref<!tpu.dma_semaphore, #tpu.memory_space<semaphore_mem>>) src(%arg9 : memref<128x128xf32, #tpu.memory_space<vmem>>) dst(%dma_wait3A_39 : memref<10240x128xf32, #tpu.memory_space<vmem_shared>>)
        tpu.yield
      }) : () -> ()
    }
    %barrier3A_13 = arith.constant 0 : index
    tpu.barrier barrier_id(%barrier3A_13)
    %mul3A_14 = arith.constant 640 : i32
    %mul3A_15 = arith.muli %arg1, %mul3A_14 : i32
    %mul3A_16 = arith.constant 640 : i32
    %mul3A_17 = arith.muli %arg1, %mul3A_16 : i32
    "tpu.region"() ({
      %run_scoped3A = tpu.sem_alloc : memref<!tpu.dma_semaphore, #tpu.memory_space<semaphore_mem>>
      %dma_start3A = arith.constant 0 : i32
      %dma_start3A_18 = tpu.memref_slice %arg6[%arg0, %mul3A_17, %dma_start3A] : memref<2x10240x128xf32, #tpu.memory_space<hbm>> -> memref<1x640x128xf32, #tpu.memory_space<hbm>>
      %dma_start3A_19 = tpu.memref_squeeze %dma_start3A_18 : memref<1x640x128xf32, #tpu.memory_space<hbm>> -> memref<640x128xf32, #tpu.memory_space<hbm>>
      %dma_start3A_20 = arith.constant 0 : i32
      %dma_start3A_21 = tpu.memref_slice %arg10[%mul3A_15, %dma_start3A_20] : memref<10240x128xf32, #tpu.memory_space<vmem_shared>> -> memref<640x128xf32, #tpu.memory_space<vmem_shared>>
      tpu.enqueue_dma source(%dma_start3A_21 : memref<640x128xf32, #tpu.memory_space<vmem_shared>>) target(%dma_start3A_19 : memref<640x128xf32, #tpu.memory_space<hbm>>) target_semaphore(%run_scoped3A : memref<!tpu.dma_semaphore, #tpu.memory_space<semaphore_mem>>)
      %dma_wait3A = arith.constant 0 : i32
      %dma_wait3A_22 = tpu.memref_slice %arg6[%arg0, %mul3A_17, %dma_wait3A] : memref<2x10240x128xf32, #tpu.memory_space<hbm>> -> memref<1x640x128xf32, #tpu.memory_space<hbm>>
      %dma_wait3A_23 = tpu.memref_squeeze %dma_wait3A_22 : memref<1x640x128xf32, #tpu.memory_space<hbm>> -> memref<640x128xf32, #tpu.memory_space<hbm>>
      %dma_wait3A_24 = arith.constant 0 : i32
      %dma_wait3A_25 = tpu.memref_slice %arg10[%mul3A_15, %dma_wait3A_24] : memref<10240x128xf32, #tpu.memory_space<vmem_shared>> -> memref<640x128xf32, #tpu.memory_space<vmem_shared>>
      tpu.wait_dma2 semaphore(%run_scoped3A : memref<!tpu.dma_semaphore, #tpu.memory_space<semaphore_mem>>) src(%dma_wait3A_25 : memref<640x128xf32, #tpu.memory_space<vmem_shared>>) dst(%dma_wait3A_23 : memref<640x128xf32, #tpu.memory_space<hbm>>)
      tpu.yield
    }) : () -> ()
    return
  }
}

#map = affine_map<(d0, d1) -> (0, 0)>
#map1 = affine_map<(d0, d1) -> (0, 0, 0)>
#map2 = affine_map<(d0, d1) -> (0)>
module attributes {stable_mosaic.version = 14 : i64} {
  func.func @_sc_agg_body(%arg0: i32, %arg1: i32, %arg2: memref<10240x128xf32, #tpu.memory_space<hbm>>, %arg3: memref<32x79x128xi32, #tpu.memory_space<hbm>>, %arg4: memref<323584xi32, #tpu.memory_space<hbm>>, %arg5: memref<640x128xf32, #tpu.memory_space<hbm>>, %arg6: memref<2x10240x128xf32, #tpu.memory_space<hbm>>, %arg7: memref<79x128xi32, #tpu.memory_space<vmem>>, %arg8: memref<128xi32, #tpu.memory_space<vmem>>, %arg9: memref<128x128xf32, #tpu.memory_space<vmem>>, %arg10: memref<10240x128xf32, #tpu.memory_space<vmem_shared>>, %arg11: memref<!tpu.dma_semaphore, #tpu.memory_space<semaphore_mem>>) attributes {dimension_semantics = [#tpu.dimension_semantics<core_parallel>, #tpu.dimension_semantics<subcore_parallel>], iteration_bounds = array<i64: 2, 16>, scalar_prefetch = 0 : i64, scratch_operands = 5 : i64, tpu.core_type = #tpu.core_type<sc_vector_subcore>, window_params = [{transform_indices = #map}, {transform_indices = #map1}, {transform_indices = #map2}, {transform_indices = #map}, {transform_indices = #map1}]} {
    %mul3A = arith.constant 2 : i32
    %mul3A_0 = arith.muli %arg1, %mul3A : i32
    %add3A = arith.addi %mul3A_0, %arg0 : i32
    %mul3A_1 = arith.constant 640 : i32
    %mul3A_2 = arith.muli %arg1, %mul3A_1 : i32
    "tpu.region"() ({
      %run_scoped3A = tpu.sem_alloc : memref<!tpu.dma_semaphore, #tpu.memory_space<semaphore_mem>>
      %dma_start3A = arith.constant 0 : i32
      %dma_start3A_18 = tpu.memref_slice %arg10[%mul3A_2, %dma_start3A] : memref<10240x128xf32, #tpu.memory_space<vmem_shared>> -> memref<640x128xf32, #tpu.memory_space<vmem_shared>>
      tpu.enqueue_dma source(%arg5 : memref<640x128xf32, #tpu.memory_space<hbm>>) target(%dma_start3A_18 : memref<640x128xf32, #tpu.memory_space<vmem_shared>>) target_semaphore(%run_scoped3A : memref<!tpu.dma_semaphore, #tpu.memory_space<semaphore_mem>>)
      %dma_wait3A = arith.constant 0 : i32
      %dma_wait3A_19 = tpu.memref_slice %arg10[%mul3A_2, %dma_wait3A] : memref<10240x128xf32, #tpu.memory_space<vmem_shared>> -> memref<640x128xf32, #tpu.memory_space<vmem_shared>>
      tpu.wait_dma2 semaphore(%run_scoped3A : memref<!tpu.dma_semaphore, #tpu.memory_space<semaphore_mem>>) src(%arg5 : memref<640x128xf32, #tpu.memory_space<hbm>>) dst(%dma_wait3A_19 : memref<640x128xf32, #tpu.memory_space<vmem_shared>>)
      tpu.yield
    }) : () -> ()
    "tpu.region"() ({
      %run_scoped3A = tpu.sem_alloc : memref<!tpu.dma_semaphore, #tpu.memory_space<semaphore_mem>>
      %dma_start3A = arith.constant 0 : i32
      %dma_start3A_18 = arith.constant 0 : i32
      %dma_start3A_19 = tpu.memref_slice %arg3[%add3A, %dma_start3A, %dma_start3A_18] : memref<32x79x128xi32, #tpu.memory_space<hbm>> -> memref<1x79x128xi32, #tpu.memory_space<hbm>>
      %dma_start3A_20 = tpu.memref_squeeze %dma_start3A_19 : memref<1x79x128xi32, #tpu.memory_space<hbm>> -> memref<79x128xi32, #tpu.memory_space<hbm>>
      %dma_start3A_21 = arith.constant 0 : i32
      %dma_start3A_22 = arith.constant 0 : i32
      %dma_start3A_23 = tpu.memref_slice %arg3[%add3A, %dma_start3A_21, %dma_start3A_22] : memref<32x79x128xi32, #tpu.memory_space<hbm>> -> memref<1x79x128xi32, #tpu.memory_space<hbm>>
      %dma_start3A_24 = tpu.memref_squeeze %dma_start3A_23 : memref<1x79x128xi32, #tpu.memory_space<hbm>> -> memref<79x128xi32, #tpu.memory_space<hbm>>
      tpu.enqueue_dma source(%dma_start3A_24 : memref<79x128xi32, #tpu.memory_space<hbm>>) target(%arg7 : memref<79x128xi32, #tpu.memory_space<vmem>>) target_semaphore(%run_scoped3A : memref<!tpu.dma_semaphore, #tpu.memory_space<semaphore_mem>>)
      %dma_wait3A = arith.constant 0 : i32
      %dma_wait3A_25 = arith.constant 0 : i32
      %dma_wait3A_26 = tpu.memref_slice %arg3[%add3A, %dma_wait3A, %dma_wait3A_25] : memref<32x79x128xi32, #tpu.memory_space<hbm>> -> memref<1x79x128xi32, #tpu.memory_space<hbm>>
      %dma_wait3A_27 = tpu.memref_squeeze %dma_wait3A_26 : memref<1x79x128xi32, #tpu.memory_space<hbm>> -> memref<79x128xi32, #tpu.memory_space<hbm>>
      %dma_wait3A_28 = arith.constant 0 : i32
      %dma_wait3A_29 = arith.constant 0 : i32
      %dma_wait3A_30 = tpu.memref_slice %arg3[%add3A, %dma_wait3A_28, %dma_wait3A_29] : memref<32x79x128xi32, #tpu.memory_space<hbm>> -> memref<1x79x128xi32, #tpu.memory_space<hbm>>
      %dma_wait3A_31 = tpu.memref_squeeze %dma_wait3A_30 : memref<1x79x128xi32, #tpu.memory_space<hbm>> -> memref<79x128xi32, #tpu.memory_space<hbm>>
      tpu.wait_dma2 semaphore(%run_scoped3A : memref<!tpu.dma_semaphore, #tpu.memory_space<semaphore_mem>>) src(%dma_wait3A_31 : memref<79x128xi32, #tpu.memory_space<hbm>>) dst(%arg7 : memref<79x128xi32, #tpu.memory_space<vmem>>)
      tpu.yield
    }) : () -> ()
    %barrier3A = arith.constant 0 : index
    tpu.barrier barrier_id(%barrier3A)
    %while3A = arith.constant 0 : i32
    %while3A_3 = arith.constant 0 : i32
    %while3A_4 = arith.constant 79 : i32
    %while3A_5 = arith.subi %while3A_4, %while3A_3 : i32
    %while3A_6 = arith.addi %while3A_3, %while3A_5 : i32
    %while3A_7 = arith.constant 1 : i32
    %while3A_8 = arith.divsi %while3A_5, %while3A_7 : i32
    %while3A_9 = arith.muli %while3A_8, %while3A_7 : i32
    %while3A_10 = arith.addi %while3A_3, %while3A_9 : i32
    %while3A_11 = arith.constant 1 : i32
    scf.for %while3A_18 = %while3A_3 to %while3A_10 step %while3A_11  : i32 {
      %mul3A_19 = arith.constant 79 : i32
      %mul3A_20 = arith.muli %add3A, %mul3A_19 : i32
      %add3A_21 = arith.addi %mul3A_20, %while3A_18 : i32
      %mul3A_22 = arith.constant 128 : i32
      %mul3A_23 = arith.muli %add3A_21, %mul3A_22 : i32
      "tpu.region"() ({
        %run_scoped3A = tpu.sem_alloc : memref<!tpu.dma_semaphore, #tpu.memory_space<semaphore_mem>>
        %dma_start3A_34 = tpu.memref_slice %arg4[%mul3A_23] : memref<323584xi32, #tpu.memory_space<hbm>> -> memref<128xi32, #tpu.memory_space<hbm>>
        %dma_start3A_35 = tpu.memref_slice %arg4[%mul3A_23] : memref<323584xi32, #tpu.memory_space<hbm>> -> memref<128xi32, #tpu.memory_space<hbm>>
        tpu.enqueue_dma source(%dma_start3A_35 : memref<128xi32, #tpu.memory_space<hbm>>) target(%arg8 : memref<128xi32, #tpu.memory_space<vmem>>) target_semaphore(%run_scoped3A : memref<!tpu.dma_semaphore, #tpu.memory_space<semaphore_mem>>)
        %dma_wait3A_36 = tpu.memref_slice %arg4[%mul3A_23] : memref<323584xi32, #tpu.memory_space<hbm>> -> memref<128xi32, #tpu.memory_space<hbm>>
        %dma_wait3A_37 = tpu.memref_slice %arg4[%mul3A_23] : memref<323584xi32, #tpu.memory_space<hbm>> -> memref<128xi32, #tpu.memory_space<hbm>>
        tpu.wait_dma2 semaphore(%run_scoped3A : memref<!tpu.dma_semaphore, #tpu.memory_space<semaphore_mem>>) src(%dma_wait3A_37 : memref<128xi32, #tpu.memory_space<hbm>>) dst(%arg8 : memref<128xi32, #tpu.memory_space<vmem>>)
        tpu.yield
      }) : () -> ()
      %dma_start3A = arith.constant 0 : i32
      %dma_start3A_24 = tpu.memref_slice %arg7[%while3A_18, %dma_start3A] : memref<79x128xi32, #tpu.memory_space<vmem>> -> memref<1x128xi32, #tpu.memory_space<vmem>>
      %dma_start3A_25 = tpu.memref_squeeze %dma_start3A_24 : memref<1x128xi32, #tpu.memory_space<vmem>> -> memref<128xi32, #tpu.memory_space<vmem>>
      %dma_start3A_26 = arith.constant 0 : i32
      %dma_start3A_27 = arith.constant 0 : i32
      %dma_start3A_28 = tpu.memref_slice %arg2[%dma_start3A_26, %dma_start3A_27] : memref<10240x128xf32, #tpu.memory_space<hbm>> -> memref<10240x128xf32, #tpu.memory_space<hbm>>
      tpu.enqueue_indirect_dma source(%dma_start3A_28 : memref<10240x128xf32, #tpu.memory_space<hbm>>) target(%arg9 : memref<128x128xf32, #tpu.memory_space<vmem>>) offsets(%dma_start3A_25 : memref<128xi32, #tpu.memory_space<vmem>>) semaphore(%arg11 : memref<!tpu.dma_semaphore, #tpu.memory_space<semaphore_mem>>)
      %dma_wait3A = arith.constant 0 : i32
      %dma_wait3A_29 = tpu.memref_slice %arg7[%while3A_18, %dma_wait3A] : memref<79x128xi32, #tpu.memory_space<vmem>> -> memref<1x128xi32, #tpu.memory_space<vmem>>
      %dma_wait3A_30 = tpu.memref_squeeze %dma_wait3A_29 : memref<1x128xi32, #tpu.memory_space<vmem>> -> memref<128xi32, #tpu.memory_space<vmem>>
      %dma_wait3A_31 = arith.constant 0 : i32
      %dma_wait3A_32 = arith.constant 0 : i32
      %dma_wait3A_33 = tpu.memref_slice %arg2[%dma_wait3A_31, %dma_wait3A_32] : memref<10240x128xf32, #tpu.memory_space<hbm>> -> memref<10240x128xf32, #tpu.memory_space<hbm>>
      tpu.wait_indirect_dma semaphore(%arg11 : memref<!tpu.dma_semaphore, #tpu.memory_space<semaphore_mem>>) src(%dma_wait3A_33 : memref<10240x128xf32, #tpu.memory_space<hbm>>) dst(%arg9 : memref<128x128xf32, #tpu.memory_space<vmem>>)
      "tpu.region"() ({
        %run_scoped3A = tpu.sem_alloc : memref<!tpu.dma_semaphore, #tpu.memory_space<semaphore_mem>>
        %dma_start3A_34 = arith.constant 0 : i32
        %dma_start3A_35 = arith.constant 0 : i32
        %dma_start3A_36 = tpu.memref_slice %arg10[%dma_start3A_34, %dma_start3A_35] : memref<10240x128xf32, #tpu.memory_space<vmem_shared>> -> memref<10240x128xf32, #tpu.memory_space<vmem_shared>>
        tpu.enqueue_indirect_dma source(%arg9 : memref<128x128xf32, #tpu.memory_space<vmem>>) target(%dma_start3A_36 : memref<10240x128xf32, #tpu.memory_space<vmem_shared>>) offsets(%arg8 : memref<128xi32, #tpu.memory_space<vmem>>) semaphore(%run_scoped3A : memref<!tpu.dma_semaphore, #tpu.memory_space<semaphore_mem>>) {add = true}
        %dma_wait3A_37 = arith.constant 0 : i32
        %dma_wait3A_38 = arith.constant 0 : i32
        %dma_wait3A_39 = tpu.memref_slice %arg10[%dma_wait3A_37, %dma_wait3A_38] : memref<10240x128xf32, #tpu.memory_space<vmem_shared>> -> memref<10240x128xf32, #tpu.memory_space<vmem_shared>>
        tpu.wait_indirect_dma semaphore(%run_scoped3A : memref<!tpu.dma_semaphore, #tpu.memory_space<semaphore_mem>>) src(%arg9 : memref<128x128xf32, #tpu.memory_space<vmem>>) dst(%dma_wait3A_39 : memref<10240x128xf32, #tpu.memory_space<vmem_shared>>)
        tpu.yield
      }) : () -> ()
    }
    %while3A_12 = arith.constant 1 : i32
    scf.for %while3A_18 = %while3A_10 to %while3A_6 step %while3A_12  : i32 {
      %mul3A_19 = arith.constant 79 : i32
      %mul3A_20 = arith.muli %add3A, %mul3A_19 : i32
      %add3A_21 = arith.addi %mul3A_20, %while3A_18 : i32
      %mul3A_22 = arith.constant 128 : i32
      %mul3A_23 = arith.muli %add3A_21, %mul3A_22 : i32
      "tpu.region"() ({
        %run_scoped3A = tpu.sem_alloc : memref<!tpu.dma_semaphore, #tpu.memory_space<semaphore_mem>>
        %dma_start3A_34 = tpu.memref_slice %arg4[%mul3A_23] : memref<323584xi32, #tpu.memory_space<hbm>> -> memref<128xi32, #tpu.memory_space<hbm>>
        %dma_start3A_35 = tpu.memref_slice %arg4[%mul3A_23] : memref<323584xi32, #tpu.memory_space<hbm>> -> memref<128xi32, #tpu.memory_space<hbm>>
        tpu.enqueue_dma source(%dma_start3A_35 : memref<128xi32, #tpu.memory_space<hbm>>) target(%arg8 : memref<128xi32, #tpu.memory_space<vmem>>) target_semaphore(%run_scoped3A : memref<!tpu.dma_semaphore, #tpu.memory_space<semaphore_mem>>)
        %dma_wait3A_36 = tpu.memref_slice %arg4[%mul3A_23] : memref<323584xi32, #tpu.memory_space<hbm>> -> memref<128xi32, #tpu.memory_space<hbm>>
        %dma_wait3A_37 = tpu.memref_slice %arg4[%mul3A_23] : memref<323584xi32, #tpu.memory_space<hbm>> -> memref<128xi32, #tpu.memory_space<hbm>>
        tpu.wait_dma2 semaphore(%run_scoped3A : memref<!tpu.dma_semaphore, #tpu.memory_space<semaphore_mem>>) src(%dma_wait3A_37 : memref<128xi32, #tpu.memory_space<hbm>>) dst(%arg8 : memref<128xi32, #tpu.memory_space<vmem>>)
        tpu.yield
      }) : () -> ()
      %dma_start3A = arith.constant 0 : i32
      %dma_start3A_24 = tpu.memref_slice %arg7[%while3A_18, %dma_start3A] : memref<79x128xi32, #tpu.memory_space<vmem>> -> memref<1x128xi32, #tpu.memory_space<vmem>>
      %dma_start3A_25 = tpu.memref_squeeze %dma_start3A_24 : memref<1x128xi32, #tpu.memory_space<vmem>> -> memref<128xi32, #tpu.memory_space<vmem>>
      %dma_start3A_26 = arith.constant 0 : i32
      %dma_start3A_27 = arith.constant 0 : i32
      %dma_start3A_28 = tpu.memref_slice %arg2[%dma_start3A_26, %dma_start3A_27] : memref<10240x128xf32, #tpu.memory_space<hbm>> -> memref<10240x128xf32, #tpu.memory_space<hbm>>
      tpu.enqueue_indirect_dma source(%dma_start3A_28 : memref<10240x128xf32, #tpu.memory_space<hbm>>) target(%arg9 : memref<128x128xf32, #tpu.memory_space<vmem>>) offsets(%dma_start3A_25 : memref<128xi32, #tpu.memory_space<vmem>>) semaphore(%arg11 : memref<!tpu.dma_semaphore, #tpu.memory_space<semaphore_mem>>)
      %dma_wait3A = arith.constant 0 : i32
      %dma_wait3A_29 = tpu.memref_slice %arg7[%while3A_18, %dma_wait3A] : memref<79x128xi32, #tpu.memory_space<vmem>> -> memref<1x128xi32, #tpu.memory_space<vmem>>
      %dma_wait3A_30 = tpu.memref_squeeze %dma_wait3A_29 : memref<1x128xi32, #tpu.memory_space<vmem>> -> memref<128xi32, #tpu.memory_space<vmem>>
      %dma_wait3A_31 = arith.constant 0 : i32
      %dma_wait3A_32 = arith.constant 0 : i32
      %dma_wait3A_33 = tpu.memref_slice %arg2[%dma_wait3A_31, %dma_wait3A_32] : memref<10240x128xf32, #tpu.memory_space<hbm>> -> memref<10240x128xf32, #tpu.memory_space<hbm>>
      tpu.wait_indirect_dma semaphore(%arg11 : memref<!tpu.dma_semaphore, #tpu.memory_space<semaphore_mem>>) src(%dma_wait3A_33 : memref<10240x128xf32, #tpu.memory_space<hbm>>) dst(%arg9 : memref<128x128xf32, #tpu.memory_space<vmem>>)
      "tpu.region"() ({
        %run_scoped3A = tpu.sem_alloc : memref<!tpu.dma_semaphore, #tpu.memory_space<semaphore_mem>>
        %dma_start3A_34 = arith.constant 0 : i32
        %dma_start3A_35 = arith.constant 0 : i32
        %dma_start3A_36 = tpu.memref_slice %arg10[%dma_start3A_34, %dma_start3A_35] : memref<10240x128xf32, #tpu.memory_space<vmem_shared>> -> memref<10240x128xf32, #tpu.memory_space<vmem_shared>>
        tpu.enqueue_indirect_dma source(%arg9 : memref<128x128xf32, #tpu.memory_space<vmem>>) target(%dma_start3A_36 : memref<10240x128xf32, #tpu.memory_space<vmem_shared>>) offsets(%arg8 : memref<128xi32, #tpu.memory_space<vmem>>) semaphore(%run_scoped3A : memref<!tpu.dma_semaphore, #tpu.memory_space<semaphore_mem>>) {add = true}
        %dma_wait3A_37 = arith.constant 0 : i32
        %dma_wait3A_38 = arith.constant 0 : i32
        %dma_wait3A_39 = tpu.memref_slice %arg10[%dma_wait3A_37, %dma_wait3A_38] : memref<10240x128xf32, #tpu.memory_space<vmem_shared>> -> memref<10240x128xf32, #tpu.memory_space<vmem_shared>>
        tpu.wait_indirect_dma semaphore(%run_scoped3A : memref<!tpu.dma_semaphore, #tpu.memory_space<semaphore_mem>>) src(%arg9 : memref<128x128xf32, #tpu.memory_space<vmem>>) dst(%dma_wait3A_39 : memref<10240x128xf32, #tpu.memory_space<vmem_shared>>)
        tpu.yield
      }) : () -> ()
    }
    %barrier3A_13 = arith.constant 0 : index
    tpu.barrier barrier_id(%barrier3A_13)
    %mul3A_14 = arith.constant 640 : i32
    %mul3A_15 = arith.muli %arg1, %mul3A_14 : i32
    %mul3A_16 = arith.constant 640 : i32
    %mul3A_17 = arith.muli %arg1, %mul3A_16 : i32
    "tpu.region"() ({
      %run_scoped3A = tpu.sem_alloc : memref<!tpu.dma_semaphore, #tpu.memory_space<semaphore_mem>>
      %dma_start3A = arith.constant 0 : i32
      %dma_start3A_18 = tpu.memref_slice %arg6[%arg0, %mul3A_17, %dma_start3A] : memref<2x10240x128xf32, #tpu.memory_space<hbm>> -> memref<1x640x128xf32, #tpu.memory_space<hbm>>
      %dma_start3A_19 = tpu.memref_squeeze %dma_start3A_18 : memref<1x640x128xf32, #tpu.memory_space<hbm>> -> memref<640x128xf32, #tpu.memory_space<hbm>>
      %dma_start3A_20 = arith.constant 0 : i32
      %dma_start3A_21 = tpu.memref_slice %arg10[%mul3A_15, %dma_start3A_20] : memref<10240x128xf32, #tpu.memory_space<vmem_shared>> -> memref<640x128xf32, #tpu.memory_space<vmem_shared>>
      tpu.enqueue_dma source(%dma_start3A_21 : memref<640x128xf32, #tpu.memory_space<vmem_shared>>) target(%dma_start3A_19 : memref<640x128xf32, #tpu.memory_space<hbm>>) target_semaphore(%run_scoped3A : memref<!tpu.dma_semaphore, #tpu.memory_space<semaphore_mem>>)
      %dma_wait3A = arith.constant 0 : i32
      %dma_wait3A_22 = tpu.memref_slice %arg6[%arg0, %mul3A_17, %dma_wait3A] : memref<2x10240x128xf32, #tpu.memory_space<hbm>> -> memref<1x640x128xf32, #tpu.memory_space<hbm>>
      %dma_wait3A_23 = tpu.memref_squeeze %dma_wait3A_22 : memref<1x640x128xf32, #tpu.memory_space<hbm>> -> memref<640x128xf32, #tpu.memory_space<hbm>>
      %dma_wait3A_24 = arith.constant 0 : i32
      %dma_wait3A_25 = tpu.memref_slice %arg10[%mul3A_15, %dma_wait3A_24] : memref<10240x128xf32, #tpu.memory_space<vmem_shared>> -> memref<640x128xf32, #tpu.memory_space<vmem_shared>>
      tpu.wait_dma2 semaphore(%run_scoped3A : memref<!tpu.dma_semaphore, #tpu.memory_space<semaphore_mem>>) src(%dma_wait3A_25 : memref<640x128xf32, #tpu.memory_space<vmem_shared>>) dst(%dma_wait3A_23 : memref<640x128xf32, #tpu.memory_space<hbm>>)
      tpu.yield
    }) : () -> ()
    return
  }
}

#map = affine_map<(d0, d1) -> (0, 0)>
#map1 = affine_map<(d0, d1) -> (0, 0, 0)>
#map2 = affine_map<(d0, d1) -> (0)>
module attributes {stable_mosaic.version = 14 : i64} {
  func.func @_sc_agg_body(%arg0: i32, %arg1: i32, %arg2: memref<10240x128xf32, #tpu.memory_space<hbm>>, %arg3: memref<32x79x128xi32, #tpu.memory_space<hbm>>, %arg4: memref<323584xi32, #tpu.memory_space<hbm>>, %arg5: memref<640x128xf32, #tpu.memory_space<hbm>>, %arg6: memref<2x10240x128xf32, #tpu.memory_space<hbm>>, %arg7: memref<79x128xi32, #tpu.memory_space<vmem>>, %arg8: memref<128xi32, #tpu.memory_space<vmem>>, %arg9: memref<128x128xf32, #tpu.memory_space<vmem>>, %arg10: memref<10240x128xf32, #tpu.memory_space<vmem_shared>>, %arg11: memref<!tpu.dma_semaphore, #tpu.memory_space<semaphore_mem>>) attributes {dimension_semantics = [#tpu.dimension_semantics<core_parallel>, #tpu.dimension_semantics<subcore_parallel>], iteration_bounds = array<i64: 2, 16>, scalar_prefetch = 0 : i64, scratch_operands = 5 : i64, tpu.core_type = #tpu.core_type<sc_vector_subcore>, window_params = [{transform_indices = #map}, {transform_indices = #map1}, {transform_indices = #map2}, {transform_indices = #map}, {transform_indices = #map1}]} {
    %mul3A = arith.constant 2 : i32
    %mul3A_0 = arith.muli %arg1, %mul3A : i32
    %add3A = arith.addi %mul3A_0, %arg0 : i32
    %mul3A_1 = arith.constant 640 : i32
    %mul3A_2 = arith.muli %arg1, %mul3A_1 : i32
    "tpu.region"() ({
      %run_scoped3A = tpu.sem_alloc : memref<!tpu.dma_semaphore, #tpu.memory_space<semaphore_mem>>
      %dma_start3A = arith.constant 0 : i32
      %dma_start3A_18 = tpu.memref_slice %arg10[%mul3A_2, %dma_start3A] : memref<10240x128xf32, #tpu.memory_space<vmem_shared>> -> memref<640x128xf32, #tpu.memory_space<vmem_shared>>
      tpu.enqueue_dma source(%arg5 : memref<640x128xf32, #tpu.memory_space<hbm>>) target(%dma_start3A_18 : memref<640x128xf32, #tpu.memory_space<vmem_shared>>) target_semaphore(%run_scoped3A : memref<!tpu.dma_semaphore, #tpu.memory_space<semaphore_mem>>)
      %dma_wait3A = arith.constant 0 : i32
      %dma_wait3A_19 = tpu.memref_slice %arg10[%mul3A_2, %dma_wait3A] : memref<10240x128xf32, #tpu.memory_space<vmem_shared>> -> memref<640x128xf32, #tpu.memory_space<vmem_shared>>
      tpu.wait_dma2 semaphore(%run_scoped3A : memref<!tpu.dma_semaphore, #tpu.memory_space<semaphore_mem>>) src(%arg5 : memref<640x128xf32, #tpu.memory_space<hbm>>) dst(%dma_wait3A_19 : memref<640x128xf32, #tpu.memory_space<vmem_shared>>)
      tpu.yield
    }) : () -> ()
    "tpu.region"() ({
      %run_scoped3A = tpu.sem_alloc : memref<!tpu.dma_semaphore, #tpu.memory_space<semaphore_mem>>
      %dma_start3A = arith.constant 0 : i32
      %dma_start3A_18 = arith.constant 0 : i32
      %dma_start3A_19 = tpu.memref_slice %arg3[%add3A, %dma_start3A, %dma_start3A_18] : memref<32x79x128xi32, #tpu.memory_space<hbm>> -> memref<1x79x128xi32, #tpu.memory_space<hbm>>
      %dma_start3A_20 = tpu.memref_squeeze %dma_start3A_19 : memref<1x79x128xi32, #tpu.memory_space<hbm>> -> memref<79x128xi32, #tpu.memory_space<hbm>>
      %dma_start3A_21 = arith.constant 0 : i32
      %dma_start3A_22 = arith.constant 0 : i32
      %dma_start3A_23 = tpu.memref_slice %arg3[%add3A, %dma_start3A_21, %dma_start3A_22] : memref<32x79x128xi32, #tpu.memory_space<hbm>> -> memref<1x79x128xi32, #tpu.memory_space<hbm>>
      %dma_start3A_24 = tpu.memref_squeeze %dma_start3A_23 : memref<1x79x128xi32, #tpu.memory_space<hbm>> -> memref<79x128xi32, #tpu.memory_space<hbm>>
      tpu.enqueue_dma source(%dma_start3A_24 : memref<79x128xi32, #tpu.memory_space<hbm>>) target(%arg7 : memref<79x128xi32, #tpu.memory_space<vmem>>) target_semaphore(%run_scoped3A : memref<!tpu.dma_semaphore, #tpu.memory_space<semaphore_mem>>)
      %dma_wait3A = arith.constant 0 : i32
      %dma_wait3A_25 = arith.constant 0 : i32
      %dma_wait3A_26 = tpu.memref_slice %arg3[%add3A, %dma_wait3A, %dma_wait3A_25] : memref<32x79x128xi32, #tpu.memory_space<hbm>> -> memref<1x79x128xi32, #tpu.memory_space<hbm>>
      %dma_wait3A_27 = tpu.memref_squeeze %dma_wait3A_26 : memref<1x79x128xi32, #tpu.memory_space<hbm>> -> memref<79x128xi32, #tpu.memory_space<hbm>>
      %dma_wait3A_28 = arith.constant 0 : i32
      %dma_wait3A_29 = arith.constant 0 : i32
      %dma_wait3A_30 = tpu.memref_slice %arg3[%add3A, %dma_wait3A_28, %dma_wait3A_29] : memref<32x79x128xi32, #tpu.memory_space<hbm>> -> memref<1x79x128xi32, #tpu.memory_space<hbm>>
      %dma_wait3A_31 = tpu.memref_squeeze %dma_wait3A_30 : memref<1x79x128xi32, #tpu.memory_space<hbm>> -> memref<79x128xi32, #tpu.memory_space<hbm>>
      tpu.wait_dma2 semaphore(%run_scoped3A : memref<!tpu.dma_semaphore, #tpu.memory_space<semaphore_mem>>) src(%dma_wait3A_31 : memref<79x128xi32, #tpu.memory_space<hbm>>) dst(%arg7 : memref<79x128xi32, #tpu.memory_space<vmem>>)
      tpu.yield
    }) : () -> ()
    %barrier3A = arith.constant 0 : index
    tpu.barrier barrier_id(%barrier3A)
    %while3A = arith.constant 0 : i32
    %while3A_3 = arith.constant 0 : i32
    %while3A_4 = arith.constant 79 : i32
    %while3A_5 = arith.subi %while3A_4, %while3A_3 : i32
    %while3A_6 = arith.addi %while3A_3, %while3A_5 : i32
    %while3A_7 = arith.constant 1 : i32
    %while3A_8 = arith.divsi %while3A_5, %while3A_7 : i32
    %while3A_9 = arith.muli %while3A_8, %while3A_7 : i32
    %while3A_10 = arith.addi %while3A_3, %while3A_9 : i32
    %while3A_11 = arith.constant 1 : i32
    scf.for %while3A_18 = %while3A_3 to %while3A_10 step %while3A_11  : i32 {
      %mul3A_19 = arith.constant 79 : i32
      %mul3A_20 = arith.muli %add3A, %mul3A_19 : i32
      %add3A_21 = arith.addi %mul3A_20, %while3A_18 : i32
      %mul3A_22 = arith.constant 128 : i32
      %mul3A_23 = arith.muli %add3A_21, %mul3A_22 : i32
      "tpu.region"() ({
        %run_scoped3A = tpu.sem_alloc : memref<!tpu.dma_semaphore, #tpu.memory_space<semaphore_mem>>
        %dma_start3A_34 = tpu.memref_slice %arg4[%mul3A_23] : memref<323584xi32, #tpu.memory_space<hbm>> -> memref<128xi32, #tpu.memory_space<hbm>>
        %dma_start3A_35 = tpu.memref_slice %arg4[%mul3A_23] : memref<323584xi32, #tpu.memory_space<hbm>> -> memref<128xi32, #tpu.memory_space<hbm>>
        tpu.enqueue_dma source(%dma_start3A_35 : memref<128xi32, #tpu.memory_space<hbm>>) target(%arg8 : memref<128xi32, #tpu.memory_space<vmem>>) target_semaphore(%run_scoped3A : memref<!tpu.dma_semaphore, #tpu.memory_space<semaphore_mem>>)
        %dma_wait3A_36 = tpu.memref_slice %arg4[%mul3A_23] : memref<323584xi32, #tpu.memory_space<hbm>> -> memref<128xi32, #tpu.memory_space<hbm>>
        %dma_wait3A_37 = tpu.memref_slice %arg4[%mul3A_23] : memref<323584xi32, #tpu.memory_space<hbm>> -> memref<128xi32, #tpu.memory_space<hbm>>
        tpu.wait_dma2 semaphore(%run_scoped3A : memref<!tpu.dma_semaphore, #tpu.memory_space<semaphore_mem>>) src(%dma_wait3A_37 : memref<128xi32, #tpu.memory_space<hbm>>) dst(%arg8 : memref<128xi32, #tpu.memory_space<vmem>>)
        tpu.yield
      }) : () -> ()
      %dma_start3A = arith.constant 0 : i32
      %dma_start3A_24 = tpu.memref_slice %arg7[%while3A_18, %dma_start3A] : memref<79x128xi32, #tpu.memory_space<vmem>> -> memref<1x128xi32, #tpu.memory_space<vmem>>
      %dma_start3A_25 = tpu.memref_squeeze %dma_start3A_24 : memref<1x128xi32, #tpu.memory_space<vmem>> -> memref<128xi32, #tpu.memory_space<vmem>>
      %dma_start3A_26 = arith.constant 0 : i32
      %dma_start3A_27 = arith.constant 0 : i32
      %dma_start3A_28 = tpu.memref_slice %arg2[%dma_start3A_26, %dma_start3A_27] : memref<10240x128xf32, #tpu.memory_space<hbm>> -> memref<10240x128xf32, #tpu.memory_space<hbm>>
      tpu.enqueue_indirect_dma source(%dma_start3A_28 : memref<10240x128xf32, #tpu.memory_space<hbm>>) target(%arg9 : memref<128x128xf32, #tpu.memory_space<vmem>>) offsets(%dma_start3A_25 : memref<128xi32, #tpu.memory_space<vmem>>) semaphore(%arg11 : memref<!tpu.dma_semaphore, #tpu.memory_space<semaphore_mem>>)
      %dma_wait3A = arith.constant 0 : i32
      %dma_wait3A_29 = tpu.memref_slice %arg7[%while3A_18, %dma_wait3A] : memref<79x128xi32, #tpu.memory_space<vmem>> -> memref<1x128xi32, #tpu.memory_space<vmem>>
      %dma_wait3A_30 = tpu.memref_squeeze %dma_wait3A_29 : memref<1x128xi32, #tpu.memory_space<vmem>> -> memref<128xi32, #tpu.memory_space<vmem>>
      %dma_wait3A_31 = arith.constant 0 : i32
      %dma_wait3A_32 = arith.constant 0 : i32
      %dma_wait3A_33 = tpu.memref_slice %arg2[%dma_wait3A_31, %dma_wait3A_32] : memref<10240x128xf32, #tpu.memory_space<hbm>> -> memref<10240x128xf32, #tpu.memory_space<hbm>>
      tpu.wait_indirect_dma semaphore(%arg11 : memref<!tpu.dma_semaphore, #tpu.memory_space<semaphore_mem>>) src(%dma_wait3A_33 : memref<10240x128xf32, #tpu.memory_space<hbm>>) dst(%arg9 : memref<128x128xf32, #tpu.memory_space<vmem>>)
      "tpu.region"() ({
        %run_scoped3A = tpu.sem_alloc : memref<!tpu.dma_semaphore, #tpu.memory_space<semaphore_mem>>
        %dma_start3A_34 = arith.constant 0 : i32
        %dma_start3A_35 = arith.constant 0 : i32
        %dma_start3A_36 = tpu.memref_slice %arg10[%dma_start3A_34, %dma_start3A_35] : memref<10240x128xf32, #tpu.memory_space<vmem_shared>> -> memref<10240x128xf32, #tpu.memory_space<vmem_shared>>
        tpu.enqueue_indirect_dma source(%arg9 : memref<128x128xf32, #tpu.memory_space<vmem>>) target(%dma_start3A_36 : memref<10240x128xf32, #tpu.memory_space<vmem_shared>>) offsets(%arg8 : memref<128xi32, #tpu.memory_space<vmem>>) semaphore(%run_scoped3A : memref<!tpu.dma_semaphore, #tpu.memory_space<semaphore_mem>>) {add = true}
        %dma_wait3A_37 = arith.constant 0 : i32
        %dma_wait3A_38 = arith.constant 0 : i32
        %dma_wait3A_39 = tpu.memref_slice %arg10[%dma_wait3A_37, %dma_wait3A_38] : memref<10240x128xf32, #tpu.memory_space<vmem_shared>> -> memref<10240x128xf32, #tpu.memory_space<vmem_shared>>
        tpu.wait_indirect_dma semaphore(%run_scoped3A : memref<!tpu.dma_semaphore, #tpu.memory_space<semaphore_mem>>) src(%arg9 : memref<128x128xf32, #tpu.memory_space<vmem>>) dst(%dma_wait3A_39 : memref<10240x128xf32, #tpu.memory_space<vmem_shared>>)
        tpu.yield
      }) : () -> ()
    }
    %while3A_12 = arith.constant 1 : i32
    scf.for %while3A_18 = %while3A_10 to %while3A_6 step %while3A_12  : i32 {
      %mul3A_19 = arith.constant 79 : i32
      %mul3A_20 = arith.muli %add3A, %mul3A_19 : i32
      %add3A_21 = arith.addi %mul3A_20, %while3A_18 : i32
      %mul3A_22 = arith.constant 128 : i32
      %mul3A_23 = arith.muli %add3A_21, %mul3A_22 : i32
      "tpu.region"() ({
        %run_scoped3A = tpu.sem_alloc : memref<!tpu.dma_semaphore, #tpu.memory_space<semaphore_mem>>
        %dma_start3A_34 = tpu.memref_slice %arg4[%mul3A_23] : memref<323584xi32, #tpu.memory_space<hbm>> -> memref<128xi32, #tpu.memory_space<hbm>>
        %dma_start3A_35 = tpu.memref_slice %arg4[%mul3A_23] : memref<323584xi32, #tpu.memory_space<hbm>> -> memref<128xi32, #tpu.memory_space<hbm>>
        tpu.enqueue_dma source(%dma_start3A_35 : memref<128xi32, #tpu.memory_space<hbm>>) target(%arg8 : memref<128xi32, #tpu.memory_space<vmem>>) target_semaphore(%run_scoped3A : memref<!tpu.dma_semaphore, #tpu.memory_space<semaphore_mem>>)
        %dma_wait3A_36 = tpu.memref_slice %arg4[%mul3A_23] : memref<323584xi32, #tpu.memory_space<hbm>> -> memref<128xi32, #tpu.memory_space<hbm>>
        %dma_wait3A_37 = tpu.memref_slice %arg4[%mul3A_23] : memref<323584xi32, #tpu.memory_space<hbm>> -> memref<128xi32, #tpu.memory_space<hbm>>
        tpu.wait_dma2 semaphore(%run_scoped3A : memref<!tpu.dma_semaphore, #tpu.memory_space<semaphore_mem>>) src(%dma_wait3A_37 : memref<128xi32, #tpu.memory_space<hbm>>) dst(%arg8 : memref<128xi32, #tpu.memory_space<vmem>>)
        tpu.yield
      }) : () -> ()
      %dma_start3A = arith.constant 0 : i32
      %dma_start3A_24 = tpu.memref_slice %arg7[%while3A_18, %dma_start3A] : memref<79x128xi32, #tpu.memory_space<vmem>> -> memref<1x128xi32, #tpu.memory_space<vmem>>
      %dma_start3A_25 = tpu.memref_squeeze %dma_start3A_24 : memref<1x128xi32, #tpu.memory_space<vmem>> -> memref<128xi32, #tpu.memory_space<vmem>>
      %dma_start3A_26 = arith.constant 0 : i32
      %dma_start3A_27 = arith.constant 0 : i32
      %dma_start3A_28 = tpu.memref_slice %arg2[%dma_start3A_26, %dma_start3A_27] : memref<10240x128xf32, #tpu.memory_space<hbm>> -> memref<10240x128xf32, #tpu.memory_space<hbm>>
      tpu.enqueue_indirect_dma source(%dma_start3A_28 : memref<10240x128xf32, #tpu.memory_space<hbm>>) target(%arg9 : memref<128x128xf32, #tpu.memory_space<vmem>>) offsets(%dma_start3A_25 : memref<128xi32, #tpu.memory_space<vmem>>) semaphore(%arg11 : memref<!tpu.dma_semaphore, #tpu.memory_space<semaphore_mem>>)
      %dma_wait3A = arith.constant 0 : i32
      %dma_wait3A_29 = tpu.memref_slice %arg7[%while3A_18, %dma_wait3A] : memref<79x128xi32, #tpu.memory_space<vmem>> -> memref<1x128xi32, #tpu.memory_space<vmem>>
      %dma_wait3A_30 = tpu.memref_squeeze %dma_wait3A_29 : memref<1x128xi32, #tpu.memory_space<vmem>> -> memref<128xi32, #tpu.memory_space<vmem>>
      %dma_wait3A_31 = arith.constant 0 : i32
      %dma_wait3A_32 = arith.constant 0 : i32
      %dma_wait3A_33 = tpu.memref_slice %arg2[%dma_wait3A_31, %dma_wait3A_32] : memref<10240x128xf32, #tpu.memory_space<hbm>> -> memref<10240x128xf32, #tpu.memory_space<hbm>>
      tpu.wait_indirect_dma semaphore(%arg11 : memref<!tpu.dma_semaphore, #tpu.memory_space<semaphore_mem>>) src(%dma_wait3A_33 : memref<10240x128xf32, #tpu.memory_space<hbm>>) dst(%arg9 : memref<128x128xf32, #tpu.memory_space<vmem>>)
      "tpu.region"() ({
        %run_scoped3A = tpu.sem_alloc : memref<!tpu.dma_semaphore, #tpu.memory_space<semaphore_mem>>
        %dma_start3A_34 = arith.constant 0 : i32
        %dma_start3A_35 = arith.constant 0 : i32
        %dma_start3A_36 = tpu.memref_slice %arg10[%dma_start3A_34, %dma_start3A_35] : memref<10240x128xf32, #tpu.memory_space<vmem_shared>> -> memref<10240x128xf32, #tpu.memory_space<vmem_shared>>
        tpu.enqueue_indirect_dma source(%arg9 : memref<128x128xf32, #tpu.memory_space<vmem>>) target(%dma_start3A_36 : memref<10240x128xf32, #tpu.memory_space<vmem_shared>>) offsets(%arg8 : memref<128xi32, #tpu.memory_space<vmem>>) semaphore(%run_scoped3A : memref<!tpu.dma_semaphore, #tpu.memory_space<semaphore_mem>>) {add = true}
        %dma_wait3A_37 = arith.constant 0 : i32
        %dma_wait3A_38 = arith.constant 0 : i32
        %dma_wait3A_39 = tpu.memref_slice %arg10[%dma_wait3A_37, %dma_wait3A_38] : memref<10240x128xf32, #tpu.memory_space<vmem_shared>> -> memref<10240x128xf32, #tpu.memory_space<vmem_shared>>
        tpu.wait_indirect_dma semaphore(%run_scoped3A : memref<!tpu.dma_semaphore, #tpu.memory_space<semaphore_mem>>) src(%arg9 : memref<128x128xf32, #tpu.memory_space<vmem>>) dst(%dma_wait3A_39 : memref<10240x128xf32, #tpu.memory_space<vmem_shared>>)
        tpu.yield
      }) : () -> ()
    }
    %barrier3A_13 = arith.constant 0 : index
    tpu.barrier barrier_id(%barrier3A_13)
    %mul3A_14 = arith.constant 640 : i32
    %mul3A_15 = arith.muli %arg1, %mul3A_14 : i32
    %mul3A_16 = arith.constant 640 : i32
    %mul3A_17 = arith.muli %arg1, %mul3A_16 : i32
    "tpu.region"() ({
      %run_scoped3A = tpu.sem_alloc : memref<!tpu.dma_semaphore, #tpu.memory_space<semaphore_mem>>
      %dma_start3A = arith.constant 0 : i32
      %dma_start3A_18 = tpu.memref_slice %arg6[%arg0, %mul3A_17, %dma_start3A] : memref<2x10240x128xf32, #tpu.memory_space<hbm>> -> memref<1x640x128xf32, #tpu.memory_space<hbm>>
      %dma_start3A_19 = tpu.memref_squeeze %dma_start3A_18 : memref<1x640x128xf32, #tpu.memory_space<hbm>> -> memref<640x128xf32, #tpu.memory_space<hbm>>
      %dma_start3A_20 = arith.constant 0 : i32
      %dma_start3A_21 = tpu.memref_slice %arg10[%mul3A_15, %dma_start3A_20] : memref<10240x128xf32, #tpu.memory_space<vmem_shared>> -> memref<640x128xf32, #tpu.memory_space<vmem_shared>>
      tpu.enqueue_dma source(%dma_start3A_21 : memref<640x128xf32, #tpu.memory_space<vmem_shared>>) target(%dma_start3A_19 : memref<640x128xf32, #tpu.memory_space<hbm>>) target_semaphore(%run_scoped3A : memref<!tpu.dma_semaphore, #tpu.memory_space<semaphore_mem>>)
      %dma_wait3A = arith.constant 0 : i32
      %dma_wait3A_22 = tpu.memref_slice %arg6[%arg0, %mul3A_17, %dma_wait3A] : memref<2x10240x128xf32, #tpu.memory_space<hbm>> -> memref<1x640x128xf32, #tpu.memory_space<hbm>>
      %dma_wait3A_23 = tpu.memref_squeeze %dma_wait3A_22 : memref<1x640x128xf32, #tpu.memory_space<hbm>> -> memref<640x128xf32, #tpu.memory_space<hbm>>
      %dma_wait3A_24 = arith.constant 0 : i32
      %dma_wait3A_25 = tpu.memref_slice %arg10[%mul3A_15, %dma_wait3A_24] : memref<10240x128xf32, #tpu.memory_space<vmem_shared>> -> memref<640x128xf32, #tpu.memory_space<vmem_shared>>
      tpu.wait_dma2 semaphore(%run_scoped3A : memref<!tpu.dma_semaphore, #tpu.memory_space<semaphore_mem>>) src(%dma_wait3A_25 : memref<640x128xf32, #tpu.memory_space<vmem_shared>>) dst(%dma_wait3A_23 : memref<640x128xf32, #tpu.memory_space<hbm>>)
      tpu.yield
    }) : () -> ()
    return
  }
}

#map = affine_map<(d0, d1) -> (0, 0)>
#map1 = affine_map<(d0, d1) -> (0, 0, 0)>
#map2 = affine_map<(d0, d1) -> (0)>
module attributes {stable_mosaic.version = 14 : i64} {
  func.func @_sc_agg_body(%arg0: i32, %arg1: i32, %arg2: memref<10240x128xf32, #tpu.memory_space<hbm>>, %arg3: memref<32x79x128xi32, #tpu.memory_space<hbm>>, %arg4: memref<323584xi32, #tpu.memory_space<hbm>>, %arg5: memref<640x128xf32, #tpu.memory_space<hbm>>, %arg6: memref<2x10240x128xf32, #tpu.memory_space<hbm>>, %arg7: memref<79x128xi32, #tpu.memory_space<vmem>>, %arg8: memref<128xi32, #tpu.memory_space<vmem>>, %arg9: memref<128x128xf32, #tpu.memory_space<vmem>>, %arg10: memref<10240x128xf32, #tpu.memory_space<vmem_shared>>, %arg11: memref<!tpu.dma_semaphore, #tpu.memory_space<semaphore_mem>>) attributes {dimension_semantics = [#tpu.dimension_semantics<core_parallel>, #tpu.dimension_semantics<subcore_parallel>], iteration_bounds = array<i64: 2, 16>, scalar_prefetch = 0 : i64, scratch_operands = 5 : i64, tpu.core_type = #tpu.core_type<sc_vector_subcore>, window_params = [{transform_indices = #map}, {transform_indices = #map1}, {transform_indices = #map2}, {transform_indices = #map}, {transform_indices = #map1}]} {
    %mul3A = arith.constant 2 : i32
    %mul3A_0 = arith.muli %arg1, %mul3A : i32
    %add3A = arith.addi %mul3A_0, %arg0 : i32
    %mul3A_1 = arith.constant 640 : i32
    %mul3A_2 = arith.muli %arg1, %mul3A_1 : i32
    "tpu.region"() ({
      %run_scoped3A = tpu.sem_alloc : memref<!tpu.dma_semaphore, #tpu.memory_space<semaphore_mem>>
      %dma_start3A = arith.constant 0 : i32
      %dma_start3A_18 = tpu.memref_slice %arg10[%mul3A_2, %dma_start3A] : memref<10240x128xf32, #tpu.memory_space<vmem_shared>> -> memref<640x128xf32, #tpu.memory_space<vmem_shared>>
      tpu.enqueue_dma source(%arg5 : memref<640x128xf32, #tpu.memory_space<hbm>>) target(%dma_start3A_18 : memref<640x128xf32, #tpu.memory_space<vmem_shared>>) target_semaphore(%run_scoped3A : memref<!tpu.dma_semaphore, #tpu.memory_space<semaphore_mem>>)
      %dma_wait3A = arith.constant 0 : i32
      %dma_wait3A_19 = tpu.memref_slice %arg10[%mul3A_2, %dma_wait3A] : memref<10240x128xf32, #tpu.memory_space<vmem_shared>> -> memref<640x128xf32, #tpu.memory_space<vmem_shared>>
      tpu.wait_dma2 semaphore(%run_scoped3A : memref<!tpu.dma_semaphore, #tpu.memory_space<semaphore_mem>>) src(%arg5 : memref<640x128xf32, #tpu.memory_space<hbm>>) dst(%dma_wait3A_19 : memref<640x128xf32, #tpu.memory_space<vmem_shared>>)
      tpu.yield
    }) : () -> ()
    "tpu.region"() ({
      %run_scoped3A = tpu.sem_alloc : memref<!tpu.dma_semaphore, #tpu.memory_space<semaphore_mem>>
      %dma_start3A = arith.constant 0 : i32
      %dma_start3A_18 = arith.constant 0 : i32
      %dma_start3A_19 = tpu.memref_slice %arg3[%add3A, %dma_start3A, %dma_start3A_18] : memref<32x79x128xi32, #tpu.memory_space<hbm>> -> memref<1x79x128xi32, #tpu.memory_space<hbm>>
      %dma_start3A_20 = tpu.memref_squeeze %dma_start3A_19 : memref<1x79x128xi32, #tpu.memory_space<hbm>> -> memref<79x128xi32, #tpu.memory_space<hbm>>
      %dma_start3A_21 = arith.constant 0 : i32
      %dma_start3A_22 = arith.constant 0 : i32
      %dma_start3A_23 = tpu.memref_slice %arg3[%add3A, %dma_start3A_21, %dma_start3A_22] : memref<32x79x128xi32, #tpu.memory_space<hbm>> -> memref<1x79x128xi32, #tpu.memory_space<hbm>>
      %dma_start3A_24 = tpu.memref_squeeze %dma_start3A_23 : memref<1x79x128xi32, #tpu.memory_space<hbm>> -> memref<79x128xi32, #tpu.memory_space<hbm>>
      tpu.enqueue_dma source(%dma_start3A_24 : memref<79x128xi32, #tpu.memory_space<hbm>>) target(%arg7 : memref<79x128xi32, #tpu.memory_space<vmem>>) target_semaphore(%run_scoped3A : memref<!tpu.dma_semaphore, #tpu.memory_space<semaphore_mem>>)
      %dma_wait3A = arith.constant 0 : i32
      %dma_wait3A_25 = arith.constant 0 : i32
      %dma_wait3A_26 = tpu.memref_slice %arg3[%add3A, %dma_wait3A, %dma_wait3A_25] : memref<32x79x128xi32, #tpu.memory_space<hbm>> -> memref<1x79x128xi32, #tpu.memory_space<hbm>>
      %dma_wait3A_27 = tpu.memref_squeeze %dma_wait3A_26 : memref<1x79x128xi32, #tpu.memory_space<hbm>> -> memref<79x128xi32, #tpu.memory_space<hbm>>
      %dma_wait3A_28 = arith.constant 0 : i32
      %dma_wait3A_29 = arith.constant 0 : i32
      %dma_wait3A_30 = tpu.memref_slice %arg3[%add3A, %dma_wait3A_28, %dma_wait3A_29] : memref<32x79x128xi32, #tpu.memory_space<hbm>> -> memref<1x79x128xi32, #tpu.memory_space<hbm>>
      %dma_wait3A_31 = tpu.memref_squeeze %dma_wait3A_30 : memref<1x79x128xi32, #tpu.memory_space<hbm>> -> memref<79x128xi32, #tpu.memory_space<hbm>>
      tpu.wait_dma2 semaphore(%run_scoped3A : memref<!tpu.dma_semaphore, #tpu.memory_space<semaphore_mem>>) src(%dma_wait3A_31 : memref<79x128xi32, #tpu.memory_space<hbm>>) dst(%arg7 : memref<79x128xi32, #tpu.memory_space<vmem>>)
      tpu.yield
    }) : () -> ()
    %barrier3A = arith.constant 0 : index
    tpu.barrier barrier_id(%barrier3A)
    %while3A = arith.constant 0 : i32
    %while3A_3 = arith.constant 0 : i32
    %while3A_4 = arith.constant 79 : i32
    %while3A_5 = arith.subi %while3A_4, %while3A_3 : i32
    %while3A_6 = arith.addi %while3A_3, %while3A_5 : i32
    %while3A_7 = arith.constant 1 : i32
    %while3A_8 = arith.divsi %while3A_5, %while3A_7 : i32
    %while3A_9 = arith.muli %while3A_8, %while3A_7 : i32
    %while3A_10 = arith.addi %while3A_3, %while3A_9 : i32
    %while3A_11 = arith.constant 1 : i32
    scf.for %while3A_18 = %while3A_3 to %while3A_10 step %while3A_11  : i32 {
      %mul3A_19 = arith.constant 79 : i32
      %mul3A_20 = arith.muli %add3A, %mul3A_19 : i32
      %add3A_21 = arith.addi %mul3A_20, %while3A_18 : i32
      %mul3A_22 = arith.constant 128 : i32
      %mul3A_23 = arith.muli %add3A_21, %mul3A_22 : i32
      "tpu.region"() ({
        %run_scoped3A = tpu.sem_alloc : memref<!tpu.dma_semaphore, #tpu.memory_space<semaphore_mem>>
        %dma_start3A_34 = tpu.memref_slice %arg4[%mul3A_23] : memref<323584xi32, #tpu.memory_space<hbm>> -> memref<128xi32, #tpu.memory_space<hbm>>
        %dma_start3A_35 = tpu.memref_slice %arg4[%mul3A_23] : memref<323584xi32, #tpu.memory_space<hbm>> -> memref<128xi32, #tpu.memory_space<hbm>>
        tpu.enqueue_dma source(%dma_start3A_35 : memref<128xi32, #tpu.memory_space<hbm>>) target(%arg8 : memref<128xi32, #tpu.memory_space<vmem>>) target_semaphore(%run_scoped3A : memref<!tpu.dma_semaphore, #tpu.memory_space<semaphore_mem>>)
        %dma_wait3A_36 = tpu.memref_slice %arg4[%mul3A_23] : memref<323584xi32, #tpu.memory_space<hbm>> -> memref<128xi32, #tpu.memory_space<hbm>>
        %dma_wait3A_37 = tpu.memref_slice %arg4[%mul3A_23] : memref<323584xi32, #tpu.memory_space<hbm>> -> memref<128xi32, #tpu.memory_space<hbm>>
        tpu.wait_dma2 semaphore(%run_scoped3A : memref<!tpu.dma_semaphore, #tpu.memory_space<semaphore_mem>>) src(%dma_wait3A_37 : memref<128xi32, #tpu.memory_space<hbm>>) dst(%arg8 : memref<128xi32, #tpu.memory_space<vmem>>)
        tpu.yield
      }) : () -> ()
      %dma_start3A = arith.constant 0 : i32
      %dma_start3A_24 = tpu.memref_slice %arg7[%while3A_18, %dma_start3A] : memref<79x128xi32, #tpu.memory_space<vmem>> -> memref<1x128xi32, #tpu.memory_space<vmem>>
      %dma_start3A_25 = tpu.memref_squeeze %dma_start3A_24 : memref<1x128xi32, #tpu.memory_space<vmem>> -> memref<128xi32, #tpu.memory_space<vmem>>
      %dma_start3A_26 = arith.constant 0 : i32
      %dma_start3A_27 = arith.constant 0 : i32
      %dma_start3A_28 = tpu.memref_slice %arg2[%dma_start3A_26, %dma_start3A_27] : memref<10240x128xf32, #tpu.memory_space<hbm>> -> memref<10240x128xf32, #tpu.memory_space<hbm>>
      tpu.enqueue_indirect_dma source(%dma_start3A_28 : memref<10240x128xf32, #tpu.memory_space<hbm>>) target(%arg9 : memref<128x128xf32, #tpu.memory_space<vmem>>) offsets(%dma_start3A_25 : memref<128xi32, #tpu.memory_space<vmem>>) semaphore(%arg11 : memref<!tpu.dma_semaphore, #tpu.memory_space<semaphore_mem>>)
      %dma_wait3A = arith.constant 0 : i32
      %dma_wait3A_29 = tpu.memref_slice %arg7[%while3A_18, %dma_wait3A] : memref<79x128xi32, #tpu.memory_space<vmem>> -> memref<1x128xi32, #tpu.memory_space<vmem>>
      %dma_wait3A_30 = tpu.memref_squeeze %dma_wait3A_29 : memref<1x128xi32, #tpu.memory_space<vmem>> -> memref<128xi32, #tpu.memory_space<vmem>>
      %dma_wait3A_31 = arith.constant 0 : i32
      %dma_wait3A_32 = arith.constant 0 : i32
      %dma_wait3A_33 = tpu.memref_slice %arg2[%dma_wait3A_31, %dma_wait3A_32] : memref<10240x128xf32, #tpu.memory_space<hbm>> -> memref<10240x128xf32, #tpu.memory_space<hbm>>
      tpu.wait_indirect_dma semaphore(%arg11 : memref<!tpu.dma_semaphore, #tpu.memory_space<semaphore_mem>>) src(%dma_wait3A_33 : memref<10240x128xf32, #tpu.memory_space<hbm>>) dst(%arg9 : memref<128x128xf32, #tpu.memory_space<vmem>>)
      "tpu.region"() ({
        %run_scoped3A = tpu.sem_alloc : memref<!tpu.dma_semaphore, #tpu.memory_space<semaphore_mem>>
        %dma_start3A_34 = arith.constant 0 : i32
        %dma_start3A_35 = arith.constant 0 : i32
        %dma_start3A_36 = tpu.memref_slice %arg10[%dma_start3A_34, %dma_start3A_35] : memref<10240x128xf32, #tpu.memory_space<vmem_shared>> -> memref<10240x128xf32, #tpu.memory_space<vmem_shared>>
        tpu.enqueue_indirect_dma source(%arg9 : memref<128x128xf32, #tpu.memory_space<vmem>>) target(%dma_start3A_36 : memref<10240x128xf32, #tpu.memory_space<vmem_shared>>) offsets(%arg8 : memref<128xi32, #tpu.memory_space<vmem>>) semaphore(%run_scoped3A : memref<!tpu.dma_semaphore, #tpu.memory_space<semaphore_mem>>) {add = true}
        %dma_wait3A_37 = arith.constant 0 : i32
        %dma_wait3A_38 = arith.constant 0 : i32
        %dma_wait3A_39 = tpu.memref_slice %arg10[%dma_wait3A_37, %dma_wait3A_38] : memref<10240x128xf32, #tpu.memory_space<vmem_shared>> -> memref<10240x128xf32, #tpu.memory_space<vmem_shared>>
        tpu.wait_indirect_dma semaphore(%run_scoped3A : memref<!tpu.dma_semaphore, #tpu.memory_space<semaphore_mem>>) src(%arg9 : memref<128x128xf32, #tpu.memory_space<vmem>>) dst(%dma_wait3A_39 : memref<10240x128xf32, #tpu.memory_space<vmem_shared>>)
        tpu.yield
      }) : () -> ()
    }
    %while3A_12 = arith.constant 1 : i32
    scf.for %while3A_18 = %while3A_10 to %while3A_6 step %while3A_12  : i32 {
      %mul3A_19 = arith.constant 79 : i32
      %mul3A_20 = arith.muli %add3A, %mul3A_19 : i32
      %add3A_21 = arith.addi %mul3A_20, %while3A_18 : i32
      %mul3A_22 = arith.constant 128 : i32
      %mul3A_23 = arith.muli %add3A_21, %mul3A_22 : i32
      "tpu.region"() ({
        %run_scoped3A = tpu.sem_alloc : memref<!tpu.dma_semaphore, #tpu.memory_space<semaphore_mem>>
        %dma_start3A_34 = tpu.memref_slice %arg4[%mul3A_23] : memref<323584xi32, #tpu.memory_space<hbm>> -> memref<128xi32, #tpu.memory_space<hbm>>
        %dma_start3A_35 = tpu.memref_slice %arg4[%mul3A_23] : memref<323584xi32, #tpu.memory_space<hbm>> -> memref<128xi32, #tpu.memory_space<hbm>>
        tpu.enqueue_dma source(%dma_start3A_35 : memref<128xi32, #tpu.memory_space<hbm>>) target(%arg8 : memref<128xi32, #tpu.memory_space<vmem>>) target_semaphore(%run_scoped3A : memref<!tpu.dma_semaphore, #tpu.memory_space<semaphore_mem>>)
        %dma_wait3A_36 = tpu.memref_slice %arg4[%mul3A_23] : memref<323584xi32, #tpu.memory_space<hbm>> -> memref<128xi32, #tpu.memory_space<hbm>>
        %dma_wait3A_37 = tpu.memref_slice %arg4[%mul3A_23] : memref<323584xi32, #tpu.memory_space<hbm>> -> memref<128xi32, #tpu.memory_space<hbm>>
        tpu.wait_dma2 semaphore(%run_scoped3A : memref<!tpu.dma_semaphore, #tpu.memory_space<semaphore_mem>>) src(%dma_wait3A_37 : memref<128xi32, #tpu.memory_space<hbm>>) dst(%arg8 : memref<128xi32, #tpu.memory_space<vmem>>)
        tpu.yield
      }) : () -> ()
      %dma_start3A = arith.constant 0 : i32
      %dma_start3A_24 = tpu.memref_slice %arg7[%while3A_18, %dma_start3A] : memref<79x128xi32, #tpu.memory_space<vmem>> -> memref<1x128xi32, #tpu.memory_space<vmem>>
      %dma_start3A_25 = tpu.memref_squeeze %dma_start3A_24 : memref<1x128xi32, #tpu.memory_space<vmem>> -> memref<128xi32, #tpu.memory_space<vmem>>
      %dma_start3A_26 = arith.constant 0 : i32
      %dma_start3A_27 = arith.constant 0 : i32
      %dma_start3A_28 = tpu.memref_slice %arg2[%dma_start3A_26, %dma_start3A_27] : memref<10240x128xf32, #tpu.memory_space<hbm>> -> memref<10240x128xf32, #tpu.memory_space<hbm>>
      tpu.enqueue_indirect_dma source(%dma_start3A_28 : memref<10240x128xf32, #tpu.memory_space<hbm>>) target(%arg9 : memref<128x128xf32, #tpu.memory_space<vmem>>) offsets(%dma_start3A_25 : memref<128xi32, #tpu.memory_space<vmem>>) semaphore(%arg11 : memref<!tpu.dma_semaphore, #tpu.memory_space<semaphore_mem>>)
      %dma_wait3A = arith.constant 0 : i32
      %dma_wait3A_29 = tpu.memref_slice %arg7[%while3A_18, %dma_wait3A] : memref<79x128xi32, #tpu.memory_space<vmem>> -> memref<1x128xi32, #tpu.memory_space<vmem>>
      %dma_wait3A_30 = tpu.memref_squeeze %dma_wait3A_29 : memref<1x128xi32, #tpu.memory_space<vmem>> -> memref<128xi32, #tpu.memory_space<vmem>>
      %dma_wait3A_31 = arith.constant 0 : i32
      %dma_wait3A_32 = arith.constant 0 : i32
      %dma_wait3A_33 = tpu.memref_slice %arg2[%dma_wait3A_31, %dma_wait3A_32] : memref<10240x128xf32, #tpu.memory_space<hbm>> -> memref<10240x128xf32, #tpu.memory_space<hbm>>
      tpu.wait_indirect_dma semaphore(%arg11 : memref<!tpu.dma_semaphore, #tpu.memory_space<semaphore_mem>>) src(%dma_wait3A_33 : memref<10240x128xf32, #tpu.memory_space<hbm>>) dst(%arg9 : memref<128x128xf32, #tpu.memory_space<vmem>>)
      "tpu.region"() ({
        %run_scoped3A = tpu.sem_alloc : memref<!tpu.dma_semaphore, #tpu.memory_space<semaphore_mem>>
        %dma_start3A_34 = arith.constant 0 : i32
        %dma_start3A_35 = arith.constant 0 : i32
        %dma_start3A_36 = tpu.memref_slice %arg10[%dma_start3A_34, %dma_start3A_35] : memref<10240x128xf32, #tpu.memory_space<vmem_shared>> -> memref<10240x128xf32, #tpu.memory_space<vmem_shared>>
        tpu.enqueue_indirect_dma source(%arg9 : memref<128x128xf32, #tpu.memory_space<vmem>>) target(%dma_start3A_36 : memref<10240x128xf32, #tpu.memory_space<vmem_shared>>) offsets(%arg8 : memref<128xi32, #tpu.memory_space<vmem>>) semaphore(%run_scoped3A : memref<!tpu.dma_semaphore, #tpu.memory_space<semaphore_mem>>) {add = true}
        %dma_wait3A_37 = arith.constant 0 : i32
        %dma_wait3A_38 = arith.constant 0 : i32
        %dma_wait3A_39 = tpu.memref_slice %arg10[%dma_wait3A_37, %dma_wait3A_38] : memref<10240x128xf32, #tpu.memory_space<vmem_shared>> -> memref<10240x128xf32, #tpu.memory_space<vmem_shared>>
        tpu.wait_indirect_dma semaphore(%run_scoped3A : memref<!tpu.dma_semaphore, #tpu.memory_space<semaphore_mem>>) src(%arg9 : memref<128x128xf32, #tpu.memory_space<vmem>>) dst(%dma_wait3A_39 : memref<10240x128xf32, #tpu.memory_space<vmem_shared>>)
        tpu.yield
      }) : () -> ()
    }
    %barrier3A_13 = arith.constant 0 : index
    tpu.barrier barrier_id(%barrier3A_13)
    %mul3A_14 = arith.constant 640 : i32
    %mul3A_15 = arith.muli %arg1, %mul3A_14 : i32
    %mul3A_16 = arith.constant 640 : i32
    %mul3A_17 = arith.muli %arg1, %mul3A_16 : i32
    "tpu.region"() ({
      %run_scoped3A = tpu.sem_alloc : memref<!tpu.dma_semaphore, #tpu.memory_space<semaphore_mem>>
      %dma_start3A = arith.constant 0 : i32
      %dma_start3A_18 = tpu.memref_slice %arg6[%arg0, %mul3A_17, %dma_start3A] : memref<2x10240x128xf32, #tpu.memory_space<hbm>> -> memref<1x640x128xf32, #tpu.memory_space<hbm>>
      %dma_start3A_19 = tpu.memref_squeeze %dma_start3A_18 : memref<1x640x128xf32, #tpu.memory_space<hbm>> -> memref<640x128xf32, #tpu.memory_space<hbm>>
      %dma_start3A_20 = arith.constant 0 : i32
      %dma_start3A_21 = tpu.memref_slice %arg10[%mul3A_15, %dma_start3A_20] : memref<10240x128xf32, #tpu.memory_space<vmem_shared>> -> memref<640x128xf32, #tpu.memory_space<vmem_shared>>
      tpu.enqueue_dma source(%dma_start3A_21 : memref<640x128xf32, #tpu.memory_space<vmem_shared>>) target(%dma_start3A_19 : memref<640x128xf32, #tpu.memory_space<hbm>>) target_semaphore(%run_scoped3A : memref<!tpu.dma_semaphore, #tpu.memory_space<semaphore_mem>>)
      %dma_wait3A = arith.constant 0 : i32
      %dma_wait3A_22 = tpu.memref_slice %arg6[%arg0, %mul3A_17, %dma_wait3A] : memref<2x10240x128xf32, #tpu.memory_space<hbm>> -> memref<1x640x128xf32, #tpu.memory_space<hbm>>
      %dma_wait3A_23 = tpu.memref_squeeze %dma_wait3A_22 : memref<1x640x128xf32, #tpu.memory_space<hbm>> -> memref<640x128xf32, #tpu.memory_space<hbm>>
      %dma_wait3A_24 = arith.constant 0 : i32
      %dma_wait3A_25 = tpu.memref_slice %arg10[%mul3A_15, %dma_wait3A_24] : memref<10240x128xf32, #tpu.memory_space<vmem_shared>> -> memref<640x128xf32, #tpu.memory_space<vmem_shared>>
      tpu.wait_dma2 semaphore(%run_scoped3A : memref<!tpu.dma_semaphore, #tpu.memory_space<semaphore_mem>>) src(%dma_wait3A_25 : memref<640x128xf32, #tpu.memory_space<vmem_shared>>) dst(%dma_wait3A_23 : memref<640x128xf32, #tpu.memory_space<hbm>>)
      tpu.yield
    }) : () -> ()
    return
  }
}

#map = affine_map<(d0, d1) -> (0, 0)>
#map1 = affine_map<(d0, d1) -> (0, 0, 0)>
#map2 = affine_map<(d0, d1) -> (0)>
module attributes {stable_mosaic.version = 14 : i64} {
  func.func @_sc_agg_body(%arg0: i32, %arg1: i32, %arg2: memref<10240x128xf32, #tpu.memory_space<hbm>>, %arg3: memref<32x79x128xi32, #tpu.memory_space<hbm>>, %arg4: memref<323584xi32, #tpu.memory_space<hbm>>, %arg5: memref<640x128xf32, #tpu.memory_space<hbm>>, %arg6: memref<2x10240x128xf32, #tpu.memory_space<hbm>>, %arg7: memref<79x128xi32, #tpu.memory_space<vmem>>, %arg8: memref<128xi32, #tpu.memory_space<vmem>>, %arg9: memref<128x128xf32, #tpu.memory_space<vmem>>, %arg10: memref<10240x128xf32, #tpu.memory_space<vmem_shared>>, %arg11: memref<!tpu.dma_semaphore, #tpu.memory_space<semaphore_mem>>) attributes {dimension_semantics = [#tpu.dimension_semantics<core_parallel>, #tpu.dimension_semantics<subcore_parallel>], iteration_bounds = array<i64: 2, 16>, scalar_prefetch = 0 : i64, scratch_operands = 5 : i64, tpu.core_type = #tpu.core_type<sc_vector_subcore>, window_params = [{transform_indices = #map}, {transform_indices = #map1}, {transform_indices = #map2}, {transform_indices = #map}, {transform_indices = #map1}]} {
    %mul3A = arith.constant 2 : i32
    %mul3A_0 = arith.muli %arg1, %mul3A : i32
    %add3A = arith.addi %mul3A_0, %arg0 : i32
    %mul3A_1 = arith.constant 640 : i32
    %mul3A_2 = arith.muli %arg1, %mul3A_1 : i32
    "tpu.region"() ({
      %run_scoped3A = tpu.sem_alloc : memref<!tpu.dma_semaphore, #tpu.memory_space<semaphore_mem>>
      %dma_start3A = arith.constant 0 : i32
      %dma_start3A_18 = tpu.memref_slice %arg10[%mul3A_2, %dma_start3A] : memref<10240x128xf32, #tpu.memory_space<vmem_shared>> -> memref<640x128xf32, #tpu.memory_space<vmem_shared>>
      tpu.enqueue_dma source(%arg5 : memref<640x128xf32, #tpu.memory_space<hbm>>) target(%dma_start3A_18 : memref<640x128xf32, #tpu.memory_space<vmem_shared>>) target_semaphore(%run_scoped3A : memref<!tpu.dma_semaphore, #tpu.memory_space<semaphore_mem>>)
      %dma_wait3A = arith.constant 0 : i32
      %dma_wait3A_19 = tpu.memref_slice %arg10[%mul3A_2, %dma_wait3A] : memref<10240x128xf32, #tpu.memory_space<vmem_shared>> -> memref<640x128xf32, #tpu.memory_space<vmem_shared>>
      tpu.wait_dma2 semaphore(%run_scoped3A : memref<!tpu.dma_semaphore, #tpu.memory_space<semaphore_mem>>) src(%arg5 : memref<640x128xf32, #tpu.memory_space<hbm>>) dst(%dma_wait3A_19 : memref<640x128xf32, #tpu.memory_space<vmem_shared>>)
      tpu.yield
    }) : () -> ()
    "tpu.region"() ({
      %run_scoped3A = tpu.sem_alloc : memref<!tpu.dma_semaphore, #tpu.memory_space<semaphore_mem>>
      %dma_start3A = arith.constant 0 : i32
      %dma_start3A_18 = arith.constant 0 : i32
      %dma_start3A_19 = tpu.memref_slice %arg3[%add3A, %dma_start3A, %dma_start3A_18] : memref<32x79x128xi32, #tpu.memory_space<hbm>> -> memref<1x79x128xi32, #tpu.memory_space<hbm>>
      %dma_start3A_20 = tpu.memref_squeeze %dma_start3A_19 : memref<1x79x128xi32, #tpu.memory_space<hbm>> -> memref<79x128xi32, #tpu.memory_space<hbm>>
      %dma_start3A_21 = arith.constant 0 : i32
      %dma_start3A_22 = arith.constant 0 : i32
      %dma_start3A_23 = tpu.memref_slice %arg3[%add3A, %dma_start3A_21, %dma_start3A_22] : memref<32x79x128xi32, #tpu.memory_space<hbm>> -> memref<1x79x128xi32, #tpu.memory_space<hbm>>
      %dma_start3A_24 = tpu.memref_squeeze %dma_start3A_23 : memref<1x79x128xi32, #tpu.memory_space<hbm>> -> memref<79x128xi32, #tpu.memory_space<hbm>>
      tpu.enqueue_dma source(%dma_start3A_24 : memref<79x128xi32, #tpu.memory_space<hbm>>) target(%arg7 : memref<79x128xi32, #tpu.memory_space<vmem>>) target_semaphore(%run_scoped3A : memref<!tpu.dma_semaphore, #tpu.memory_space<semaphore_mem>>)
      %dma_wait3A = arith.constant 0 : i32
      %dma_wait3A_25 = arith.constant 0 : i32
      %dma_wait3A_26 = tpu.memref_slice %arg3[%add3A, %dma_wait3A, %dma_wait3A_25] : memref<32x79x128xi32, #tpu.memory_space<hbm>> -> memref<1x79x128xi32, #tpu.memory_space<hbm>>
      %dma_wait3A_27 = tpu.memref_squeeze %dma_wait3A_26 : memref<1x79x128xi32, #tpu.memory_space<hbm>> -> memref<79x128xi32, #tpu.memory_space<hbm>>
      %dma_wait3A_28 = arith.constant 0 : i32
      %dma_wait3A_29 = arith.constant 0 : i32
      %dma_wait3A_30 = tpu.memref_slice %arg3[%add3A, %dma_wait3A_28, %dma_wait3A_29] : memref<32x79x128xi32, #tpu.memory_space<hbm>> -> memref<1x79x128xi32, #tpu.memory_space<hbm>>
      %dma_wait3A_31 = tpu.memref_squeeze %dma_wait3A_30 : memref<1x79x128xi32, #tpu.memory_space<hbm>> -> memref<79x128xi32, #tpu.memory_space<hbm>>
      tpu.wait_dma2 semaphore(%run_scoped3A : memref<!tpu.dma_semaphore, #tpu.memory_space<semaphore_mem>>) src(%dma_wait3A_31 : memref<79x128xi32, #tpu.memory_space<hbm>>) dst(%arg7 : memref<79x128xi32, #tpu.memory_space<vmem>>)
      tpu.yield
    }) : () -> ()
    %barrier3A = arith.constant 0 : index
    tpu.barrier barrier_id(%barrier3A)
    %while3A = arith.constant 0 : i32
    %while3A_3 = arith.constant 0 : i32
    %while3A_4 = arith.constant 79 : i32
    %while3A_5 = arith.subi %while3A_4, %while3A_3 : i32
    %while3A_6 = arith.addi %while3A_3, %while3A_5 : i32
    %while3A_7 = arith.constant 1 : i32
    %while3A_8 = arith.divsi %while3A_5, %while3A_7 : i32
    %while3A_9 = arith.muli %while3A_8, %while3A_7 : i32
    %while3A_10 = arith.addi %while3A_3, %while3A_9 : i32
    %while3A_11 = arith.constant 1 : i32
    scf.for %while3A_18 = %while3A_3 to %while3A_10 step %while3A_11  : i32 {
      %mul3A_19 = arith.constant 79 : i32
      %mul3A_20 = arith.muli %add3A, %mul3A_19 : i32
      %add3A_21 = arith.addi %mul3A_20, %while3A_18 : i32
      %mul3A_22 = arith.constant 128 : i32
      %mul3A_23 = arith.muli %add3A_21, %mul3A_22 : i32
      "tpu.region"() ({
        %run_scoped3A = tpu.sem_alloc : memref<!tpu.dma_semaphore, #tpu.memory_space<semaphore_mem>>
        %dma_start3A_34 = tpu.memref_slice %arg4[%mul3A_23] : memref<323584xi32, #tpu.memory_space<hbm>> -> memref<128xi32, #tpu.memory_space<hbm>>
        %dma_start3A_35 = tpu.memref_slice %arg4[%mul3A_23] : memref<323584xi32, #tpu.memory_space<hbm>> -> memref<128xi32, #tpu.memory_space<hbm>>
        tpu.enqueue_dma source(%dma_start3A_35 : memref<128xi32, #tpu.memory_space<hbm>>) target(%arg8 : memref<128xi32, #tpu.memory_space<vmem>>) target_semaphore(%run_scoped3A : memref<!tpu.dma_semaphore, #tpu.memory_space<semaphore_mem>>)
        %dma_wait3A_36 = tpu.memref_slice %arg4[%mul3A_23] : memref<323584xi32, #tpu.memory_space<hbm>> -> memref<128xi32, #tpu.memory_space<hbm>>
        %dma_wait3A_37 = tpu.memref_slice %arg4[%mul3A_23] : memref<323584xi32, #tpu.memory_space<hbm>> -> memref<128xi32, #tpu.memory_space<hbm>>
        tpu.wait_dma2 semaphore(%run_scoped3A : memref<!tpu.dma_semaphore, #tpu.memory_space<semaphore_mem>>) src(%dma_wait3A_37 : memref<128xi32, #tpu.memory_space<hbm>>) dst(%arg8 : memref<128xi32, #tpu.memory_space<vmem>>)
        tpu.yield
      }) : () -> ()
      %dma_start3A = arith.constant 0 : i32
      %dma_start3A_24 = tpu.memref_slice %arg7[%while3A_18, %dma_start3A] : memref<79x128xi32, #tpu.memory_space<vmem>> -> memref<1x128xi32, #tpu.memory_space<vmem>>
      %dma_start3A_25 = tpu.memref_squeeze %dma_start3A_24 : memref<1x128xi32, #tpu.memory_space<vmem>> -> memref<128xi32, #tpu.memory_space<vmem>>
      %dma_start3A_26 = arith.constant 0 : i32
      %dma_start3A_27 = arith.constant 0 : i32
      %dma_start3A_28 = tpu.memref_slice %arg2[%dma_start3A_26, %dma_start3A_27] : memref<10240x128xf32, #tpu.memory_space<hbm>> -> memref<10240x128xf32, #tpu.memory_space<hbm>>
      tpu.enqueue_indirect_dma source(%dma_start3A_28 : memref<10240x128xf32, #tpu.memory_space<hbm>>) target(%arg9 : memref<128x128xf32, #tpu.memory_space<vmem>>) offsets(%dma_start3A_25 : memref<128xi32, #tpu.memory_space<vmem>>) semaphore(%arg11 : memref<!tpu.dma_semaphore, #tpu.memory_space<semaphore_mem>>)
      %dma_wait3A = arith.constant 0 : i32
      %dma_wait3A_29 = tpu.memref_slice %arg7[%while3A_18, %dma_wait3A] : memref<79x128xi32, #tpu.memory_space<vmem>> -> memref<1x128xi32, #tpu.memory_space<vmem>>
      %dma_wait3A_30 = tpu.memref_squeeze %dma_wait3A_29 : memref<1x128xi32, #tpu.memory_space<vmem>> -> memref<128xi32, #tpu.memory_space<vmem>>
      %dma_wait3A_31 = arith.constant 0 : i32
      %dma_wait3A_32 = arith.constant 0 : i32
      %dma_wait3A_33 = tpu.memref_slice %arg2[%dma_wait3A_31, %dma_wait3A_32] : memref<10240x128xf32, #tpu.memory_space<hbm>> -> memref<10240x128xf32, #tpu.memory_space<hbm>>
      tpu.wait_indirect_dma semaphore(%arg11 : memref<!tpu.dma_semaphore, #tpu.memory_space<semaphore_mem>>) src(%dma_wait3A_33 : memref<10240x128xf32, #tpu.memory_space<hbm>>) dst(%arg9 : memref<128x128xf32, #tpu.memory_space<vmem>>)
      "tpu.region"() ({
        %run_scoped3A = tpu.sem_alloc : memref<!tpu.dma_semaphore, #tpu.memory_space<semaphore_mem>>
        %dma_start3A_34 = arith.constant 0 : i32
        %dma_start3A_35 = arith.constant 0 : i32
        %dma_start3A_36 = tpu.memref_slice %arg10[%dma_start3A_34, %dma_start3A_35] : memref<10240x128xf32, #tpu.memory_space<vmem_shared>> -> memref<10240x128xf32, #tpu.memory_space<vmem_shared>>
        tpu.enqueue_indirect_dma source(%arg9 : memref<128x128xf32, #tpu.memory_space<vmem>>) target(%dma_start3A_36 : memref<10240x128xf32, #tpu.memory_space<vmem_shared>>) offsets(%arg8 : memref<128xi32, #tpu.memory_space<vmem>>) semaphore(%run_scoped3A : memref<!tpu.dma_semaphore, #tpu.memory_space<semaphore_mem>>) {add = true}
        %dma_wait3A_37 = arith.constant 0 : i32
        %dma_wait3A_38 = arith.constant 0 : i32
        %dma_wait3A_39 = tpu.memref_slice %arg10[%dma_wait3A_37, %dma_wait3A_38] : memref<10240x128xf32, #tpu.memory_space<vmem_shared>> -> memref<10240x128xf32, #tpu.memory_space<vmem_shared>>
        tpu.wait_indirect_dma semaphore(%run_scoped3A : memref<!tpu.dma_semaphore, #tpu.memory_space<semaphore_mem>>) src(%arg9 : memref<128x128xf32, #tpu.memory_space<vmem>>) dst(%dma_wait3A_39 : memref<10240x128xf32, #tpu.memory_space<vmem_shared>>)
        tpu.yield
      }) : () -> ()
    }
    %while3A_12 = arith.constant 1 : i32
    scf.for %while3A_18 = %while3A_10 to %while3A_6 step %while3A_12  : i32 {
      %mul3A_19 = arith.constant 79 : i32
      %mul3A_20 = arith.muli %add3A, %mul3A_19 : i32
      %add3A_21 = arith.addi %mul3A_20, %while3A_18 : i32
      %mul3A_22 = arith.constant 128 : i32
      %mul3A_23 = arith.muli %add3A_21, %mul3A_22 : i32
      "tpu.region"() ({
        %run_scoped3A = tpu.sem_alloc : memref<!tpu.dma_semaphore, #tpu.memory_space<semaphore_mem>>
        %dma_start3A_34 = tpu.memref_slice %arg4[%mul3A_23] : memref<323584xi32, #tpu.memory_space<hbm>> -> memref<128xi32, #tpu.memory_space<hbm>>
        %dma_start3A_35 = tpu.memref_slice %arg4[%mul3A_23] : memref<323584xi32, #tpu.memory_space<hbm>> -> memref<128xi32, #tpu.memory_space<hbm>>
        tpu.enqueue_dma source(%dma_start3A_35 : memref<128xi32, #tpu.memory_space<hbm>>) target(%arg8 : memref<128xi32, #tpu.memory_space<vmem>>) target_semaphore(%run_scoped3A : memref<!tpu.dma_semaphore, #tpu.memory_space<semaphore_mem>>)
        %dma_wait3A_36 = tpu.memref_slice %arg4[%mul3A_23] : memref<323584xi32, #tpu.memory_space<hbm>> -> memref<128xi32, #tpu.memory_space<hbm>>
        %dma_wait3A_37 = tpu.memref_slice %arg4[%mul3A_23] : memref<323584xi32, #tpu.memory_space<hbm>> -> memref<128xi32, #tpu.memory_space<hbm>>
        tpu.wait_dma2 semaphore(%run_scoped3A : memref<!tpu.dma_semaphore, #tpu.memory_space<semaphore_mem>>) src(%dma_wait3A_37 : memref<128xi32, #tpu.memory_space<hbm>>) dst(%arg8 : memref<128xi32, #tpu.memory_space<vmem>>)
        tpu.yield
      }) : () -> ()
      %dma_start3A = arith.constant 0 : i32
      %dma_start3A_24 = tpu.memref_slice %arg7[%while3A_18, %dma_start3A] : memref<79x128xi32, #tpu.memory_space<vmem>> -> memref<1x128xi32, #tpu.memory_space<vmem>>
      %dma_start3A_25 = tpu.memref_squeeze %dma_start3A_24 : memref<1x128xi32, #tpu.memory_space<vmem>> -> memref<128xi32, #tpu.memory_space<vmem>>
      %dma_start3A_26 = arith.constant 0 : i32
      %dma_start3A_27 = arith.constant 0 : i32
      %dma_start3A_28 = tpu.memref_slice %arg2[%dma_start3A_26, %dma_start3A_27] : memref<10240x128xf32, #tpu.memory_space<hbm>> -> memref<10240x128xf32, #tpu.memory_space<hbm>>
      tpu.enqueue_indirect_dma source(%dma_start3A_28 : memref<10240x128xf32, #tpu.memory_space<hbm>>) target(%arg9 : memref<128x128xf32, #tpu.memory_space<vmem>>) offsets(%dma_start3A_25 : memref<128xi32, #tpu.memory_space<vmem>>) semaphore(%arg11 : memref<!tpu.dma_semaphore, #tpu.memory_space<semaphore_mem>>)
      %dma_wait3A = arith.constant 0 : i32
      %dma_wait3A_29 = tpu.memref_slice %arg7[%while3A_18, %dma_wait3A] : memref<79x128xi32, #tpu.memory_space<vmem>> -> memref<1x128xi32, #tpu.memory_space<vmem>>
      %dma_wait3A_30 = tpu.memref_squeeze %dma_wait3A_29 : memref<1x128xi32, #tpu.memory_space<vmem>> -> memref<128xi32, #tpu.memory_space<vmem>>
      %dma_wait3A_31 = arith.constant 0 : i32
      %dma_wait3A_32 = arith.constant 0 : i32
      %dma_wait3A_33 = tpu.memref_slice %arg2[%dma_wait3A_31, %dma_wait3A_32] : memref<10240x128xf32, #tpu.memory_space<hbm>> -> memref<10240x128xf32, #tpu.memory_space<hbm>>
      tpu.wait_indirect_dma semaphore(%arg11 : memref<!tpu.dma_semaphore, #tpu.memory_space<semaphore_mem>>) src(%dma_wait3A_33 : memref<10240x128xf32, #tpu.memory_space<hbm>>) dst(%arg9 : memref<128x128xf32, #tpu.memory_space<vmem>>)
      "tpu.region"() ({
        %run_scoped3A = tpu.sem_alloc : memref<!tpu.dma_semaphore, #tpu.memory_space<semaphore_mem>>
        %dma_start3A_34 = arith.constant 0 : i32
        %dma_start3A_35 = arith.constant 0 : i32
        %dma_start3A_36 = tpu.memref_slice %arg10[%dma_start3A_34, %dma_start3A_35] : memref<10240x128xf32, #tpu.memory_space<vmem_shared>> -> memref<10240x128xf32, #tpu.memory_space<vmem_shared>>
        tpu.enqueue_indirect_dma source(%arg9 : memref<128x128xf32, #tpu.memory_space<vmem>>) target(%dma_start3A_36 : memref<10240x128xf32, #tpu.memory_space<vmem_shared>>) offsets(%arg8 : memref<128xi32, #tpu.memory_space<vmem>>) semaphore(%run_scoped3A : memref<!tpu.dma_semaphore, #tpu.memory_space<semaphore_mem>>) {add = true}
        %dma_wait3A_37 = arith.constant 0 : i32
        %dma_wait3A_38 = arith.constant 0 : i32
        %dma_wait3A_39 = tpu.memref_slice %arg10[%dma_wait3A_37, %dma_wait3A_38] : memref<10240x128xf32, #tpu.memory_space<vmem_shared>> -> memref<10240x128xf32, #tpu.memory_space<vmem_shared>>
        tpu.wait_indirect_dma semaphore(%run_scoped3A : memref<!tpu.dma_semaphore, #tpu.memory_space<semaphore_mem>>) src(%arg9 : memref<128x128xf32, #tpu.memory_space<vmem>>) dst(%dma_wait3A_39 : memref<10240x128xf32, #tpu.memory_space<vmem_shared>>)
        tpu.yield
      }) : () -> ()
    }
    %barrier3A_13 = arith.constant 0 : index
    tpu.barrier barrier_id(%barrier3A_13)
    %mul3A_14 = arith.constant 640 : i32
    %mul3A_15 = arith.muli %arg1, %mul3A_14 : i32
    %mul3A_16 = arith.constant 640 : i32
    %mul3A_17 = arith.muli %arg1, %mul3A_16 : i32
    "tpu.region"() ({
      %run_scoped3A = tpu.sem_alloc : memref<!tpu.dma_semaphore, #tpu.memory_space<semaphore_mem>>
      %dma_start3A = arith.constant 0 : i32
      %dma_start3A_18 = tpu.memref_slice %arg6[%arg0, %mul3A_17, %dma_start3A] : memref<2x10240x128xf32, #tpu.memory_space<hbm>> -> memref<1x640x128xf32, #tpu.memory_space<hbm>>
      %dma_start3A_19 = tpu.memref_squeeze %dma_start3A_18 : memref<1x640x128xf32, #tpu.memory_space<hbm>> -> memref<640x128xf32, #tpu.memory_space<hbm>>
      %dma_start3A_20 = arith.constant 0 : i32
      %dma_start3A_21 = tpu.memref_slice %arg10[%mul3A_15, %dma_start3A_20] : memref<10240x128xf32, #tpu.memory_space<vmem_shared>> -> memref<640x128xf32, #tpu.memory_space<vmem_shared>>
      tpu.enqueue_dma source(%dma_start3A_21 : memref<640x128xf32, #tpu.memory_space<vmem_shared>>) target(%dma_start3A_19 : memref<640x128xf32, #tpu.memory_space<hbm>>) target_semaphore(%run_scoped3A : memref<!tpu.dma_semaphore, #tpu.memory_space<semaphore_mem>>)
      %dma_wait3A = arith.constant 0 : i32
      %dma_wait3A_22 = tpu.memref_slice %arg6[%arg0, %mul3A_17, %dma_wait3A] : memref<2x10240x128xf32, #tpu.memory_space<hbm>> -> memref<1x640x128xf32, #tpu.memory_space<hbm>>
      %dma_wait3A_23 = tpu.memref_squeeze %dma_wait3A_22 : memref<1x640x128xf32, #tpu.memory_space<hbm>> -> memref<640x128xf32, #tpu.memory_space<hbm>>
      %dma_wait3A_24 = arith.constant 0 : i32
      %dma_wait3A_25 = tpu.memref_slice %arg10[%mul3A_15, %dma_wait3A_24] : memref<10240x128xf32, #tpu.memory_space<vmem_shared>> -> memref<640x128xf32, #tpu.memory_space<vmem_shared>>
      tpu.wait_dma2 semaphore(%run_scoped3A : memref<!tpu.dma_semaphore, #tpu.memory_space<semaphore_mem>>) src(%dma_wait3A_25 : memref<640x128xf32, #tpu.memory_space<vmem_shared>>) dst(%dma_wait3A_23 : memref<640x128xf32, #tpu.memory_space<hbm>>)
      tpu.yield
    }) : () -> ()
    return
  }
}

module attributes {stable_mosaic.version = 14 : i64} {
  func.func @_tc_prologue_body(%arg0: i32, %arg1: memref<128x128xf32, #tpu.memory_space<vmem>>, %arg2: memref<128x1xf32, #tpu.memory_space<vmem>>, %arg3: memref<2x128xf32, #tpu.memory_space<vmem>>, %arg4: memref<1x128xf32, #tpu.memory_space<vmem>>, %arg5: memref<128x128xf32, #tpu.memory_space<vmem>>, %arg6: memref<1x128xf32, #tpu.memory_space<vmem>>, %arg7: memref<128x128xf32, #tpu.memory_space<vmem>>, %arg8: memref<1x128xf32, #tpu.memory_space<vmem>>, %arg9: memref<128x128xf32, #tpu.memory_space<vmem>>, %arg10: memref<128x128xf32, #tpu.memory_space<vmem>>) attributes {dimension_semantics = [#tpu.dimension_semantics<arbitrary>], iteration_bounds = array<i64: 80>, scalar_prefetch = 0 : i64, scratch_operands = 0 : i64, tpu.core_type = #tpu.core_type<tc>, window_params = [{transform_indices = @transform_0, window_bounds = array<i64: 128, 128>}, {transform_indices = @transform_1, window_bounds = array<i64: 128, 1>}, {pipeline_mode = #tpu.pipeline_mode<synchronous>, transform_indices = @transform_2, window_bounds = array<i64: 2, 128>}, {pipeline_mode = #tpu.pipeline_mode<synchronous>, transform_indices = @transform_3, window_bounds = array<i64: 1, 128>}, {pipeline_mode = #tpu.pipeline_mode<synchronous>, transform_indices = @transform_4, window_bounds = array<i64: 128, 128>}, {pipeline_mode = #tpu.pipeline_mode<synchronous>, transform_indices = @transform_5, window_bounds = array<i64: 1, 128>}, {pipeline_mode = #tpu.pipeline_mode<synchronous>, transform_indices = @transform_6, window_bounds = array<i64: 128, 128>}, {pipeline_mode = #tpu.pipeline_mode<synchronous>, transform_indices = @transform_7, window_bounds = array<i64: 1, 128>}, {transform_indices = @transform_8, window_bounds = array<i64: 128, 128>}, {transform_indices = @transform_9, window_bounds = array<i64: 128, 128>}]} {
    %get3A = arith.constant 0 : index
    %get3A_0 = arith.constant 0 : index
    %get3A_1 = vector.load %arg2[%get3A, %get3A_0] : memref<128x1xf32, #tpu.memory_space<vmem>>, vector<128x1xf32>
    %max3A = arith.constant 0.000000e+00 : f32
    %max3A_2 = vector.broadcast %max3A : f32 to vector<128x1xf32>
    %max3A_3 = arith.maximumf %get3A_1, %max3A_2 : vector<128x1xf32>
    %log1p3A = math.log1p %max3A_3 : vector<128x1xf32>
    %get3A_4 = arith.constant 0 : index
    %get3A_5 = arith.constant 0 : index
    %get3A_6 = vector.load %arg3[%get3A_4, %get3A_5] : memref<2x128xf32, #tpu.memory_space<vmem>>, vector<1x128xf32>
    %mul3A = vector.broadcast %get3A_1 : vector<128x1xf32> to vector<128x128xf32>
    %mul3A_7 = vector.broadcast %get3A_6 : vector<1x128xf32> to vector<128x128xf32>
    %mul3A_8 = arith.mulf %mul3A, %mul3A_7 : vector<128x128xf32>
    %get3A_9 = arith.constant 1 : index
    %get3A_10 = arith.constant 0 : index
    %get3A_11 = vector.load %arg3[%get3A_9, %get3A_10] : memref<2x128xf32, #tpu.memory_space<vmem>>, vector<1x128xf32>
    %mul3A_12 = vector.broadcast %log1p3A : vector<128x1xf32> to vector<128x128xf32>
    %mul3A_13 = vector.broadcast %get3A_11 : vector<1x128xf32> to vector<128x128xf32>
    %mul3A_14 = arith.mulf %mul3A_12, %mul3A_13 : vector<128x128xf32>
    %add3A = arith.addf %mul3A_8, %mul3A_14 : vector<128x128xf32>
    %get3A_15 = arith.constant 0 : index
    %get3A_16 = arith.constant 0 : index
    %get3A_17 = vector.load %arg4[%get3A_15, %get3A_16] : memref<1x128xf32, #tpu.memory_space<vmem>>, vector<1x128xf32>
    %add3A_18 = vector.broadcast %get3A_17 : vector<1x128xf32> to vector<128x128xf32>
    %add3A_19 = arith.addf %add3A, %add3A_18 : vector<128x128xf32>
    %get3A_20 = arith.constant 0 : index
    %get3A_21 = arith.constant 0 : index
    %get3A_22 = vector.load %arg1[%get3A_20, %get3A_21] : memref<128x128xf32, #tpu.memory_space<vmem>>, vector<128x128xf32>
    %max3A_23 = arith.constant 0.000000e+00 : f32
    %max3A_24 = vector.broadcast %max3A_23 : f32 to vector<128x128xf32>
    %max3A_25 = arith.maximumf %add3A_19, %max3A_24 : vector<128x128xf32>
    %add3A_26 = arith.addf %get3A_22, %max3A_25 : vector<128x128xf32>
    %swap3A = arith.constant 0 : index
    %swap3A_27 = arith.constant 0 : index
    %swap3A_28 = vector.load %arg9[%swap3A, %swap3A_27] : memref<128x128xf32, #tpu.memory_space<vmem>>, vector<128x128xf32>
    tpu.vector_store %arg9[%swap3A, %swap3A_27], %add3A_26 {strides = array<i32>} : memref<128x128xf32, #tpu.memory_space<vmem>>, vector<128x128xf32>,
    %get3A_29 = arith.constant 0 : index
    %get3A_30 = arith.constant 0 : index
    %get3A_31 = vector.load %arg5[%get3A_29, %get3A_30] : memref<128x128xf32, #tpu.memory_space<vmem>>, vector<128x128xf32>
    %get3A_32 = arith.constant 0 : index
    %get3A_33 = arith.constant 0 : index
    %get3A_34 = vector.load %arg6[%get3A_32, %get3A_33] : memref<1x128xf32, #tpu.memory_space<vmem>>, vector<1x128xf32>
    %get3A_35 = arith.constant 0 : index
    %get3A_36 = arith.constant 0 : index
    %get3A_37 = vector.load %arg7[%get3A_35, %get3A_36] : memref<128x128xf32, #tpu.memory_space<vmem>>, vector<128x128xf32>
    %get3A_38 = arith.constant 0 : index
    %get3A_39 = arith.constant 0 : index
    %get3A_40 = vector.load %arg8[%get3A_38, %get3A_39] : memref<1x128xf32, #tpu.memory_space<vmem>>, vector<1x128xf32>
    %dot_general3A = arith.constant dense<0.000000e+00> : vector<128x128xf32>
    %dot_general3A_41 = tpu.matmul %add3A_26, %get3A_31, %dot_general3A {dimension_numbers = #tpu.dot_dimension_numbers<[1], [0], [0], [1], [0, 0, 1, 1], [], []>, precision = #tpu.contract_precision<fp32>, transpose_lhs_hint = false} : vector<128x128xf32>, vector<128x128xf32>, vector<128x128xf32> -> vector<128x128xf32>
    %add3A_42 = vector.broadcast %get3A_34 : vector<1x128xf32> to vector<128x128xf32>
    %add3A_43 = arith.addf %dot_general3A_41, %add3A_42 : vector<128x128xf32>
    %max3A_44 = arith.constant 0.000000e+00 : f32
    %max3A_45 = vector.broadcast %max3A_44 : f32 to vector<128x128xf32>
    %max3A_46 = arith.maximumf %add3A_43, %max3A_45 : vector<128x128xf32>
    %dot_general3A_47 = arith.constant dense<0.000000e+00> : vector<128x128xf32>
    %dot_general3A_48 = tpu.matmul %max3A_46, %get3A_37, %dot_general3A_47 {dimension_numbers = #tpu.dot_dimension_numbers<[1], [0], [0], [1], [0, 0, 1, 1], [], []>, precision = #tpu.contract_precision<fp32>, transpose_lhs_hint = false} : vector<128x128xf32>, vector<128x128xf32>, vector<128x128xf32> -> vector<128x128xf32>
    %add3A_49 = vector.broadcast %get3A_40 : vector<1x128xf32> to vector<128x128xf32>
    %add3A_50 = arith.addf %dot_general3A_48, %add3A_49 : vector<128x128xf32>
    %swap3A_51 = arith.constant 0 : index
    %swap3A_52 = arith.constant 0 : index
    %swap3A_53 = vector.load %arg10[%swap3A_51, %swap3A_52] : memref<128x128xf32, #tpu.memory_space<vmem>>, vector<128x128xf32>
    tpu.vector_store %arg10[%swap3A_51, %swap3A_52], %add3A_50 {strides = array<i32>} : memref<128x128xf32, #tpu.memory_space<vmem>>, vector<128x128xf32>,
    return
  }
  func.func @transform_0(%arg0: i32) -> (i32, i32) {
    %c0_i32 = arith.constant 0 : i32
    %c0_i32_0 = arith.constant 0 : i32
    return %arg0, %c0_i32 : i32, i32
  }
  func.func @transform_1(%arg0: i32) -> (i32, i32) {
    %c0_i32 = arith.constant 0 : i32
    %c0_i32_0 = arith.constant 0 : i32
    return %arg0, %c0_i32 : i32, i32
  }
  func.func @transform_2(%arg0: i32) -> (i32, i32) {
    %c0_i32 = arith.constant 0 : i32
    %c0_i32_0 = arith.constant 0 : i32
    %c0_i32_1 = arith.constant 0 : i32
    return %c0_i32, %c0_i32_0 : i32, i32
  }
  func.func @transform_3(%arg0: i32) -> (i32, i32) {
    %c0_i32 = arith.constant 0 : i32
    %c0_i32_0 = arith.constant 0 : i32
    %c0_i32_1 = arith.constant 0 : i32
    return %c0_i32, %c0_i32_0 : i32, i32
  }
  func.func @transform_4(%arg0: i32) -> (i32, i32) {
    %c0_i32 = arith.constant 0 : i32
    %c0_i32_0 = arith.constant 0 : i32
    %c0_i32_1 = arith.constant 0 : i32
    return %c0_i32, %c0_i32_0 : i32, i32
  }
  func.func @transform_5(%arg0: i32) -> (i32, i32) {
    %c0_i32 = arith.constant 0 : i32
    %c0_i32_0 = arith.constant 0 : i32
    %c0_i32_1 = arith.constant 0 : i32
    return %c0_i32, %c0_i32_0 : i32, i32
  }
  func.func @transform_6(%arg0: i32) -> (i32, i32) {
    %c0_i32 = arith.constant 0 : i32
    %c0_i32_0 = arith.constant 0 : i32
    %c0_i32_1 = arith.constant 0 : i32
    return %c0_i32, %c0_i32_0 : i32, i32
  }
  func.func @transform_7(%arg0: i32) -> (i32, i32) {
    %c0_i32 = arith.constant 0 : i32
    %c0_i32_0 = arith.constant 0 : i32
    %c0_i32_1 = arith.constant 0 : i32
    return %c0_i32, %c0_i32_0 : i32, i32
  }
  func.func @transform_8(%arg0: i32) -> (i32, i32) {
    %c0_i32 = arith.constant 0 : i32
    %c0_i32_0 = arith.constant 0 : i32
    return %arg0, %c0_i32 : i32, i32
  }
  func.func @transform_9(%arg0: i32) -> (i32, i32) {
    %c0_i32 = arith.constant 0 : i32
    %c0_i32_0 = arith.constant 0 : i32
    return %arg0, %c0_i32 : i32, i32
  }
}

module attributes {stable_mosaic.version = 14 : i64} {
  func.func @body(%arg0: i32, %arg1: memref<2x128x128xf32, #tpu.memory_space<vmem>>, %arg2: memref<2x128x128xf32, #tpu.memory_space<vmem>>, %arg3: memref<128x128xf32, #tpu.memory_space<vmem>>, %arg4: memref<128x384xf32, #tpu.memory_space<vmem>>, %arg5: memref<1x384xf32, #tpu.memory_space<vmem>>, %arg6: memref<128x384xf32, #tpu.memory_space<vmem>>, %arg7: memref<1x384xf32, #tpu.memory_space<vmem>>, %arg8: memref<1x128xf32, #tpu.memory_space<vmem>>, %arg9: memref<1x128xf32, #tpu.memory_space<vmem>>, %arg10: memref<128x128xf32, #tpu.memory_space<vmem>>, %arg11: memref<1x128xf32, #tpu.memory_space<vmem>>, %arg12: memref<128x128xf32, #tpu.memory_space<vmem>>, %arg13: memref<1x128xf32, #tpu.memory_space<vmem>>, %arg14: memref<128x128xf32, #tpu.memory_space<vmem>>, %arg15: memref<128x128xf32, #tpu.memory_space<vmem>>) attributes {dimension_semantics = [#tpu.dimension_semantics<arbitrary>], iteration_bounds = array<i64: 80>, scalar_prefetch = 0 : i64, scratch_operands = 0 : i64, tpu.core_type = #tpu.core_type<tc>, window_params = [{transform_indices = @transform_0, window_bounds = array<i64: 2, 128, 128>}, {transform_indices = @transform_1, window_bounds = array<i64: 2, 128, 128>}, {transform_indices = @transform_2, window_bounds = array<i64: 128, 128>}, {pipeline_mode = #tpu.pipeline_mode<synchronous>, transform_indices = @transform_3, window_bounds = array<i64: 128, 384>}, {pipeline_mode = #tpu.pipeline_mode<synchronous>, transform_indices = @transform_4, window_bounds = array<i64: 1, 384>}, {pipeline_mode = #tpu.pipeline_mode<synchronous>, transform_indices = @transform_5, window_bounds = array<i64: 128, 384>}, {pipeline_mode = #tpu.pipeline_mode<synchronous>, transform_indices = @transform_6, window_bounds = array<i64: 1, 384>}, {pipeline_mode = #tpu.pipeline_mode<synchronous>, transform_indices = @transform_7, window_bounds = array<i64: 1, 128>}, {pipeline_mode = #tpu.pipeline_mode<synchronous>, transform_indices = @transform_8, window_bounds = array<i64: 1, 128>}, {pipeline_mode = #tpu.pipeline_mode<synchronous>, transform_indices = @transform_9, window_bounds = array<i64: 128, 128>}, {pipeline_mode = #tpu.pipeline_mode<synchronous>, transform_indices = @transform_10, window_bounds = array<i64: 1, 128>}, {pipeline_mode = #tpu.pipeline_mode<synchronous>, transform_indices = @transform_11, window_bounds = array<i64: 128, 128>}, {pipeline_mode = #tpu.pipeline_mode<synchronous>, transform_indices = @transform_12, window_bounds = array<i64: 1, 128>}, {transform_indices = @transform_13, window_bounds = array<i64: 128, 128>}, {transform_indices = @transform_14, window_bounds = array<i64: 128, 128>}]} {
    %get3A = arith.constant 0 : index
    %get3A_0 = arith.constant 0 : index
    %get3A_1 = arith.constant 0 : index
    %get3A_2 = vector.load %arg1[%get3A, %get3A_0, %get3A_1] : memref<2x128x128xf32, #tpu.memory_space<vmem>>, vector<1x128x128xf32>
    %get3A_3 = vector.shape_cast %get3A_2 : vector<1x128x128xf32> to vector<128x128xf32>
    %get3A_4 = arith.constant 1 : index
    %get3A_5 = arith.constant 0 : index
    %get3A_6 = arith.constant 0 : index
    %get3A_7 = vector.load %arg1[%get3A_4, %get3A_5, %get3A_6] : memref<2x128x128xf32, #tpu.memory_space<vmem>>, vector<1x128x128xf32>
    %get3A_8 = vector.shape_cast %get3A_7 : vector<1x128x128xf32> to vector<128x128xf32>
    %add3A = arith.addf %get3A_3, %get3A_8 : vector<128x128xf32>
    %get3A_9 = arith.constant 0 : index
    %get3A_10 = arith.constant 0 : index
    %get3A_11 = arith.constant 0 : index
    %get3A_12 = vector.load %arg2[%get3A_9, %get3A_10, %get3A_11] : memref<2x128x128xf32, #tpu.memory_space<vmem>>, vector<1x128x1xf32>
    %get3A_13 = vector.shape_cast %get3A_12 : vector<1x128x1xf32> to vector<128x1xf32>
    %get3A_14 = arith.constant 1 : index
    %get3A_15 = arith.constant 0 : index
    %get3A_16 = arith.constant 0 : index
    %get3A_17 = vector.load %arg2[%get3A_14, %get3A_15, %get3A_16] : memref<2x128x128xf32, #tpu.memory_space<vmem>>, vector<1x128x1xf32>
    %get3A_18 = vector.shape_cast %get3A_17 : vector<1x128x1xf32> to vector<128x1xf32>
    %add3A_19 = arith.addf %get3A_13, %get3A_18 : vector<128x1xf32>
    %max3A = arith.constant 1.000000e+00 : f32
    %max3A_20 = vector.broadcast %max3A : f32 to vector<128x1xf32>
    %max3A_21 = arith.maximumf %add3A_19, %max3A_20 : vector<128x1xf32>
    %div3A = vector.broadcast %max3A_21 : vector<128x1xf32> to vector<128x128xf32>
    %div3A_22 = arith.divf %add3A, %div3A : vector<128x128xf32>
    %get3A_23 = arith.constant 0 : index
    %get3A_24 = arith.constant 0 : index
    %get3A_25 = vector.load %arg3[%get3A_23, %get3A_24] : memref<128x128xf32, #tpu.memory_space<vmem>>, vector<128x128xf32>
    %get3A_26 = arith.constant 0 : index
    %get3A_27 = arith.constant 0 : index
    %get3A_28 = vector.load %arg4[%get3A_26, %get3A_27] : memref<128x384xf32, #tpu.memory_space<vmem>>, vector<128x384xf32>
    %dot_general3A = arith.constant dense<0.000000e+00> : vector<128x384xf32>
    %dot_general3A_29 = tpu.matmul %div3A_22, %get3A_28, %dot_general3A {dimension_numbers = #tpu.dot_dimension_numbers<[1], [0], [0], [1], [0, 0, 1, 1], [], []>, precision = #tpu.contract_precision<fp32>, transpose_lhs_hint = false} : vector<128x128xf32>, vector<128x384xf32>, vector<128x384xf32> -> vector<128x384xf32>
    %get3A_30 = arith.constant 0 : index
    %get3A_31 = arith.constant 0 : index
    %get3A_32 = vector.load %arg5[%get3A_30, %get3A_31] : memref<1x384xf32, #tpu.memory_space<vmem>>, vector<1x384xf32>
    %add3A_33 = vector.broadcast %get3A_32 : vector<1x384xf32> to vector<128x384xf32>
    %add3A_34 = arith.addf %dot_general3A_29, %add3A_33 : vector<128x384xf32>
    %get3A_35 = arith.constant 0 : index
    %get3A_36 = arith.constant 0 : index
    %get3A_37 = vector.load %arg6[%get3A_35, %get3A_36] : memref<128x384xf32, #tpu.memory_space<vmem>>, vector<128x384xf32>
    %dot_general3A_38 = arith.constant dense<0.000000e+00> : vector<128x384xf32>
    %dot_general3A_39 = tpu.matmul %get3A_25, %get3A_37, %dot_general3A_38 {dimension_numbers = #tpu.dot_dimension_numbers<[1], [0], [0], [1], [0, 0, 1, 1], [], []>, precision = #tpu.contract_precision<fp32>, transpose_lhs_hint = false} : vector<128x128xf32>, vector<128x384xf32>, vector<128x384xf32> -> vector<128x384xf32>
    %get3A_40 = arith.constant 0 : index
    %get3A_41 = arith.constant 0 : index
    %get3A_42 = vector.load %arg7[%get3A_40, %get3A_41] : memref<1x384xf32, #tpu.memory_space<vmem>>, vector<1x384xf32>
    %add3A_43 = vector.broadcast %get3A_42 : vector<1x384xf32> to vector<128x384xf32>
    %add3A_44 = arith.addf %dot_general3A_39, %add3A_43 : vector<128x384xf32>
    %slice3A = vector.extract_strided_slice %add3A_34 {offsets = [0, 0], sizes = [128, 128], strides = [1, 1]} : vector<128x384xf32> to vector<128x128xf32>
    %slice3A_45 = vector.extract_strided_slice %add3A_44 {offsets = [0, 0], sizes = [128, 128], strides = [1, 1]} : vector<128x384xf32> to vector<128x128xf32>
    %add3A_46 = arith.addf %slice3A, %slice3A_45 : vector<128x128xf32>
    %logistic3A = arith.negf %add3A_46 : vector<128x128xf32>
    %logistic3A_47 = math.exp %logistic3A : vector<128x128xf32>
    %logistic3A_48 = arith.constant 1.000000e+00 : f32
    %logistic3A_49 = vector.broadcast %logistic3A_48 : f32 to vector<128x128xf32>
    %logistic3A_50 = arith.addf %logistic3A_49, %logistic3A_47 : vector<128x128xf32>
    %logistic3A_51 = arith.divf %logistic3A_49, %logistic3A_50 : vector<128x128xf32>
    %slice3A_52 = vector.extract_strided_slice %add3A_34 {offsets = [0, 128], sizes = [128, 128], strides = [1, 1]} : vector<128x384xf32> to vector<128x128xf32>
    %slice3A_53 = vector.extract_strided_slice %add3A_44 {offsets = [0, 128], sizes = [128, 128], strides = [1, 1]} : vector<128x384xf32> to vector<128x128xf32>
    %add3A_54 = arith.addf %slice3A_52, %slice3A_53 : vector<128x128xf32>
    %logistic3A_55 = arith.negf %add3A_54 : vector<128x128xf32>
    %logistic3A_56 = math.exp %logistic3A_55 : vector<128x128xf32>
    %logistic3A_57 = arith.constant 1.000000e+00 : f32
    %logistic3A_58 = vector.broadcast %logistic3A_57 : f32 to vector<128x128xf32>
    %logistic3A_59 = arith.addf %logistic3A_58, %logistic3A_56 : vector<128x128xf32>
    %logistic3A_60 = arith.divf %logistic3A_58, %logistic3A_59 : vector<128x128xf32>
    %slice3A_61 = vector.extract_strided_slice %add3A_34 {offsets = [0, 256], sizes = [128, 128], strides = [1, 1]} : vector<128x384xf32> to vector<128x128xf32>
    %slice3A_62 = vector.extract_strided_slice %add3A_44 {offsets = [0, 256], sizes = [128, 128], strides = [1, 1]} : vector<128x384xf32> to vector<128x128xf32>
    %mul3A = arith.mulf %logistic3A_51, %slice3A_62 : vector<128x128xf32>
    %add3A_63 = arith.addf %slice3A_61, %mul3A : vector<128x128xf32>
    %tanh3A = math.tanh %add3A_63 : vector<128x128xf32>
    %sub3A = arith.constant 1.000000e+00 : f32
    %sub3A_64 = vector.broadcast %sub3A : f32 to vector<128x128xf32>
    %sub3A_65 = arith.subf %sub3A_64, %logistic3A_60 : vector<128x128xf32>
    %mul3A_66 = arith.mulf %sub3A_65, %tanh3A : vector<128x128xf32>
    %mul3A_67 = arith.mulf %logistic3A_60, %get3A_25 : vector<128x128xf32>
    %add3A_68 = arith.addf %mul3A_66, %mul3A_67 : vector<128x128xf32>
    %reduce_sum3A = arith.constant dense<0.000000e+00> : vector<128xf32>
    %reduce_sum3A_69 = vector.multi_reduction <add>, %add3A_68, %reduce_sum3A [1] : vector<128x128xf32> to vector<128xf32>
    %broadcast_in_dim3A = vector.shape_cast %reduce_sum3A_69 : vector<128xf32> to vector<128x1xf32>
    %div3A_70 = arith.constant 1.280000e+02 : f32
    %div3A_71 = vector.broadcast %div3A_70 : f32 to vector<128x1xf32>
    %div3A_72 = arith.divf %broadcast_in_dim3A, %div3A_71 : vector<128x1xf32>
    %sub3A_73 = vector.broadcast %div3A_72 : vector<128x1xf32> to vector<128x128xf32>
    %sub3A_74 = arith.subf %add3A_68, %sub3A_73 : vector<128x128xf32>
    %integer_pow3A = arith.mulf %sub3A_74, %sub3A_74 : vector<128x128xf32>
    %reduce_sum3A_75 = arith.constant dense<0.000000e+00> : vector<128xf32>
    %reduce_sum3A_76 = vector.multi_reduction <add>, %integer_pow3A, %reduce_sum3A_75 [1] : vector<128x128xf32> to vector<128xf32>
    %broadcast_in_dim3A_77 = vector.shape_cast %reduce_sum3A_76 : vector<128xf32> to vector<128x1xf32>
    %div3A_78 = arith.constant 1.280000e+02 : f32
    %div3A_79 = vector.broadcast %div3A_78 : f32 to vector<128x1xf32>
    %div3A_80 = arith.divf %broadcast_in_dim3A_77, %div3A_79 : vector<128x1xf32>
    %sub3A_81 = vector.broadcast %div3A_72 : vector<128x1xf32> to vector<128x128xf32>
    %sub3A_82 = arith.subf %add3A_68, %sub3A_81 : vector<128x128xf32>
    %add3A_83 = arith.constant 9.99999974E-6 : f32
    %add3A_84 = vector.broadcast %add3A_83 : f32 to vector<128x1xf32>
    %add3A_85 = arith.addf %div3A_80, %add3A_84 : vector<128x1xf32>
    %sqrt3A = math.sqrt %add3A_85 : vector<128x1xf32>
    %div3A_86 = vector.broadcast %sqrt3A : vector<128x1xf32> to vector<128x128xf32>
    %div3A_87 = arith.divf %sub3A_82, %div3A_86 : vector<128x128xf32>
    %get3A_88 = arith.constant 0 : index
    %get3A_89 = arith.constant 0 : index
    %get3A_90 = vector.load %arg8[%get3A_88, %get3A_89] : memref<1x128xf32, #tpu.memory_space<vmem>>, vector<1x128xf32>
    %mul3A_91 = vector.broadcast %get3A_90 : vector<1x128xf32> to vector<128x128xf32>
    %mul3A_92 = arith.mulf %div3A_87, %mul3A_91 : vector<128x128xf32>
    %get3A_93 = arith.constant 0 : index
    %get3A_94 = arith.constant 0 : index
    %get3A_95 = vector.load %arg9[%get3A_93, %get3A_94] : memref<1x128xf32, #tpu.memory_space<vmem>>, vector<1x128xf32>
    %add3A_96 = vector.broadcast %get3A_95 : vector<1x128xf32> to vector<128x128xf32>
    %add3A_97 = arith.addf %mul3A_92, %add3A_96 : vector<128x128xf32>
    %swap3A = arith.constant 0 : index
    %swap3A_98 = arith.constant 0 : index
    %swap3A_99 = vector.load %arg14[%swap3A, %swap3A_98] : memref<128x128xf32, #tpu.memory_space<vmem>>, vector<128x128xf32>
    tpu.vector_store %arg14[%swap3A, %swap3A_98], %add3A_97 {strides = array<i32>} : memref<128x128xf32, #tpu.memory_space<vmem>>, vector<128x128xf32>,
    %get3A_100 = arith.constant 0 : index
    %get3A_101 = arith.constant 0 : index
    %get3A_102 = vector.load %arg10[%get3A_100, %get3A_101] : memref<128x128xf32, #tpu.memory_space<vmem>>, vector<128x128xf32>
    %get3A_103 = arith.constant 0 : index
    %get3A_104 = arith.constant 0 : index
    %get3A_105 = vector.load %arg11[%get3A_103, %get3A_104] : memref<1x128xf32, #tpu.memory_space<vmem>>, vector<1x128xf32>
    %get3A_106 = arith.constant 0 : index
    %get3A_107 = arith.constant 0 : index
    %get3A_108 = vector.load %arg12[%get3A_106, %get3A_107] : memref<128x128xf32, #tpu.memory_space<vmem>>, vector<128x128xf32>
    %get3A_109 = arith.constant 0 : index
    %get3A_110 = arith.constant 0 : index
    %get3A_111 = vector.load %arg13[%get3A_109, %get3A_110] : memref<1x128xf32, #tpu.memory_space<vmem>>, vector<1x128xf32>
    %dot_general3A_112 = arith.constant dense<0.000000e+00> : vector<128x128xf32>
    %dot_general3A_113 = tpu.matmul %add3A_97, %get3A_102, %dot_general3A_112 {dimension_numbers = #tpu.dot_dimension_numbers<[1], [0], [0], [1], [0, 0, 1, 1], [], []>, precision = #tpu.contract_precision<fp32>, transpose_lhs_hint = false} : vector<128x128xf32>, vector<128x128xf32>, vector<128x128xf32> -> vector<128x128xf32>
    %add3A_114 = vector.broadcast %get3A_105 : vector<1x128xf32> to vector<128x128xf32>
    %add3A_115 = arith.addf %dot_general3A_113, %add3A_114 : vector<128x128xf32>
    %max3A_116 = arith.constant 0.000000e+00 : f32
    %max3A_117 = vector.broadcast %max3A_116 : f32 to vector<128x128xf32>
    %max3A_118 = arith.maximumf %add3A_115, %max3A_117 : vector<128x128xf32>
    %dot_general3A_119 = arith.constant dense<0.000000e+00> : vector<128x128xf32>
    %dot_general3A_120 = tpu.matmul %max3A_118, %get3A_108, %dot_general3A_119 {dimension_numbers = #tpu.dot_dimension_numbers<[1], [0], [0], [1], [0, 0, 1, 1], [], []>, precision = #tpu.contract_precision<fp32>, transpose_lhs_hint = false} : vector<128x128xf32>, vector<128x128xf32>, vector<128x128xf32> -> vector<128x128xf32>
    %add3A_121 = vector.broadcast %get3A_111 : vector<1x128xf32> to vector<128x128xf32>
    %add3A_122 = arith.addf %dot_general3A_120, %add3A_121 : vector<128x128xf32>
    %swap3A_123 = arith.constant 0 : index
    %swap3A_124 = arith.constant 0 : index
    %swap3A_125 = vector.load %arg15[%swap3A_123, %swap3A_124] : memref<128x128xf32, #tpu.memory_space<vmem>>, vector<128x128xf32>
    tpu.vector_store %arg15[%swap3A_123, %swap3A_124], %add3A_122 {strides = array<i32>} : memref<128x128xf32, #tpu.memory_space<vmem>>, vector<128x128xf32>,
    return
  }
  func.func @transform_0(%arg0: i32) -> (i32, i32, i32) {
    %c0_i32 = arith.constant 0 : i32
    %c0_i32_0 = arith.constant 0 : i32
    %c0_i32_1 = arith.constant 0 : i32
    return %c0_i32, %arg0, %c0_i32_0 : i32, i32, i32
  }
  func.func @transform_1(%arg0: i32) -> (i32, i32, i32) {
    %c0_i32 = arith.constant 0 : i32
    %c0_i32_0 = arith.constant 0 : i32
    %c0_i32_1 = arith.constant 0 : i32
    return %c0_i32, %arg0, %c0_i32_0 : i32, i32, i32
  }
  func.func @transform_2(%arg0: i32) -> (i32, i32) {
    %c0_i32 = arith.constant 0 : i32
    %c0_i32_0 = arith.constant 0 : i32
    return %arg0, %c0_i32 : i32, i32
  }
  func.func @transform_3(%arg0: i32) -> (i32, i32) {
    %c0_i32 = arith.constant 0 : i32
    %c0_i32_0 = arith.constant 0 : i32
    %c0_i32_1 = arith.constant 0 : i32
    return %c0_i32, %c0_i32_0 : i32, i32
  }
  func.func @transform_4(%arg0: i32) -> (i32, i32) {
    %c0_i32 = arith.constant 0 : i32
    %c0_i32_0 = arith.constant 0 : i32
    %c0_i32_1 = arith.constant 0 : i32
    return %c0_i32, %c0_i32_0 : i32, i32
  }
  func.func @transform_5(%arg0: i32) -> (i32, i32) {
    %c0_i32 = arith.constant 0 : i32
    %c0_i32_0 = arith.constant 0 : i32
    %c0_i32_1 = arith.constant 0 : i32
    return %c0_i32, %c0_i32_0 : i32, i32
  }
  func.func @transform_6(%arg0: i32) -> (i32, i32) {
    %c0_i32 = arith.constant 0 : i32
    %c0_i32_0 = arith.constant 0 : i32
    %c0_i32_1 = arith.constant 0 : i32
    return %c0_i32, %c0_i32_0 : i32, i32
  }
  func.func @transform_7(%arg0: i32) -> (i32, i32) {
    %c0_i32 = arith.constant 0 : i32
    %c0_i32_0 = arith.constant 0 : i32
    %c0_i32_1 = arith.constant 0 : i32
    return %c0_i32, %c0_i32_0 : i32, i32
  }
  func.func @transform_8(%arg0: i32) -> (i32, i32) {
    %c0_i32 = arith.constant 0 : i32
    %c0_i32_0 = arith.constant 0 : i32
    %c0_i32_1 = arith.constant 0 : i32
    return %c0_i32, %c0_i32_0 : i32, i32
  }
  func.func @transform_9(%arg0: i32) -> (i32, i32) {
    %c0_i32 = arith.constant 0 : i32
    %c0_i32_0 = arith.constant 0 : i32
    %c0_i32_1 = arith.constant 0 : i32
    return %c0_i32, %c0_i32_0 : i32, i32
  }
  func.func @transform_10(%arg0: i32) -> (i32, i32) {
    %c0_i32 = arith.constant 0 : i32
    %c0_i32_0 = arith.constant 0 : i32
    %c0_i32_1 = arith.constant 0 : i32
    return %c0_i32, %c0_i32_0 : i32, i32
  }
  func.func @transform_11(%arg0: i32) -> (i32, i32) {
    %c0_i32 = arith.constant 0 : i32
    %c0_i32_0 = arith.constant 0 : i32
    %c0_i32_1 = arith.constant 0 : i32
    return %c0_i32, %c0_i32_0 : i32, i32
  }
  func.func @transform_12(%arg0: i32) -> (i32, i32) {
    %c0_i32 = arith.constant 0 : i32
    %c0_i32_0 = arith.constant 0 : i32
    %c0_i32_1 = arith.constant 0 : i32
    return %c0_i32, %c0_i32_0 : i32, i32
  }
  func.func @transform_13(%arg0: i32) -> (i32, i32) {
    %c0_i32 = arith.constant 0 : i32
    %c0_i32_0 = arith.constant 0 : i32
    return %arg0, %c0_i32 : i32, i32
  }
  func.func @transform_14(%arg0: i32) -> (i32, i32) {
    %c0_i32 = arith.constant 0 : i32
    %c0_i32_0 = arith.constant 0 : i32
    return %arg0, %c0_i32 : i32, i32
  }
}

module attributes {stable_mosaic.version = 14 : i64} {
  func.func @_tc_epilogue_body(%arg0: i32, %arg1: memref<128x128xf32, #tpu.memory_space<vmem>>, %arg2: memref<128x128xf32, #tpu.memory_space<vmem>>, %arg3: memref<1x128xf32, #tpu.memory_space<vmem>>, %arg4: memref<128x128xf32, #tpu.memory_space<vmem>>, %arg5: memref<1x128xf32, #tpu.memory_space<vmem>>, %arg6: memref<128x128xf32, #tpu.memory_space<vmem>>, %arg7: memref<1x128xf32, #tpu.memory_space<vmem>>, %arg8: memref<128x128xf32, #tpu.memory_space<vmem>>, %arg9: memref<1x128xf32, #tpu.memory_space<vmem>>, %arg10: memref<128x128xf32, #tpu.memory_space<vmem>>, %arg11: memref<128x128xf32, #tpu.memory_space<vmem>>, %arg12: memref<1x128xf32, #tpu.memory_space<vmem>>, %arg13: memref<1x128xf32, #tpu.memory_space<vmem>>) attributes {dimension_semantics = [#tpu.dimension_semantics<arbitrary>], iteration_bounds = array<i64: 80>, scalar_prefetch = 0 : i64, scratch_operands = 0 : i64, tpu.core_type = #tpu.core_type<tc>, window_params = [{transform_indices = @transform_0, window_bounds = array<i64: 128, 128>}, {pipeline_mode = #tpu.pipeline_mode<synchronous>, transform_indices = @transform_1, window_bounds = array<i64: 128, 128>}, {pipeline_mode = #tpu.pipeline_mode<synchronous>, transform_indices = @transform_2, window_bounds = array<i64: 1, 128>}, {pipeline_mode = #tpu.pipeline_mode<synchronous>, transform_indices = @transform_3, window_bounds = array<i64: 128, 128>}, {pipeline_mode = #tpu.pipeline_mode<synchronous>, transform_indices = @transform_4, window_bounds = array<i64: 1, 128>}, {pipeline_mode = #tpu.pipeline_mode<synchronous>, transform_indices = @transform_5, window_bounds = array<i64: 128, 128>}, {pipeline_mode = #tpu.pipeline_mode<synchronous>, transform_indices = @transform_6, window_bounds = array<i64: 1, 128>}, {pipeline_mode = #tpu.pipeline_mode<synchronous>, transform_indices = @transform_7, window_bounds = array<i64: 128, 128>}, {pipeline_mode = #tpu.pipeline_mode<synchronous>, transform_indices = @transform_8, window_bounds = array<i64: 1, 128>}, {transform_indices = @transform_9, window_bounds = array<i64: 128, 128>}, {transform_indices = @transform_10, window_bounds = array<i64: 128, 128>}, {pipeline_mode = #tpu.pipeline_mode<synchronous>, transform_indices = @transform_11, window_bounds = array<i64: 1, 128>}, {pipeline_mode = #tpu.pipeline_mode<synchronous>, transform_indices = @transform_12, window_bounds = array<i64: 1, 128>}]} {
    %get3A = arith.constant 0 : index
    %get3A_0 = arith.constant 0 : index
    %get3A_1 = vector.load %arg1[%get3A, %get3A_0] : memref<128x128xf32, #tpu.memory_space<vmem>>, vector<128x128xf32>
    %get3A_2 = arith.constant 0 : index
    %get3A_3 = arith.constant 0 : index
    %get3A_4 = vector.load %arg2[%get3A_2, %get3A_3] : memref<128x128xf32, #tpu.memory_space<vmem>>, vector<128x128xf32>
    %get3A_5 = arith.constant 0 : index
    %get3A_6 = arith.constant 0 : index
    %get3A_7 = vector.load %arg3[%get3A_5, %get3A_6] : memref<1x128xf32, #tpu.memory_space<vmem>>, vector<1x128xf32>
    %get3A_8 = arith.constant 0 : index
    %get3A_9 = arith.constant 0 : index
    %get3A_10 = vector.load %arg4[%get3A_8, %get3A_9] : memref<128x128xf32, #tpu.memory_space<vmem>>, vector<128x128xf32>
    %get3A_11 = arith.constant 0 : index
    %get3A_12 = arith.constant 0 : index
    %get3A_13 = vector.load %arg5[%get3A_11, %get3A_12] : memref<1x128xf32, #tpu.memory_space<vmem>>, vector<1x128xf32>
    %dot_general3A = arith.constant dense<0.000000e+00> : vector<128x128xf32>
    %dot_general3A_14 = tpu.matmul %get3A_1, %get3A_4, %dot_general3A {dimension_numbers = #tpu.dot_dimension_numbers<[1], [0], [0], [1], [0, 0, 1, 1], [], []>, precision = #tpu.contract_precision<fp32>, transpose_lhs_hint = false} : vector<128x128xf32>, vector<128x128xf32>, vector<128x128xf32> -> vector<128x128xf32>
    %add3A = vector.broadcast %get3A_7 : vector<1x128xf32> to vector<128x128xf32>
    %add3A_15 = arith.addf %dot_general3A_14, %add3A : vector<128x128xf32>
    %max3A = arith.constant 0.000000e+00 : f32
    %max3A_16 = vector.broadcast %max3A : f32 to vector<128x128xf32>
    %max3A_17 = arith.maximumf %add3A_15, %max3A_16 : vector<128x128xf32>
    %dot_general3A_18 = arith.constant dense<0.000000e+00> : vector<128x128xf32>
    %dot_general3A_19 = tpu.matmul %max3A_17, %get3A_10, %dot_general3A_18 {dimension_numbers = #tpu.dot_dimension_numbers<[1], [0], [0], [1], [0, 0, 1, 1], [], []>, precision = #tpu.contract_precision<fp32>, transpose_lhs_hint = false} : vector<128x128xf32>, vector<128x128xf32>, vector<128x128xf32> -> vector<128x128xf32>
    %add3A_20 = vector.broadcast %get3A_13 : vector<1x128xf32> to vector<128x128xf32>
    %add3A_21 = arith.addf %dot_general3A_19, %add3A_20 : vector<128x128xf32>
    %get3A_22 = arith.constant 0 : index
    %get3A_23 = arith.constant 0 : index
    %get3A_24 = vector.load %arg6[%get3A_22, %get3A_23] : memref<128x128xf32, #tpu.memory_space<vmem>>, vector<128x128xf32>
    %get3A_25 = arith.constant 0 : index
    %get3A_26 = arith.constant 0 : index
    %get3A_27 = vector.load %arg7[%get3A_25, %get3A_26] : memref<1x128xf32, #tpu.memory_space<vmem>>, vector<1x128xf32>
    %get3A_28 = arith.constant 0 : index
    %get3A_29 = arith.constant 0 : index
    %get3A_30 = vector.load %arg8[%get3A_28, %get3A_29] : memref<128x128xf32, #tpu.memory_space<vmem>>, vector<128x128xf32>
    %get3A_31 = arith.constant 0 : index
    %get3A_32 = arith.constant 0 : index
    %get3A_33 = vector.load %arg9[%get3A_31, %get3A_32] : memref<1x128xf32, #tpu.memory_space<vmem>>, vector<1x128xf32>
    %dot_general3A_34 = arith.constant dense<0.000000e+00> : vector<128x128xf32>
    %dot_general3A_35 = tpu.matmul %get3A_1, %get3A_24, %dot_general3A_34 {dimension_numbers = #tpu.dot_dimension_numbers<[1], [0], [0], [1], [0, 0, 1, 1], [], []>, precision = #tpu.contract_precision<fp32>, transpose_lhs_hint = false} : vector<128x128xf32>, vector<128x128xf32>, vector<128x128xf32> -> vector<128x128xf32>
    %add3A_36 = vector.broadcast %get3A_27 : vector<1x128xf32> to vector<128x128xf32>
    %add3A_37 = arith.addf %dot_general3A_35, %add3A_36 : vector<128x128xf32>
    %max3A_38 = arith.constant 0.000000e+00 : f32
    %max3A_39 = vector.broadcast %max3A_38 : f32 to vector<128x128xf32>
    %max3A_40 = arith.maximumf %add3A_37, %max3A_39 : vector<128x128xf32>
    %dot_general3A_41 = arith.constant dense<0.000000e+00> : vector<128x128xf32>
    %dot_general3A_42 = tpu.matmul %max3A_40, %get3A_30, %dot_general3A_41 {dimension_numbers = #tpu.dot_dimension_numbers<[1], [0], [0], [1], [0, 0, 1, 1], [], []>, precision = #tpu.contract_precision<fp32>, transpose_lhs_hint = false} : vector<128x128xf32>, vector<128x128xf32>, vector<128x128xf32> -> vector<128x128xf32>
    %add3A_43 = vector.broadcast %get3A_33 : vector<1x128xf32> to vector<128x128xf32>
    %add3A_44 = arith.addf %dot_general3A_42, %add3A_43 : vector<128x128xf32>
    %swap3A = arith.constant 0 : index
    %swap3A_45 = arith.constant 0 : index
    %swap3A_46 = vector.load %arg10[%swap3A, %swap3A_45] : memref<128x128xf32, #tpu.memory_space<vmem>>, vector<128x128xf32>
    tpu.vector_store %arg10[%swap3A, %swap3A_45], %add3A_21 {strides = array<i32>} : memref<128x128xf32, #tpu.memory_space<vmem>>, vector<128x128xf32>,
    %swap3A_47 = arith.constant 0 : index
    %swap3A_48 = arith.constant 0 : index
    %swap3A_49 = vector.load %arg11[%swap3A_47, %swap3A_48] : memref<128x128xf32, #tpu.memory_space<vmem>>, vector<128x128xf32>
    tpu.vector_store %arg11[%swap3A_47, %swap3A_48], %add3A_44 {strides = array<i32>} : memref<128x128xf32, #tpu.memory_space<vmem>>, vector<128x128xf32>,
    %mul3A = arith.constant 128 : i32
    %mul3A_50 = arith.muli %arg0, %mul3A : i32
    %iota3A = tpu.iota {dimensions = array<i32: 0>} : vector<128x1xi32>
    %add3A_51 = vector.broadcast %mul3A_50 : i32 to vector<128x1xi32>
    %add3A_52 = arith.addi %add3A_51, %iota3A : vector<128x1xi32>
    %lt3A = arith.constant 10000 : i32
    %lt3A_53 = vector.broadcast %lt3A : i32 to vector<128x1xi32>
    %lt3A_54 = arith.cmpi slt, %add3A_52, %lt3A_53 : vector<128x1xi32>
    %eq3A = arith.constant 0 : i32
    %eq3A_55 = arith.cmpi eq, %arg0, %eq3A : i32
    %convert_element_type3A = arith.extui %eq3A_55 : i1 to i32
    %cond3A = arith.constant 0 : i32
    %cond3A_56 = arith.cmpi ne, %convert_element_type3A, %cond3A : i32
    scf.if %cond3A_56 {
      %broadcast_in_dim3A_85 = arith.constant 0.000000e+00 : f32
      %broadcast_in_dim3A_86 = vector.broadcast %broadcast_in_dim3A_85 : f32 to vector<1x128xf32>
      %swap3A_87 = arith.constant 0 : index
      %swap3A_88 = arith.constant 0 : index
      %swap3A_89 = vector.load %arg12[%swap3A_87, %swap3A_88] : memref<1x128xf32, #tpu.memory_space<vmem>>, vector<1x128xf32>
      tpu.vector_store %arg12[%swap3A_87, %swap3A_88], %broadcast_in_dim3A_86 {strides = array<i32>} : memref<1x128xf32, #tpu.memory_space<vmem>>, vector<1x128xf32>,
      %broadcast_in_dim3A_90 = arith.constant 0.000000e+00 : f32
      %broadcast_in_dim3A_91 = vector.broadcast %broadcast_in_dim3A_90 : f32 to vector<1x128xf32>
      %swap3A_92 = arith.constant 0 : index
      %swap3A_93 = arith.constant 0 : index
      %swap3A_94 = vector.load %arg13[%swap3A_92, %swap3A_93] : memref<1x128xf32, #tpu.memory_space<vmem>>, vector<1x128xf32>
      tpu.vector_store %arg13[%swap3A_92, %swap3A_93], %broadcast_in_dim3A_91 {strides = array<i32>} : memref<1x128xf32, #tpu.memory_space<vmem>>, vector<1x128xf32>,
    } else {
    }
    %get3A_57 = arith.constant 0 : index
    %get3A_58 = arith.constant 0 : index
    %get3A_59 = vector.load %arg12[%get3A_57, %get3A_58] : memref<1x128xf32, #tpu.memory_space<vmem>>, vector<1x128xf32>
    %jit3A = arith.constant 0.000000e+00 : f64
    %convert_element_type3A_60 = arith.truncf %jit3A : f64 to f32
    %broadcast_in_dim3A = vector.shape_cast %lt3A_54 : vector<128x1xi1> to vector<128x1xi1>
    %broadcast_in_dim3A_61 = vector.broadcast %broadcast_in_dim3A : vector<128x1xi1> to vector<128x128xi1>
    %broadcast_in_dim3A_62 = vector.broadcast %convert_element_type3A_60 : f32 to vector<128x128xf32>
    %select_n3A = arith.select %broadcast_in_dim3A_61, %add3A_21, %broadcast_in_dim3A_62 : vector<128x128xi1>, vector<128x128xf32>
    %reduce_sum3A = arith.constant dense<0.000000e+00> : vector<128xf32>
    %reduce_sum3A_63 = vector.multi_reduction <add>, %select_n3A, %reduce_sum3A [0] : vector<128x128xf32> to vector<128xf32>
    %broadcast_in_dim3A_64 = vector.shape_cast %reduce_sum3A_63 : vector<128xf32> to vector<1x128xf32>
    %add3A_65 = arith.addf %get3A_59, %broadcast_in_dim3A_64 : vector<1x128xf32>
    %swap3A_66 = arith.constant 0 : index
    %swap3A_67 = arith.constant 0 : index
    %swap3A_68 = vector.load %arg12[%swap3A_66, %swap3A_67] : memref<1x128xf32, #tpu.memory_space<vmem>>, vector<1x128xf32>
    tpu.vector_store %arg12[%swap3A_66, %swap3A_67], %add3A_65 {strides = array<i32>} : memref<1x128xf32, #tpu.memory_space<vmem>>, vector<1x128xf32>,
    %get3A_69 = arith.constant 0 : index
    %get3A_70 = arith.constant 0 : index
    %get3A_71 = vector.load %arg13[%get3A_69, %get3A_70] : memref<1x128xf32, #tpu.memory_space<vmem>>, vector<1x128xf32>
    %jit3A_72 = arith.constant 0.000000e+00 : f64
    %convert_element_type3A_73 = arith.truncf %jit3A_72 : f64 to f32
    %broadcast_in_dim3A_74 = vector.shape_cast %lt3A_54 : vector<128x1xi1> to vector<128x1xi1>
    %broadcast_in_dim3A_75 = vector.broadcast %broadcast_in_dim3A_74 : vector<128x1xi1> to vector<128x128xi1>
    %broadcast_in_dim3A_76 = vector.broadcast %convert_element_type3A_73 : f32 to vector<128x128xf32>
    %select_n3A_77 = arith.select %broadcast_in_dim3A_75, %add3A_44, %broadcast_in_dim3A_76 : vector<128x128xi1>, vector<128x128xf32>
    %reduce_sum3A_78 = arith.constant dense<0.000000e+00> : vector<128xf32>
    %reduce_sum3A_79 = vector.multi_reduction <add>, %select_n3A_77, %reduce_sum3A_78 [0] : vector<128x128xf32> to vector<128xf32>
    %broadcast_in_dim3A_80 = vector.shape_cast %reduce_sum3A_79 : vector<128xf32> to vector<1x128xf32>
    %add3A_81 = arith.addf %get3A_71, %broadcast_in_dim3A_80 : vector<1x128xf32>
    %swap3A_82 = arith.constant 0 : index
    %swap3A_83 = arith.constant 0 : index
    %swap3A_84 = vector.load %arg13[%swap3A_82, %swap3A_83] : memref<1x128xf32, #tpu.memory_space<vmem>>, vector<1x128xf32>
    tpu.vector_store %arg13[%swap3A_82, %swap3A_83], %add3A_81 {strides = array<i32>} : memref<1x128xf32, #tpu.memory_space<vmem>>, vector<1x128xf32>,
    return
  }
  func.func @transform_0(%arg0: i32) -> (i32, i32) {
    %c0_i32 = arith.constant 0 : i32
    %c0_i32_0 = arith.constant 0 : i32
    return %arg0, %c0_i32 : i32, i32
  }
  func.func @transform_1(%arg0: i32) -> (i32, i32) {
    %c0_i32 = arith.constant 0 : i32
    %c0_i32_0 = arith.constant 0 : i32
    %c0_i32_1 = arith.constant 0 : i32
    return %c0_i32, %c0_i32_0 : i32, i32
  }
  func.func @transform_2(%arg0: i32) -> (i32, i32) {
    %c0_i32 = arith.constant 0 : i32
    %c0_i32_0 = arith.constant 0 : i32
    %c0_i32_1 = arith.constant 0 : i32
    return %c0_i32, %c0_i32_0 : i32, i32
  }
  func.func @transform_3(%arg0: i32) -> (i32, i32) {
    %c0_i32 = arith.constant 0 : i32
    %c0_i32_0 = arith.constant 0 : i32
    %c0_i32_1 = arith.constant 0 : i32
    return %c0_i32, %c0_i32_0 : i32, i32
  }
  func.func @transform_4(%arg0: i32) -> (i32, i32) {
    %c0_i32 = arith.constant 0 : i32
    %c0_i32_0 = arith.constant 0 : i32
    %c0_i32_1 = arith.constant 0 : i32
    return %c0_i32, %c0_i32_0 : i32, i32
  }
  func.func @transform_5(%arg0: i32) -> (i32, i32) {
    %c0_i32 = arith.constant 0 : i32
    %c0_i32_0 = arith.constant 0 : i32
    %c0_i32_1 = arith.constant 0 : i32
    return %c0_i32, %c0_i32_0 : i32, i32
  }
  func.func @transform_6(%arg0: i32) -> (i32, i32) {
    %c0_i32 = arith.constant 0 : i32
    %c0_i32_0 = arith.constant 0 : i32
    %c0_i32_1 = arith.constant 0 : i32
    return %c0_i32, %c0_i32_0 : i32, i32
  }
  func.func @transform_7(%arg0: i32) -> (i32, i32) {
    %c0_i32 = arith.constant 0 : i32
    %c0_i32_0 = arith.constant 0 : i32
    %c0_i32_1 = arith.constant 0 : i32
    return %c0_i32, %c0_i32_0 : i32, i32
  }
  func.func @transform_8(%arg0: i32) -> (i32, i32) {
    %c0_i32 = arith.constant 0 : i32
    %c0_i32_0 = arith.constant 0 : i32
    %c0_i32_1 = arith.constant 0 : i32
    return %c0_i32, %c0_i32_0 : i32, i32
  }
  func.func @transform_9(%arg0: i32) -> (i32, i32) {
    %c0_i32 = arith.constant 0 : i32
    %c0_i32_0 = arith.constant 0 : i32
    return %arg0, %c0_i32 : i32, i32
  }
  func.func @transform_10(%arg0: i32) -> (i32, i32) {
    %c0_i32 = arith.constant 0 : i32
    %c0_i32_0 = arith.constant 0 : i32
    return %arg0, %c0_i32 : i32, i32
  }
  func.func @transform_11(%arg0: i32) -> (i32, i32) {
    %c0_i32 = arith.constant 0 : i32
    %c0_i32_0 = arith.constant 0 : i32
    %c0_i32_1 = arith.constant 0 : i32
    return %c0_i32, %c0_i32_0 : i32, i32
  }
  func.func @transform_12(%arg0: i32) -> (i32, i32) {
    %c0_i32 = arith.constant 0 : i32
    %c0_i32_0 = arith.constant 0 : i32
    %c0_i32_1 = arith.constant 0 : i32
    return %c0_i32, %c0_i32_0 : i32, i32
  }
}

module attributes {stable_mosaic.version = 14 : i64} {
  func.func @_tc_pool_body(%arg0: memref<1x128xf32, #tpu.memory_space<vmem>>, %arg1: memref<1x128xf32, #tpu.memory_space<vmem>>, %arg2: memref<128x128xf32, #tpu.memory_space<vmem>>, %arg3: memref<1x128xf32, #tpu.memory_space<vmem>>, %arg4: memref<128x128xf32, #tpu.memory_space<vmem>>, %arg5: memref<1x128xf32, #tpu.memory_space<vmem>>, %arg6: memref<128x128xf32, #tpu.memory_space<vmem>>, %arg7: memref<1x128xf32, #tpu.memory_space<vmem>>, %arg8: memref<128x128xf32, #tpu.memory_space<vmem>>, %arg9: memref<1x128xf32, #tpu.memory_space<vmem>>, %arg10: memref<1x128xf32, #tpu.memory_space<vmem>>, %arg11: memref<1x128xf32, #tpu.memory_space<vmem>>) attributes {dimension_semantics = [], scalar_prefetch = 0 : i64, scratch_operands = 0 : i64, tpu.core_type = #tpu.core_type<tc>} {
    %get3A = arith.constant 0 : index
    %get3A_0 = arith.constant 0 : index
    %get3A_1 = vector.load %arg0[%get3A, %get3A_0] : memref<1x128xf32, #tpu.memory_space<vmem>>, vector<1x128xf32>
    %mul3A = arith.constant 9.99999974E-5 : f32
    %mul3A_2 = vector.broadcast %mul3A : f32 to vector<1x128xf32>
    %mul3A_3 = arith.mulf %get3A_1, %mul3A_2 : vector<1x128xf32>
    %get3A_4 = arith.constant 0 : index
    %get3A_5 = arith.constant 0 : index
    %get3A_6 = vector.load %arg2[%get3A_4, %get3A_5] : memref<128x128xf32, #tpu.memory_space<vmem>>, vector<128x128xf32>
    %get3A_7 = arith.constant 0 : index
    %get3A_8 = arith.constant 0 : index
    %get3A_9 = vector.load %arg3[%get3A_7, %get3A_8] : memref<1x128xf32, #tpu.memory_space<vmem>>, vector<1x128xf32>
    %get3A_10 = arith.constant 0 : index
    %get3A_11 = arith.constant 0 : index
    %get3A_12 = vector.load %arg4[%get3A_10, %get3A_11] : memref<128x128xf32, #tpu.memory_space<vmem>>, vector<128x128xf32>
    %get3A_13 = arith.constant 0 : index
    %get3A_14 = arith.constant 0 : index
    %get3A_15 = vector.load %arg5[%get3A_13, %get3A_14] : memref<1x128xf32, #tpu.memory_space<vmem>>, vector<1x128xf32>
    %dot_general3A = arith.constant dense<0.000000e+00> : vector<1x128xf32>
    %dot_general3A_16 = tpu.matmul %mul3A_3, %get3A_6, %dot_general3A {dimension_numbers = #tpu.dot_dimension_numbers<[1], [0], [0], [1], [0, 0, 1, 1], [], []>, precision = #tpu.contract_precision<fp32>, transpose_lhs_hint = false} : vector<1x128xf32>, vector<128x128xf32>, vector<1x128xf32> -> vector<1x128xf32>
    %add3A = arith.addf %dot_general3A_16, %get3A_9 : vector<1x128xf32>
    %max3A = arith.constant 0.000000e+00 : f32
    %max3A_17 = vector.broadcast %max3A : f32 to vector<1x128xf32>
    %max3A_18 = arith.maximumf %add3A, %max3A_17 : vector<1x128xf32>
    %dot_general3A_19 = arith.constant dense<0.000000e+00> : vector<1x128xf32>
    %dot_general3A_20 = tpu.matmul %max3A_18, %get3A_12, %dot_general3A_19 {dimension_numbers = #tpu.dot_dimension_numbers<[1], [0], [0], [1], [0, 0, 1, 1], [], []>, precision = #tpu.contract_precision<fp32>, transpose_lhs_hint = false} : vector<1x128xf32>, vector<128x128xf32>, vector<1x128xf32> -> vector<1x128xf32>
    %add3A_21 = arith.addf %dot_general3A_20, %get3A_15 : vector<1x128xf32>
    %swap3A = arith.constant 0 : index
    %swap3A_22 = arith.constant 0 : index
    %swap3A_23 = vector.load %arg10[%swap3A, %swap3A_22] : memref<1x128xf32, #tpu.memory_space<vmem>>, vector<1x128xf32>
    tpu.vector_store %arg10[%swap3A, %swap3A_22], %add3A_21 {strides = array<i32>} : memref<1x128xf32, #tpu.memory_space<vmem>>, vector<1x128xf32>,
    %get3A_24 = arith.constant 0 : index
    %get3A_25 = arith.constant 0 : index
    %get3A_26 = vector.load %arg1[%get3A_24, %get3A_25] : memref<1x128xf32, #tpu.memory_space<vmem>>, vector<1x128xf32>
    %mul3A_27 = arith.constant 9.99999974E-5 : f32
    %mul3A_28 = vector.broadcast %mul3A_27 : f32 to vector<1x128xf32>
    %mul3A_29 = arith.mulf %get3A_26, %mul3A_28 : vector<1x128xf32>
    %get3A_30 = arith.constant 0 : index
    %get3A_31 = arith.constant 0 : index
    %get3A_32 = vector.load %arg6[%get3A_30, %get3A_31] : memref<128x128xf32, #tpu.memory_space<vmem>>, vector<128x128xf32>
    %get3A_33 = arith.constant 0 : index
    %get3A_34 = arith.constant 0 : index
    %get3A_35 = vector.load %arg7[%get3A_33, %get3A_34] : memref<1x128xf32, #tpu.memory_space<vmem>>, vector<1x128xf32>
    %get3A_36 = arith.constant 0 : index
    %get3A_37 = arith.constant 0 : index
    %get3A_38 = vector.load %arg8[%get3A_36, %get3A_37] : memref<128x128xf32, #tpu.memory_space<vmem>>, vector<128x128xf32>
    %get3A_39 = arith.constant 0 : index
    %get3A_40 = arith.constant 0 : index
    %get3A_41 = vector.load %arg9[%get3A_39, %get3A_40] : memref<1x128xf32, #tpu.memory_space<vmem>>, vector<1x128xf32>
    %dot_general3A_42 = arith.constant dense<0.000000e+00> : vector<1x128xf32>
    %dot_general3A_43 = tpu.matmul %mul3A_29, %get3A_32, %dot_general3A_42 {dimension_numbers = #tpu.dot_dimension_numbers<[1], [0], [0], [1], [0, 0, 1, 1], [], []>, precision = #tpu.contract_precision<fp32>, transpose_lhs_hint = false} : vector<1x128xf32>, vector<128x128xf32>, vector<1x128xf32> -> vector<1x128xf32>
    %add3A_44 = arith.addf %dot_general3A_43, %get3A_35 : vector<1x128xf32>
    %max3A_45 = arith.constant 0.000000e+00 : f32
    %max3A_46 = vector.broadcast %max3A_45 : f32 to vector<1x128xf32>
    %max3A_47 = arith.maximumf %add3A_44, %max3A_46 : vector<1x128xf32>
    %dot_general3A_48 = arith.constant dense<0.000000e+00> : vector<1x128xf32>
    %dot_general3A_49 = tpu.matmul %max3A_47, %get3A_38, %dot_general3A_48 {dimension_numbers = #tpu.dot_dimension_numbers<[1], [0], [0], [1], [0, 0, 1, 1], [], []>, precision = #tpu.contract_precision<fp32>, transpose_lhs_hint = false} : vector<1x128xf32>, vector<128x128xf32>, vector<1x128xf32> -> vector<1x128xf32>
    %add3A_50 = arith.addf %dot_general3A_49, %get3A_41 : vector<1x128xf32>
    %swap3A_51 = arith.constant 0 : index
    %swap3A_52 = arith.constant 0 : index
    %swap3A_53 = vector.load %arg11[%swap3A_51, %swap3A_52] : memref<1x128xf32, #tpu.memory_space<vmem>>, vector<1x128xf32>
    tpu.vector_store %arg11[%swap3A_51, %swap3A_52], %add3A_50 {strides = array<i32>} : memref<1x128xf32, #tpu.memory_space<vmem>>, vector<1x128xf32>,
    return
  }
}

module attributes {stable_mosaic.version = 14 : i64} {
  func.func @body(%arg0: i32, %arg1: memref<2x128x128xf32, #tpu.memory_space<vmem>>, %arg2: memref<2x128x128xf32, #tpu.memory_space<vmem>>, %arg3: memref<128x128xf32, #tpu.memory_space<vmem>>, %arg4: memref<128x384xf32, #tpu.memory_space<vmem>>, %arg5: memref<1x384xf32, #tpu.memory_space<vmem>>, %arg6: memref<128x384xf32, #tpu.memory_space<vmem>>, %arg7: memref<1x384xf32, #tpu.memory_space<vmem>>, %arg8: memref<1x128xf32, #tpu.memory_space<vmem>>, %arg9: memref<1x128xf32, #tpu.memory_space<vmem>>, %arg10: memref<128x128xf32, #tpu.memory_space<vmem>>) attributes {dimension_semantics = [#tpu.dimension_semantics<arbitrary>], iteration_bounds = array<i64: 80>, scalar_prefetch = 0 : i64, scratch_operands = 0 : i64, tpu.core_type = #tpu.core_type<tc>, window_params = [{transform_indices = @transform_0, window_bounds = array<i64: 2, 128, 128>}, {transform_indices = @transform_1, window_bounds = array<i64: 2, 128, 128>}, {transform_indices = @transform_2, window_bounds = array<i64: 128, 128>}, {pipeline_mode = #tpu.pipeline_mode<synchronous>, transform_indices = @transform_3, window_bounds = array<i64: 128, 384>}, {pipeline_mode = #tpu.pipeline_mode<synchronous>, transform_indices = @transform_4, window_bounds = array<i64: 1, 384>}, {pipeline_mode = #tpu.pipeline_mode<synchronous>, transform_indices = @transform_5, window_bounds = array<i64: 128, 384>}, {pipeline_mode = #tpu.pipeline_mode<synchronous>, transform_indices = @transform_6, window_bounds = array<i64: 1, 384>}, {pipeline_mode = #tpu.pipeline_mode<synchronous>, transform_indices = @transform_7, window_bounds = array<i64: 1, 128>}, {pipeline_mode = #tpu.pipeline_mode<synchronous>, transform_indices = @transform_8, window_bounds = array<i64: 1, 128>}, {transform_indices = @transform_9, window_bounds = array<i64: 128, 128>}]} {
    %get3A = arith.constant 0 : index
    %get3A_0 = arith.constant 0 : index
    %get3A_1 = arith.constant 0 : index
    %get3A_2 = vector.load %arg1[%get3A, %get3A_0, %get3A_1] : memref<2x128x128xf32, #tpu.memory_space<vmem>>, vector<1x128x128xf32>
    %get3A_3 = vector.shape_cast %get3A_2 : vector<1x128x128xf32> to vector<128x128xf32>
    %get3A_4 = arith.constant 1 : index
    %get3A_5 = arith.constant 0 : index
    %get3A_6 = arith.constant 0 : index
    %get3A_7 = vector.load %arg1[%get3A_4, %get3A_5, %get3A_6] : memref<2x128x128xf32, #tpu.memory_space<vmem>>, vector<1x128x128xf32>
    %get3A_8 = vector.shape_cast %get3A_7 : vector<1x128x128xf32> to vector<128x128xf32>
    %add3A = arith.addf %get3A_3, %get3A_8 : vector<128x128xf32>
    %get3A_9 = arith.constant 0 : index
    %get3A_10 = arith.constant 0 : index
    %get3A_11 = arith.constant 0 : index
    %get3A_12 = vector.load %arg2[%get3A_9, %get3A_10, %get3A_11] : memref<2x128x128xf32, #tpu.memory_space<vmem>>, vector<1x128x1xf32>
    %get3A_13 = vector.shape_cast %get3A_12 : vector<1x128x1xf32> to vector<128x1xf32>
    %get3A_14 = arith.constant 1 : index
    %get3A_15 = arith.constant 0 : index
    %get3A_16 = arith.constant 0 : index
    %get3A_17 = vector.load %arg2[%get3A_14, %get3A_15, %get3A_16] : memref<2x128x128xf32, #tpu.memory_space<vmem>>, vector<1x128x1xf32>
    %get3A_18 = vector.shape_cast %get3A_17 : vector<1x128x1xf32> to vector<128x1xf32>
    %add3A_19 = arith.addf %get3A_13, %get3A_18 : vector<128x1xf32>
    %max3A = arith.constant 1.000000e+00 : f32
    %max3A_20 = vector.broadcast %max3A : f32 to vector<128x1xf32>
    %max3A_21 = arith.maximumf %add3A_19, %max3A_20 : vector<128x1xf32>
    %div3A = vector.broadcast %max3A_21 : vector<128x1xf32> to vector<128x128xf32>
    %div3A_22 = arith.divf %add3A, %div3A : vector<128x128xf32>
    %get3A_23 = arith.constant 0 : index
    %get3A_24 = arith.constant 0 : index
    %get3A_25 = vector.load %arg3[%get3A_23, %get3A_24] : memref<128x128xf32, #tpu.memory_space<vmem>>, vector<128x128xf32>
    %get3A_26 = arith.constant 0 : index
    %get3A_27 = arith.constant 0 : index
    %get3A_28 = vector.load %arg4[%get3A_26, %get3A_27] : memref<128x384xf32, #tpu.memory_space<vmem>>, vector<128x384xf32>
    %dot_general3A = arith.constant dense<0.000000e+00> : vector<128x384xf32>
    %dot_general3A_29 = tpu.matmul %div3A_22, %get3A_28, %dot_general3A {dimension_numbers = #tpu.dot_dimension_numbers<[1], [0], [0], [1], [0, 0, 1, 1], [], []>, precision = #tpu.contract_precision<fp32>, transpose_lhs_hint = false} : vector<128x128xf32>, vector<128x384xf32>, vector<128x384xf32> -> vector<128x384xf32>
    %get3A_30 = arith.constant 0 : index
    %get3A_31 = arith.constant 0 : index
    %get3A_32 = vector.load %arg5[%get3A_30, %get3A_31] : memref<1x384xf32, #tpu.memory_space<vmem>>, vector<1x384xf32>
    %add3A_33 = vector.broadcast %get3A_32 : vector<1x384xf32> to vector<128x384xf32>
    %add3A_34 = arith.addf %dot_general3A_29, %add3A_33 : vector<128x384xf32>
    %get3A_35 = arith.constant 0 : index
    %get3A_36 = arith.constant 0 : index
    %get3A_37 = vector.load %arg6[%get3A_35, %get3A_36] : memref<128x384xf32, #tpu.memory_space<vmem>>, vector<128x384xf32>
    %dot_general3A_38 = arith.constant dense<0.000000e+00> : vector<128x384xf32>
    %dot_general3A_39 = tpu.matmul %get3A_25, %get3A_37, %dot_general3A_38 {dimension_numbers = #tpu.dot_dimension_numbers<[1], [0], [0], [1], [0, 0, 1, 1], [], []>, precision = #tpu.contract_precision<fp32>, transpose_lhs_hint = false} : vector<128x128xf32>, vector<128x384xf32>, vector<128x384xf32> -> vector<128x384xf32>
    %get3A_40 = arith.constant 0 : index
    %get3A_41 = arith.constant 0 : index
    %get3A_42 = vector.load %arg7[%get3A_40, %get3A_41] : memref<1x384xf32, #tpu.memory_space<vmem>>, vector<1x384xf32>
    %add3A_43 = vector.broadcast %get3A_42 : vector<1x384xf32> to vector<128x384xf32>
    %add3A_44 = arith.addf %dot_general3A_39, %add3A_43 : vector<128x384xf32>
    %slice3A = vector.extract_strided_slice %add3A_34 {offsets = [0, 0], sizes = [128, 128], strides = [1, 1]} : vector<128x384xf32> to vector<128x128xf32>
    %slice3A_45 = vector.extract_strided_slice %add3A_44 {offsets = [0, 0], sizes = [128, 128], strides = [1, 1]} : vector<128x384xf32> to vector<128x128xf32>
    %add3A_46 = arith.addf %slice3A, %slice3A_45 : vector<128x128xf32>
    %logistic3A = arith.negf %add3A_46 : vector<128x128xf32>
    %logistic3A_47 = math.exp %logistic3A : vector<128x128xf32>
    %logistic3A_48 = arith.constant 1.000000e+00 : f32
    %logistic3A_49 = vector.broadcast %logistic3A_48 : f32 to vector<128x128xf32>
    %logistic3A_50 = arith.addf %logistic3A_49, %logistic3A_47 : vector<128x128xf32>
    %logistic3A_51 = arith.divf %logistic3A_49, %logistic3A_50 : vector<128x128xf32>
    %slice3A_52 = vector.extract_strided_slice %add3A_34 {offsets = [0, 128], sizes = [128, 128], strides = [1, 1]} : vector<128x384xf32> to vector<128x128xf32>
    %slice3A_53 = vector.extract_strided_slice %add3A_44 {offsets = [0, 128], sizes = [128, 128], strides = [1, 1]} : vector<128x384xf32> to vector<128x128xf32>
    %add3A_54 = arith.addf %slice3A_52, %slice3A_53 : vector<128x128xf32>
    %logistic3A_55 = arith.negf %add3A_54 : vector<128x128xf32>
    %logistic3A_56 = math.exp %logistic3A_55 : vector<128x128xf32>
    %logistic3A_57 = arith.constant 1.000000e+00 : f32
    %logistic3A_58 = vector.broadcast %logistic3A_57 : f32 to vector<128x128xf32>
    %logistic3A_59 = arith.addf %logistic3A_58, %logistic3A_56 : vector<128x128xf32>
    %logistic3A_60 = arith.divf %logistic3A_58, %logistic3A_59 : vector<128x128xf32>
    %slice3A_61 = vector.extract_strided_slice %add3A_34 {offsets = [0, 256], sizes = [128, 128], strides = [1, 1]} : vector<128x384xf32> to vector<128x128xf32>
    %slice3A_62 = vector.extract_strided_slice %add3A_44 {offsets = [0, 256], sizes = [128, 128], strides = [1, 1]} : vector<128x384xf32> to vector<128x128xf32>
    %mul3A = arith.mulf %logistic3A_51, %slice3A_62 : vector<128x128xf32>
    %add3A_63 = arith.addf %slice3A_61, %mul3A : vector<128x128xf32>
    %tanh3A = math.tanh %add3A_63 : vector<128x128xf32>
    %sub3A = arith.constant 1.000000e+00 : f32
    %sub3A_64 = vector.broadcast %sub3A : f32 to vector<128x128xf32>
    %sub3A_65 = arith.subf %sub3A_64, %logistic3A_60 : vector<128x128xf32>
    %mul3A_66 = arith.mulf %sub3A_65, %tanh3A : vector<128x128xf32>
    %mul3A_67 = arith.mulf %logistic3A_60, %get3A_25 : vector<128x128xf32>
    %add3A_68 = arith.addf %mul3A_66, %mul3A_67 : vector<128x128xf32>
    %reduce_sum3A = arith.constant dense<0.000000e+00> : vector<128xf32>
    %reduce_sum3A_69 = vector.multi_reduction <add>, %add3A_68, %reduce_sum3A [1] : vector<128x128xf32> to vector<128xf32>
    %broadcast_in_dim3A = vector.shape_cast %reduce_sum3A_69 : vector<128xf32> to vector<128x1xf32>
    %div3A_70 = arith.constant 1.280000e+02 : f32
    %div3A_71 = vector.broadcast %div3A_70 : f32 to vector<128x1xf32>
    %div3A_72 = arith.divf %broadcast_in_dim3A, %div3A_71 : vector<128x1xf32>
    %sub3A_73 = vector.broadcast %div3A_72 : vector<128x1xf32> to vector<128x128xf32>
    %sub3A_74 = arith.subf %add3A_68, %sub3A_73 : vector<128x128xf32>
    %integer_pow3A = arith.mulf %sub3A_74, %sub3A_74 : vector<128x128xf32>
    %reduce_sum3A_75 = arith.constant dense<0.000000e+00> : vector<128xf32>
    %reduce_sum3A_76 = vector.multi_reduction <add>, %integer_pow3A, %reduce_sum3A_75 [1] : vector<128x128xf32> to vector<128xf32>
    %broadcast_in_dim3A_77 = vector.shape_cast %reduce_sum3A_76 : vector<128xf32> to vector<128x1xf32>
    %div3A_78 = arith.constant 1.280000e+02 : f32
    %div3A_79 = vector.broadcast %div3A_78 : f32 to vector<128x1xf32>
    %div3A_80 = arith.divf %broadcast_in_dim3A_77, %div3A_79 : vector<128x1xf32>
    %sub3A_81 = vector.broadcast %div3A_72 : vector<128x1xf32> to vector<128x128xf32>
    %sub3A_82 = arith.subf %add3A_68, %sub3A_81 : vector<128x128xf32>
    %add3A_83 = arith.constant 9.99999974E-6 : f32
    %add3A_84 = vector.broadcast %add3A_83 : f32 to vector<128x1xf32>
    %add3A_85 = arith.addf %div3A_80, %add3A_84 : vector<128x1xf32>
    %sqrt3A = math.sqrt %add3A_85 : vector<128x1xf32>
    %div3A_86 = vector.broadcast %sqrt3A : vector<128x1xf32> to vector<128x128xf32>
    %div3A_87 = arith.divf %sub3A_82, %div3A_86 : vector<128x128xf32>
    %get3A_88 = arith.constant 0 : index
    %get3A_89 = arith.constant 0 : index
    %get3A_90 = vector.load %arg8[%get3A_88, %get3A_89] : memref<1x128xf32, #tpu.memory_space<vmem>>, vector<1x128xf32>
    %mul3A_91 = vector.broadcast %get3A_90 : vector<1x128xf32> to vector<128x128xf32>
    %mul3A_92 = arith.mulf %div3A_87, %mul3A_91 : vector<128x128xf32>
    %get3A_93 = arith.constant 0 : index
    %get3A_94 = arith.constant 0 : index
    %get3A_95 = vector.load %arg9[%get3A_93, %get3A_94] : memref<1x128xf32, #tpu.memory_space<vmem>>, vector<1x128xf32>
    %add3A_96 = vector.broadcast %get3A_95 : vector<1x128xf32> to vector<128x128xf32>
    %add3A_97 = arith.addf %mul3A_92, %add3A_96 : vector<128x128xf32>
    %swap3A = arith.constant 0 : index
    %swap3A_98 = arith.constant 0 : index
    %swap3A_99 = vector.load %arg10[%swap3A, %swap3A_98] : memref<128x128xf32, #tpu.memory_space<vmem>>, vector<128x128xf32>
    tpu.vector_store %arg10[%swap3A, %swap3A_98], %add3A_97 {strides = array<i32>} : memref<128x128xf32, #tpu.memory_space<vmem>>, vector<128x128xf32>,
    return
  }
  func.func @transform_0(%arg0: i32) -> (i32, i32, i32) {
    %c0_i32 = arith.constant 0 : i32
    %c0_i32_0 = arith.constant 0 : i32
    %c0_i32_1 = arith.constant 0 : i32
    return %c0_i32, %arg0, %c0_i32_0 : i32, i32, i32
  }
  func.func @transform_1(%arg0: i32) -> (i32, i32, i32) {
    %c0_i32 = arith.constant 0 : i32
    %c0_i32_0 = arith.constant 0 : i32
    %c0_i32_1 = arith.constant 0 : i32
    return %c0_i32, %arg0, %c0_i32_0 : i32, i32, i32
  }
  func.func @transform_2(%arg0: i32) -> (i32, i32) {
    %c0_i32 = arith.constant 0 : i32
    %c0_i32_0 = arith.constant 0 : i32
    return %arg0, %c0_i32 : i32, i32
  }
  func.func @transform_3(%arg0: i32) -> (i32, i32) {
    %c0_i32 = arith.constant 0 : i32
    %c0_i32_0 = arith.constant 0 : i32
    %c0_i32_1 = arith.constant 0 : i32
    return %c0_i32, %c0_i32_0 : i32, i32
  }
  func.func @transform_4(%arg0: i32) -> (i32, i32) {
    %c0_i32 = arith.constant 0 : i32
    %c0_i32_0 = arith.constant 0 : i32
    %c0_i32_1 = arith.constant 0 : i32
    return %c0_i32, %c0_i32_0 : i32, i32
  }
  func.func @transform_5(%arg0: i32) -> (i32, i32) {
    %c0_i32 = arith.constant 0 : i32
    %c0_i32_0 = arith.constant 0 : i32
    %c0_i32_1 = arith.constant 0 : i32
    return %c0_i32, %c0_i32_0 : i32, i32
  }
  func.func @transform_6(%arg0: i32) -> (i32, i32) {
    %c0_i32 = arith.constant 0 : i32
    %c0_i32_0 = arith.constant 0 : i32
    %c0_i32_1 = arith.constant 0 : i32
    return %c0_i32, %c0_i32_0 : i32, i32
  }
  func.func @transform_7(%arg0: i32) -> (i32, i32) {
    %c0_i32 = arith.constant 0 : i32
    %c0_i32_0 = arith.constant 0 : i32
    %c0_i32_1 = arith.constant 0 : i32
    return %c0_i32, %c0_i32_0 : i32, i32
  }
  func.func @transform_8(%arg0: i32) -> (i32, i32) {
    %c0_i32 = arith.constant 0 : i32
    %c0_i32_0 = arith.constant 0 : i32
    %c0_i32_1 = arith.constant 0 : i32
    return %c0_i32, %c0_i32_0 : i32, i32
  }
  func.func @transform_9(%arg0: i32) -> (i32, i32) {
    %c0_i32 = arith.constant 0 : i32
    %c0_i32_0 = arith.constant 0 : i32
    return %arg0, %c0_i32 : i32, i32
  }
}

</mosaic_0001>

<sc_bundles>
// kernel: kernel.19.cloned.1.call-start
scs
__scs_entry_jumppad:
0x0: {  	(pc) =	sbr.rel $0x88, $3  }
0x1: {  	(tag) =	ssettag $0x0;
	lr =	simm.s32 $0x1  }
0x2: {  	[smem:$0x3F75] =	sst lr;
	_ =	strace $0xD0000000  }
0x3: {  	_ = 	snop  }
0x4: {  	_ = 	snop  }
0x5: {  	_ = 	snop  }
0x6: {  	_ = 	snop  }
0x7: {  	_ = 	snop  }
__scs_overlays_trampoline_lowered:
0x8: {  	[smem:$0x3F84] =	sst s0  }
0x9: {  	[smem:$0x3F85] =	sst s1  }
0xa: {  	[smem:$0x3F86] =	sst s2  }
0xb: {  	[smem:$0x3F87] =	sst s3  }
0xc: {  	[smem:$0x3F88] =	sst s4  }
0xd: {  	[smem:$0x3F89] =	sst s5  }
0xe: {  	[smem:$0x3F8A] =	sst s6  }
0xf: {  	[smem:$0x3F8B] =	sst s7  }
0x10: {  	[smem:$0x3F8C] =	sst s8  }
0x11: {  	[smem:$0x3F8D] =	sst s9;
	s0 =	simm.s32 @!p0 $0x0  }
0x12: {  	s1 =	sld [smem:$0x3F73];
	s0 =	simm.s32 @p0 $0x1  }
0x13: {  	[smem:$0x3F8E] =	sst s0;
	s0 =	simm.s32 @!p1 $0x0  }
0x14: {  	s2 =	sld [smem:$0x3F72];
	s0 =	simm.s32 @p1 $0x1  }
0x15: {  	[smem:$0x3F8F] =	sst s0;
	s0 =	simm.s32 @!p2 $0x0  }
0x16: {  	s3 =	sld [smem:$0x3FDB];
	s0 =	simm.s32 @p2 $0x1  }
0x17: {  	s4 =	simm.s32 $0x1BF5;
	[smem:$0x3F91] =	sst s0  }
0x18: {  	s0 =	sld [smem:$0x3F74];
	_ =	swait.ge [sflag:s4], $0x0  }
0x19: {  	s7 =	sld [smem:$0x3F75]  }
0x1a: {  	s8 =	sadd.s32 $0xFFFFE003, lr  }
0x1b: {  	s9 =	sadd.s32 $0xFFFFFEF7, lr;
	s5 =	simm.s32 $0xFFFFFFFF;
	p2 =	slt.u32 s8, $0xFFFFF086  }
0x1c: {  	p1 =	slt.u32 s9, $0xF7A;
	s5 =	simm.s32 @!p2 $0x0  }
0x1d: {  	s5 =	simm.s32 @p1 $0x1;
	p0 =	seq.s32 s7, s2  }
0x1e: {  	s7 =	smul.u32 @!p0 $0xF7A, s2;
	p2 =	seq.s32 @!p0 s5, $0x0  }
0x1f: {  	s9 =	smul.u32 $0xF7A, s1;
	s8 =	simm.s32 @!p0 $0x1BF5;
	p2 =	por !p2, p0  }
0x20: {  	[sflag:s8] =	ssyncset.s32 @!p0 $0xFFFFF086;
	s6 =	sadd.s32 @!p0 s3, s7;
	s7 =	simm.s32 @!p0 $0x108  }
0x21: {  	s3 =	sadd.s32 s3, s9;
	s6 =	sadd.s32 @!p0 $0x88, s6;
	s7 =	simm.s32 @p2 $0x1082  }
0x22: {  	[simem:s7], [sflag:s8] =	dma.local @!p0 [hbm:s6], $0xF7A  }
0x23: {  	s9 =	sor.u32 $0xD0000000, s2;
	s6 =	simm.s32 $0x108;
	_ =	swait.ge @!p0 [sflag:s8], $0x0  }
0x24: {  	s3 =	sadd.s32 $0x88, s3;
	s6 =	simm.s32 @!p1 $0x1082;
	[sflag:s4] =	ssyncset.s32 $0xFFFFF086  }
0x25: {  	[simem:s6], [sflag:s4] =	dma.local [hbm:s3], $0xF7A  }
0x26: {  	[smem:$0x3F75] =	sst s1;
	(tag) =	ssettag s2;
	_ =	strace s9  }
0x27: {  	s1 =	sld [smem:$0x3F85]  }
0x28: {  	s2 =	sld [smem:$0x3F86]  }
0x29: {  	s4 =	sld [smem:$0x3F88]  }
0x2a: {  	p0 =	seq.s32 s5, $0x0;
	s5 =	sld [smem:$0x3F89]  }
0x2b: {  	s6 =	sld [smem:$0x3F8A]  }
0x2c: {  	s7 =	sld [smem:$0x3F8B]  }
0x2d: {  	s3 =	simm.s32 $0x108;
	s8 =	sld [smem:$0x3F8C]  }
0x2e: {  	s3 =	simm.s32 @!p0 $0x1082;
	s9 =	sld [smem:$0x3F8D]  }
0x2f: {  	lr =	sadd.s32 s0, s3;
	s0 =	sld [smem:$0x3F84]  }
0x30: {  	s3 =	sld [smem:$0x3F87]  }
0x31: {  	[smem:$0x3F90] =	sst s10  }
0x32: {  	s10 =	sld [smem:$0x3F8E];
	_ =	sdelay $0x3  }
0x33: {  	p0 =	seq.s32 s10, $0x1;
	s10 =	sld [smem:$0x3F90];
	_ =	sdelay $0x3  }
0x34: {  	[smem:$0x3F90] =	sst s10  }
0x35: {  	s10 =	sld [smem:$0x3F8F];
	_ =	sdelay $0x3  }
0x36: {  	p1 =	seq.s32 s10, $0x1;
	s10 =	sld [smem:$0x3F90];
	_ =	sdelay $0x3  }
0x37: {  	[smem:$0x3F90] =	sst s10  }
0x38: {  	s10 =	sld [smem:$0x3F91]  }
0x39: {  	_ = 	snop;
	(pc) =	sbr.ind lr, $3  }
0x3a: {  	_ = 	snop  }
0x3b: {  	_ = 	snop  }
0x3c: {  	p2 =	seq.s32 s10, $0x1;
	s10 =	sld [smem:$0x3F90]  }
0x3d: {  	_ =	shalt  }
0x3e: {  	_ =	shalt  }
0x3f: {  	_ =	shalt  }
0x40: {  	_ =	shalt  }
0x41: {  	_ =	shalt  }
0x42: {  	_ =	shalt  }
0x43: {  	_ =	shalt  }
0x44: {  	_ =	shalt  }
0x45: {  	_ =	shalt  }
0x46: {  	_ =	shalt  }
0x47: {  	_ =	shalt  }
0x48: {  	_ =	shalt  }
0x49: {  	_ =	shalt  }
0x4a: {  	_ =	shalt  }
0x4b: {  	_ =	shalt  }
0x4c: {  	_ =	shalt  }
0x4d: {  	_ =	shalt  }
0x4e: {  	_ =	shalt  }
0x4f: {  	_ =	shalt  }
0x50: {  	_ =	shalt  }
0x51: {  	_ =	shalt  }
0x52: {  	_ =	shalt  }
0x53: {  	_ =	shalt  }
0x54: {  	_ =	shalt  }
0x55: {  	_ =	shalt  }
0x56: {  	_ =	shalt  }
0x57: {  	_ =	shalt  }
0x58: {  	_ =	shalt  }
0x59: {  	_ =	shalt  }
0x5a: {  	_ =	shalt  }
0x5b: {  	_ =	shalt  }
0x5c: {  	_ =	shalt  }
0x5d: {  	_ =	shalt  }
0x5e: {  	_ =	shalt  }
0x5f: {  	_ =	shalt  }
0x60: {  	_ =	shalt  }
0x61: {  	_ =	shalt  }
0x62: {  	_ =	shalt  }
0x63: {  	_ =	shalt  }
0x64: {  	_ =	shalt  }
0x65: {  	_ =	shalt  }
0x66: {  	_ =	shalt  }
0x67: {  	_ =	shalt  }
0x68: {  	_ =	shalt  }
0x69: {  	_ =	shalt  }
0x6a: {  	_ =	shalt  }
0x6b: {  	_ =	shalt  }
0x6c: {  	_ =	shalt  }
0x6d: {  	_ =	shalt  }
0x6e: {  	_ =	shalt  }
0x6f: {  	_ =	shalt  }
0x70: {  	_ =	shalt  }
0x71: {  	_ =	shalt  }
0x72: {  	_ =	shalt  }
0x73: {  	_ =	shalt  }
0x74: {  	_ =	shalt  }
0x75: {  	_ =	shalt  }
0x76: {  	_ =	shalt  }
0x77: {  	_ =	shalt  }
0x78: {  	_ =	shalt  }
0x79: {  	_ =	shalt  }
0x7a: {  	_ =	shalt  }
0x7b: {  	_ =	shalt  }
0x7c: {  	_ =	shalt  }
0x7d: {  	_ =	shalt  }
0x7e: {  	_ =	shalt  }
0x7f: {  	_ =	shalt  }
0x80: {  	_ =	shalt  }
0x81: {  	_ =	shalt  }
0x82: {  	_ =	shalt  }
0x83: {  	_ =	shalt  }
0x84: {  	_ =	shalt  }
0x85: {  	_ =	shalt  }
0x86: {  	_ =	shalt  }
0x87: {  	_ =	shalt  }
.Lfunc_end0:
.L_simem_size_0:
called_computation_lowered:
.L_overlay_start_0:
0x88: {  	s2 =	sld [smem:$0x3FD9]  }
0x89: {  	s3 =	sld [smem:$0x3FFE];
	_ =	sdelay $0x1  }
0x8a: {  	s1 =	srdreg.scid  }
0x8b: {  	s0 =	sand.u32 $0x1, s1  }
0x8c: {  	s14 =	sshll.u32 s0, $0xA;
	s2 =	sadd.s32 s3, s2  }
0x8d: {  	s2 =	sadd.s32 s2, s14  }
0x8e: {  	[smem:$0x3F9C] =	sst s2  }
0x8f: {  	_ = 	snop  }
0x90: {  	s2 =	sld [smem:$0x3FD0];
	_ =	sdelay $0x1  }
0x91: {  	s15 =	sld [smem:$0x3FC5]  }
0x92: {  	s5 =	simm.s32 $0xB;
	s6 =	simm.s32 $0x10;
	s4 =	sld [smem:$0x3FBC]  }
0x93: {  	[smem:s6], [sflag:s5] =	dma.local [hbm:s2], $0x1  }
0x94: {  	_ =	swait.eq [sflag:s5], $0x1  }
0x95: {  	[sflag:s5] =	ssyncset.done $0x0  }
0x96: {  	s16 =	sld [smem:$0x13];
	[sflag:s5] =	ssyncadd.s32 $0xFFFFFFFF  }
0x97: {  	s17 =	sld [smem:$0x14];
	(tm) =	ssettm $0x1  }
0x98: {  	s18 =	sld [smem:$0x3FFB];
	_ =	sdelay $0x3  }
0x99: {  	_ =	strace s18  }
0x9a: {  	s6 =	sld [smem:$0x3FFC];
	_ =	sdelay $0x3  }
0x9b: {  	_ =	strace s6  }
0x9c: {  	s6 =	sld [smem:$0x3FFD];
	_ =	sdelay $0x3  }
0x9d: {  	_ =	strace s6  }
0x9e: {  	_ =	strace $0x8FFFFFFF  }
0x9f: {  	s19 =	sld [smem:$0x3FDB];
	_ =	sdelay $0x1  }
0xa0: {  	s7 =	simm.s32 $_scs_section_size  }
0xa1: {  	s8 =	simm.s32 $_size__tile_overlayer_lowered;
	s9 =	simm.s32 $_tile_overlayer_lowered  }
0xa2: {  	s22 =	simm.s32 $0x1BFF;
	s21 =	sshll.u32 s9, $0x1;
	s6 =	sadd.s32 s7, s19  }
0xa3: {  	s10 =	simm.s32 $0x0;
	s20 =	sshll.u32 s8, $0x1;
	s8 =	sadd.s32 s21, s6  }
0xa4: {  	[timem:s10], [sflag:s22] =	dma.local [hbm:s8], s20  }
0xa5: {  	_ =	swait.ge [sflag:s22], s20  }
0xa6: {  	s7 =	ssub.s32 $0x0, s20;
	[sflag:s22] =	ssyncset.done $0x0  }
0xa7: {  	[sflag:s22] =	ssyncadd.s32 s7;
	_ =	sdelay $0x1  }
0xa8: {  	s23 =	simm.s32 $0x1B8B  }
0xa9: {  	_ =	swait.ge [sflag:s23], $0x1  }
0xaa: {  	[sflag:s23] =	ssyncset.done $0x0  }
0xab: {  	s25 =	simm.s32 $0x1B8E;
	s24 =	sld [smem:$0x3FFE];
	[sflag:s23] =	ssyncadd.s32 $0xFFFFFFFF  }
0xac: {  	s26 =	simm.s32 $execute0_lowered;
	[smem:$0x3FD2] =	sst s25  }
0xad: {  	s8 =	sshll.u32 s26, $0x1;
	_ =	strace $0x80000046;
	[dreg:$0x1] =	wrdreg $0xFFFFFFFF  }
0xae: {  	s28 =	simm.s32 $_size_execute0_lowered;
	s6 =	sadd.s32 s6, s8;
	[dreg:$0x0] =	wrdreg $0x0  }
0xaf: {  	s8 =	sshll.u32 s28, $0x1;
	[dreg:$0x2] =	wrdreg s6  }
0xb0: {  	[dreg:$0x3] =	wrdreg s8  }
0xb1: {  	[dreg:$0x4] =	wrdreg $0xC0  }
0xb2: {  	_ =	task [dreg:s10], $0x5FFFF  }
0xb3: {  	[dreg:$0x1] =	wrdreg $0xFFFFFFFF  }
0xb4: {  	[dreg:$0x0] =	wrdreg $0x60  }
0xb5: {  	[dreg:$0x2] =	wrdreg s4  }
0xb6: {  	[dreg:$0x3] =	wrdreg s15  }
0xb7: {  	[dreg:$0x4] =	wrdreg s24  }
0xb8: {  	[dreg:$0x5] =	wrdreg s16  }
0xb9: {  	[dreg:$0x6] =	wrdreg s17  }
0xba: {  	[dreg:$0x7] =	wrdreg $0xA  }
0xbb: {  	_ =	task.clear_ibuf [dreg:s10], $0x8FFFF;
	_ =	strace $0x90000046  }
0xbc: {  	s29 =	simm.s32 $0xA;
	_ =	strace $0x80000048  }
0xbd: {  	_ =	swait.ge [sflag:s29], $0x1  }
0xbe: {  	[sflag:s29] =	ssyncadd.s32 $0xFFFFFFFF  }
0xbf: {  	_ =	strace $0x90000048  }
0xc0: {  	_ =	sfence  }
0xc1: {  	s30 =	sld [smem:$0x0];
	_ =	sdelay $0x2  }
0xc2: {  	s31 =	sshll.u32 s1, $0xD;
	s1 =	sshrl.u32 s1, $0x2  }
0xc3: {  	s3 =	sand.u32 $0x4000, s31;
	s1 =	sadd.s32 s1, s30  }
0xc4: {  	s0 =	sor.u32 s3, s0;
	s1 =	sshll.u32 s1, $0x11  }
0xc5: {  	s0 =	sor.u32 s1, s0  }
0xc6: {  	s0 =	sadd.s32 $0x8F2B, s0  }
0xc7: {  	[sflag:s0] =	ssyncadd.remote.s32 $0x1  }
0xc8: {  	_ =	sfence.sel $0xFFFF  }
0xc9: {  	[dreg:$0x0] =	wrdreg $0xFFFFFFFF;
	(pc) =	sbr.abs _section_cstart, $3  }
0xca: {  	[dreg:$0x1] =	wrdreg $0xFFFFFFFF  }
0xcb: {  	_ =	task.clear_ibuf [dreg:s10], $0x2FFFF;
	_ =	strace $0x9FFFFFFF  }
0xcc: {  	(tm) =	ssettm $0x7FFFFFFF  }
0xcd: {  	_ =	shalt  }
tec
execute0_lowered:
.L_overlay_start_1:
0x0: {  	(tag) =	ssettag $0x1  }
0x1: {  	s1 =	rddreg [dreg:$0x0]  }
0x2: {  	s3 =	srdreg.scid;
	s0 =	stileid.u32  }
0x3: {  	s2 =	rddreg [dreg:$0x1];
	s23 =	sand.u32 $0x1, s3;
	s30 =	sshll.u32 s0, $0x1  }
0x4: {  	s11 =	rddreg [dreg:$0x2];
	s10 =	sor.u32 s23, s30  }
0x5: {  	s20 =	rddreg [dreg:$0x3];
	s18 =	smul.u32 $0x140, s10  }
0x6: {  	s22 =	rddreg [dreg:$0x4];
	s4 =	simm.s32 $0x0;
	s5 =	simm.s32 $0x2  }
0x7: {  	[smem:$0x7FF] =	sst s4;
	s17 =	sadd.s32 $0xA200, s11;
	s12 =	sshrl.u32 s18, $0x3  }
0x8: {  	s3 =	rddreg [dreg:$0x5];
	_ =	strace $0x80000047;
	s6 =	sadd.s32 s17, s12  }
0x9: {  	[tilespmem:s4], [sflag:$0x2] =	stream.linear.gather [hbm4b:s6+s4], $0x80, $0x38;
	[tilespmem:$0x6100] =	vst v63  }
0xa: {  	_ =	swait.ge [sflag:s5], $0x80  }
0xb: {  	s7 =	simm.s32 $0x80;
	[sflag:s5] =	ssyncset.done $0x0  }
0xc: {  	s8 =	simm.s32 $0x100;
	s9 =	simm.s32 $0x1;
	[sflag:s5] =	ssyncadd.s32 $0xFFFFFF80  }
0xd: {  	[tilespmem:s8], [sflag:$0x1] =	stream.indirect.gather [hbm4b:s1+s7], $0x80, s4, s7, $0xb8;
	[tilespmem:$0x6100] =	vst v63  }
0xe: {  	s13 =	smul.u32 $0x1400, s10;
	_ =	swait.ge [sflag:s9], $0x4000  }
0xf: {  	[sflag:s9] =	ssyncset.done $0x0  }
0x10: {  	s10 =	sadd.s32 s20, s13;
	[sflag:s9] =	ssyncadd.s32 $0xFFFFC000  }
0x11: {  	[hbm4b:s10+s4] =	stream.linear.scatter [tilespmem:s8], [sflag:$0x2], $0x4000, $0x38;
	[tilespmem:$0x6100] =	vst v63  }
0x12: {  	_ =	swait.ge [sflag:s5], $0x4000  }
0x13: {  	s21 =	sadd.s32 $0xA800, s11;
	[sflag:s5] =	ssyncset.done $0x0  }
0x14: {  	s11 =	sadd.s32 s21, s12;
	[sflag:s5] =	ssyncadd.s32 $0xFFFFC000  }
0x15: {  	[tilespmem:s4], [sflag:$0x2] =	stream.linear.gather [hbm4b:s11+s4], $0x80, $0x38;
	[tilespmem:$0x6100] =	vst v63  }
0x16: {  	_ =	swait.ge [sflag:s5], $0x80  }
0x17: {  	[sflag:s5] =	ssyncset.done $0x0  }
0x18: {  	[sflag:s5] =	ssyncadd.s32 $0xFFFFFF80  }
0x19: {  	[tilespmem:s8], [sflag:$0x1] =	stream.indirect.gather [hbm4b:s2+s7], $0x80, s4, s7, $0xb8;
	[tilespmem:$0x6100] =	vst v63  }
0x1a: {  	_ =	swait.ge [sflag:s9], $0x4000  }
0x1b: {  	[sflag:s9] =	ssyncset.done $0x0  }
0x1c: {  	s12 =	sadd.s32 s22, s13;
	[sflag:s9] =	ssyncadd.s32 $0xFFFFC000  }
0x1d: {  	[hbm4b:s12+s4] =	stream.linear.scatter [tilespmem:s8], [sflag:$0x2], $0x4000, $0x38;
	[tilespmem:$0x6100] =	vst v63  }
0x1e: {  	s14 =	sadd.s32 $0x80, s18;
	_ =	swait.ge [sflag:s5], $0x4000  }
0x1f: {  	s15 =	sshrl.u32 s14, $0x3;
	[sflag:s5] =	ssyncset.done $0x0  }
0x20: {  	s13 =	sadd.s32 s17, s15;
	[sflag:s5] =	ssyncadd.s32 $0xFFFFC000  }
0x21: {  	[tilespmem:s4], [sflag:$0x2] =	stream.linear.gather [hbm4b:s13+s4], $0x80, $0x38;
	[tilespmem:$0x6100] =	vst v63  }
0x22: {  	_ =	swait.ge [sflag:s5], $0x80  }
0x23: {  	[sflag:s5] =	ssyncset.done $0x0  }
0x24: {  	[sflag:s5] =	ssyncadd.s32 $0xFFFFFF80  }
0x25: {  	[tilespmem:s8], [sflag:$0x1] =	stream.indirect.gather [hbm4b:s1+s7], $0x80, s4, s7, $0xb8;
	[tilespmem:$0x6100] =	vst v63  }
0x26: {  	_ =	swait.ge [sflag:s9], $0x4000  }
0x27: {  	s16 =	sshll.u32 s14, $0x4;
	[sflag:s9] =	ssyncset.done $0x0  }
0x28: {  	s14 =	sadd.s32 s20, s16;
	[sflag:s9] =	ssyncadd.s32 $0xFFFFC000  }
0x29: {  	[hbm4b:s14+s4] =	stream.linear.scatter [tilespmem:s8], [sflag:$0x2], $0x4000, $0x38;
	[tilespmem:$0x6100] =	vst v63  }
0x2a: {  	_ =	swait.ge [sflag:s5], $0x4000  }
0x2b: {  	[sflag:s5] =	ssyncset.done $0x0  }
0x2c: {  	s15 =	sadd.s32 s21, s15;
	[sflag:s5] =	ssyncadd.s32 $0xFFFFC000  }
0x2d: {  	[tilespmem:s4], [sflag:$0x2] =	stream.linear.gather [hbm4b:s15+s4], $0x80, $0x38;
	[tilespmem:$0x6100] =	vst v63  }
0x2e: {  	_ =	swait.ge [sflag:s5], $0x80  }
0x2f: {  	[sflag:s5] =	ssyncset.done $0x0  }
0x30: {  	[sflag:s5] =	ssyncadd.s32 $0xFFFFFF80  }
0x31: {  	[tilespmem:s8], [sflag:$0x1] =	stream.indirect.gather [hbm4b:s2+s7], $0x80, s4, s7, $0xb8;
	[tilespmem:$0x6100] =	vst v63  }
0x32: {  	_ =	swait.ge [sflag:s9], $0x4000  }
0x33: {  	[sflag:s9] =	ssyncset.done $0x0  }
0x34: {  	s16 =	sadd.s32 s22, s16;
	[sflag:s9] =	ssyncadd.s32 $0xFFFFC000  }
0x35: {  	[hbm4b:s16+s4] =	stream.linear.scatter [tilespmem:s8], [sflag:$0x2], $0x4000, $0x38;
	[tilespmem:$0x6100] =	vst v63  }
0x36: {  	s24 =	sadd.s32 $0x100, s18;
	_ =	swait.ge [sflag:s5], $0x4000  }
0x37: {  	s25 =	sshrl.u32 s24, $0x3;
	[sflag:s5] =	ssyncset.done $0x0  }
0x38: {  	s17 =	sadd.s32 s17, s25;
	[sflag:s5] =	ssyncadd.s32 $0xFFFFC000  }
0x39: {  	[tilespmem:s7], [sflag:$0x2] =	stream.linear.gather [hbm4b:s17+s4], $0x40, $0x38;
	[tilespmem:$0x6100] =	vst v63  }
0x3a: {  	_ =	swait.ge [sflag:s5], $0x40  }
0x3b: {  	[sflag:s5] =	ssyncset.done $0x0  }
0x3c: {  	s19 =	simm.s32 $0x4100;
	s18 =	simm.s32 $0x40;
	[sflag:s5] =	ssyncadd.s32 $0xFFFFFFC0  }
0x3d: {  	[tilespmem:s19], [sflag:$0x1] =	stream.indirect.gather [hbm4b:s1+s18], $0x80, s7, s18, $0xb8;
	[tilespmem:$0x6100] =	vst v63  }
0x3e: {  	_ =	swait.ge [sflag:s9], $0x2000  }
0x3f: {  	s24 =	sshll.u32 s24, $0x4;
	[sflag:s9] =	ssyncset.done $0x0  }
0x40: {  	s20 =	sadd.s32 s20, s24;
	[sflag:s9] =	ssyncadd.s32 $0xFFFFE000  }
0x41: {  	[hbm4b:s20+s4] =	stream.linear.scatter [tilespmem:s19], [sflag:$0x2], $0x2000, $0x38;
	[tilespmem:$0x6100] =	vst v63  }
0x42: {  	_ =	swait.ge [sflag:s5], $0x2000  }
0x43: {  	[sflag:s5] =	ssyncset.done $0x0  }
0x44: {  	s23 =	ssub.s32 $0x2, s23;
	s21 =	sadd.s32 s21, s25;
	[sflag:s5] =	ssyncadd.s32 $0xFFFFE000  }
0x45: {  	[tilespmem:s7], [sflag:$0x2] =	stream.linear.gather [hbm4b:s21+s4], $0x40, $0x38;
	[tilespmem:$0x6100] =	vst v63  }
0x46: {  	s31 =	sshrl.u32 s23, $0x1;
	_ =	swait.ge [sflag:s5], $0x40  }
0x47: {  	s23 =	ssub.s32 s23, s31;
	[sflag:s5] =	ssyncset.done $0x0  }
0x48: {  	s23 =	smax.u32 s23, $0x1;
	[sflag:s5] =	ssyncadd.s32 $0xFFFFFFC0  }
0x49: {  	[tilespmem:s19], [sflag:$0x1] =	stream.indirect.gather [hbm4b:s2+s18], $0x80, s7, s18, $0xb8;
	[tilespmem:$0x6100] =	vst v63  }
0x4a: {  	p0 =	sne.s32 s23, $0x1;
	_ =	swait.ge [sflag:s9], $0x2000  }
.Ltmp0:
0x4b: {  	[sflag:s9] =	ssyncset.done $0x0;
	(pc) =	sbr.rel @!p0 .LBB2_2-.Ltmp0, $4  }
0x4c: {  	s22 =	sadd.s32 s22, s24;
	[sflag:s9] =	ssyncadd.s32 $0xFFFFE000  }
0x4d: {  	[hbm4b:s22+s4] =	stream.linear.scatter [tilespmem:s19], [sflag:$0x2], $0x2000, $0x38;
	[tilespmem:$0x6100] =	vst v63  }
0x4e: {  	_ =	swait.ge [sflag:s5], $0x2000  }
0x4f: {  	s23 =	sadd.s32 $0xFFFFFFFF, s23;
	[sflag:s5] =	ssyncset.done $0x0  }
.LBB2_1:
0x50: {  	p0 =	sne.s32 s23, $0x1;
	s23 =	sadd.s32 $0xFFFFFFFF, s23;
	[sflag:s5] =	ssyncadd.s32 $0xFFFFE000  }
0x51: {  	[tilespmem:s4], [sflag:$0x2] =	stream.linear.gather [hbm4b:s6+s4], $0x80, $0x38;
	[tilespmem:$0x6100] =	vst v63  }
0x52: {  	_ =	swait.ge [sflag:s5], $0x80  }
0x53: {  	[sflag:s5] =	ssyncset.done $0x0  }
0x54: {  	[sflag:s5] =	ssyncadd.s32 $0xFFFFFF80  }
0x55: {  	[tilespmem:s8], [sflag:$0x1] =	stream.indirect.gather [hbm4b:s1+s7], $0x80, s4, s7, $0xb8;
	[tilespmem:$0x6100] =	vst v63  }
0x56: {  	_ =	swait.ge [sflag:s9], $0x4000  }
0x57: {  	[sflag:s9] =	ssyncset.done $0x0  }
0x58: {  	[sflag:s9] =	ssyncadd.s32 $0xFFFFC000  }
0x59: {  	[hbm4b:s10+s4] =	stream.linear.scatter [tilespmem:s8], [sflag:$0x2], $0x4000, $0x38;
	[tilespmem:$0x6100] =	vst v63  }
0x5a: {  	_ =	swait.ge [sflag:s5], $0x4000  }
0x5b: {  	[sflag:s5] =	ssyncset.done $0x0  }
0x5c: {  	[sflag:s5] =	ssyncadd.s32 $0xFFFFC000  }
0x5d: {  	[tilespmem:s4], [sflag:$0x2] =	stream.linear.gather [hbm4b:s11+s4], $0x80, $0x38;
	[tilespmem:$0x6100] =	vst v63  }
0x5e: {  	_ =	swait.ge [sflag:s5], $0x80  }
0x5f: {  	[sflag:s5] =	ssyncset.done $0x0  }
0x60: {  	[sflag:s5] =	ssyncadd.s32 $0xFFFFFF80  }
0x61: {  	[tilespmem:s8], [sflag:$0x1] =	stream.indirect.gather [hbm4b:s2+s7], $0x80, s4, s7, $0xb8;
	[tilespmem:$0x6100] =	vst v63  }
0x62: {  	_ =	swait.ge [sflag:s9], $0x4000  }
0x63: {  	[sflag:s9] =	ssyncset.done $0x0  }
0x64: {  	[sflag:s9] =	ssyncadd.s32 $0xFFFFC000  }
0x65: {  	[hbm4b:s12+s4] =	stream.linear.scatter [tilespmem:s8], [sflag:$0x2], $0x4000, $0x38;
	[tilespmem:$0x6100] =	vst v63  }
0x66: {  	_ =	swait.ge [sflag:s5], $0x4000  }
0x67: {  	[sflag:s5] =	ssyncset.done $0x0  }
0x68: {  	[sflag:s5] =	ssyncadd.s32 $0xFFFFC000  }
0x69: {  	[tilespmem:s4], [sflag:$0x2] =	stream.linear.gather [hbm4b:s13+s4], $0x80, $0x38;
	[tilespmem:$0x6100] =	vst v63  }
0x6a: {  	_ =	swait.ge [sflag:s5], $0x80  }
0x6b: {  	[sflag:s5] =	ssyncset.done $0x0  }
0x6c: {  	[sflag:s5] =	ssyncadd.s32 $0xFFFFFF80  }
0x6d: {  	[tilespmem:s8], [sflag:$0x1] =	stream.indirect.gather [hbm4b:s1+s7], $0x80, s4, s7, $0xb8;
	[tilespmem:$0x6100] =	vst v63  }
0x6e: {  	_ =	swait.ge [sflag:s9], $0x4000  }
0x6f: {  	[sflag:s9] =	ssyncset.done $0x0  }
0x70: {  	[sflag:s9] =	ssyncadd.s32 $0xFFFFC000  }
0x71: {  	[hbm4b:s14+s4] =	stream.linear.scatter [tilespmem:s8], [sflag:$0x2], $0x4000, $0x38;
	[tilespmem:$0x6100] =	vst v63  }
0x72: {  	_ =	swait.ge [sflag:s5], $0x4000  }
0x73: {  	[sflag:s5] =	ssyncset.done $0x0  }
0x74: {  	[sflag:s5] =	ssyncadd.s32 $0xFFFFC000  }
0x75: {  	[tilespmem:s4], [sflag:$0x2] =	stream.linear.gather [hbm4b:s15+s4], $0x80, $0x38;
	[tilespmem:$0x6100] =	vst v63  }
0x76: {  	_ =	swait.ge [sflag:s5], $0x80  }
0x77: {  	[sflag:s5] =	ssyncset.done $0x0  }
0x78: {  	[sflag:s5] =	ssyncadd.s32 $0xFFFFFF80  }
0x79: {  	[tilespmem:s8], [sflag:$0x1] =	stream.indirect.gather [hbm4b:s2+s7], $0x80, s4, s7, $0xb8;
	[tilespmem:$0x6100] =	vst v63  }
0x7a: {  	_ =	swait.ge [sflag:s9], $0x4000  }
0x7b: {  	[sflag:s9] =	ssyncset.done $0x0  }
0x7c: {  	[sflag:s9] =	ssyncadd.s32 $0xFFFFC000  }
0x7d: {  	[hbm4b:s16+s4] =	stream.linear.scatter [tilespmem:s8], [sflag:$0x2], $0x4000, $0x38;
	[tilespmem:$0x6100] =	vst v63  }
0x7e: {  	_ =	swait.ge [sflag:s5], $0x4000  }
0x7f: {  	[sflag:s5] =	ssyncset.done $0x0  }
0x80: {  	[sflag:s5] =	ssyncadd.s32 $0xFFFFC000  }
0x81: {  	[tilespmem:s7], [sflag:$0x2] =	stream.linear.gather [hbm4b:s17+s4], $0x40, $0x38;
	[tilespmem:$0x6100] =	vst v63  }
0x82: {  	_ =	swait.ge [sflag:s5], $0x40  }
0x83: {  	[sflag:s5] =	ssyncset.done $0x0  }
0x84: {  	[sflag:s5] =	ssyncadd.s32 $0xFFFFFFC0  }
0x85: {  	[tilespmem:s19], [sflag:$0x1] =	stream.indirect.gather [hbm4b:s1+s18], $0x80, s7, s18, $0xb8;
	[tilespmem:$0x6100] =	vst v63  }
0x86: {  	_ =	swait.ge [sflag:s9], $0x2000  }
0x87: {  	[sflag:s9] =	ssyncset.done $0x0  }
0x88: {  	[sflag:s9] =	ssyncadd.s32 $0xFFFFE000  }
0x89: {  	[hbm4b:s20+s4] =	stream.linear.scatter [tilespmem:s19], [sflag:$0x2], $0x2000, $0x38;
	[tilespmem:$0x6100] =	vst v63  }
0x8a: {  	_ =	swait.ge [sflag:s5], $0x2000  }
0x8b: {  	[sflag:s5] =	ssyncset.done $0x0  }
0x8c: {  	[sflag:s5] =	ssyncadd.s32 $0xFFFFE000  }
0x8d: {  	[tilespmem:s7], [sflag:$0x2] =	stream.linear.gather [hbm4b:s21+s4], $0x40, $0x38;
	[tilespmem:$0x6100] =	vst v63  }
0x8e: {  	_ =	swait.ge [sflag:s5], $0x40  }
0x8f: {  	[sflag:s5] =	ssyncset.done $0x0  }
0x90: {  	[sflag:s5] =	ssyncadd.s32 $0xFFFFFFC0  }
0x91: {  	[tilespmem:s19], [sflag:$0x1] =	stream.indirect.gather [hbm4b:s2+s18], $0x80, s7, s18, $0xb8;
	[tilespmem:$0x6100] =	vst v63  }
0x92: {  	_ =	swait.ge [sflag:s9], $0x2000  }
.Ltmp1:
0x93: {  	[sflag:s9] =	ssyncset.done $0x0;
	(pc) =	sbr.rel @p0 .LBB2_1-.Ltmp1, $4  }
0x94: {  	[sflag:s9] =	ssyncadd.s32 $0xFFFFE000  }
0x95: {  	[hbm4b:s22+s4] =	stream.linear.scatter [tilespmem:s19], [sflag:$0x2], $0x2000, $0x38;
	[tilespmem:$0x6100] =	vst v63  }
0x96: {  	_ =	swait.ge [sflag:s5], $0x2000  }
0x97: {  	[sflag:s5] =	ssyncset.done $0x0  }
.LBB2_2:
0x98: {  	[sflag:s5] =	ssyncadd.s32 $0xFFFFE000  }
0x99: {  	_ =	sfence.sel $0x180000  }
0x9a: {  	[bflag:$0x0] =	sbarrier.arrive $0xFFFF  }
0x9b: {  	p0 =	sne.s32 s0, $0x0;
	_ =	strace $0x90000047  }
0x9c: {  	s0 =	sadd.s32 @!p0 $0x100000, s3;
	[bflag:$0x2] =	sbarrier.arrive $0xFFFF  }
0x9d: {  	[sflag:s0] =	ssyncadd.tile.s32 @!p0 $0x1;
	_ =	shalt  }
.Lfunc_end2:
_tile_overlayer_lowered:
.L_overlay_start_2:
0x9e: {  	(tag) =	ssettag $0x2  }
0x9f: {  	s0 =	rddreg [dreg:$0x0];
	s2 =	stileid.u32  }
0xa0: {  	s1 =	rddreg [dreg:$0x1];
	p0 =	sne.s32 s2, $0x0  }
0xa1: {  	s3 =	rddreg [dreg:$0x2];
	[bflag:$0x3] =	sbarrier.arrive $0xFFFF;
	s2 =	simm.s32 @!p0 $0x1C02  }
0xa2: {  	[timem:s3], [sflag:s2] =	dma.local @!p0 [hbm:s0], s1  }
0xa3: {  	s0 =	simm.s32 @!p0 $0x2  }
0xa4: {  	_ =	swait.ge @!p0 [sflag:s0], s1  }
0xa5: {  	s1 =	ssub.s32 @!p0 $0x0, s1;
	[sflag:s0] =	ssyncset.done @!p0 $0x0  }
0xa6: {  	[sflag:s0] =	ssyncadd.s32 @!p0 s1  }
0xa7: {  	[bflag:$0x3] =	sbarrier.arrive $0xFFFF  }
0xa8: {  	_ =	shalt  }

// kernel: kernel.22.cloned.1.call-start
scs
__scs_entry_jumppad:
0x0: {  	(pc) =	sbr.rel $0x88, $3  }
0x1: {  	(tag) =	ssettag $0x0;
	lr =	simm.s32 $0x1  }
0x2: {  	[smem:$0x3F75] =	sst lr;
	_ =	strace $0xD0000000  }
0x3: {  	_ = 	snop  }
0x4: {  	_ = 	snop  }
0x5: {  	_ = 	snop  }
0x6: {  	_ = 	snop  }
0x7: {  	_ = 	snop  }
__scs_overlays_trampoline_lowered:
0x8: {  	[smem:$0x3F84] =	sst s0  }
0x9: {  	[smem:$0x3F85] =	sst s1  }
0xa: {  	[smem:$0x3F86] =	sst s2  }
0xb: {  	[smem:$0x3F87] =	sst s3  }
0xc: {  	[smem:$0x3F88] =	sst s4  }
0xd: {  	[smem:$0x3F89] =	sst s5  }
0xe: {  	[smem:$0x3F8A] =	sst s6  }
0xf: {  	[smem:$0x3F8B] =	sst s7  }
0x10: {  	[smem:$0x3F8C] =	sst s8  }
0x11: {  	[smem:$0x3F8D] =	sst s9;
	s0 =	simm.s32 @!p0 $0x0  }
0x12: {  	s1 =	sld [smem:$0x3F73];
	s0 =	simm.s32 @p0 $0x1  }
0x13: {  	[smem:$0x3F8E] =	sst s0;
	s0 =	simm.s32 @!p1 $0x0  }
0x14: {  	s2 =	sld [smem:$0x3F72];
	s0 =	simm.s32 @p1 $0x1  }
0x15: {  	[smem:$0x3F8F] =	sst s0;
	s0 =	simm.s32 @!p2 $0x0  }
0x16: {  	s3 =	sld [smem:$0x3FDB];
	s0 =	simm.s32 @p2 $0x1  }
0x17: {  	s4 =	simm.s32 $0x1BF5;
	[smem:$0x3F91] =	sst s0  }
0x18: {  	s0 =	sld [smem:$0x3F74];
	_ =	swait.ge [sflag:s4], $0x0  }
0x19: {  	s7 =	sld [smem:$0x3F75]  }
0x1a: {  	s8 =	sadd.s32 $0xFFFFE003, lr  }
0x1b: {  	s9 =	sadd.s32 $0xFFFFFEF7, lr;
	s5 =	simm.s32 $0xFFFFFFFF;
	p2 =	slt.u32 s8, $0xFFFFF086  }
0x1c: {  	p1 =	slt.u32 s9, $0xF7A;
	s5 =	simm.s32 @!p2 $0x0  }
0x1d: {  	s5 =	simm.s32 @p1 $0x1;
	p0 =	seq.s32 s7, s2  }
0x1e: {  	s7 =	smul.u32 @!p0 $0xF7A, s2;
	p2 =	seq.s32 @!p0 s5, $0x0  }
0x1f: {  	s9 =	smul.u32 $0xF7A, s1;
	s8 =	simm.s32 @!p0 $0x1BF5;
	p2 =	por !p2, p0  }
0x20: {  	[sflag:s8] =	ssyncset.s32 @!p0 $0xFFFFF086;
	s6 =	sadd.s32 @!p0 s3, s7;
	s7 =	simm.s32 @!p0 $0x108  }
0x21: {  	s3 =	sadd.s32 s3, s9;
	s6 =	sadd.s32 @!p0 $0x88, s6;
	s7 =	simm.s32 @p2 $0x1082  }
0x22: {  	[simem:s7], [sflag:s8] =	dma.local @!p0 [hbm:s6], $0xF7A  }
0x23: {  	s9 =	sor.u32 $0xD0000000, s2;
	s6 =	simm.s32 $0x108;
	_ =	swait.ge @!p0 [sflag:s8], $0x0  }
0x24: {  	s3 =	sadd.s32 $0x88, s3;
	s6 =	simm.s32 @!p1 $0x1082;
	[sflag:s4] =	ssyncset.s32 $0xFFFFF086  }
0x25: {  	[simem:s6], [sflag:s4] =	dma.local [hbm:s3], $0xF7A  }
0x26: {  	[smem:$0x3F75] =	sst s1;
	(tag) =	ssettag s2;
	_ =	strace s9  }
0x27: {  	s1 =	sld [smem:$0x3F85]  }
0x28: {  	s2 =	sld [smem:$0x3F86]  }
0x29: {  	s4 =	sld [smem:$0x3F88]  }
0x2a: {  	p0 =	seq.s32 s5, $0x0;
	s5 =	sld [smem:$0x3F89]  }
0x2b: {  	s6 =	sld [smem:$0x3F8A]  }
0x2c: {  	s7 =	sld [smem:$0x3F8B]  }
0x2d: {  	s3 =	simm.s32 $0x108;
	s8 =	sld [smem:$0x3F8C]  }
0x2e: {  	s3 =	simm.s32 @!p0 $0x1082;
	s9 =	sld [smem:$0x3F8D]  }
0x2f: {  	lr =	sadd.s32 s0, s3;
	s0 =	sld [smem:$0x3F84]  }
0x30: {  	s3 =	sld [smem:$0x3F87]  }
0x31: {  	[smem:$0x3F90] =	sst s10  }
0x32: {  	s10 =	sld [smem:$0x3F8E];
	_ =	sdelay $0x3  }
0x33: {  	p0 =	seq.s32 s10, $0x1;
	s10 =	sld [smem:$0x3F90];
	_ =	sdelay $0x3  }
0x34: {  	[smem:$0x3F90] =	sst s10  }
0x35: {  	s10 =	sld [smem:$0x3F8F];
	_ =	sdelay $0x3  }
0x36: {  	p1 =	seq.s32 s10, $0x1;
	s10 =	sld [smem:$0x3F90];
	_ =	sdelay $0x3  }
0x37: {  	[smem:$0x3F90] =	sst s10  }
0x38: {  	s10 =	sld [smem:$0x3F91]  }
0x39: {  	_ = 	snop;
	(pc) =	sbr.ind lr, $3  }
0x3a: {  	_ = 	snop  }
0x3b: {  	_ = 	snop  }
0x3c: {  	p2 =	seq.s32 s10, $0x1;
	s10 =	sld [smem:$0x3F90]  }
0x3d: {  	_ =	shalt  }
0x3e: {  	_ =	shalt  }
0x3f: {  	_ =	shalt  }
0x40: {  	_ =	shalt  }
0x41: {  	_ =	shalt  }
0x42: {  	_ =	shalt  }
0x43: {  	_ =	shalt  }
0x44: {  	_ =	shalt  }
0x45: {  	_ =	shalt  }
0x46: {  	_ =	shalt  }
0x47: {  	_ =	shalt  }
0x48: {  	_ =	shalt  }
0x49: {  	_ =	shalt  }
0x4a: {  	_ =	shalt  }
0x4b: {  	_ =	shalt  }
0x4c: {  	_ =	shalt  }
0x4d: {  	_ =	shalt  }
0x4e: {  	_ =	shalt  }
0x4f: {  	_ =	shalt  }
0x50: {  	_ =	shalt  }
0x51: {  	_ =	shalt  }
0x52: {  	_ =	shalt  }
0x53: {  	_ =	shalt  }
0x54: {  	_ =	shalt  }
0x55: {  	_ =	shalt  }
0x56: {  	_ =	shalt  }
0x57: {  	_ =	shalt  }
0x58: {  	_ =	shalt  }
0x59: {  	_ =	shalt  }
0x5a: {  	_ =	shalt  }
0x5b: {  	_ =	shalt  }
0x5c: {  	_ =	shalt  }
0x5d: {  	_ =	shalt  }
0x5e: {  	_ =	shalt  }
0x5f: {  	_ =	shalt  }
0x60: {  	_ =	shalt  }
0x61: {  	_ =	shalt  }
0x62: {  	_ =	shalt  }
0x63: {  	_ =	shalt  }
0x64: {  	_ =	shalt  }
0x65: {  	_ =	shalt  }
0x66: {  	_ =	shalt  }
0x67: {  	_ =	shalt  }
0x68: {  	_ =	shalt  }
0x69: {  	_ =	shalt  }
0x6a: {  	_ =	shalt  }
0x6b: {  	_ =	shalt  }
0x6c: {  	_ =	shalt  }
0x6d: {  	_ =	shalt  }
0x6e: {  	_ =	shalt  }
0x6f: {  	_ =	shalt  }
0x70: {  	_ =	shalt  }
0x71: {  	_ =	shalt  }
0x72: {  	_ =	shalt  }
0x73: {  	_ =	shalt  }
0x74: {  	_ =	shalt  }
0x75: {  	_ =	shalt  }
0x76: {  	_ =	shalt  }
0x77: {  	_ =	shalt  }
0x78: {  	_ =	shalt  }
0x79: {  	_ =	shalt  }
0x7a: {  	_ =	shalt  }
0x7b: {  	_ =	shalt  }
0x7c: {  	_ =	shalt  }
0x7d: {  	_ =	shalt  }
0x7e: {  	_ =	shalt  }
0x7f: {  	_ =	shalt  }
0x80: {  	_ =	shalt  }
0x81: {  	_ =	shalt  }
0x82: {  	_ =	shalt  }
0x83: {  	_ =	shalt  }
0x84: {  	_ =	shalt  }
0x85: {  	_ =	shalt  }
0x86: {  	_ =	shalt  }
0x87: {  	_ =	shalt  }
.Lfunc_end0:
.L_simem_size_0:
called_computation.1_lowered:
.L_overlay_start_0:
0x88: {  	s2 =	sld [smem:$0x3FD9]  }
0x89: {  	s3 =	sld [smem:$0x3FFE];
	_ =	sdelay $0x1  }
0x8a: {  	s1 =	srdreg.scid  }
0x8b: {  	s0 =	sand.u32 $0x1, s1  }
0x8c: {  	s15 =	sshll.u32 s0, $0xA;
	s2 =	sadd.s32 s3, s2  }
0x8d: {  	s2 =	sadd.s32 s2, s15  }
0x8e: {  	[smem:$0x3F9C] =	sst s2  }
0x8f: {  	_ = 	snop  }
0x90: {  	s2 =	sld [smem:$0x3FD0];
	_ =	sdelay $0x2  }
0x91: {  	s4 =	simm.s32 $0xB;
	s16 =	simm.s32 $0x10  }
0x92: {  	[smem:s16], [sflag:s4] =	dma.local [hbm:s2], $0x1  }
0x93: {  	_ =	swait.eq [sflag:s4], $0x1  }
0x94: {  	[sflag:s4] =	ssyncset.done $0x0  }
0x95: {  	s17 =	sld [smem:$0x12];
	[sflag:s4] =	ssyncadd.s32 $0xFFFFFFFF  }
0x96: {  	s18 =	sld [smem:$0x14];
	(tm) =	ssettm $0x1  }
0x97: {  	s19 =	sld [smem:$0x3FFB];
	_ =	sdelay $0x3  }
0x98: {  	_ =	strace s19  }
0x99: {  	s2 =	sld [smem:$0x3FFC];
	_ =	sdelay $0x3  }
0x9a: {  	_ =	strace s2  }
0x9b: {  	s2 =	sld [smem:$0x3FFD];
	_ =	sdelay $0x3  }
0x9c: {  	_ =	strace s2  }
0x9d: {  	_ =	strace $0x8FFFFFFF  }
0x9e: {  	s20 =	sld [smem:$0x3FDB];
	_ =	sdelay $0x1  }
0x9f: {  	s5 =	simm.s32 $_scs_section_size  }
0xa0: {  	s6 =	simm.s32 $_size__tile_overlayer_lowered;
	s7 =	simm.s32 $_tile_overlayer_lowered  }
0xa1: {  	s8 =	simm.s32 $0x1BFF;
	s21 =	sshll.u32 s7, $0x1;
	s5 =	sadd.s32 s5, s20  }
0xa2: {  	s22 =	simm.s32 $0x0;
	s6 =	sshll.u32 s6, $0x1;
	s7 =	sadd.s32 s21, s5  }
0xa3: {  	[timem:s22], [sflag:s8] =	dma.local [hbm:s7], s6  }
0xa4: {  	_ =	swait.ge [sflag:s8], s6  }
0xa5: {  	s6 =	ssub.s32 $0x0, s6;
	[sflag:s8] =	ssyncset.done $0x0  }
0xa6: {  	[sflag:s8] =	ssyncadd.s32 s6;
	_ =	sdelay $0x1  }
0xa7: {  	s23 =	simm.s32 $0x1B8B  }
0xa8: {  	_ =	swait.ge [sflag:s23], $0x1  }
0xa9: {  	[sflag:s23] =	ssyncset.done $0x0  }
0xaa: {  	[sflag:s23] =	ssyncadd.s32 $0xFFFFFFFF  }
0xab: {  	s6 =	sld [smem:$0x0]  }
0xac: {  	s7 =	sand.u32 $0xFFFFFFFE, s1  }
0xad: {  	p0 =	sne.s32 s1, s7  }
0xae: {  	s7 =	sshll.u32 @p0 s7, $0xE  }
0xaf: {  	s7 =	sadd.s32 @p0 $0x11B8D, s7;
	s8 =	sshll.u32 @p0 s6, $0x11  }
0xb0: {  	s7 =	sor.u32 @p0 s8, s7  }
0xb1: {  	[sflag:s7] =	ssyncadd.remote.s32 @p0 $0x1;
	_ =	sdelay $0x1  }
0xb2: {  	s7 =	simm.s32 @p0 $0x1B8D  }
0xb3: {  	_ =	swait.eq @p0 [sflag:s7], $0x1  }
0xb4: {  	[sflag:s7] =	ssyncadd.s32 @p0 $0xFFFFFFFF  }
0xb5: {  	s8 =	sshll.u32 @!p0 s1, $0xE  }
0xb6: {  	s8 =	sor.u32 @!p0 $0x4000, s8;
	s7 =	simm.s32 @!p0 $0x1B8D  }
0xb7: {  	s6 =	sshll.u32 @!p0 s6, $0x11;
	s8 =	sadd.s32 @!p0 $0x11B8D, s8;
	_ =	swait.eq @!p0 [sflag:s7], $0x1  }
0xb8: {  	s6 =	sor.u32 @!p0 s6, s8;
	[sflag:s7] =	ssyncadd.s32 @!p0 $0xFFFFFFFF  }
0xb9: {  	s25 =	simm.s32 $0x1B8E;
	s24 =	sld [smem:$0x3FFE];
	[sflag:s6] =	ssyncadd.remote.s32 @!p0 $0x1  }
0xba: {  	s26 =	simm.s32 $execute0_lowered;
	[smem:$0x3FD2] =	sst s25  }
0xbb: {  	s7 =	sshll.u32 s26, $0x1;
	_ =	strace $0x8000004C;
	[dreg:$0x1] =	wrdreg $0xFFFFFFFF  }
0xbc: {  	s28 =	simm.s32 $_size_execute0_lowered;
	s5 =	sadd.s32 s5, s7;
	[dreg:$0x0] =	wrdreg $0x0  }
0xbd: {  	s7 =	sshll.u32 s28, $0x1;
	[dreg:$0x2] =	wrdreg s5  }
0xbe: {  	[dreg:$0x3] =	wrdreg s7  }
0xbf: {  	[dreg:$0x4] =	wrdreg $0xC0  }
0xc0: {  	_ =	task [dreg:s22], $0x5FFFF  }
0xc1: {  	[dreg:$0x1] =	wrdreg $0xFFFFFFFF  }
0xc2: {  	[dreg:$0x0] =	wrdreg $0x60  }
0xc3: {  	[dreg:$0x2] =	wrdreg s18  }
0xc4: {  	[dreg:$0x3] =	wrdreg s17  }
0xc5: {  	[dreg:$0x4] =	wrdreg s24  }
0xc6: {  	[dreg:$0x5] =	wrdreg $0x68800  }
0xc7: {  	[dreg:$0x6] =	wrdreg $0xA  }
0xc8: {  	_ =	task.clear_ibuf [dreg:s22], $0x7FFFF;
	_ =	strace $0x9000004C  }
0xc9: {  	s29 =	simm.s32 $0xA;
	_ =	strace $0x8000004E  }
0xca: {  	_ =	swait.ge [sflag:s29], $0x1  }
0xcb: {  	[sflag:s29] =	ssyncadd.s32 $0xFFFFFFFF  }
0xcc: {  	_ =	strace $0x9000004E  }
0xcd: {  	_ =	sfence  }
0xce: {  	s30 =	sld [smem:$0x0];
	_ =	sdelay $0x2  }
0xcf: {  	s31 =	sshll.u32 s1, $0xD;
	s1 =	sshrl.u32 s1, $0x2  }
0xd0: {  	s4 =	sand.u32 $0x4000, s31;
	s1 =	sadd.s32 s1, s30  }
0xd1: {  	s0 =	sor.u32 s4, s0;
	s1 =	sshll.u32 s1, $0x11  }
0xd2: {  	s0 =	sor.u32 s1, s0  }
0xd3: {  	s0 =	sadd.s32 $0x8F2B, s0  }
0xd4: {  	[sflag:s0] =	ssyncadd.remote.s32 $0x1  }
0xd5: {  	_ =	sfence.sel $0xFFFF  }
0xd6: {  	[dreg:$0x0] =	wrdreg $0xFFFFFFFF;
	(pc) =	sbr.abs _section_cstart, $3  }
0xd7: {  	[dreg:$0x1] =	wrdreg $0xFFFFFFFF  }
0xd8: {  	_ =	task.clear_ibuf [dreg:s22], $0x2FFFF;
	_ =	strace $0x9FFFFFFF  }
0xd9: {  	(tm) =	ssettm $0x7FFFFFFF  }
tec
execute0_lowered:
.L_overlay_start_1:
0x0: {  	(tag) =	ssettag $0x1  }
0x1: {  	s1 =	rddreg [dreg:$0x0]  }
0x2: {  	s7 =	rddreg [dreg:$0x1]  }
0x3: {  	s0 =	stileid.u32;
	s6 =	rddreg [dreg:$0x2]  }
0x4: {  	s2 =	srdreg.scid;
	s3 =	rddreg [dreg:$0x3];
	s4 =	simm.s32 $0x0  }
0x5: {  	s16 =	simm.s32 $0x1;
	s17 =	simm.s32 $0x0;
	s5 =	smul.u32 $0x9E0, s0  }
0x6: {  	s8 =	sand.u32 $0x1, s2;
	s2 =	rddreg [dreg:$0x4];
	s10 =	smul.u32 $0x14000, s0  }
0x7: {  	[smem:$0x7FF] =	sst s4;
	s29 =	sshll.u32 s0, $0x1;
	s13 =	smul.u32 $0x50000, s0  }
0x8: {  	s14 =	sshll.u32 s0, $0x6;
	s9 =	smul.u32 $0x140000, s8;
	_ =	strace $0x8000004D  }
0x9: {  	s12 =	ssub.s32 $0x2, s8;
	s15 =	smul.u32 $0x4F0, s8;
	s11 =	sadd.s32 s5, s6  }
0xa: {  	s5 =	sadd.s32 $0x1EA00, s6;
	s30 =	sshrl.u32 s12, $0x1;
	s13 =	sshrl.u32 s13, $0x2  }
0xb: {  	s9 =	sadd.s32 s10, s9;
	s10 =	sor.u32 s8, s29;
	s12 =	ssub.s32 s12, s30  }
0xc: {  	s13 =	sadd.s32 s13, s3;
	s31 =	sadd.s32 s15, s11;
	s15 =	simm.s32 $0x2880  }
0xd: {  	s9 =	sshrl.u32 s9, $0x3;
	s10 =	smul.u32 $0x500, s10;
	s11 =	sshrl.u32 s13, $0x3  }
0xe: {  	s13 =	simm.s32 $0x2800;
	s9 =	sadd.s32 s9, s6;
	s6 =	sor.u32 $0x1C02, s14  }
0xf: {  	s14 =	simm.s32 $0x80;
	s7 =	sadd.s32 s7, s10;
	s8 =	sadd.s32 $0xC1A00, s9  }
0x10: {  	s9 =	smax.u32 s12, $0x1;
	s10 =	sadd.s32 $0x14C00, s31;
	s12 =	simm.s32 $0x2  }
.LBB2_1:
0x11: {  	[spmem:s11], [sflag:s6] =	dma.local [hbm:s5], $0x2800  }
0x12: {  	_ =	swait.ge [sflag:s12], $0x2800  }
0x13: {  	[sflag:s12] =	ssyncset.done $0x0  }
0x14: {  	[sflag:s12] =	ssyncadd.s32 $0xFFFFD800  }
0x15: {  	[tilespmem:s4], [sflag:$0x2] =	stream.linear.gather [hbm4b:s7+s4], $0x2780, $0x38;
	[tilespmem:$0x1A880] =	vst v63  }
0x16: {  	_ =	swait.ge [sflag:s12], $0x2780  }
0x17: {  	[sflag:s12] =	ssyncset.done $0x0  }
0x18: {  	[sflag:s12] =	ssyncadd.s32 $0xFFFFD880  }
0x19: {  	s18 =	sadd.s32 $0x0, s10;
	[bflag:$0x0] =	sbarrier.arrive $0xFFFF  }
0x1a: {  	[tilespmem:s13], [sflag:$0x2] =	stream.linear.gather [hbm4b:s18+s4], $0x80, $0x38;
	[tilespmem:$0x1A880] =	vst v63  }
0x1b: {  	_ =	swait.ge [sflag:s12], $0x80  }
0x1c: {  	[sflag:s12] =	ssyncset.done $0x0  }
0x1d: {  	[sflag:s12] =	ssyncadd.s32 $0xFFFFFF80  }
0x1e: {  	[tilespmem:s15], [sflag:$0x1] =	stream.indirect.gather [hbm4b:s1+s14], $0x80, s4, s14, $0xb8;
	[tilespmem:$0x1A880] =	vst v63  }
0x1f: {  	_ =	swait.ge [sflag:s16], $0x4000  }
0x20: {  	[sflag:s16] =	ssyncset.done $0x0  }
0x21: {  	[sflag:s16] =	ssyncadd.s32 $0xFFFFC000  }
0x22: {  	[spmem:s3] =	stream.indirect.scatter.add.f32 [tilespmem:s15], [sflag:$0x2], $0x80, s13, s14, $0xb8;
	[tilespmem:$0x1A880] =	vst v63  }
0x23: {  	s19 =	simm.s32 $0x10;
	_ =	swait.ge [sflag:s12], $0x4000  }
0x24: {  	s20 =	simm.s32 $0x20;
	s18 =	simm.s32 $0x80;
	[sflag:s12] =	ssyncset.done $0x0  }
.LBB2_2:
0x25: {  	s21 =	sadd.s32 s19, s10  }
0x26: {  	[sflag:s12] =	ssyncadd.s32 $0xFFFFC000;
	s19 =	smov.u32 s20;
	s22 =	sadd.s32 $0x10, s20  }
0x27: {  	[tilespmem:s13], [sflag:$0x2] =	stream.linear.gather [hbm4b:s21+s4], $0x80, $0x38;
	[tilespmem:$0x1A880] =	vst v63  }
0x28: {  	p0 =	sne.s32 s20, $0x4E0;
	_ =	swait.ge [sflag:s12], $0x80  }
0x29: {  	[sflag:s12] =	ssyncset.done $0x0  }
0x2a: {  	[sflag:s12] =	ssyncadd.s32 $0xFFFFFF80  }
0x2b: {  	[tilespmem:s15], [sflag:$0x1] =	stream.indirect.gather [hbm4b:s1+s14], $0x80, s18, s14, $0xb8;
	[tilespmem:$0x1A880] =	vst v63  }
0x2c: {  	_ =	swait.ge [sflag:s16], $0x4000  }
.Ltmp0:
0x2d: {  	[sflag:s16] =	ssyncset.done $0x0;
	(pc) =	sbr.rel @p0 .LBB2_2-.Ltmp0, $4  }
0x2e: {  	[sflag:s16] =	ssyncadd.s32 $0xFFFFC000  }
0x2f: {  	[spmem:s3] =	stream.indirect.scatter.add.f32 [tilespmem:s15], [sflag:$0x2], $0x80, s13, s14, $0xb8;
	[tilespmem:$0x1A880] =	vst v63  }
0x30: {  	_ =	swait.ge [sflag:s12], $0x4000  }
0x31: {  	s20 =	smov.u32 s22;
	s18 =	sadd.s32 $0x80, s18;
	[sflag:s12] =	ssyncset.done $0x0  }
0x32: {  	s19 =	sadd.s32 s19, s10;
	[sflag:s12] =	ssyncadd.s32 $0xFFFFC000  }
0x33: {  	[tilespmem:s13], [sflag:$0x2] =	stream.linear.gather [hbm4b:s19+s4], $0x80, $0x38;
	[tilespmem:$0x1A880] =	vst v63  }
0x34: {  	_ =	swait.ge [sflag:s12], $0x80  }
0x35: {  	[sflag:s12] =	ssyncset.done $0x0  }
0x36: {  	[sflag:s12] =	ssyncadd.s32 $0xFFFFFF80  }
0x37: {  	[tilespmem:s15], [sflag:$0x1] =	stream.indirect.gather [hbm4b:s1+s14], $0x80, s18, s14, $0xb8;
	[tilespmem:$0x1A880] =	vst v63  }
0x38: {  	_ =	swait.ge [sflag:s16], $0x4000  }
0x39: {  	[sflag:s16] =	ssyncset.done $0x0  }
0x3a: {  	[sflag:s16] =	ssyncadd.s32 $0xFFFFC000  }
0x3b: {  	[spmem:s3] =	stream.indirect.scatter.add.f32 [tilespmem:s15], [sflag:$0x2], $0x80, s13, s14, $0xb8;
	[tilespmem:$0x1A880] =	vst v63  }
0x3c: {  	_ =	swait.ge [sflag:s12], $0x4000  }
0x3d: {  	s17 =	sadd.s32 $0x1, s17;
	[sflag:s12] =	ssyncset.done $0x0  }
0x3e: {  	p0 =	sne.s32 s17, s9;
	[sflag:s12] =	ssyncadd.s32 $0xFFFFC000  }
.Ltmp1:
0x3f: {  	[bflag:$0x0] =	sbarrier.arrive $0xFFFF;
	(pc) =	sbr.rel @p0 .LBB2_1-.Ltmp1, $4  }
0x40: {  	[hbm:s8], [sflag:s6] =	dma.local [spmem:s11], $0x2800  }
0x41: {  	_ =	swait.ge [sflag:s12], $0x2800  }
0x42: {  	[sflag:s12] =	ssyncset.done $0x0  }
0x43: {  	[sflag:s12] =	ssyncadd.s32 $0xFFFFD800  }
0x44: {  	_ =	sfence.sel $0x180000  }
0x45: {  	[bflag:$0x0] =	sbarrier.arrive $0xFFFF  }
0x46: {  	p0 =	sne.s32 s0, $0x0;
	_ =	strace $0x9000004D  }
0x47: {  	s0 =	sadd.s32 @!p0 $0x100000, s2;
	[bflag:$0x2] =	sbarrier.arrive $0xFFFF  }
0x48: {  	[sflag:s0] =	ssyncadd.tile.s32 @!p0 $0x1;
	_ =	shalt  }
.Lfunc_end2:
_tile_overlayer_lowered:
.L_overlay_start_2:
0x49: {  	(tag) =	ssettag $0x2  }
0x4a: {  	s0 =	rddreg [dreg:$0x0];
	s2 =	stileid.u32  }
0x4b: {  	s1 =	rddreg [dreg:$0x1];
	p0 =	sne.s32 s2, $0x0  }
0x4c: {  	s3 =	rddreg [dreg:$0x2];
	[bflag:$0x3] =	sbarrier.arrive $0xFFFF;
	s2 =	simm.s32 @!p0 $0x1C02  }
0x4d: {  	[timem:s3], [sflag:s2] =	dma.local @!p0 [hbm:s0], s1  }
0x4e: {  	s0 =	simm.s32 @!p0 $0x2  }
0x4f: {  	_ =	swait.ge @!p0 [sflag:s0], s1  }
0x50: {  	s1 =	ssub.s32 @!p0 $0x0, s1;
	[sflag:s0] =	ssyncset.done @!p0 $0x0  }
0x51: {  	[sflag:s0] =	ssyncadd.s32 @!p0 s1  }
0x52: {  	[bflag:$0x3] =	sbarrier.arrive $0xFFFF  }
0x53: {  	_ =	shalt  }

// kernel: kernel.25.cloned.1.call-start
scs
__scs_entry_jumppad:
0x0: {  	(pc) =	sbr.rel $0x88, $3  }
0x1: {  	(tag) =	ssettag $0x0;
	lr =	simm.s32 $0x1  }
0x2: {  	[smem:$0x3F75] =	sst lr;
	_ =	strace $0xD0000000  }
0x3: {  	_ = 	snop  }
0x4: {  	_ = 	snop  }
0x5: {  	_ = 	snop  }
0x6: {  	_ = 	snop  }
0x7: {  	_ = 	snop  }
__scs_overlays_trampoline_lowered:
0x8: {  	[smem:$0x3F84] =	sst s0  }
0x9: {  	[smem:$0x3F85] =	sst s1  }
0xa: {  	[smem:$0x3F86] =	sst s2  }
0xb: {  	[smem:$0x3F87] =	sst s3  }
0xc: {  	[smem:$0x3F88] =	sst s4  }
0xd: {  	[smem:$0x3F89] =	sst s5  }
0xe: {  	[smem:$0x3F8A] =	sst s6  }
0xf: {  	[smem:$0x3F8B] =	sst s7  }
0x10: {  	[smem:$0x3F8C] =	sst s8  }
0x11: {  	[smem:$0x3F8D] =	sst s9;
	s0 =	simm.s32 @!p0 $0x0  }
0x12: {  	s1 =	sld [smem:$0x3F73];
	s0 =	simm.s32 @p0 $0x1  }
0x13: {  	[smem:$0x3F8E] =	sst s0;
	s0 =	simm.s32 @!p1 $0x0  }
0x14: {  	s2 =	sld [smem:$0x3F72];
	s0 =	simm.s32 @p1 $0x1  }
0x15: {  	[smem:$0x3F8F] =	sst s0;
	s0 =	simm.s32 @!p2 $0x0  }
0x16: {  	s3 =	sld [smem:$0x3FDB];
	s0 =	simm.s32 @p2 $0x1  }
0x17: {  	s4 =	simm.s32 $0x1BF5;
	[smem:$0x3F91] =	sst s0  }
0x18: {  	s0 =	sld [smem:$0x3F74];
	_ =	swait.ge [sflag:s4], $0x0  }
0x19: {  	s7 =	sld [smem:$0x3F75]  }
0x1a: {  	s8 =	sadd.s32 $0xFFFFE003, lr  }
0x1b: {  	s9 =	sadd.s32 $0xFFFFFEF7, lr;
	s5 =	simm.s32 $0xFFFFFFFF;
	p2 =	slt.u32 s8, $0xFFFFF086  }
0x1c: {  	p1 =	slt.u32 s9, $0xF7A;
	s5 =	simm.s32 @!p2 $0x0  }
0x1d: {  	s5 =	simm.s32 @p1 $0x1;
	p0 =	seq.s32 s7, s2  }
0x1e: {  	s7 =	smul.u32 @!p0 $0xF7A, s2;
	p2 =	seq.s32 @!p0 s5, $0x0  }
0x1f: {  	s9 =	smul.u32 $0xF7A, s1;
	s8 =	simm.s32 @!p0 $0x1BF5;
	p2 =	por !p2, p0  }
0x20: {  	[sflag:s8] =	ssyncset.s32 @!p0 $0xFFFFF086;
	s6 =	sadd.s32 @!p0 s3, s7;
	s7 =	simm.s32 @!p0 $0x108  }
0x21: {  	s3 =	sadd.s32 s3, s9;
	s6 =	sadd.s32 @!p0 $0x88, s6;
	s7 =	simm.s32 @p2 $0x1082  }
0x22: {  	[simem:s7], [sflag:s8] =	dma.local @!p0 [hbm:s6], $0xF7A  }
0x23: {  	s9 =	sor.u32 $0xD0000000, s2;
	s6 =	simm.s32 $0x108;
	_ =	swait.ge @!p0 [sflag:s8], $0x0  }
0x24: {  	s3 =	sadd.s32 $0x88, s3;
	s6 =	simm.s32 @!p1 $0x1082;
	[sflag:s4] =	ssyncset.s32 $0xFFFFF086  }
0x25: {  	[simem:s6], [sflag:s4] =	dma.local [hbm:s3], $0xF7A  }
0x26: {  	[smem:$0x3F75] =	sst s1;
	(tag) =	ssettag s2;
	_ =	strace s9  }
0x27: {  	s1 =	sld [smem:$0x3F85]  }
0x28: {  	s2 =	sld [smem:$0x3F86]  }
0x29: {  	s4 =	sld [smem:$0x3F88]  }
0x2a: {  	p0 =	seq.s32 s5, $0x0;
	s5 =	sld [smem:$0x3F89]  }
0x2b: {  	s6 =	sld [smem:$0x3F8A]  }
0x2c: {  	s7 =	sld [smem:$0x3F8B]  }
0x2d: {  	s3 =	simm.s32 $0x108;
	s8 =	sld [smem:$0x3F8C]  }
0x2e: {  	s3 =	simm.s32 @!p0 $0x1082;
	s9 =	sld [smem:$0x3F8D]  }
0x2f: {  	lr =	sadd.s32 s0, s3;
	s0 =	sld [smem:$0x3F84]  }
0x30: {  	s3 =	sld [smem:$0x3F87]  }
0x31: {  	[smem:$0x3F90] =	sst s10  }
0x32: {  	s10 =	sld [smem:$0x3F8E];
	_ =	sdelay $0x3  }
0x33: {  	p0 =	seq.s32 s10, $0x1;
	s10 =	sld [smem:$0x3F90];
	_ =	sdelay $0x3  }
0x34: {  	[smem:$0x3F90] =	sst s10  }
0x35: {  	s10 =	sld [smem:$0x3F8F];
	_ =	sdelay $0x3  }
0x36: {  	p1 =	seq.s32 s10, $0x1;
	s10 =	sld [smem:$0x3F90];
	_ =	sdelay $0x3  }
0x37: {  	[smem:$0x3F90] =	sst s10  }
0x38: {  	s10 =	sld [smem:$0x3F91]  }
0x39: {  	_ = 	snop;
	(pc) =	sbr.ind lr, $3  }
0x3a: {  	_ = 	snop  }
0x3b: {  	_ = 	snop  }
0x3c: {  	p2 =	seq.s32 s10, $0x1;
	s10 =	sld [smem:$0x3F90]  }
0x3d: {  	_ =	shalt  }
0x3e: {  	_ =	shalt  }
0x3f: {  	_ =	shalt  }
0x40: {  	_ =	shalt  }
0x41: {  	_ =	shalt  }
0x42: {  	_ =	shalt  }
0x43: {  	_ =	shalt  }
0x44: {  	_ =	shalt  }
0x45: {  	_ =	shalt  }
0x46: {  	_ =	shalt  }
0x47: {  	_ =	shalt  }
0x48: {  	_ =	shalt  }
0x49: {  	_ =	shalt  }
0x4a: {  	_ =	shalt  }
0x4b: {  	_ =	shalt  }
0x4c: {  	_ =	shalt  }
0x4d: {  	_ =	shalt  }
0x4e: {  	_ =	shalt  }
0x4f: {  	_ =	shalt  }
0x50: {  	_ =	shalt  }
0x51: {  	_ =	shalt  }
0x52: {  	_ =	shalt  }
0x53: {  	_ =	shalt  }
0x54: {  	_ =	shalt  }
0x55: {  	_ =	shalt  }
0x56: {  	_ =	shalt  }
0x57: {  	_ =	shalt  }
0x58: {  	_ =	shalt  }
0x59: {  	_ =	shalt  }
0x5a: {  	_ =	shalt  }
0x5b: {  	_ =	shalt  }
0x5c: {  	_ =	shalt  }
0x5d: {  	_ =	shalt  }
0x5e: {  	_ =	shalt  }
0x5f: {  	_ =	shalt  }
0x60: {  	_ =	shalt  }
0x61: {  	_ =	shalt  }
0x62: {  	_ =	shalt  }
0x63: {  	_ =	shalt  }
0x64: {  	_ =	shalt  }
0x65: {  	_ =	shalt  }
0x66: {  	_ =	shalt  }
0x67: {  	_ =	shalt  }
0x68: {  	_ =	shalt  }
0x69: {  	_ =	shalt  }
0x6a: {  	_ =	shalt  }
0x6b: {  	_ =	shalt  }
0x6c: {  	_ =	shalt  }
0x6d: {  	_ =	shalt  }
0x6e: {  	_ =	shalt  }
0x6f: {  	_ =	shalt  }
0x70: {  	_ =	shalt  }
0x71: {  	_ =	shalt  }
0x72: {  	_ =	shalt  }
0x73: {  	_ =	shalt  }
0x74: {  	_ =	shalt  }
0x75: {  	_ =	shalt  }
0x76: {  	_ =	shalt  }
0x77: {  	_ =	shalt  }
0x78: {  	_ =	shalt  }
0x79: {  	_ =	shalt  }
0x7a: {  	_ =	shalt  }
0x7b: {  	_ =	shalt  }
0x7c: {  	_ =	shalt  }
0x7d: {  	_ =	shalt  }
0x7e: {  	_ =	shalt  }
0x7f: {  	_ =	shalt  }
0x80: {  	_ =	shalt  }
0x81: {  	_ =	shalt  }
0x82: {  	_ =	shalt  }
0x83: {  	_ =	shalt  }
0x84: {  	_ =	shalt  }
0x85: {  	_ =	shalt  }
0x86: {  	_ =	shalt  }
0x87: {  	_ =	shalt  }
.Lfunc_end0:
.L_simem_size_0:
called_computation.2_lowered:
.L_overlay_start_0:
0x88: {  	s2 =	sld [smem:$0x3FD9]  }
0x89: {  	s3 =	sld [smem:$0x3FFE];
	_ =	sdelay $0x1  }
0x8a: {  	s1 =	srdreg.scid  }
0x8b: {  	s0 =	sand.u32 $0x1, s1  }
0x8c: {  	s17 =	sshll.u32 s0, $0xA;
	s2 =	sadd.s32 s3, s2  }
0x8d: {  	s2 =	sadd.s32 s2, s17  }
0x8e: {  	[smem:$0x3F9C] =	sst s2  }
0x8f: {  	_ = 	snop  }
0x90: {  	(tm) =	ssettm $0x1  }
0x91: {  	s18 =	sld [smem:$0x3FFB];
	_ =	sdelay $0x3  }
0x92: {  	_ =	strace s18  }
0x93: {  	s2 =	sld [smem:$0x3FFC];
	_ =	sdelay $0x3  }
0x94: {  	_ =	strace s2  }
0x95: {  	s2 =	sld [smem:$0x3FFD];
	_ =	sdelay $0x3  }
0x96: {  	_ =	strace s2  }
0x97: {  	_ =	strace $0x8FFFFFFF  }
0x98: {  	s19 =	sld [smem:$0x3FDB];
	_ =	sdelay $0x1  }
0x99: {  	s20 =	simm.s32 $_scs_section_size  }
0x9a: {  	s4 =	simm.s32 $_size__tile_overlayer_lowered;
	s5 =	simm.s32 $_tile_overlayer_lowered  }
0x9b: {  	s6 =	simm.s32 $0x1BFF;
	s21 =	sshll.u32 s5, $0x1;
	s3 =	sadd.s32 s20, s19  }
0x9c: {  	s22 =	simm.s32 $0x0;
	s4 =	sshll.u32 s4, $0x1;
	s5 =	sadd.s32 s21, s3  }
0x9d: {  	[timem:s22], [sflag:s6] =	dma.local [hbm:s5], s4  }
0x9e: {  	_ =	swait.ge [sflag:s6], s4  }
0x9f: {  	s4 =	ssub.s32 $0x0, s4;
	[sflag:s6] =	ssyncset.done $0x0  }
0xa0: {  	[sflag:s6] =	ssyncadd.s32 s4;
	_ =	sdelay $0x1  }
0xa1: {  	s23 =	simm.s32 $0x1B8B  }
0xa2: {  	_ =	swait.ge [sflag:s23], $0x1  }
0xa3: {  	[sflag:s23] =	ssyncset.done $0x0  }
0xa4: {  	[sflag:s23] =	ssyncadd.s32 $0xFFFFFFFF  }
0xa5: {  	s4 =	sld [smem:$0x0]  }
0xa6: {  	s5 =	sand.u32 $0xFFFFFFFE, s1  }
0xa7: {  	p0 =	sne.s32 s1, s5  }
0xa8: {  	s5 =	sshll.u32 @p0 s5, $0xE  }
0xa9: {  	s5 =	sadd.s32 @p0 $0x11B8D, s5;
	s6 =	sshll.u32 @p0 s4, $0x11  }
0xaa: {  	s5 =	sor.u32 @p0 s6, s5  }
0xab: {  	[sflag:s5] =	ssyncadd.remote.s32 @p0 $0x1;
	_ =	sdelay $0x1  }
0xac: {  	s5 =	simm.s32 @p0 $0x1B8D  }
0xad: {  	_ =	swait.eq @p0 [sflag:s5], $0x1  }
0xae: {  	[sflag:s5] =	ssyncadd.s32 @p0 $0xFFFFFFFF  }
0xaf: {  	s6 =	sshll.u32 @!p0 s1, $0xE  }
0xb0: {  	s6 =	sor.u32 @!p0 $0x4000, s6;
	s5 =	simm.s32 @!p0 $0x1B8D  }
0xb1: {  	s4 =	sshll.u32 @!p0 s4, $0x11;
	s6 =	sadd.s32 @!p0 $0x11B8D, s6;
	_ =	swait.eq @!p0 [sflag:s5], $0x1  }
0xb2: {  	s4 =	sor.u32 @!p0 s4, s6;
	[sflag:s5] =	ssyncadd.s32 @!p0 $0xFFFFFFFF  }
0xb3: {  	s25 =	simm.s32 $0x1B8E;
	s24 =	sld [smem:$0x3FFE];
	[sflag:s4] =	ssyncadd.remote.s32 @!p0 $0x1  }
0xb4: {  	s26 =	simm.s32 $execute0_lowered;
	[smem:$0x3FD2] =	sst s25  }
0xb5: {  	s5 =	sshll.u32 s26, $0x1;
	_ =	strace $0x80000049;
	[dreg:$0x1] =	wrdreg $0xFFFFFFFF  }
0xb6: {  	s28 =	simm.s32 $_size_execute0_lowered;
	s3 =	sadd.s32 s3, s5;
	[dreg:$0x0] =	wrdreg $0x0  }
0xb7: {  	s5 =	sshll.u32 s28, $0x1;
	[dreg:$0x2] =	wrdreg s3  }
0xb8: {  	[dreg:$0x3] =	wrdreg s5  }
0xb9: {  	[dreg:$0x4] =	wrdreg $0xC0  }
0xba: {  	_ =	task [dreg:s22], $0x5FFFF  }
0xbb: {  	[dreg:$0x1] =	wrdreg $0xFFFFFFFF  }
0xbc: {  	[dreg:$0x0] =	wrdreg $0x60  }
0xbd: {  	[dreg:$0x2] =	wrdreg s24  }
0xbe: {  	[dreg:$0x3] =	wrdreg $0x40800  }
0xbf: {  	[dreg:$0x4] =	wrdreg $0x9  }
0xc0: {  	_ =	task.clear_ibuf [dreg:s22], $0x5FFFF;
	_ =	strace $0x90000049  }
0xc1: {  	s29 =	simm.s32 $0x9;
	_ =	strace $0x8000004B  }
0xc2: {  	_ =	swait.ge [sflag:s29], $0x1  }
0xc3: {  	[sflag:s29] =	ssyncadd.s32 $0xFFFFFFFF  }
0xc4: {  	_ =	strace $0x9000004B  }
0xc5: {  	_ =	sfence  }
0xc6: {  	s30 =	sld [smem:$0x0];
	_ =	sdelay $0x2  }
0xc7: {  	s31 =	sshll.u32 s1, $0xD;
	s1 =	sshrl.u32 s1, $0x2  }
0xc8: {  	s4 =	sand.u32 $0x4000, s31;
	s1 =	sadd.s32 s1, s30  }
0xc9: {  	s0 =	sor.u32 s4, s0;
	s1 =	sshll.u32 s1, $0x11  }
0xca: {  	s0 =	sor.u32 s1, s0  }
0xcb: {  	s0 =	sadd.s32 $0x8F2B, s0  }
0xcc: {  	[sflag:s0] =	ssyncadd.remote.s32 $0x1  }
0xcd: {  	_ =	sfence.sel $0xFFFF  }
0xce: {  	[dreg:$0x0] =	wrdreg $0xFFFFFFFF;
	(pc) =	sbr.abs _section_cstart, $3  }
0xcf: {  	[dreg:$0x1] =	wrdreg $0xFFFFFFFF  }
0xd0: {  	_ =	task.clear_ibuf [dreg:s22], $0x2FFFF;
	_ =	strace $0x9FFFFFFF  }
0xd1: {  	(tm) =	ssettm $0x7FFFFFFF  }
tec
execute0_lowered:
.L_overlay_start_1:
0x0: {  	(tag) =	ssettag $0x1  }
0x1: {  	s6 =	rddreg [dreg:$0x0];
	s0 =	stileid.u32  }
0x2: {  	s1 =	srdreg.scid;
	s2 =	rddreg [dreg:$0x1]  }
0x3: {  	s3 =	simm.s32 $0x0;
	s14 =	simm.s32 $0x80;
	s4 =	smul.u32 $0x9E0, s0  }
0x4: {  	s7 =	sand.u32 $0x1, s1;
	s1 =	rddreg [dreg:$0x2];
	s8 =	smul.u32 $0x14000, s0  }
0x5: {  	s15 =	simm.s32 $0x0;
	[smem:$0x7FF] =	sst s3;
	s12 =	smul.u32 $0x50000, s0  }
0x6: {  	s29 =	sshll.u32 s0, $0x6;
	s5 =	smul.u32 $0x140000, s7;
	_ =	strace $0x8000004A  }
0x7: {  	s26 =	ssub.s32 $0x2, s7;
	s30 =	smul.u32 $0x4F0, s7;
	s10 =	sadd.s32 s4, s6  }
0x8: {  	s4 =	sadd.s32 $0x21200, s6;
	s11 =	sshrl.u32 s26, $0x1;
	s28 =	sshrl.u32 s12, $0x2  }
0x9: {  	s5 =	sadd.s32 s8, s5;
	s11 =	ssub.s32 s26, s11;
	s13 =	sadd.s32 s28, s2  }
0xa: {  	s31 =	sadd.s32 s30, s10;
	s9 =	sshrl.u32 s5, $0x3;
	s5 =	sadd.s32 $0x1EA00, s6  }
0xb: {  	s10 =	sadd.s32 $0x14C00, s31;
	s12 =	sshrl.u32 s13, $0x3;
	s9 =	sadd.s32 s9, s6  }
0xc: {  	s13 =	simm.s32 $0x1;
	s6 =	sor.u32 $0x1C01, s29;
	s7 =	sadd.s32 $0x21A00, s9  }
0xd: {  	s8 =	sadd.s32 $0x71A00, s9;
	s9 =	smax.u32 s11, $0x1;
	s11 =	sadd.s32 $0xAE00, s31  }
.LBB2_1:
0xe: {  	[spmem:s12], [sflag:s6] =	dma.local [hbm:s5], $0x2800  }
0xf: {  	_ =	swait.ge [sflag:s13], $0x2800  }
0x10: {  	[sflag:s13] =	ssyncset.done $0x0  }
0x11: {  	[sflag:s13] =	ssyncadd.s32 $0xFFFFD800  }
0x12: {  	[tilespmem:s14], [sflag:$0x1] =	stream.linear.gather [hbm4b:s4+s3], $0x4000, $0x38;
	[tilespmem:$0x18080] =	vst v63  }
0x13: {  	_ =	swait.ge [sflag:s13], $0x4000  }
0x14: {  	[sflag:s13] =	ssyncset.done $0x0  }
0x15: {  	[sflag:s13] =	ssyncadd.s32 $0xFFFFC000  }
0x16: {  	s16 =	sadd.s32 $0x0, s10;
	[bflag:$0x0] =	sbarrier.arrive $0xFFFF  }
0x17: {  	[tilespmem:s3], [sflag:$0x1] =	stream.linear.gather [hbm4b:s16+s3], $0x80, $0x38;
	[tilespmem:$0x18080] =	vst v63  }
0x18: {  	_ =	swait.ge [sflag:s13], $0x80  }
0x19: {  	[sflag:s13] =	ssyncset.done $0x0  }
0x1a: {  	[sflag:s13] =	ssyncadd.s32 $0xFFFFFF80  }
0x1b: {  	[spmem:s2] =	stream.indirect.scatter.add.f32 [tilespmem:s14], [sflag:$0x1], $0x80, s3, s14, $0xb8;
	[tilespmem:$0x18080] =	vst v63  }
0x1c: {  	_ =	swait.ge [sflag:s13], $0x4000  }
0x1d: {  	s17 =	simm.s32 $0x20;
	s16 =	simm.s32 $0x10;
	[sflag:s13] =	ssyncset.done $0x0  }
.LBB2_2:
0x1e: {  	s18 =	sadd.s32 s16, s10  }
0x1f: {  	[sflag:s13] =	ssyncadd.s32 $0xFFFFC000;
	s16 =	smov.u32 s17;
	s19 =	sadd.s32 $0x10, s17  }
0x20: {  	[tilespmem:s3], [sflag:$0x1] =	stream.linear.gather [hbm4b:s18+s3], $0x80, $0x38;
	[tilespmem:$0x18080] =	vst v63  }
0x21: {  	p0 =	sne.s32 s17, $0x4E0;
	_ =	swait.ge [sflag:s13], $0x80  }
.Ltmp0:
0x22: {  	[sflag:s13] =	ssyncset.done $0x0;
	(pc) =	sbr.rel @p0 .LBB2_2-.Ltmp0, $4  }
0x23: {  	[sflag:s13] =	ssyncadd.s32 $0xFFFFFF80  }
0x24: {  	[spmem:s2] =	stream.indirect.scatter.add.f32 [tilespmem:s14], [sflag:$0x1], $0x80, s3, s14, $0xb8;
	[tilespmem:$0x18080] =	vst v63  }
0x25: {  	_ =	swait.ge [sflag:s13], $0x4000  }
0x26: {  	s17 =	smov.u32 s19;
	[sflag:s13] =	ssyncset.done $0x0  }
0x27: {  	s16 =	sadd.s32 s16, s10;
	[sflag:s13] =	ssyncadd.s32 $0xFFFFC000  }
0x28: {  	[tilespmem:s3], [sflag:$0x1] =	stream.linear.gather [hbm4b:s16+s3], $0x80, $0x38;
	[tilespmem:$0x18080] =	vst v63  }
0x29: {  	_ =	swait.ge [sflag:s13], $0x80  }
0x2a: {  	[sflag:s13] =	ssyncset.done $0x0  }
0x2b: {  	[sflag:s13] =	ssyncadd.s32 $0xFFFFFF80  }
0x2c: {  	[spmem:s2] =	stream.indirect.scatter.add.f32 [tilespmem:s14], [sflag:$0x1], $0x80, s3, s14, $0xb8;
	[tilespmem:$0x18080] =	vst v63  }
0x2d: {  	_ =	swait.ge [sflag:s13], $0x4000  }
0x2e: {  	[sflag:s13] =	ssyncset.done $0x0  }
0x2f: {  	[sflag:s13] =	ssyncadd.s32 $0xFFFFC000  }
0x30: {  	[bflag:$0x0] =	sbarrier.arrive $0xFFFF  }
0x31: {  	[hbm:s7], [sflag:s6] =	dma.local [spmem:s12], $0x2800  }
0x32: {  	_ =	swait.ge [sflag:s13], $0x2800  }
0x33: {  	[sflag:s13] =	ssyncset.done $0x0  }
0x34: {  	[sflag:s13] =	ssyncadd.s32 $0xFFFFD800  }
0x35: {  	[spmem:s12], [sflag:s6] =	dma.local [hbm:s5], $0x2800  }
0x36: {  	_ =	swait.ge [sflag:s13], $0x2800  }
0x37: {  	[sflag:s13] =	ssyncset.done $0x0  }
0x38: {  	[sflag:s13] =	ssyncadd.s32 $0xFFFFD800  }
0x39: {  	s31 =	sadd.s32 $0x0, s11;
	[bflag:$0x0] =	sbarrier.arrive $0xFFFF  }
0x3a: {  	[tilespmem:s3], [sflag:$0x1] =	stream.linear.gather [hbm4b:s31+s3], $0x80, $0x38;
	[tilespmem:$0x18080] =	vst v63  }
0x3b: {  	_ =	swait.ge [sflag:s13], $0x80  }
0x3c: {  	[sflag:s13] =	ssyncset.done $0x0  }
0x3d: {  	[sflag:s13] =	ssyncadd.s32 $0xFFFFFF80  }
0x3e: {  	[spmem:s2] =	stream.indirect.scatter.add.f32 [tilespmem:s14], [sflag:$0x1], $0x80, s3, s14, $0xb8;
	[tilespmem:$0x18080] =	vst v63  }
0x3f: {  	_ =	swait.ge [sflag:s13], $0x4000  }
0x40: {  	s17 =	simm.s32 $0x20;
	s16 =	simm.s32 $0x10;
	[sflag:s13] =	ssyncset.done $0x0  }
.LBB2_4:
0x41: {  	s18 =	sadd.s32 s16, s11  }
0x42: {  	[sflag:s13] =	ssyncadd.s32 $0xFFFFC000;
	s16 =	smov.u32 s17;
	s19 =	sadd.s32 $0x10, s17  }
0x43: {  	[tilespmem:s3], [sflag:$0x1] =	stream.linear.gather [hbm4b:s18+s3], $0x80, $0x38;
	[tilespmem:$0x18080] =	vst v63  }
0x44: {  	p0 =	sne.s32 s17, $0x4E0;
	_ =	swait.ge [sflag:s13], $0x80  }
.Ltmp1:
0x45: {  	[sflag:s13] =	ssyncset.done $0x0;
	(pc) =	sbr.rel @p0 .LBB2_4-.Ltmp1, $4  }
0x46: {  	[sflag:s13] =	ssyncadd.s32 $0xFFFFFF80  }
0x47: {  	[spmem:s2] =	stream.indirect.scatter.add.f32 [tilespmem:s14], [sflag:$0x1], $0x80, s3, s14, $0xb8;
	[tilespmem:$0x18080] =	vst v63  }
0x48: {  	_ =	swait.ge [sflag:s13], $0x4000  }
0x49: {  	s17 =	smov.u32 s19;
	[sflag:s13] =	ssyncset.done $0x0  }
0x4a: {  	s16 =	sadd.s32 s16, s11;
	[sflag:s13] =	ssyncadd.s32 $0xFFFFC000  }
0x4b: {  	[tilespmem:s3], [sflag:$0x1] =	stream.linear.gather [hbm4b:s16+s3], $0x80, $0x38;
	[tilespmem:$0x18080] =	vst v63  }
0x4c: {  	_ =	swait.ge [sflag:s13], $0x80  }
0x4d: {  	[sflag:s13] =	ssyncset.done $0x0  }
0x4e: {  	[sflag:s13] =	ssyncadd.s32 $0xFFFFFF80  }
0x4f: {  	[spmem:s2] =	stream.indirect.scatter.add.f32 [tilespmem:s14], [sflag:$0x1], $0x80, s3, s14, $0xb8;
	[tilespmem:$0x18080] =	vst v63  }
0x50: {  	_ =	swait.ge [sflag:s13], $0x4000  }
0x51: {  	s15 =	sadd.s32 $0x1, s15;
	[sflag:s13] =	ssyncset.done $0x0  }
0x52: {  	p0 =	sne.s32 s15, s9;
	[sflag:s13] =	ssyncadd.s32 $0xFFFFC000  }
.Ltmp2:
0x53: {  	[bflag:$0x0] =	sbarrier.arrive $0xFFFF;
	(pc) =	sbr.rel @p0 .LBB2_1-.Ltmp2, $4  }
0x54: {  	[hbm:s8], [sflag:s6] =	dma.local [spmem:s12], $0x2800  }
0x55: {  	_ =	swait.ge [sflag:s13], $0x2800  }
0x56: {  	[sflag:s13] =	ssyncset.done $0x0  }
0x57: {  	[sflag:s13] =	ssyncadd.s32 $0xFFFFD800  }
0x58: {  	_ =	sfence.sel $0x180000  }
0x59: {  	[bflag:$0x0] =	sbarrier.arrive $0xFFFF  }
0x5a: {  	p0 =	sne.s32 s0, $0x0;
	_ =	strace $0x9000004A  }
0x5b: {  	s0 =	sadd.s32 @!p0 $0x100000, s1;
	[bflag:$0x2] =	sbarrier.arrive $0xFFFF  }
0x5c: {  	[sflag:s0] =	ssyncadd.tile.s32 @!p0 $0x1;
	_ =	shalt  }
.Lfunc_end2:
_tile_overlayer_lowered:
.L_overlay_start_2:
0x5d: {  	(tag) =	ssettag $0x2  }
0x5e: {  	s0 =	rddreg [dreg:$0x0];
	s2 =	stileid.u32  }
0x5f: {  	s1 =	rddreg [dreg:$0x1];
	p0 =	sne.s32 s2, $0x0  }
0x60: {  	s3 =	rddreg [dreg:$0x2];
	[bflag:$0x3] =	sbarrier.arrive $0xFFFF;
	s2 =	simm.s32 @!p0 $0x1C01  }
0x61: {  	[timem:s3], [sflag:s2] =	dma.local @!p0 [hbm:s0], s1  }
0x62: {  	s0 =	simm.s32 @!p0 $0x1  }
0x63: {  	_ =	swait.ge @!p0 [sflag:s0], s1  }
0x64: {  	s1 =	ssub.s32 @!p0 $0x0, s1;
	[sflag:s0] =	ssyncset.done @!p0 $0x0  }
0x65: {  	[sflag:s0] =	ssyncadd.s32 @!p0 s1  }
0x66: {  	[bflag:$0x3] =	sbarrier.arrive $0xFFFF  }
0x67: {  	_ =	shalt  }

// kernel: kernel.28.cloned.1.call-start
scs
__scs_entry_jumppad:
0x0: {  	(pc) =	sbr.rel $0x88, $3  }
0x1: {  	(tag) =	ssettag $0x0;
	lr =	simm.s32 $0x1  }
0x2: {  	[smem:$0x3F75] =	sst lr;
	_ =	strace $0xD0000000  }
0x3: {  	_ = 	snop  }
0x4: {  	_ = 	snop  }
0x5: {  	_ = 	snop  }
0x6: {  	_ = 	snop  }
0x7: {  	_ = 	snop  }
__scs_overlays_trampoline_lowered:
0x8: {  	[smem:$0x3F84] =	sst s0  }
0x9: {  	[smem:$0x3F85] =	sst s1  }
0xa: {  	[smem:$0x3F86] =	sst s2  }
0xb: {  	[smem:$0x3F87] =	sst s3  }
0xc: {  	[smem:$0x3F88] =	sst s4  }
0xd: {  	[smem:$0x3F89] =	sst s5  }
0xe: {  	[smem:$0x3F8A] =	sst s6  }
0xf: {  	[smem:$0x3F8B] =	sst s7  }
0x10: {  	[smem:$0x3F8C] =	sst s8  }
0x11: {  	[smem:$0x3F8D] =	sst s9;
	s0 =	simm.s32 @!p0 $0x0  }
0x12: {  	s1 =	sld [smem:$0x3F73];
	s0 =	simm.s32 @p0 $0x1  }
0x13: {  	[smem:$0x3F8E] =	sst s0;
	s0 =	simm.s32 @!p1 $0x0  }
0x14: {  	s2 =	sld [smem:$0x3F72];
	s0 =	simm.s32 @p1 $0x1  }
0x15: {  	[smem:$0x3F8F] =	sst s0;
	s0 =	simm.s32 @!p2 $0x0  }
0x16: {  	s3 =	sld [smem:$0x3FDB];
	s0 =	simm.s32 @p2 $0x1  }
0x17: {  	s4 =	simm.s32 $0x1BF5;
	[smem:$0x3F91] =	sst s0  }
0x18: {  	s0 =	sld [smem:$0x3F74];
	_ =	swait.ge [sflag:s4], $0x0  }
0x19: {  	s7 =	sld [smem:$0x3F75]  }
0x1a: {  	s8 =	sadd.s32 $0xFFFFE003, lr  }
0x1b: {  	s9 =	sadd.s32 $0xFFFFFEF7, lr;
	s5 =	simm.s32 $0xFFFFFFFF;
	p2 =	slt.u32 s8, $0xFFFFF086  }
0x1c: {  	p1 =	slt.u32 s9, $0xF7A;
	s5 =	simm.s32 @!p2 $0x0  }
0x1d: {  	s5 =	simm.s32 @p1 $0x1;
	p0 =	seq.s32 s7, s2  }
0x1e: {  	s7 =	smul.u32 @!p0 $0xF7A, s2;
	p2 =	seq.s32 @!p0 s5, $0x0  }
0x1f: {  	s9 =	smul.u32 $0xF7A, s1;
	s8 =	simm.s32 @!p0 $0x1BF5;
	p2 =	por !p2, p0  }
0x20: {  	[sflag:s8] =	ssyncset.s32 @!p0 $0xFFFFF086;
	s6 =	sadd.s32 @!p0 s3, s7;
	s7 =	simm.s32 @!p0 $0x108  }
0x21: {  	s3 =	sadd.s32 s3, s9;
	s6 =	sadd.s32 @!p0 $0x88, s6;
	s7 =	simm.s32 @p2 $0x1082  }
0x22: {  	[simem:s7], [sflag:s8] =	dma.local @!p0 [hbm:s6], $0xF7A  }
0x23: {  	s9 =	sor.u32 $0xD0000000, s2;
	s6 =	simm.s32 $0x108;
	_ =	swait.ge @!p0 [sflag:s8], $0x0  }
0x24: {  	s3 =	sadd.s32 $0x88, s3;
	s6 =	simm.s32 @!p1 $0x1082;
	[sflag:s4] =	ssyncset.s32 $0xFFFFF086  }
0x25: {  	[simem:s6], [sflag:s4] =	dma.local [hbm:s3], $0xF7A  }
0x26: {  	[smem:$0x3F75] =	sst s1;
	(tag) =	ssettag s2;
	_ =	strace s9  }
0x27: {  	s1 =	sld [smem:$0x3F85]  }
0x28: {  	s2 =	sld [smem:$0x3F86]  }
0x29: {  	s4 =	sld [smem:$0x3F88]  }
0x2a: {  	p0 =	seq.s32 s5, $0x0;
	s5 =	sld [smem:$0x3F89]  }
0x2b: {  	s6 =	sld [smem:$0x3F8A]  }
0x2c: {  	s7 =	sld [smem:$0x3F8B]  }
0x2d: {  	s3 =	simm.s32 $0x108;
	s8 =	sld [smem:$0x3F8C]  }
0x2e: {  	s3 =	simm.s32 @!p0 $0x1082;
	s9 =	sld [smem:$0x3F8D]  }
0x2f: {  	lr =	sadd.s32 s0, s3;
	s0 =	sld [smem:$0x3F84]  }
0x30: {  	s3 =	sld [smem:$0x3F87]  }
0x31: {  	[smem:$0x3F90] =	sst s10  }
0x32: {  	s10 =	sld [smem:$0x3F8E];
	_ =	sdelay $0x3  }
0x33: {  	p0 =	seq.s32 s10, $0x1;
	s10 =	sld [smem:$0x3F90];
	_ =	sdelay $0x3  }
0x34: {  	[smem:$0x3F90] =	sst s10  }
0x35: {  	s10 =	sld [smem:$0x3F8F];
	_ =	sdelay $0x3  }
0x36: {  	p1 =	seq.s32 s10, $0x1;
	s10 =	sld [smem:$0x3F90];
	_ =	sdelay $0x3  }
0x37: {  	[smem:$0x3F90] =	sst s10  }
0x38: {  	s10 =	sld [smem:$0x3F91]  }
0x39: {  	_ = 	snop;
	(pc) =	sbr.ind lr, $3  }
0x3a: {  	_ = 	snop  }
0x3b: {  	_ = 	snop  }
0x3c: {  	p2 =	seq.s32 s10, $0x1;
	s10 =	sld [smem:$0x3F90]  }
0x3d: {  	_ =	shalt  }
0x3e: {  	_ =	shalt  }
0x3f: {  	_ =	shalt  }
0x40: {  	_ =	shalt  }
0x41: {  	_ =	shalt  }
0x42: {  	_ =	shalt  }
0x43: {  	_ =	shalt  }
0x44: {  	_ =	shalt  }
0x45: {  	_ =	shalt  }
0x46: {  	_ =	shalt  }
0x47: {  	_ =	shalt  }
0x48: {  	_ =	shalt  }
0x49: {  	_ =	shalt  }
0x4a: {  	_ =	shalt  }
0x4b: {  	_ =	shalt  }
0x4c: {  	_ =	shalt  }
0x4d: {  	_ =	shalt  }
0x4e: {  	_ =	shalt  }
0x4f: {  	_ =	shalt  }
0x50: {  	_ =	shalt  }
0x51: {  	_ =	shalt  }
0x52: {  	_ =	shalt  }
0x53: {  	_ =	shalt  }
0x54: {  	_ =	shalt  }
0x55: {  	_ =	shalt  }
0x56: {  	_ =	shalt  }
0x57: {  	_ =	shalt  }
0x58: {  	_ =	shalt  }
0x59: {  	_ =	shalt  }
0x5a: {  	_ =	shalt  }
0x5b: {  	_ =	shalt  }
0x5c: {  	_ =	shalt  }
0x5d: {  	_ =	shalt  }
0x5e: {  	_ =	shalt  }
0x5f: {  	_ =	shalt  }
0x60: {  	_ =	shalt  }
0x61: {  	_ =	shalt  }
0x62: {  	_ =	shalt  }
0x63: {  	_ =	shalt  }
0x64: {  	_ =	shalt  }
0x65: {  	_ =	shalt  }
0x66: {  	_ =	shalt  }
0x67: {  	_ =	shalt  }
0x68: {  	_ =	shalt  }
0x69: {  	_ =	shalt  }
0x6a: {  	_ =	shalt  }
0x6b: {  	_ =	shalt  }
0x6c: {  	_ =	shalt  }
0x6d: {  	_ =	shalt  }
0x6e: {  	_ =	shalt  }
0x6f: {  	_ =	shalt  }
0x70: {  	_ =	shalt  }
0x71: {  	_ =	shalt  }
0x72: {  	_ =	shalt  }
0x73: {  	_ =	shalt  }
0x74: {  	_ =	shalt  }
0x75: {  	_ =	shalt  }
0x76: {  	_ =	shalt  }
0x77: {  	_ =	shalt  }
0x78: {  	_ =	shalt  }
0x79: {  	_ =	shalt  }
0x7a: {  	_ =	shalt  }
0x7b: {  	_ =	shalt  }
0x7c: {  	_ =	shalt  }
0x7d: {  	_ =	shalt  }
0x7e: {  	_ =	shalt  }
0x7f: {  	_ =	shalt  }
0x80: {  	_ =	shalt  }
0x81: {  	_ =	shalt  }
0x82: {  	_ =	shalt  }
0x83: {  	_ =	shalt  }
0x84: {  	_ =	shalt  }
0x85: {  	_ =	shalt  }
0x86: {  	_ =	shalt  }
0x87: {  	_ =	shalt  }
.Lfunc_end0:
.L_simem_size_0:
called_computation.3_lowered:
.L_overlay_start_0:
0x88: {  	s2 =	sld [smem:$0x3FD9]  }
0x89: {  	s3 =	sld [smem:$0x3FFE];
	_ =	sdelay $0x1  }
0x8a: {  	s1 =	srdreg.scid  }
0x8b: {  	s0 =	sand.u32 $0x1, s1  }
0x8c: {  	s14 =	sshll.u32 s0, $0xA;
	s2 =	sadd.s32 s3, s2  }
0x8d: {  	s2 =	sadd.s32 s2, s14  }
0x8e: {  	[smem:$0x3F9C] =	sst s2  }
0x8f: {  	_ = 	snop  }
0x90: {  	s2 =	sld [smem:$0x3FD0];
	_ =	sdelay $0x2  }
0x91: {  	s15 =	simm.s32 $0xB;
	s4 =	simm.s32 $0x10  }
0x92: {  	[smem:s4], [sflag:s15] =	dma.local [hbm:s2], $0x1  }
0x93: {  	_ =	swait.eq [sflag:s15], $0x1  }
0x94: {  	[sflag:s15] =	ssyncset.done $0x0  }
0x95: {  	[sflag:s15] =	ssyncadd.s32 $0xFFFFFFFF  }
0x96: {  	s16 =	sld [smem:$0x14];
	(tm) =	ssettm $0x1  }
0x97: {  	s17 =	sld [smem:$0x3FFB];
	_ =	sdelay $0x3  }
0x98: {  	_ =	strace s17  }
0x99: {  	s3 =	sld [smem:$0x3FFC];
	_ =	sdelay $0x3  }
0x9a: {  	_ =	strace s3  }
0x9b: {  	s3 =	sld [smem:$0x3FFD];
	_ =	sdelay $0x3  }
0x9c: {  	_ =	strace s3  }
0x9d: {  	_ =	strace $0x8FFFFFFF  }
0x9e: {  	s18 =	sld [smem:$0x3FDB];
	_ =	sdelay $0x1  }
0x9f: {  	s19 =	simm.s32 $_scs_section_size  }
0xa0: {  	s5 =	simm.s32 $_size__tile_overlayer_lowered;
	s6 =	simm.s32 $_tile_overlayer_lowered  }
0xa1: {  	s22 =	simm.s32 $0x1BFF;
	s21 =	sshll.u32 s6, $0x1;
	s3 =	sadd.s32 s19, s18  }
0xa2: {  	s7 =	simm.s32 $0x0;
	s20 =	sshll.u32 s5, $0x1;
	s5 =	sadd.s32 s21, s3  }
0xa3: {  	[timem:s7], [sflag:s22] =	dma.local [hbm:s5], s20  }
0xa4: {  	_ =	swait.ge [sflag:s22], s20  }
0xa5: {  	s4 =	ssub.s32 $0x0, s20;
	[sflag:s22] =	ssyncset.done $0x0  }
0xa6: {  	[sflag:s22] =	ssyncadd.s32 s4;
	_ =	sdelay $0x1  }
0xa7: {  	s23 =	simm.s32 $0x1B8B  }
0xa8: {  	_ =	swait.ge [sflag:s23], $0x1  }
0xa9: {  	[sflag:s23] =	ssyncset.done $0x0  }
0xaa: {  	s25 =	simm.s32 $0x1B8E;
	s24 =	sld [smem:$0x3FFE];
	[sflag:s23] =	ssyncadd.s32 $0xFFFFFFFF  }
0xab: {  	s26 =	simm.s32 $execute0_lowered;
	[smem:$0x3FD2] =	sst s25  }
0xac: {  	s5 =	sshll.u32 s26, $0x1;
	_ =	strace $0x8000004F;
	[dreg:$0x1] =	wrdreg $0xFFFFFFFF  }
0xad: {  	s28 =	simm.s32 $_size_execute0_lowered;
	s3 =	sadd.s32 s3, s5;
	[dreg:$0x0] =	wrdreg $0x0  }
0xae: {  	s5 =	sshll.u32 s28, $0x1;
	[dreg:$0x2] =	wrdreg s3  }
0xaf: {  	[dreg:$0x3] =	wrdreg s5  }
0xb0: {  	[dreg:$0x4] =	wrdreg $0xC0  }
0xb1: {  	_ =	task [dreg:s7], $0x5FFFF  }
0xb2: {  	[dreg:$0x1] =	wrdreg $0xFFFFFFFF  }
0xb3: {  	[dreg:$0x0] =	wrdreg $0x60  }
0xb4: {  	[dreg:$0x2] =	wrdreg s16  }
0xb5: {  	[dreg:$0x3] =	wrdreg s24  }
0xb6: {  	[dreg:$0x4] =	wrdreg $0x68800  }
0xb7: {  	[dreg:$0x5] =	wrdreg $0x9  }
0xb8: {  	_ =	task.clear_ibuf [dreg:s7], $0x6FFFF;
	_ =	strace $0x9000004F  }
0xb9: {  	s29 =	simm.s32 $0x9;
	_ =	strace $0x80000051  }
0xba: {  	_ =	swait.ge [sflag:s29], $0x1  }
0xbb: {  	[sflag:s29] =	ssyncadd.s32 $0xFFFFFFFF  }
0xbc: {  	_ =	strace $0x90000051  }
0xbd: {  	_ =	sfence  }
0xbe: {  	s30 =	sld [smem:$0x0];
	_ =	sdelay $0x2  }
0xbf: {  	s31 =	sshll.u32 s1, $0xD;
	s1 =	sshrl.u32 s1, $0x2  }
0xc0: {  	s3 =	sand.u32 $0x4000, s31;
	s1 =	sadd.s32 s1, s30  }
0xc1: {  	s0 =	sor.u32 s3, s0;
	s1 =	sshll.u32 s1, $0x11  }
0xc2: {  	s0 =	sor.u32 s1, s0  }
0xc3: {  	s0 =	sadd.s32 $0x8F2B, s0  }
0xc4: {  	[sflag:s0] =	ssyncadd.remote.s32 $0x1  }
0xc5: {  	_ =	sfence.sel $0xFFFF  }
0xc6: {  	[dreg:$0x0] =	wrdreg $0xFFFFFFFF;
	(pc) =	sbr.abs _section_cstart, $3  }
0xc7: {  	[dreg:$0x1] =	wrdreg $0xFFFFFFFF  }
0xc8: {  	_ =	task.clear_ibuf [dreg:s7], $0x2FFFF;
	_ =	strace $0x9FFFFFFF  }
0xc9: {  	(tm) =	ssettm $0x7FFFFFFF  }
tec
execute0_lowered:
.L_overlay_start_1:
0x0: {  	(tag) =	ssettag $0x1  }
0x1: {  	s1 =	srdreg.scid;
	s2 =	rddreg [dreg:$0x0]  }
0x2: {  	s0 =	stileid.u32;
	s7 =	rddreg [dreg:$0x1]  }
0x3: {  	s3 =	rddreg [dreg:$0x2];
	s4 =	simm.s32 $0x0;
	s8 =	smul.u32 $0x9E0, s0  }
0x4: {  	s16 =	simm.s32 $0x1;
	s17 =	simm.s32 $0x0;
	s10 =	smul.u32 $0x14000, s0  }
0x5: {  	s6 =	sand.u32 $0x1, s1;
	s24 =	sshll.u32 s0, $0x1;
	s29 =	smul.u32 $0x50000, s0  }
0x6: {  	[smem:$0x7FF] =	sst s4;
	s13 =	sshll.u32 s0, $0x6;
	s9 =	smul.u32 $0x140000, s6  }
0x7: {  	s1 =	sor.u32 s6, s24;
	s28 =	ssub.s32 $0x2, s6;
	s14 =	smul.u32 $0x4F0, s6  }
0x8: {  	s6 =	sor.u32 $0x1C02, s13;
	s13 =	simm.s32 $0x2800;
	s5 =	smul.u32 $0x500, s1  }
0x9: {  	s1 =	rddreg [dreg:$0x3];
	_ =	strace $0x80000050;
	s12 =	sadd.s32 s8, s7  }
0xa: {  	s30 =	sshrl.u32 s28, $0x1;
	s25 =	sadd.s32 s10, s9;
	s10 =	sshrl.u32 s29, $0x2  }
0xb: {  	s9 =	ssub.s32 s28, s30;
	s31 =	sadd.s32 s14, s12;
	s12 =	simm.s32 $0x2  }
0xc: {  	s14 =	simm.s32 $0x80;
	s11 =	sadd.s32 s5, s7;
	s26 =	sshrl.u32 s25, $0x3  }
0xd: {  	s5 =	sadd.s32 $0x1EA00, s7;
	s15 =	sadd.s32 s10, s3;
	s9 =	smax.u32 s9, $0x1  }
0xe: {  	s10 =	sadd.s32 $0xAE00, s31;
	s8 =	sadd.s32 s26, s7;
	s7 =	sadd.s32 $0x111A00, s11  }
0xf: {  	s11 =	sshrl.u32 s15, $0x3;
	s15 =	simm.s32 $0x2880;
	s8 =	sadd.s32 $0xC1A00, s8  }
.LBB2_1:
0x10: {  	[spmem:s11], [sflag:s6] =	dma.local [hbm:s5], $0x2800  }
0x11: {  	_ =	swait.ge [sflag:s12], $0x2800  }
0x12: {  	[sflag:s12] =	ssyncset.done $0x0  }
0x13: {  	[sflag:s12] =	ssyncadd.s32 $0xFFFFD800  }
0x14: {  	[tilespmem:s4], [sflag:$0x2] =	stream.linear.gather [hbm4b:s7+s4], $0x2780, $0x38;
	[tilespmem:$0x1A880] =	vst v63  }
0x15: {  	_ =	swait.ge [sflag:s12], $0x2780  }
0x16: {  	[sflag:s12] =	ssyncset.done $0x0  }
0x17: {  	[sflag:s12] =	ssyncadd.s32 $0xFFFFD880  }
0x18: {  	s18 =	sadd.s32 $0x0, s10;
	[bflag:$0x0] =	sbarrier.arrive $0xFFFF  }
0x19: {  	[tilespmem:s13], [sflag:$0x2] =	stream.linear.gather [hbm4b:s18+s4], $0x80, $0x38;
	[tilespmem:$0x1A880] =	vst v63  }
0x1a: {  	_ =	swait.ge [sflag:s12], $0x80  }
0x1b: {  	[sflag:s12] =	ssyncset.done $0x0  }
0x1c: {  	[sflag:s12] =	ssyncadd.s32 $0xFFFFFF80  }
0x1d: {  	[tilespmem:s15], [sflag:$0x1] =	stream.indirect.gather [hbm4b:s2+s14], $0x80, s4, s14, $0xb8;
	[tilespmem:$0x1A880] =	vst v63  }
0x1e: {  	_ =	swait.ge [sflag:s16], $0x4000  }
0x1f: {  	[sflag:s16] =	ssyncset.done $0x0  }
0x20: {  	[sflag:s16] =	ssyncadd.s32 $0xFFFFC000  }
0x21: {  	[spmem:s3] =	stream.indirect.scatter.add.f32 [tilespmem:s15], [sflag:$0x2], $0x80, s13, s14, $0xb8;
	[tilespmem:$0x1A880] =	vst v63  }
0x22: {  	s19 =	simm.s32 $0x10;
	_ =	swait.ge [sflag:s12], $0x4000  }
0x23: {  	s20 =	simm.s32 $0x20;
	s18 =	simm.s32 $0x80;
	[sflag:s12] =	ssyncset.done $0x0  }
.LBB2_2:
0x24: {  	s21 =	sadd.s32 s19, s10  }
0x25: {  	[sflag:s12] =	ssyncadd.s32 $0xFFFFC000;
	s19 =	smov.u32 s20;
	s22 =	sadd.s32 $0x10, s20  }
0x26: {  	[tilespmem:s13], [sflag:$0x2] =	stream.linear.gather [hbm4b:s21+s4], $0x80, $0x38;
	[tilespmem:$0x1A880] =	vst v63  }
0x27: {  	p0 =	sne.s32 s20, $0x4E0;
	_ =	swait.ge [sflag:s12], $0x80  }
0x28: {  	[sflag:s12] =	ssyncset.done $0x0  }
0x29: {  	[sflag:s12] =	ssyncadd.s32 $0xFFFFFF80  }
0x2a: {  	[tilespmem:s15], [sflag:$0x1] =	stream.indirect.gather [hbm4b:s2+s14], $0x80, s18, s14, $0xb8;
	[tilespmem:$0x1A880] =	vst v63  }
0x2b: {  	_ =	swait.ge [sflag:s16], $0x4000  }
.Ltmp0:
0x2c: {  	[sflag:s16] =	ssyncset.done $0x0;
	(pc) =	sbr.rel @p0 .LBB2_2-.Ltmp0, $4  }
0x2d: {  	[sflag:s16] =	ssyncadd.s32 $0xFFFFC000  }
0x2e: {  	[spmem:s3] =	stream.indirect.scatter.add.f32 [tilespmem:s15], [sflag:$0x2], $0x80, s13, s14, $0xb8;
	[tilespmem:$0x1A880] =	vst v63  }
0x2f: {  	_ =	swait.ge [sflag:s12], $0x4000  }
0x30: {  	s20 =	smov.u32 s22;
	s18 =	sadd.s32 $0x80, s18;
	[sflag:s12] =	ssyncset.done $0x0  }
0x31: {  	s19 =	sadd.s32 s19, s10;
	[sflag:s12] =	ssyncadd.s32 $0xFFFFC000  }
0x32: {  	[tilespmem:s13], [sflag:$0x2] =	stream.linear.gather [hbm4b:s19+s4], $0x80, $0x38;
	[tilespmem:$0x1A880] =	vst v63  }
0x33: {  	_ =	swait.ge [sflag:s12], $0x80  }
0x34: {  	[sflag:s12] =	ssyncset.done $0x0  }
0x35: {  	[sflag:s12] =	ssyncadd.s32 $0xFFFFFF80  }
0x36: {  	[tilespmem:s15], [sflag:$0x1] =	stream.indirect.gather [hbm4b:s2+s14], $0x80, s18, s14, $0xb8;
	[tilespmem:$0x1A880] =	vst v63  }
0x37: {  	_ =	swait.ge [sflag:s16], $0x4000  }
0x38: {  	[sflag:s16] =	ssyncset.done $0x0  }
0x39: {  	[sflag:s16] =	ssyncadd.s32 $0xFFFFC000  }
0x3a: {  	[spmem:s3] =	stream.indirect.scatter.add.f32 [tilespmem:s15], [sflag:$0x2], $0x80, s13, s14, $0xb8;
	[tilespmem:$0x1A880] =	vst v63  }
0x3b: {  	_ =	swait.ge [sflag:s12], $0x4000  }
0x3c: {  	s17 =	sadd.s32 $0x1, s17;
	[sflag:s12] =	ssyncset.done $0x0  }
0x3d: {  	p0 =	sne.s32 s17, s9;
	[sflag:s12] =	ssyncadd.s32 $0xFFFFC000  }
.Ltmp1:
0x3e: {  	[bflag:$0x0] =	sbarrier.arrive $0xFFFF;
	(pc) =	sbr.rel @p0 .LBB2_1-.Ltmp1, $4  }
0x3f: {  	[hbm:s8], [sflag:s6] =	dma.local [spmem:s11], $0x2800  }
0x40: {  	_ =	swait.ge [sflag:s12], $0x2800  }
0x41: {  	[sflag:s12] =	ssyncset.done $0x0  }
0x42: {  	[sflag:s12] =	ssyncadd.s32 $0xFFFFD800  }
0x43: {  	_ =	sfence.sel $0x180000  }
0x44: {  	[bflag:$0x0] =	sbarrier.arrive $0xFFFF  }
0x45: {  	p0 =	sne.s32 s0, $0x0;
	_ =	strace $0x90000050  }
0x46: {  	s0 =	sadd.s32 @!p0 $0x100000, s1;
	[bflag:$0x2] =	sbarrier.arrive $0xFFFF  }
0x47: {  	[sflag:s0] =	ssyncadd.tile.s32 @!p0 $0x1;
	_ =	shalt  }
.Lfunc_end2:
_tile_overlayer_lowered:
.L_overlay_start_2:
0x48: {  	(tag) =	ssettag $0x2  }
0x49: {  	s0 =	rddreg [dreg:$0x0];
	s2 =	stileid.u32  }
0x4a: {  	s1 =	rddreg [dreg:$0x1];
	p0 =	sne.s32 s2, $0x0  }
0x4b: {  	s3 =	rddreg [dreg:$0x2];
	[bflag:$0x3] =	sbarrier.arrive $0xFFFF;
	s2 =	simm.s32 @!p0 $0x1C02  }
0x4c: {  	[timem:s3], [sflag:s2] =	dma.local @!p0 [hbm:s0], s1  }
0x4d: {  	s0 =	simm.s32 @!p0 $0x2  }
0x4e: {  	_ =	swait.ge @!p0 [sflag:s0], s1  }
0x4f: {  	s1 =	ssub.s32 @!p0 $0x0, s1;
	[sflag:s0] =	ssyncset.done @!p0 $0x0  }
0x50: {  	[sflag:s0] =	ssyncadd.s32 @!p0 s1  }
0x51: {  	[bflag:$0x3] =	sbarrier.arrive $0xFFFF  }
0x52: {  	_ =	shalt  }

// kernel: kernel.31.cloned.1.call-start
scs
__scs_entry_jumppad:
0x0: {  	(pc) =	sbr.rel $0x88, $3  }
0x1: {  	(tag) =	ssettag $0x0;
	lr =	simm.s32 $0x1  }
0x2: {  	[smem:$0x3F75] =	sst lr;
	_ =	strace $0xD0000000  }
0x3: {  	_ = 	snop  }
0x4: {  	_ = 	snop  }
0x5: {  	_ = 	snop  }
0x6: {  	_ = 	snop  }
0x7: {  	_ = 	snop  }
__scs_overlays_trampoline_lowered:
0x8: {  	[smem:$0x3F84] =	sst s0  }
0x9: {  	[smem:$0x3F85] =	sst s1  }
0xa: {  	[smem:$0x3F86] =	sst s2  }
0xb: {  	[smem:$0x3F87] =	sst s3  }
0xc: {  	[smem:$0x3F88] =	sst s4  }
0xd: {  	[smem:$0x3F89] =	sst s5  }
0xe: {  	[smem:$0x3F8A] =	sst s6  }
0xf: {  	[smem:$0x3F8B] =	sst s7  }
0x10: {  	[smem:$0x3F8C] =	sst s8  }
0x11: {  	[smem:$0x3F8D] =	sst s9;
	s0 =	simm.s32 @!p0 $0x0  }
0x12: {  	s1 =	sld [smem:$0x3F73];
	s0 =	simm.s32 @p0 $0x1  }
0x13: {  	[smem:$0x3F8E] =	sst s0;
	s0 =	simm.s32 @!p1 $0x0  }
0x14: {  	s2 =	sld [smem:$0x3F72];
	s0 =	simm.s32 @p1 $0x1  }
0x15: {  	[smem:$0x3F8F] =	sst s0;
	s0 =	simm.s32 @!p2 $0x0  }
0x16: {  	s3 =	sld [smem:$0x3FDB];
	s0 =	simm.s32 @p2 $0x1  }
0x17: {  	s4 =	simm.s32 $0x1BF5;
	[smem:$0x3F91] =	sst s0  }
0x18: {  	s0 =	sld [smem:$0x3F74];
	_ =	swait.ge [sflag:s4], $0x0  }
0x19: {  	s7 =	sld [smem:$0x3F75]  }
0x1a: {  	s8 =	sadd.s32 $0xFFFFE003, lr  }
0x1b: {  	s9 =	sadd.s32 $0xFFFFFEF7, lr;
	s5 =	simm.s32 $0xFFFFFFFF;
	p2 =	slt.u32 s8, $0xFFFFF086  }
0x1c: {  	p1 =	slt.u32 s9, $0xF7A;
	s5 =	simm.s32 @!p2 $0x0  }
0x1d: {  	s5 =	simm.s32 @p1 $0x1;
	p0 =	seq.s32 s7, s2  }
0x1e: {  	s7 =	smul.u32 @!p0 $0xF7A, s2;
	p2 =	seq.s32 @!p0 s5, $0x0  }
0x1f: {  	s9 =	smul.u32 $0xF7A, s1;
	s8 =	simm.s32 @!p0 $0x1BF5;
	p2 =	por !p2, p0  }
0x20: {  	[sflag:s8] =	ssyncset.s32 @!p0 $0xFFFFF086;
	s6 =	sadd.s32 @!p0 s3, s7;
	s7 =	simm.s32 @!p0 $0x108  }
0x21: {  	s3 =	sadd.s32 s3, s9;
	s6 =	sadd.s32 @!p0 $0x88, s6;
	s7 =	simm.s32 @p2 $0x1082  }
0x22: {  	[simem:s7], [sflag:s8] =	dma.local @!p0 [hbm:s6], $0xF7A  }
0x23: {  	s9 =	sor.u32 $0xD0000000, s2;
	s6 =	simm.s32 $0x108;
	_ =	swait.ge @!p0 [sflag:s8], $0x0  }
0x24: {  	s3 =	sadd.s32 $0x88, s3;
	s6 =	simm.s32 @!p1 $0x1082;
	[sflag:s4] =	ssyncset.s32 $0xFFFFF086  }
0x25: {  	[simem:s6], [sflag:s4] =	dma.local [hbm:s3], $0xF7A  }
0x26: {  	[smem:$0x3F75] =	sst s1;
	(tag) =	ssettag s2;
	_ =	strace s9  }
0x27: {  	s1 =	sld [smem:$0x3F85]  }
0x28: {  	s2 =	sld [smem:$0x3F86]  }
0x29: {  	s4 =	sld [smem:$0x3F88]  }
0x2a: {  	p0 =	seq.s32 s5, $0x0;
	s5 =	sld [smem:$0x3F89]  }
0x2b: {  	s6 =	sld [smem:$0x3F8A]  }
0x2c: {  	s7 =	sld [smem:$0x3F8B]  }
0x2d: {  	s3 =	simm.s32 $0x108;
	s8 =	sld [smem:$0x3F8C]  }
0x2e: {  	s3 =	simm.s32 @!p0 $0x1082;
	s9 =	sld [smem:$0x3F8D]  }
0x2f: {  	lr =	sadd.s32 s0, s3;
	s0 =	sld [smem:$0x3F84]  }
0x30: {  	s3 =	sld [smem:$0x3F87]  }
0x31: {  	[smem:$0x3F90] =	sst s10  }
0x32: {  	s10 =	sld [smem:$0x3F8E];
	_ =	sdelay $0x3  }
0x33: {  	p0 =	seq.s32 s10, $0x1;
	s10 =	sld [smem:$0x3F90];
	_ =	sdelay $0x3  }
0x34: {  	[smem:$0x3F90] =	sst s10  }
0x35: {  	s10 =	sld [smem:$0x3F8F];
	_ =	sdelay $0x3  }
0x36: {  	p1 =	seq.s32 s10, $0x1;
	s10 =	sld [smem:$0x3F90];
	_ =	sdelay $0x3  }
0x37: {  	[smem:$0x3F90] =	sst s10  }
0x38: {  	s10 =	sld [smem:$0x3F91]  }
0x39: {  	_ = 	snop;
	(pc) =	sbr.ind lr, $3  }
0x3a: {  	_ = 	snop  }
0x3b: {  	_ = 	snop  }
0x3c: {  	p2 =	seq.s32 s10, $0x1;
	s10 =	sld [smem:$0x3F90]  }
0x3d: {  	_ =	shalt  }
0x3e: {  	_ =	shalt  }
0x3f: {  	_ =	shalt  }
0x40: {  	_ =	shalt  }
0x41: {  	_ =	shalt  }
0x42: {  	_ =	shalt  }
0x43: {  	_ =	shalt  }
0x44: {  	_ =	shalt  }
0x45: {  	_ =	shalt  }
0x46: {  	_ =	shalt  }
0x47: {  	_ =	shalt  }
0x48: {  	_ =	shalt  }
0x49: {  	_ =	shalt  }
0x4a: {  	_ =	shalt  }
0x4b: {  	_ =	shalt  }
0x4c: {  	_ =	shalt  }
0x4d: {  	_ =	shalt  }
0x4e: {  	_ =	shalt  }
0x4f: {  	_ =	shalt  }
0x50: {  	_ =	shalt  }
0x51: {  	_ =	shalt  }
0x52: {  	_ =	shalt  }
0x53: {  	_ =	shalt  }
0x54: {  	_ =	shalt  }
0x55: {  	_ =	shalt  }
0x56: {  	_ =	shalt  }
0x57: {  	_ =	shalt  }
0x58: {  	_ =	shalt  }
0x59: {  	_ =	shalt  }
0x5a: {  	_ =	shalt  }
0x5b: {  	_ =	shalt  }
0x5c: {  	_ =	shalt  }
0x5d: {  	_ =	shalt  }
0x5e: {  	_ =	shalt  }
0x5f: {  	_ =	shalt  }
0x60: {  	_ =	shalt  }
0x61: {  	_ =	shalt  }
0x62: {  	_ =	shalt  }
0x63: {  	_ =	shalt  }
0x64: {  	_ =	shalt  }
0x65: {  	_ =	shalt  }
0x66: {  	_ =	shalt  }
0x67: {  	_ =	shalt  }
0x68: {  	_ =	shalt  }
0x69: {  	_ =	shalt  }
0x6a: {  	_ =	shalt  }
0x6b: {  	_ =	shalt  }
0x6c: {  	_ =	shalt  }
0x6d: {  	_ =	shalt  }
0x6e: {  	_ =	shalt  }
0x6f: {  	_ =	shalt  }
0x70: {  	_ =	shalt  }
0x71: {  	_ =	shalt  }
0x72: {  	_ =	shalt  }
0x73: {  	_ =	shalt  }
0x74: {  	_ =	shalt  }
0x75: {  	_ =	shalt  }
0x76: {  	_ =	shalt  }
0x77: {  	_ =	shalt  }
0x78: {  	_ =	shalt  }
0x79: {  	_ =	shalt  }
0x7a: {  	_ =	shalt  }
0x7b: {  	_ =	shalt  }
0x7c: {  	_ =	shalt  }
0x7d: {  	_ =	shalt  }
0x7e: {  	_ =	shalt  }
0x7f: {  	_ =	shalt  }
0x80: {  	_ =	shalt  }
0x81: {  	_ =	shalt  }
0x82: {  	_ =	shalt  }
0x83: {  	_ =	shalt  }
0x84: {  	_ =	shalt  }
0x85: {  	_ =	shalt  }
0x86: {  	_ =	shalt  }
0x87: {  	_ =	shalt  }
.Lfunc_end0:
.L_simem_size_0:
called_computation.4_lowered:
.L_overlay_start_0:
0x88: {  	s2 =	sld [smem:$0x3FD9]  }
0x89: {  	s3 =	sld [smem:$0x3FFE];
	_ =	sdelay $0x1  }
0x8a: {  	s1 =	srdreg.scid  }
0x8b: {  	s0 =	sand.u32 $0x1, s1  }
0x8c: {  	s14 =	sshll.u32 s0, $0xA;
	s2 =	sadd.s32 s3, s2  }
0x8d: {  	s2 =	sadd.s32 s2, s14  }
0x8e: {  	[smem:$0x3F9C] =	sst s2  }
0x8f: {  	_ = 	snop  }
0x90: {  	s2 =	sld [smem:$0x3FD0];
	_ =	sdelay $0x2  }
0x91: {  	s15 =	simm.s32 $0xB;
	s4 =	simm.s32 $0x10  }
0x92: {  	[smem:s4], [sflag:s15] =	dma.local [hbm:s2], $0x1  }
0x93: {  	_ =	swait.eq [sflag:s15], $0x1  }
0x94: {  	[sflag:s15] =	ssyncset.done $0x0  }
0x95: {  	s16 =	sld [smem:$0x12];
	[sflag:s15] =	ssyncadd.s32 $0xFFFFFFFF  }
0x96: {  	s17 =	sld [smem:$0x14];
	(tm) =	ssettm $0x1  }
0x97: {  	s18 =	sld [smem:$0x3FFB];
	_ =	sdelay $0x3  }
0x98: {  	_ =	strace s18  }
0x99: {  	s4 =	sld [smem:$0x3FFC];
	_ =	sdelay $0x3  }
0x9a: {  	_ =	strace s4  }
0x9b: {  	s4 =	sld [smem:$0x3FFD];
	_ =	sdelay $0x3  }
0x9c: {  	_ =	strace s4  }
0x9d: {  	_ =	strace $0x8FFFFFFF  }
0x9e: {  	s19 =	sld [smem:$0x3FDB];
	_ =	sdelay $0x1  }
0x9f: {  	s5 =	simm.s32 $_scs_section_size  }
0xa0: {  	s6 =	simm.s32 $_size__tile_overlayer_lowered;
	s7 =	simm.s32 $_tile_overlayer_lowered  }
0xa1: {  	s22 =	simm.s32 $0x1BFF;
	s21 =	sshll.u32 s7, $0x1;
	s4 =	sadd.s32 s5, s19  }
0xa2: {  	s8 =	simm.s32 $0x0;
	s20 =	sshll.u32 s6, $0x1;
	s6 =	sadd.s32 s21, s4  }
0xa3: {  	[timem:s8], [sflag:s22] =	dma.local [hbm:s6], s20  }
0xa4: {  	_ =	swait.ge [sflag:s22], s20  }
0xa5: {  	s5 =	ssub.s32 $0x0, s20;
	[sflag:s22] =	ssyncset.done $0x0  }
0xa6: {  	[sflag:s22] =	ssyncadd.s32 s5;
	_ =	sdelay $0x1  }
0xa7: {  	s23 =	simm.s32 $0x1B8B  }
0xa8: {  	_ =	swait.ge [sflag:s23], $0x1  }
0xa9: {  	[sflag:s23] =	ssyncset.done $0x0  }
0xaa: {  	s25 =	simm.s32 $0x1B8E;
	s24 =	sld [smem:$0x3FFE];
	[sflag:s23] =	ssyncadd.s32 $0xFFFFFFFF  }
0xab: {  	s26 =	simm.s32 $execute0_lowered;
	[smem:$0x3FD2] =	sst s25  }
0xac: {  	s6 =	sshll.u32 s26, $0x1;
	_ =	strace $0x80000052;
	[dreg:$0x1] =	wrdreg $0xFFFFFFFF  }
0xad: {  	s28 =	simm.s32 $_size_execute0_lowered;
	s4 =	sadd.s32 s4, s6;
	[dreg:$0x0] =	wrdreg $0x0  }
0xae: {  	s6 =	sshll.u32 s28, $0x1;
	[dreg:$0x2] =	wrdreg s4  }
0xaf: {  	[dreg:$0x3] =	wrdreg s6  }
0xb0: {  	[dreg:$0x4] =	wrdreg $0xC0  }
0xb1: {  	_ =	task [dreg:s8], $0x5FFFF  }
0xb2: {  	[dreg:$0x1] =	wrdreg $0xFFFFFFFF  }
0xb3: {  	[dreg:$0x0] =	wrdreg $0x60  }
0xb4: {  	[dreg:$0x2] =	wrdreg s17  }
0xb5: {  	[dreg:$0x3] =	wrdreg s16  }
0xb6: {  	[dreg:$0x4] =	wrdreg s24  }
0xb7: {  	[dreg:$0x5] =	wrdreg $0x68800  }
0xb8: {  	[dreg:$0x6] =	wrdreg $0x9  }
0xb9: {  	_ =	task.clear_ibuf [dreg:s8], $0x7FFFF;
	_ =	strace $0x90000052  }
0xba: {  	s29 =	simm.s32 $0x9;
	_ =	strace $0x80000054  }
0xbb: {  	_ =	swait.ge [sflag:s29], $0x1  }
0xbc: {  	[sflag:s29] =	ssyncadd.s32 $0xFFFFFFFF  }
0xbd: {  	_ =	strace $0x90000054  }
0xbe: {  	_ =	sfence  }
0xbf: {  	s30 =	sld [smem:$0x0];
	_ =	sdelay $0x2  }
0xc0: {  	s31 =	sshll.u32 s1, $0xD;
	s1 =	sshrl.u32 s1, $0x2  }
0xc1: {  	s3 =	sand.u32 $0x4000, s31;
	s1 =	sadd.s32 s1, s30  }
0xc2: {  	s0 =	sor.u32 s3, s0;
	s1 =	sshll.u32 s1, $0x11  }
0xc3: {  	s0 =	sor.u32 s1, s0  }
0xc4: {  	s0 =	sadd.s32 $0x8F2B, s0  }
0xc5: {  	[sflag:s0] =	ssyncadd.remote.s32 $0x1  }
0xc6: {  	_ =	sfence.sel $0xFFFF  }
0xc7: {  	[dreg:$0x0] =	wrdreg $0xFFFFFFFF;
	(pc) =	sbr.abs _section_cstart, $3  }
0xc8: {  	[dreg:$0x1] =	wrdreg $0xFFFFFFFF  }
0xc9: {  	_ =	task.clear_ibuf [dreg:s8], $0x2FFFF;
	_ =	strace $0x9FFFFFFF  }
0xca: {  	(tm) =	ssettm $0x7FFFFFFF  }
0xcb: {  	_ =	shalt  }
tec
execute0_lowered:
.L_overlay_start_1:
0x0: {  	(tag) =	ssettag $0x1  }
0x1: {  	s1 =	rddreg [dreg:$0x0]  }
0x2: {  	s7 =	rddreg [dreg:$0x1]  }
0x3: {  	s0 =	stileid.u32;
	s6 =	rddreg [dreg:$0x2]  }
0x4: {  	s2 =	srdreg.scid;
	s3 =	rddreg [dreg:$0x3];
	s4 =	simm.s32 $0x0  }
0x5: {  	s16 =	simm.s32 $0x1;
	s17 =	simm.s32 $0x0;
	s5 =	smul.u32 $0x9E0, s0  }
0x6: {  	s8 =	sand.u32 $0x1, s2;
	s2 =	rddreg [dreg:$0x4];
	s10 =	smul.u32 $0x14000, s0  }
0x7: {  	[smem:$0x7FF] =	sst s4;
	s29 =	sshll.u32 s0, $0x1;
	s13 =	smul.u32 $0x50000, s0  }
0x8: {  	s14 =	sshll.u32 s0, $0x6;
	s9 =	smul.u32 $0x140000, s8;
	_ =	strace $0x80000053  }
0x9: {  	s12 =	ssub.s32 $0x2, s8;
	s15 =	smul.u32 $0x4F0, s8;
	s11 =	sadd.s32 s5, s6  }
0xa: {  	s5 =	sadd.s32 $0x1EA00, s6;
	s30 =	sshrl.u32 s12, $0x1;
	s13 =	sshrl.u32 s13, $0x2  }
0xb: {  	s9 =	sadd.s32 s10, s9;
	s10 =	sor.u32 s8, s29;
	s12 =	ssub.s32 s12, s30  }
0xc: {  	s13 =	sadd.s32 s13, s3;
	s31 =	sadd.s32 s15, s11;
	s15 =	simm.s32 $0x2880  }
0xd: {  	s9 =	sshrl.u32 s9, $0x3;
	s10 =	smul.u32 $0x500, s10;
	s11 =	sshrl.u32 s13, $0x3  }
0xe: {  	s13 =	simm.s32 $0x2800;
	s9 =	sadd.s32 s9, s6;
	s6 =	sor.u32 $0x1C02, s14  }
0xf: {  	s14 =	simm.s32 $0x80;
	s7 =	sadd.s32 s7, s10;
	s8 =	sadd.s32 $0xC1A00, s9  }
0x10: {  	s9 =	smax.u32 s12, $0x1;
	s10 =	sadd.s32 $0x14C00, s31;
	s12 =	simm.s32 $0x2  }
.LBB2_1:
0x11: {  	[spmem:s11], [sflag:s6] =	dma.local [hbm:s5], $0x2800  }
0x12: {  	_ =	swait.ge [sflag:s12], $0x2800  }
0x13: {  	[sflag:s12] =	ssyncset.done $0x0  }
0x14: {  	[sflag:s12] =	ssyncadd.s32 $0xFFFFD800  }
0x15: {  	[tilespmem:s4], [sflag:$0x2] =	stream.linear.gather [hbm4b:s7+s4], $0x2780, $0x38;
	[tilespmem:$0x1A880] =	vst v63  }
0x16: {  	_ =	swait.ge [sflag:s12], $0x2780  }
0x17: {  	[sflag:s12] =	ssyncset.done $0x0  }
0x18: {  	[sflag:s12] =	ssyncadd.s32 $0xFFFFD880  }
0x19: {  	s18 =	sadd.s32 $0x0, s10;
	[bflag:$0x0] =	sbarrier.arrive $0xFFFF  }
0x1a: {  	[tilespmem:s13], [sflag:$0x2] =	stream.linear.gather [hbm4b:s18+s4], $0x80, $0x38;
	[tilespmem:$0x1A880] =	vst v63  }
0x1b: {  	_ =	swait.ge [sflag:s12], $0x80  }
0x1c: {  	[sflag:s12] =	ssyncset.done $0x0  }
0x1d: {  	[sflag:s12] =	ssyncadd.s32 $0xFFFFFF80  }
0x1e: {  	[tilespmem:s15], [sflag:$0x1] =	stream.indirect.gather [hbm4b:s1+s14], $0x80, s4, s14, $0xb8;
	[tilespmem:$0x1A880] =	vst v63  }
0x1f: {  	_ =	swait.ge [sflag:s16], $0x4000  }
0x20: {  	[sflag:s16] =	ssyncset.done $0x0  }
0x21: {  	[sflag:s16] =	ssyncadd.s32 $0xFFFFC000  }
0x22: {  	[spmem:s3] =	stream.indirect.scatter.add.f32 [tilespmem:s15], [sflag:$0x2], $0x80, s13, s14, $0xb8;
	[tilespmem:$0x1A880] =	vst v63  }
0x23: {  	s19 =	simm.s32 $0x10;
	_ =	swait.ge [sflag:s12], $0x4000  }
0x24: {  	s20 =	simm.s32 $0x20;
	s18 =	simm.s32 $0x80;
	[sflag:s12] =	ssyncset.done $0x0  }
.LBB2_2:
0x25: {  	s21 =	sadd.s32 s19, s10  }
0x26: {  	[sflag:s12] =	ssyncadd.s32 $0xFFFFC000;
	s19 =	smov.u32 s20;
	s22 =	sadd.s32 $0x10, s20  }
0x27: {  	[tilespmem:s13], [sflag:$0x2] =	stream.linear.gather [hbm4b:s21+s4], $0x80, $0x38;
	[tilespmem:$0x1A880] =	vst v63  }
0x28: {  	p0 =	sne.s32 s20, $0x4E0;
	_ =	swait.ge [sflag:s12], $0x80  }
0x29: {  	[sflag:s12] =	ssyncset.done $0x0  }
0x2a: {  	[sflag:s12] =	ssyncadd.s32 $0xFFFFFF80  }
0x2b: {  	[tilespmem:s15], [sflag:$0x1] =	stream.indirect.gather [hbm4b:s1+s14], $0x80, s18, s14, $0xb8;
	[tilespmem:$0x1A880] =	vst v63  }
0x2c: {  	_ =	swait.ge [sflag:s16], $0x4000  }
.Ltmp0:
0x2d: {  	[sflag:s16] =	ssyncset.done $0x0;
	(pc) =	sbr.rel @p0 .LBB2_2-.Ltmp0, $4  }
0x2e: {  	[sflag:s16] =	ssyncadd.s32 $0xFFFFC000  }
0x2f: {  	[spmem:s3] =	stream.indirect.scatter.add.f32 [tilespmem:s15], [sflag:$0x2], $0x80, s13, s14, $0xb8;
	[tilespmem:$0x1A880] =	vst v63  }
0x30: {  	_ =	swait.ge [sflag:s12], $0x4000  }
0x31: {  	s20 =	smov.u32 s22;
	s18 =	sadd.s32 $0x80, s18;
	[sflag:s12] =	ssyncset.done $0x0  }
0x32: {  	s19 =	sadd.s32 s19, s10;
	[sflag:s12] =	ssyncadd.s32 $0xFFFFC000  }
0x33: {  	[tilespmem:s13], [sflag:$0x2] =	stream.linear.gather [hbm4b:s19+s4], $0x80, $0x38;
	[tilespmem:$0x1A880] =	vst v63  }
0x34: {  	_ =	swait.ge [sflag:s12], $0x80  }
0x35: {  	[sflag:s12] =	ssyncset.done $0x0  }
0x36: {  	[sflag:s12] =	ssyncadd.s32 $0xFFFFFF80  }
0x37: {  	[tilespmem:s15], [sflag:$0x1] =	stream.indirect.gather [hbm4b:s1+s14], $0x80, s18, s14, $0xb8;
	[tilespmem:$0x1A880] =	vst v63  }
0x38: {  	_ =	swait.ge [sflag:s16], $0x4000  }
0x39: {  	[sflag:s16] =	ssyncset.done $0x0  }
0x3a: {  	[sflag:s16] =	ssyncadd.s32 $0xFFFFC000  }
0x3b: {  	[spmem:s3] =	stream.indirect.scatter.add.f32 [tilespmem:s15], [sflag:$0x2], $0x80, s13, s14, $0xb8;
	[tilespmem:$0x1A880] =	vst v63  }
0x3c: {  	_ =	swait.ge [sflag:s12], $0x4000  }
0x3d: {  	s17 =	sadd.s32 $0x1, s17;
	[sflag:s12] =	ssyncset.done $0x0  }
0x3e: {  	p0 =	sne.s32 s17, s9;
	[sflag:s12] =	ssyncadd.s32 $0xFFFFC000  }
.Ltmp1:
0x3f: {  	[bflag:$0x0] =	sbarrier.arrive $0xFFFF;
	(pc) =	sbr.rel @p0 .LBB2_1-.Ltmp1, $4  }
0x40: {  	[hbm:s8], [sflag:s6] =	dma.local [spmem:s11], $0x2800  }
0x41: {  	_ =	swait.ge [sflag:s12], $0x2800  }
0x42: {  	[sflag:s12] =	ssyncset.done $0x0  }
0x43: {  	[sflag:s12] =	ssyncadd.s32 $0xFFFFD800  }
0x44: {  	_ =	sfence.sel $0x180000  }
0x45: {  	[bflag:$0x0] =	sbarrier.arrive $0xFFFF  }
0x46: {  	p0 =	sne.s32 s0, $0x0;
	_ =	strace $0x90000053  }
0x47: {  	s0 =	sadd.s32 @!p0 $0x100000, s2;
	[bflag:$0x2] =	sbarrier.arrive $0xFFFF  }
0x48: {  	[sflag:s0] =	ssyncadd.tile.s32 @!p0 $0x1;
	_ =	shalt  }
.Lfunc_end2:
_tile_overlayer_lowered:
.L_overlay_start_2:
0x49: {  	(tag) =	ssettag $0x2  }
0x4a: {  	s0 =	rddreg [dreg:$0x0];
	s2 =	stileid.u32  }
0x4b: {  	s1 =	rddreg [dreg:$0x1];
	p0 =	sne.s32 s2, $0x0  }
0x4c: {  	s3 =	rddreg [dreg:$0x2];
	[bflag:$0x3] =	sbarrier.arrive $0xFFFF;
	s2 =	simm.s32 @!p0 $0x1C02  }
0x4d: {  	[timem:s3], [sflag:s2] =	dma.local @!p0 [hbm:s0], s1  }
0x4e: {  	s0 =	simm.s32 @!p0 $0x2  }
0x4f: {  	_ =	swait.ge @!p0 [sflag:s0], s1  }
0x50: {  	s1 =	ssub.s32 @!p0 $0x0, s1;
	[sflag:s0] =	ssyncset.done @!p0 $0x0  }
0x51: {  	[sflag:s0] =	ssyncadd.s32 @!p0 s1  }
0x52: {  	[bflag:$0x3] =	sbarrier.arrive $0xFFFF  }
0x53: {  	_ =	shalt  }

// kernel: kernel.34.cloned.1.call-start
scs
__scs_entry_jumppad:
0x0: {  	(pc) =	sbr.rel $0x88, $3  }
0x1: {  	(tag) =	ssettag $0x0;
	lr =	simm.s32 $0x1  }
0x2: {  	[smem:$0x3F75] =	sst lr;
	_ =	strace $0xD0000000  }
0x3: {  	_ = 	snop  }
0x4: {  	_ = 	snop  }
0x5: {  	_ = 	snop  }
0x6: {  	_ = 	snop  }
0x7: {  	_ = 	snop  }
__scs_overlays_trampoline_lowered:
0x8: {  	[smem:$0x3F84] =	sst s0  }
0x9: {  	[smem:$0x3F85] =	sst s1  }
0xa: {  	[smem:$0x3F86] =	sst s2  }
0xb: {  	[smem:$0x3F87] =	sst s3  }
0xc: {  	[smem:$0x3F88] =	sst s4  }
0xd: {  	[smem:$0x3F89] =	sst s5  }
0xe: {  	[smem:$0x3F8A] =	sst s6  }
0xf: {  	[smem:$0x3F8B] =	sst s7  }
0x10: {  	[smem:$0x3F8C] =	sst s8  }
0x11: {  	[smem:$0x3F8D] =	sst s9;
	s0 =	simm.s32 @!p0 $0x0  }
0x12: {  	s1 =	sld [smem:$0x3F73];
	s0 =	simm.s32 @p0 $0x1  }
0x13: {  	[smem:$0x3F8E] =	sst s0;
	s0 =	simm.s32 @!p1 $0x0  }
0x14: {  	s2 =	sld [smem:$0x3F72];
	s0 =	simm.s32 @p1 $0x1  }
0x15: {  	[smem:$0x3F8F] =	sst s0;
	s0 =	simm.s32 @!p2 $0x0  }
0x16: {  	s3 =	sld [smem:$0x3FDB];
	s0 =	simm.s32 @p2 $0x1  }
0x17: {  	s4 =	simm.s32 $0x1BF5;
	[smem:$0x3F91] =	sst s0  }
0x18: {  	s0 =	sld [smem:$0x3F74];
	_ =	swait.ge [sflag:s4], $0x0  }
0x19: {  	s7 =	sld [smem:$0x3F75]  }
0x1a: {  	s8 =	sadd.s32 $0xFFFFE003, lr  }
0x1b: {  	s9 =	sadd.s32 $0xFFFFFEF7, lr;
	s5 =	simm.s32 $0xFFFFFFFF;
	p2 =	slt.u32 s8, $0xFFFFF086  }
0x1c: {  	p1 =	slt.u32 s9, $0xF7A;
	s5 =	simm.s32 @!p2 $0x0  }
0x1d: {  	s5 =	simm.s32 @p1 $0x1;
	p0 =	seq.s32 s7, s2  }
0x1e: {  	s7 =	smul.u32 @!p0 $0xF7A, s2;
	p2 =	seq.s32 @!p0 s5, $0x0  }
0x1f: {  	s9 =	smul.u32 $0xF7A, s1;
	s8 =	simm.s32 @!p0 $0x1BF5;
	p2 =	por !p2, p0  }
0x20: {  	[sflag:s8] =	ssyncset.s32 @!p0 $0xFFFFF086;
	s6 =	sadd.s32 @!p0 s3, s7;
	s7 =	simm.s32 @!p0 $0x108  }
0x21: {  	s3 =	sadd.s32 s3, s9;
	s6 =	sadd.s32 @!p0 $0x88, s6;
	s7 =	simm.s32 @p2 $0x1082  }
0x22: {  	[simem:s7], [sflag:s8] =	dma.local @!p0 [hbm:s6], $0xF7A  }
0x23: {  	s9 =	sor.u32 $0xD0000000, s2;
	s6 =	simm.s32 $0x108;
	_ =	swait.ge @!p0 [sflag:s8], $0x0  }
0x24: {  	s3 =	sadd.s32 $0x88, s3;
	s6 =	simm.s32 @!p1 $0x1082;
	[sflag:s4] =	ssyncset.s32 $0xFFFFF086  }
0x25: {  	[simem:s6], [sflag:s4] =	dma.local [hbm:s3], $0xF7A  }
0x26: {  	[smem:$0x3F75] =	sst s1;
	(tag) =	ssettag s2;
	_ =	strace s9  }
0x27: {  	s1 =	sld [smem:$0x3F85]  }
0x28: {  	s2 =	sld [smem:$0x3F86]  }
0x29: {  	s4 =	sld [smem:$0x3F88]  }
0x2a: {  	p0 =	seq.s32 s5, $0x0;
	s5 =	sld [smem:$0x3F89]  }
0x2b: {  	s6 =	sld [smem:$0x3F8A]  }
0x2c: {  	s7 =	sld [smem:$0x3F8B]  }
0x2d: {  	s3 =	simm.s32 $0x108;
	s8 =	sld [smem:$0x3F8C]  }
0x2e: {  	s3 =	simm.s32 @!p0 $0x1082;
	s9 =	sld [smem:$0x3F8D]  }
0x2f: {  	lr =	sadd.s32 s0, s3;
	s0 =	sld [smem:$0x3F84]  }
0x30: {  	s3 =	sld [smem:$0x3F87]  }
0x31: {  	[smem:$0x3F90] =	sst s10  }
0x32: {  	s10 =	sld [smem:$0x3F8E];
	_ =	sdelay $0x3  }
0x33: {  	p0 =	seq.s32 s10, $0x1;
	s10 =	sld [smem:$0x3F90];
	_ =	sdelay $0x3  }
0x34: {  	[smem:$0x3F90] =	sst s10  }
0x35: {  	s10 =	sld [smem:$0x3F8F];
	_ =	sdelay $0x3  }
0x36: {  	p1 =	seq.s32 s10, $0x1;
	s10 =	sld [smem:$0x3F90];
	_ =	sdelay $0x3  }
0x37: {  	[smem:$0x3F90] =	sst s10  }
0x38: {  	s10 =	sld [smem:$0x3F91]  }
0x39: {  	_ = 	snop;
	(pc) =	sbr.ind lr, $3  }
0x3a: {  	_ = 	snop  }
0x3b: {  	_ = 	snop  }
0x3c: {  	p2 =	seq.s32 s10, $0x1;
	s10 =	sld [smem:$0x3F90]  }
0x3d: {  	_ =	shalt  }
0x3e: {  	_ =	shalt  }
0x3f: {  	_ =	shalt  }
0x40: {  	_ =	shalt  }
0x41: {  	_ =	shalt  }
0x42: {  	_ =	shalt  }
0x43: {  	_ =	shalt  }
0x44: {  	_ =	shalt  }
0x45: {  	_ =	shalt  }
0x46: {  	_ =	shalt  }
0x47: {  	_ =	shalt  }
0x48: {  	_ =	shalt  }
0x49: {  	_ =	shalt  }
0x4a: {  	_ =	shalt  }
0x4b: {  	_ =	shalt  }
0x4c: {  	_ =	shalt  }
0x4d: {  	_ =	shalt  }
0x4e: {  	_ =	shalt  }
0x4f: {  	_ =	shalt  }
0x50: {  	_ =	shalt  }
0x51: {  	_ =	shalt  }
0x52: {  	_ =	shalt  }
0x53: {  	_ =	shalt  }
0x54: {  	_ =	shalt  }
0x55: {  	_ =	shalt  }
0x56: {  	_ =	shalt  }
0x57: {  	_ =	shalt  }
0x58: {  	_ =	shalt  }
0x59: {  	_ =	shalt  }
0x5a: {  	_ =	shalt  }
0x5b: {  	_ =	shalt  }
0x5c: {  	_ =	shalt  }
0x5d: {  	_ =	shalt  }
0x5e: {  	_ =	shalt  }
0x5f: {  	_ =	shalt  }
0x60: {  	_ =	shalt  }
0x61: {  	_ =	shalt  }
0x62: {  	_ =	shalt  }
0x63: {  	_ =	shalt  }
0x64: {  	_ =	shalt  }
0x65: {  	_ =	shalt  }
0x66: {  	_ =	shalt  }
0x67: {  	_ =	shalt  }
0x68: {  	_ =	shalt  }
0x69: {  	_ =	shalt  }
0x6a: {  	_ =	shalt  }
0x6b: {  	_ =	shalt  }
0x6c: {  	_ =	shalt  }
0x6d: {  	_ =	shalt  }
0x6e: {  	_ =	shalt  }
0x6f: {  	_ =	shalt  }
0x70: {  	_ =	shalt  }
0x71: {  	_ =	shalt  }
0x72: {  	_ =	shalt  }
0x73: {  	_ =	shalt  }
0x74: {  	_ =	shalt  }
0x75: {  	_ =	shalt  }
0x76: {  	_ =	shalt  }
0x77: {  	_ =	shalt  }
0x78: {  	_ =	shalt  }
0x79: {  	_ =	shalt  }
0x7a: {  	_ =	shalt  }
0x7b: {  	_ =	shalt  }
0x7c: {  	_ =	shalt  }
0x7d: {  	_ =	shalt  }
0x7e: {  	_ =	shalt  }
0x7f: {  	_ =	shalt  }
0x80: {  	_ =	shalt  }
0x81: {  	_ =	shalt  }
0x82: {  	_ =	shalt  }
0x83: {  	_ =	shalt  }
0x84: {  	_ =	shalt  }
0x85: {  	_ =	shalt  }
0x86: {  	_ =	shalt  }
0x87: {  	_ =	shalt  }
.Lfunc_end0:
.L_simem_size_0:
called_computation.5_lowered:
.L_overlay_start_0:
0x88: {  	s2 =	sld [smem:$0x3FD9]  }
0x89: {  	s3 =	sld [smem:$0x3FFE];
	_ =	sdelay $0x1  }
0x8a: {  	s1 =	srdreg.scid  }
0x8b: {  	s0 =	sand.u32 $0x1, s1  }
0x8c: {  	s14 =	sshll.u32 s0, $0xA;
	s2 =	sadd.s32 s3, s2  }
0x8d: {  	s2 =	sadd.s32 s2, s14  }
0x8e: {  	[smem:$0x3F9C] =	sst s2  }
0x8f: {  	_ = 	snop  }
0x90: {  	s2 =	sld [smem:$0x3FD0];
	_ =	sdelay $0x2  }
0x91: {  	s15 =	simm.s32 $0xB;
	s4 =	simm.s32 $0x10  }
0x92: {  	[smem:s4], [sflag:s15] =	dma.local [hbm:s2], $0x1  }
0x93: {  	_ =	swait.eq [sflag:s15], $0x1  }
0x94: {  	[sflag:s15] =	ssyncset.done $0x0  }
0x95: {  	[sflag:s15] =	ssyncadd.s32 $0xFFFFFFFF  }
0x96: {  	s16 =	sld [smem:$0x14];
	(tm) =	ssettm $0x1  }
0x97: {  	s17 =	sld [smem:$0x3FFB];
	_ =	sdelay $0x3  }
0x98: {  	_ =	strace s17  }
0x99: {  	s3 =	sld [smem:$0x3FFC];
	_ =	sdelay $0x3  }
0x9a: {  	_ =	strace s3  }
0x9b: {  	s3 =	sld [smem:$0x3FFD];
	_ =	sdelay $0x3  }
0x9c: {  	_ =	strace s3  }
0x9d: {  	_ =	strace $0x8FFFFFFF  }
0x9e: {  	s18 =	sld [smem:$0x3FDB];
	_ =	sdelay $0x1  }
0x9f: {  	s19 =	simm.s32 $_scs_section_size  }
0xa0: {  	s5 =	simm.s32 $_size__tile_overlayer_lowered;
	s6 =	simm.s32 $_tile_overlayer_lowered  }
0xa1: {  	s22 =	simm.s32 $0x1BFF;
	s21 =	sshll.u32 s6, $0x1;
	s3 =	sadd.s32 s19, s18  }
0xa2: {  	s7 =	simm.s32 $0x0;
	s20 =	sshll.u32 s5, $0x1;
	s5 =	sadd.s32 s21, s3  }
0xa3: {  	[timem:s7], [sflag:s22] =	dma.local [hbm:s5], s20  }
0xa4: {  	_ =	swait.ge [sflag:s22], s20  }
0xa5: {  	s4 =	ssub.s32 $0x0, s20;
	[sflag:s22] =	ssyncset.done $0x0  }
0xa6: {  	[sflag:s22] =	ssyncadd.s32 s4;
	_ =	sdelay $0x1  }
0xa7: {  	s23 =	simm.s32 $0x1B8B  }
0xa8: {  	_ =	swait.ge [sflag:s23], $0x1  }
0xa9: {  	[sflag:s23] =	ssyncset.done $0x0  }
0xaa: {  	s25 =	simm.s32 $0x1B8E;
	s24 =	sld [smem:$0x3FFE];
	[sflag:s23] =	ssyncadd.s32 $0xFFFFFFFF  }
0xab: {  	s26 =	simm.s32 $execute0_lowered;
	[smem:$0x3FD2] =	sst s25  }
0xac: {  	s5 =	sshll.u32 s26, $0x1;
	_ =	strace $0x80000055;
	[dreg:$0x1] =	wrdreg $0xFFFFFFFF  }
0xad: {  	s28 =	simm.s32 $_size_execute0_lowered;
	s3 =	sadd.s32 s3, s5;
	[dreg:$0x0] =	wrdreg $0x0  }
0xae: {  	s5 =	sshll.u32 s28, $0x1;
	[dreg:$0x2] =	wrdreg s3  }
0xaf: {  	[dreg:$0x3] =	wrdreg s5  }
0xb0: {  	[dreg:$0x4] =	wrdreg $0xC0  }
0xb1: {  	_ =	task [dreg:s7], $0x5FFFF  }
0xb2: {  	[dreg:$0x1] =	wrdreg $0xFFFFFFFF  }
0xb3: {  	[dreg:$0x0] =	wrdreg $0x60  }
0xb4: {  	[dreg:$0x2] =	wrdreg s16  }
0xb5: {  	[dreg:$0x3] =	wrdreg s24  }
0xb6: {  	[dreg:$0x4] =	wrdreg $0x68800  }
0xb7: {  	[dreg:$0x5] =	wrdreg $0x9  }
0xb8: {  	_ =	task.clear_ibuf [dreg:s7], $0x6FFFF;
	_ =	strace $0x90000055  }
0xb9: {  	s29 =	simm.s32 $0x9;
	_ =	strace $0x80000057  }
0xba: {  	_ =	swait.ge [sflag:s29], $0x1  }
0xbb: {  	[sflag:s29] =	ssyncadd.s32 $0xFFFFFFFF  }
0xbc: {  	_ =	strace $0x90000057  }
0xbd: {  	_ =	sfence  }
0xbe: {  	s30 =	sld [smem:$0x0];
	_ =	sdelay $0x2  }
0xbf: {  	s31 =	sshll.u32 s1, $0xD;
	s1 =	sshrl.u32 s1, $0x2  }
0xc0: {  	s3 =	sand.u32 $0x4000, s31;
	s1 =	sadd.s32 s1, s30  }
0xc1: {  	s0 =	sor.u32 s3, s0;
	s1 =	sshll.u32 s1, $0x11  }
0xc2: {  	s0 =	sor.u32 s1, s0  }
0xc3: {  	s0 =	sadd.s32 $0x8F2B, s0  }
0xc4: {  	[sflag:s0] =	ssyncadd.remote.s32 $0x1  }
0xc5: {  	_ =	sfence.sel $0xFFFF  }
0xc6: {  	[dreg:$0x0] =	wrdreg $0xFFFFFFFF;
	(pc) =	sbr.abs _section_cstart, $3  }
0xc7: {  	[dreg:$0x1] =	wrdreg $0xFFFFFFFF  }
0xc8: {  	_ =	task.clear_ibuf [dreg:s7], $0x2FFFF;
	_ =	strace $0x9FFFFFFF  }
0xc9: {  	(tm) =	ssettm $0x7FFFFFFF  }
tec
execute0_lowered:
.L_overlay_start_1:
0x0: {  	(tag) =	ssettag $0x1  }
0x1: {  	s1 =	srdreg.scid;
	s2 =	rddreg [dreg:$0x0]  }
0x2: {  	s0 =	stileid.u32;
	s7 =	rddreg [dreg:$0x1]  }
0x3: {  	s3 =	rddreg [dreg:$0x2];
	s4 =	simm.s32 $0x0;
	s8 =	smul.u32 $0x9E0, s0  }
0x4: {  	s16 =	simm.s32 $0x1;
	s17 =	simm.s32 $0x0;
	s10 =	smul.u32 $0x14000, s0  }
0x5: {  	s6 =	sand.u32 $0x1, s1;
	s24 =	sshll.u32 s0, $0x1;
	s29 =	smul.u32 $0x50000, s0  }
0x6: {  	[smem:$0x7FF] =	sst s4;
	s13 =	sshll.u32 s0, $0x6;
	s9 =	smul.u32 $0x140000, s6  }
0x7: {  	s1 =	sor.u32 s6, s24;
	s28 =	ssub.s32 $0x2, s6;
	s14 =	smul.u32 $0x4F0, s6  }
0x8: {  	s6 =	sor.u32 $0x1C02, s13;
	s13 =	simm.s32 $0x2800;
	s5 =	smul.u32 $0x500, s1  }
0x9: {  	s1 =	rddreg [dreg:$0x3];
	_ =	strace $0x80000056;
	s12 =	sadd.s32 s8, s7  }
0xa: {  	s30 =	sshrl.u32 s28, $0x1;
	s25 =	sadd.s32 s10, s9;
	s10 =	sshrl.u32 s29, $0x2  }
0xb: {  	s9 =	ssub.s32 s28, s30;
	s31 =	sadd.s32 s14, s12;
	s12 =	simm.s32 $0x2  }
0xc: {  	s14 =	simm.s32 $0x80;
	s11 =	sadd.s32 s5, s7;
	s26 =	sshrl.u32 s25, $0x3  }
0xd: {  	s5 =	sadd.s32 $0x1EA00, s7;
	s15 =	sadd.s32 s10, s3;
	s9 =	smax.u32 s9, $0x1  }
0xe: {  	s10 =	sadd.s32 $0xAE00, s31;
	s8 =	sadd.s32 s26, s7;
	s7 =	sadd.s32 $0x111A00, s11  }
0xf: {  	s11 =	sshrl.u32 s15, $0x3;
	s15 =	simm.s32 $0x2880;
	s8 =	sadd.s32 $0xC1A00, s8  }
.LBB2_1:
0x10: {  	[spmem:s11], [sflag:s6] =	dma.local [hbm:s5], $0x2800  }
0x11: {  	_ =	swait.ge [sflag:s12], $0x2800  }
0x12: {  	[sflag:s12] =	ssyncset.done $0x0  }
0x13: {  	[sflag:s12] =	ssyncadd.s32 $0xFFFFD800  }
0x14: {  	[tilespmem:s4], [sflag:$0x2] =	stream.linear.gather [hbm4b:s7+s4], $0x2780, $0x38;
	[tilespmem:$0x1A880] =	vst v63  }
0x15: {  	_ =	swait.ge [sflag:s12], $0x2780  }
0x16: {  	[sflag:s12] =	ssyncset.done $0x0  }
0x17: {  	[sflag:s12] =	ssyncadd.s32 $0xFFFFD880  }
0x18: {  	s18 =	sadd.s32 $0x0, s10;
	[bflag:$0x0] =	sbarrier.arrive $0xFFFF  }
0x19: {  	[tilespmem:s13], [sflag:$0x2] =	stream.linear.gather [hbm4b:s18+s4], $0x80, $0x38;
	[tilespmem:$0x1A880] =	vst v63  }
0x1a: {  	_ =	swait.ge [sflag:s12], $0x80  }
0x1b: {  	[sflag:s12] =	ssyncset.done $0x0  }
0x1c: {  	[sflag:s12] =	ssyncadd.s32 $0xFFFFFF80  }
0x1d: {  	[tilespmem:s15], [sflag:$0x1] =	stream.indirect.gather [hbm4b:s2+s14], $0x80, s4, s14, $0xb8;
	[tilespmem:$0x1A880] =	vst v63  }
0x1e: {  	_ =	swait.ge [sflag:s16], $0x4000  }
0x1f: {  	[sflag:s16] =	ssyncset.done $0x0  }
0x20: {  	[sflag:s16] =	ssyncadd.s32 $0xFFFFC000  }
0x21: {  	[spmem:s3] =	stream.indirect.scatter.add.f32 [tilespmem:s15], [sflag:$0x2], $0x80, s13, s14, $0xb8;
	[tilespmem:$0x1A880] =	vst v63  }
0x22: {  	s19 =	simm.s32 $0x10;
	_ =	swait.ge [sflag:s12], $0x4000  }
0x23: {  	s20 =	simm.s32 $0x20;
	s18 =	simm.s32 $0x80;
	[sflag:s12] =	ssyncset.done $0x0  }
.LBB2_2:
0x24: {  	s21 =	sadd.s32 s19, s10  }
0x25: {  	[sflag:s12] =	ssyncadd.s32 $0xFFFFC000;
	s19 =	smov.u32 s20;
	s22 =	sadd.s32 $0x10, s20  }
0x26: {  	[tilespmem:s13], [sflag:$0x2] =	stream.linear.gather [hbm4b:s21+s4], $0x80, $0x38;
	[tilespmem:$0x1A880] =	vst v63  }
0x27: {  	p0 =	sne.s32 s20, $0x4E0;
	_ =	swait.ge [sflag:s12], $0x80  }
0x28: {  	[sflag:s12] =	ssyncset.done $0x0  }
0x29: {  	[sflag:s12] =	ssyncadd.s32 $0xFFFFFF80  }
0x2a: {  	[tilespmem:s15], [sflag:$0x1] =	stream.indirect.gather [hbm4b:s2+s14], $0x80, s18, s14, $0xb8;
	[tilespmem:$0x1A880] =	vst v63  }
0x2b: {  	_ =	swait.ge [sflag:s16], $0x4000  }
.Ltmp0:
0x2c: {  	[sflag:s16] =	ssyncset.done $0x0;
	(pc) =	sbr.rel @p0 .LBB2_2-.Ltmp0, $4  }
0x2d: {  	[sflag:s16] =	ssyncadd.s32 $0xFFFFC000  }
0x2e: {  	[spmem:s3] =	stream.indirect.scatter.add.f32 [tilespmem:s15], [sflag:$0x2], $0x80, s13, s14, $0xb8;
	[tilespmem:$0x1A880] =	vst v63  }
0x2f: {  	_ =	swait.ge [sflag:s12], $0x4000  }
0x30: {  	s20 =	smov.u32 s22;
	s18 =	sadd.s32 $0x80, s18;
	[sflag:s12] =	ssyncset.done $0x0  }
0x31: {  	s19 =	sadd.s32 s19, s10;
	[sflag:s12] =	ssyncadd.s32 $0xFFFFC000  }
0x32: {  	[tilespmem:s13], [sflag:$0x2] =	stream.linear.gather [hbm4b:s19+s4], $0x80, $0x38;
	[tilespmem:$0x1A880] =	vst v63  }
0x33: {  	_ =	swait.ge [sflag:s12], $0x80  }
0x34: {  	[sflag:s12] =	ssyncset.done $0x0  }
0x35: {  	[sflag:s12] =	ssyncadd.s32 $0xFFFFFF80  }
0x36: {  	[tilespmem:s15], [sflag:$0x1] =	stream.indirect.gather [hbm4b:s2+s14], $0x80, s18, s14, $0xb8;
	[tilespmem:$0x1A880] =	vst v63  }
0x37: {  	_ =	swait.ge [sflag:s16], $0x4000  }
0x38: {  	[sflag:s16] =	ssyncset.done $0x0  }
0x39: {  	[sflag:s16] =	ssyncadd.s32 $0xFFFFC000  }
0x3a: {  	[spmem:s3] =	stream.indirect.scatter.add.f32 [tilespmem:s15], [sflag:$0x2], $0x80, s13, s14, $0xb8;
	[tilespmem:$0x1A880] =	vst v63  }
0x3b: {  	_ =	swait.ge [sflag:s12], $0x4000  }
0x3c: {  	s17 =	sadd.s32 $0x1, s17;
	[sflag:s12] =	ssyncset.done $0x0  }
0x3d: {  	p0 =	sne.s32 s17, s9;
	[sflag:s12] =	ssyncadd.s32 $0xFFFFC000  }
.Ltmp1:
0x3e: {  	[bflag:$0x0] =	sbarrier.arrive $0xFFFF;
	(pc) =	sbr.rel @p0 .LBB2_1-.Ltmp1, $4  }
0x3f: {  	[hbm:s8], [sflag:s6] =	dma.local [spmem:s11], $0x2800  }
0x40: {  	_ =	swait.ge [sflag:s12], $0x2800  }
0x41: {  	[sflag:s12] =	ssyncset.done $0x0  }
0x42: {  	[sflag:s12] =	ssyncadd.s32 $0xFFFFD800  }
0x43: {  	_ =	sfence.sel $0x180000  }
0x44: {  	[bflag:$0x0] =	sbarrier.arrive $0xFFFF  }
0x45: {  	p0 =	sne.s32 s0, $0x0;
	_ =	strace $0x90000056  }
0x46: {  	s0 =	sadd.s32 @!p0 $0x100000, s1;
	[bflag:$0x2] =	sbarrier.arrive $0xFFFF  }
0x47: {  	[sflag:s0] =	ssyncadd.tile.s32 @!p0 $0x1;
	_ =	shalt  }
.Lfunc_end2:
_tile_overlayer_lowered:
.L_overlay_start_2:
0x48: {  	(tag) =	ssettag $0x2  }
0x49: {  	s0 =	rddreg [dreg:$0x0];
	s2 =	stileid.u32  }
0x4a: {  	s1 =	rddreg [dreg:$0x1];
	p0 =	sne.s32 s2, $0x0  }
0x4b: {  	s3 =	rddreg [dreg:$0x2];
	[bflag:$0x3] =	sbarrier.arrive $0xFFFF;
	s2 =	simm.s32 @!p0 $0x1C02  }
0x4c: {  	[timem:s3], [sflag:s2] =	dma.local @!p0 [hbm:s0], s1  }
0x4d: {  	s0 =	simm.s32 @!p0 $0x2  }
0x4e: {  	_ =	swait.ge @!p0 [sflag:s0], s1  }
0x4f: {  	s1 =	ssub.s32 @!p0 $0x0, s1;
	[sflag:s0] =	ssyncset.done @!p0 $0x0  }
0x50: {  	[sflag:s0] =	ssyncadd.s32 @!p0 s1  }
0x51: {  	[bflag:$0x3] =	sbarrier.arrive $0xFFFF  }
0x52: {  	_ =	shalt  }

// kernel: kernel.37.cloned.1.call-start
scs
__scs_entry_jumppad:
0x0: {  	(pc) =	sbr.rel $0x88, $3  }
0x1: {  	(tag) =	ssettag $0x0;
	lr =	simm.s32 $0x1  }
0x2: {  	[smem:$0x3F75] =	sst lr;
	_ =	strace $0xD0000000  }
0x3: {  	_ = 	snop  }
0x4: {  	_ = 	snop  }
0x5: {  	_ = 	snop  }
0x6: {  	_ = 	snop  }
0x7: {  	_ = 	snop  }
__scs_overlays_trampoline_lowered:
0x8: {  	[smem:$0x3F84] =	sst s0  }
0x9: {  	[smem:$0x3F85] =	sst s1  }
0xa: {  	[smem:$0x3F86] =	sst s2  }
0xb: {  	[smem:$0x3F87] =	sst s3  }
0xc: {  	[smem:$0x3F88] =	sst s4  }
0xd: {  	[smem:$0x3F89] =	sst s5  }
0xe: {  	[smem:$0x3F8A] =	sst s6  }
0xf: {  	[smem:$0x3F8B] =	sst s7  }
0x10: {  	[smem:$0x3F8C] =	sst s8  }
0x11: {  	[smem:$0x3F8D] =	sst s9;
	s0 =	simm.s32 @!p0 $0x0  }
0x12: {  	s1 =	sld [smem:$0x3F73];
	s0 =	simm.s32 @p0 $0x1  }
0x13: {  	[smem:$0x3F8E] =	sst s0;
	s0 =	simm.s32 @!p1 $0x0  }
0x14: {  	s2 =	sld [smem:$0x3F72];
	s0 =	simm.s32 @p1 $0x1  }
0x15: {  	[smem:$0x3F8F] =	sst s0;
	s0 =	simm.s32 @!p2 $0x0  }
0x16: {  	s3 =	sld [smem:$0x3FDB];
	s0 =	simm.s32 @p2 $0x1  }
0x17: {  	s4 =	simm.s32 $0x1BF5;
	[smem:$0x3F91] =	sst s0  }
0x18: {  	s0 =	sld [smem:$0x3F74];
	_ =	swait.ge [sflag:s4], $0x0  }
0x19: {  	s7 =	sld [smem:$0x3F75]  }
0x1a: {  	s8 =	sadd.s32 $0xFFFFE003, lr  }
0x1b: {  	s9 =	sadd.s32 $0xFFFFFEF7, lr;
	s5 =	simm.s32 $0xFFFFFFFF;
	p2 =	slt.u32 s8, $0xFFFFF086  }
0x1c: {  	p1 =	slt.u32 s9, $0xF7A;
	s5 =	simm.s32 @!p2 $0x0  }
0x1d: {  	s5 =	simm.s32 @p1 $0x1;
	p0 =	seq.s32 s7, s2  }
0x1e: {  	s7 =	smul.u32 @!p0 $0xF7A, s2;
	p2 =	seq.s32 @!p0 s5, $0x0  }
0x1f: {  	s9 =	smul.u32 $0xF7A, s1;
	s8 =	simm.s32 @!p0 $0x1BF5;
	p2 =	por !p2, p0  }
0x20: {  	[sflag:s8] =	ssyncset.s32 @!p0 $0xFFFFF086;
	s6 =	sadd.s32 @!p0 s3, s7;
	s7 =	simm.s32 @!p0 $0x108  }
0x21: {  	s3 =	sadd.s32 s3, s9;
	s6 =	sadd.s32 @!p0 $0x88, s6;
	s7 =	simm.s32 @p2 $0x1082  }
0x22: {  	[simem:s7], [sflag:s8] =	dma.local @!p0 [hbm:s6], $0xF7A  }
0x23: {  	s9 =	sor.u32 $0xD0000000, s2;
	s6 =	simm.s32 $0x108;
	_ =	swait.ge @!p0 [sflag:s8], $0x0  }
0x24: {  	s3 =	sadd.s32 $0x88, s3;
	s6 =	simm.s32 @!p1 $0x1082;
	[sflag:s4] =	ssyncset.s32 $0xFFFFF086  }
0x25: {  	[simem:s6], [sflag:s4] =	dma.local [hbm:s3], $0xF7A  }
0x26: {  	[smem:$0x3F75] =	sst s1;
	(tag) =	ssettag s2;
	_ =	strace s9  }
0x27: {  	s1 =	sld [smem:$0x3F85]  }
0x28: {  	s2 =	sld [smem:$0x3F86]  }
0x29: {  	s4 =	sld [smem:$0x3F88]  }
0x2a: {  	p0 =	seq.s32 s5, $0x0;
	s5 =	sld [smem:$0x3F89]  }
0x2b: {  	s6 =	sld [smem:$0x3F8A]  }
0x2c: {  	s7 =	sld [smem:$0x3F8B]  }
0x2d: {  	s3 =	simm.s32 $0x108;
	s8 =	sld [smem:$0x3F8C]  }
0x2e: {  	s3 =	simm.s32 @!p0 $0x1082;
	s9 =	sld [smem:$0x3F8D]  }
0x2f: {  	lr =	sadd.s32 s0, s3;
	s0 =	sld [smem:$0x3F84]  }
0x30: {  	s3 =	sld [smem:$0x3F87]  }
0x31: {  	[smem:$0x3F90] =	sst s10  }
0x32: {  	s10 =	sld [smem:$0x3F8E];
	_ =	sdelay $0x3  }
0x33: {  	p0 =	seq.s32 s10, $0x1;
	s10 =	sld [smem:$0x3F90];
	_ =	sdelay $0x3  }
0x34: {  	[smem:$0x3F90] =	sst s10  }
0x35: {  	s10 =	sld [smem:$0x3F8F];
	_ =	sdelay $0x3  }
0x36: {  	p1 =	seq.s32 s10, $0x1;
	s10 =	sld [smem:$0x3F90];
	_ =	sdelay $0x3  }
0x37: {  	[smem:$0x3F90] =	sst s10  }
0x38: {  	s10 =	sld [smem:$0x3F91]  }
0x39: {  	_ = 	snop;
	(pc) =	sbr.ind lr, $3  }
0x3a: {  	_ = 	snop  }
0x3b: {  	_ = 	snop  }
0x3c: {  	p2 =	seq.s32 s10, $0x1;
	s10 =	sld [smem:$0x3F90]  }
0x3d: {  	_ =	shalt  }
0x3e: {  	_ =	shalt  }
0x3f: {  	_ =	shalt  }
0x40: {  	_ =	shalt  }
0x41: {  	_ =	shalt  }
0x42: {  	_ =	shalt  }
0x43: {  	_ =	shalt  }
0x44: {  	_ =	shalt  }
0x45: {  	_ =	shalt  }
0x46: {  	_ =	shalt  }
0x47: {  	_ =	shalt  }
0x48: {  	_ =	shalt  }
0x49: {  	_ =	shalt  }
0x4a: {  	_ =	shalt  }
0x4b: {  	_ =	shalt  }
0x4c: {  	_ =	shalt  }
0x4d: {  	_ =	shalt  }
0x4e: {  	_ =	shalt  }
0x4f: {  	_ =	shalt  }
0x50: {  	_ =	shalt  }
0x51: {  	_ =	shalt  }
0x52: {  	_ =	shalt  }
0x53: {  	_ =	shalt  }
0x54: {  	_ =	shalt  }
0x55: {  	_ =	shalt  }
0x56: {  	_ =	shalt  }
0x57: {  	_ =	shalt  }
0x58: {  	_ =	shalt  }
0x59: {  	_ =	shalt  }
0x5a: {  	_ =	shalt  }
0x5b: {  	_ =	shalt  }
0x5c: {  	_ =	shalt  }
0x5d: {  	_ =	shalt  }
0x5e: {  	_ =	shalt  }
0x5f: {  	_ =	shalt  }
0x60: {  	_ =	shalt  }
0x61: {  	_ =	shalt  }
0x62: {  	_ =	shalt  }
0x63: {  	_ =	shalt  }
0x64: {  	_ =	shalt  }
0x65: {  	_ =	shalt  }
0x66: {  	_ =	shalt  }
0x67: {  	_ =	shalt  }
0x68: {  	_ =	shalt  }
0x69: {  	_ =	shalt  }
0x6a: {  	_ =	shalt  }
0x6b: {  	_ =	shalt  }
0x6c: {  	_ =	shalt  }
0x6d: {  	_ =	shalt  }
0x6e: {  	_ =	shalt  }
0x6f: {  	_ =	shalt  }
0x70: {  	_ =	shalt  }
0x71: {  	_ =	shalt  }
0x72: {  	_ =	shalt  }
0x73: {  	_ =	shalt  }
0x74: {  	_ =	shalt  }
0x75: {  	_ =	shalt  }
0x76: {  	_ =	shalt  }
0x77: {  	_ =	shalt  }
0x78: {  	_ =	shalt  }
0x79: {  	_ =	shalt  }
0x7a: {  	_ =	shalt  }
0x7b: {  	_ =	shalt  }
0x7c: {  	_ =	shalt  }
0x7d: {  	_ =	shalt  }
0x7e: {  	_ =	shalt  }
0x7f: {  	_ =	shalt  }
0x80: {  	_ =	shalt  }
0x81: {  	_ =	shalt  }
0x82: {  	_ =	shalt  }
0x83: {  	_ =	shalt  }
0x84: {  	_ =	shalt  }
0x85: {  	_ =	shalt  }
0x86: {  	_ =	shalt  }
0x87: {  	_ =	shalt  }
.Lfunc_end0:
.L_simem_size_0:
called_computation.6_lowered:
.L_overlay_start_0:
0x88: {  	s2 =	sld [smem:$0x3FD9]  }
0x89: {  	s3 =	sld [smem:$0x3FFE];
	_ =	sdelay $0x1  }
0x8a: {  	s1 =	srdreg.scid  }
0x8b: {  	s0 =	sand.u32 $0x1, s1  }
0x8c: {  	s14 =	sshll.u32 s0, $0xA;
	s2 =	sadd.s32 s3, s2  }
0x8d: {  	s2 =	sadd.s32 s2, s14  }
0x8e: {  	[smem:$0x3F9C] =	sst s2  }
0x8f: {  	_ = 	snop  }
0x90: {  	s2 =	sld [smem:$0x3FD0];
	_ =	sdelay $0x2  }
0x91: {  	s15 =	simm.s32 $0xB;
	s4 =	simm.s32 $0x10  }
0x92: {  	[smem:s4], [sflag:s15] =	dma.local [hbm:s2], $0x1  }
0x93: {  	_ =	swait.eq [sflag:s15], $0x1  }
0x94: {  	[sflag:s15] =	ssyncset.done $0x0  }
0x95: {  	s16 =	sld [smem:$0x12];
	[sflag:s15] =	ssyncadd.s32 $0xFFFFFFFF  }
0x96: {  	s17 =	sld [smem:$0x14];
	(tm) =	ssettm $0x1  }
0x97: {  	s18 =	sld [smem:$0x3FFB];
	_ =	sdelay $0x3  }
0x98: {  	_ =	strace s18  }
0x99: {  	s4 =	sld [smem:$0x3FFC];
	_ =	sdelay $0x3  }
0x9a: {  	_ =	strace s4  }
0x9b: {  	s4 =	sld [smem:$0x3FFD];
	_ =	sdelay $0x3  }
0x9c: {  	_ =	strace s4  }
0x9d: {  	_ =	strace $0x8FFFFFFF  }
0x9e: {  	s19 =	sld [smem:$0x3FDB];
	_ =	sdelay $0x1  }
0x9f: {  	s5 =	simm.s32 $_scs_section_size  }
0xa0: {  	s6 =	simm.s32 $_size__tile_overlayer_lowered;
	s7 =	simm.s32 $_tile_overlayer_lowered  }
0xa1: {  	s22 =	simm.s32 $0x1BFF;
	s21 =	sshll.u32 s7, $0x1;
	s4 =	sadd.s32 s5, s19  }
0xa2: {  	s8 =	simm.s32 $0x0;
	s20 =	sshll.u32 s6, $0x1;
	s6 =	sadd.s32 s21, s4  }
0xa3: {  	[timem:s8], [sflag:s22] =	dma.local [hbm:s6], s20  }
0xa4: {  	_ =	swait.ge [sflag:s22], s20  }
0xa5: {  	s5 =	ssub.s32 $0x0, s20;
	[sflag:s22] =	ssyncset.done $0x0  }
0xa6: {  	[sflag:s22] =	ssyncadd.s32 s5;
	_ =	sdelay $0x1  }
0xa7: {  	s23 =	simm.s32 $0x1B8B  }
0xa8: {  	_ =	swait.ge [sflag:s23], $0x1  }
0xa9: {  	[sflag:s23] =	ssyncset.done $0x0  }
0xaa: {  	s25 =	simm.s32 $0x1B8E;
	s24 =	sld [smem:$0x3FFE];
	[sflag:s23] =	ssyncadd.s32 $0xFFFFFFFF  }
0xab: {  	s26 =	simm.s32 $execute0_lowered;
	[smem:$0x3FD2] =	sst s25  }
0xac: {  	s6 =	sshll.u32 s26, $0x1;
	_ =	strace $0x80000058;
	[dreg:$0x1] =	wrdreg $0xFFFFFFFF  }
0xad: {  	s28 =	simm.s32 $_size_execute0_lowered;
	s4 =	sadd.s32 s4, s6;
	[dreg:$0x0] =	wrdreg $0x0  }
0xae: {  	s6 =	sshll.u32 s28, $0x1;
	[dreg:$0x2] =	wrdreg s4  }
0xaf: {  	[dreg:$0x3] =	wrdreg s6  }
0xb0: {  	[dreg:$0x4] =	wrdreg $0xC0  }
0xb1: {  	_ =	task [dreg:s8], $0x5FFFF  }
0xb2: {  	[dreg:$0x1] =	wrdreg $0xFFFFFFFF  }
0xb3: {  	[dreg:$0x0] =	wrdreg $0x60  }
0xb4: {  	[dreg:$0x2] =	wrdreg s17  }
0xb5: {  	[dreg:$0x3] =	wrdreg s16  }
0xb6: {  	[dreg:$0x4] =	wrdreg s24  }
0xb7: {  	[dreg:$0x5] =	wrdreg $0x68800  }
0xb8: {  	[dreg:$0x6] =	wrdreg $0x9  }
0xb9: {  	_ =	task.clear_ibuf [dreg:s8], $0x7FFFF;
	_ =	strace $0x90000058  }
0xba: {  	s29 =	simm.s32 $0x9;
	_ =	strace $0x8000005A  }
0xbb: {  	_ =	swait.ge [sflag:s29], $0x1  }
0xbc: {  	[sflag:s29] =	ssyncadd.s32 $0xFFFFFFFF  }
0xbd: {  	_ =	strace $0x9000005A  }
0xbe: {  	_ =	sfence  }
0xbf: {  	s30 =	sld [smem:$0x0];
	_ =	sdelay $0x2  }
0xc0: {  	s31 =	sshll.u32 s1, $0xD;
	s1 =	sshrl.u32 s1, $0x2  }
0xc1: {  	s3 =	sand.u32 $0x4000, s31;
	s1 =	sadd.s32 s1, s30  }
0xc2: {  	s0 =	sor.u32 s3, s0;
	s1 =	sshll.u32 s1, $0x11  }
0xc3: {  	s0 =	sor.u32 s1, s0  }
0xc4: {  	s0 =	sadd.s32 $0x8F2B, s0  }
0xc5: {  	[sflag:s0] =	ssyncadd.remote.s32 $0x1  }
0xc6: {  	_ =	sfence.sel $0xFFFF  }
0xc7: {  	[dreg:$0x0] =	wrdreg $0xFFFFFFFF;
	(pc) =	sbr.abs _section_cstart, $3  }
0xc8: {  	[dreg:$0x1] =	wrdreg $0xFFFFFFFF  }
0xc9: {  	_ =	task.clear_ibuf [dreg:s8], $0x2FFFF;
	_ =	strace $0x9FFFFFFF  }
0xca: {  	(tm) =	ssettm $0x7FFFFFFF  }
0xcb: {  	_ =	shalt  }
tec
execute0_lowered:
.L_overlay_start_1:
0x0: {  	(tag) =	ssettag $0x1  }
0x1: {  	s1 =	rddreg [dreg:$0x0]  }
0x2: {  	s7 =	rddreg [dreg:$0x1]  }
0x3: {  	s0 =	stileid.u32;
	s6 =	rddreg [dreg:$0x2]  }
0x4: {  	s2 =	srdreg.scid;
	s3 =	rddreg [dreg:$0x3];
	s4 =	simm.s32 $0x0  }
0x5: {  	s16 =	simm.s32 $0x1;
	s17 =	simm.s32 $0x0;
	s5 =	smul.u32 $0x9E0, s0  }
0x6: {  	s8 =	sand.u32 $0x1, s2;
	s2 =	rddreg [dreg:$0x4];
	s10 =	smul.u32 $0x14000, s0  }
0x7: {  	[smem:$0x7FF] =	sst s4;
	s29 =	sshll.u32 s0, $0x1;
	s13 =	smul.u32 $0x50000, s0  }
0x8: {  	s14 =	sshll.u32 s0, $0x6;
	s9 =	smul.u32 $0x140000, s8;
	_ =	strace $0x80000059  }
0x9: {  	s12 =	ssub.s32 $0x2, s8;
	s15 =	smul.u32 $0x4F0, s8;
	s11 =	sadd.s32 s5, s6  }
0xa: {  	s5 =	sadd.s32 $0x1EA00, s6;
	s30 =	sshrl.u32 s12, $0x1;
	s13 =	sshrl.u32 s13, $0x2  }
0xb: {  	s9 =	sadd.s32 s10, s9;
	s10 =	sor.u32 s8, s29;
	s12 =	ssub.s32 s12, s30  }
0xc: {  	s13 =	sadd.s32 s13, s3;
	s31 =	sadd.s32 s15, s11;
	s15 =	simm.s32 $0x2880  }
0xd: {  	s9 =	sshrl.u32 s9, $0x3;
	s10 =	smul.u32 $0x500, s10;
	s11 =	sshrl.u32 s13, $0x3  }
0xe: {  	s13 =	simm.s32 $0x2800;
	s9 =	sadd.s32 s9, s6;
	s6 =	sor.u32 $0x1C02, s14  }
0xf: {  	s14 =	simm.s32 $0x80;
	s7 =	sadd.s32 s7, s10;
	s8 =	sadd.s32 $0xC1A00, s9  }
0x10: {  	s9 =	smax.u32 s12, $0x1;
	s10 =	sadd.s32 $0x14C00, s31;
	s12 =	simm.s32 $0x2  }
.LBB2_1:
0x11: {  	[spmem:s11], [sflag:s6] =	dma.local [hbm:s5], $0x2800  }
0x12: {  	_ =	swait.ge [sflag:s12], $0x2800  }
0x13: {  	[sflag:s12] =	ssyncset.done $0x0  }
0x14: {  	[sflag:s12] =	ssyncadd.s32 $0xFFFFD800  }
0x15: {  	[tilespmem:s4], [sflag:$0x2] =	stream.linear.gather [hbm4b:s7+s4], $0x2780, $0x38;
	[tilespmem:$0x1A880] =	vst v63  }
0x16: {  	_ =	swait.ge [sflag:s12], $0x2780  }
0x17: {  	[sflag:s12] =	ssyncset.done $0x0  }
0x18: {  	[sflag:s12] =	ssyncadd.s32 $0xFFFFD880  }
0x19: {  	s18 =	sadd.s32 $0x0, s10;
	[bflag:$0x0] =	sbarrier.arrive $0xFFFF  }
0x1a: {  	[tilespmem:s13], [sflag:$0x2] =	stream.linear.gather [hbm4b:s18+s4], $0x80, $0x38;
	[tilespmem:$0x1A880] =	vst v63  }
0x1b: {  	_ =	swait.ge [sflag:s12], $0x80  }
0x1c: {  	[sflag:s12] =	ssyncset.done $0x0  }
0x1d: {  	[sflag:s12] =	ssyncadd.s32 $0xFFFFFF80  }
0x1e: {  	[tilespmem:s15], [sflag:$0x1] =	stream.indirect.gather [hbm4b:s1+s14], $0x80, s4, s14, $0xb8;
	[tilespmem:$0x1A880] =	vst v63  }
0x1f: {  	_ =	swait.ge [sflag:s16], $0x4000  }
0x20: {  	[sflag:s16] =	ssyncset.done $0x0  }
0x21: {  	[sflag:s16] =	ssyncadd.s32 $0xFFFFC000  }
0x22: {  	[spmem:s3] =	stream.indirect.scatter.add.f32 [tilespmem:s15], [sflag:$0x2], $0x80, s13, s14, $0xb8;
	[tilespmem:$0x1A880] =	vst v63  }
0x23: {  	s19 =	simm.s32 $0x10;
	_ =	swait.ge [sflag:s12], $0x4000  }
0x24: {  	s20 =	simm.s32 $0x20;
	s18 =	simm.s32 $0x80;
	[sflag:s12] =	ssyncset.done $0x0  }
.LBB2_2:
0x25: {  	s21 =	sadd.s32 s19, s10  }
0x26: {  	[sflag:s12] =	ssyncadd.s32 $0xFFFFC000;
	s19 =	smov.u32 s20;
	s22 =	sadd.s32 $0x10, s20  }
0x27: {  	[tilespmem:s13], [sflag:$0x2] =	stream.linear.gather [hbm4b:s21+s4], $0x80, $0x38;
	[tilespmem:$0x1A880] =	vst v63  }
0x28: {  	p0 =	sne.s32 s20, $0x4E0;
	_ =	swait.ge [sflag:s12], $0x80  }
0x29: {  	[sflag:s12] =	ssyncset.done $0x0  }
0x2a: {  	[sflag:s12] =	ssyncadd.s32 $0xFFFFFF80  }
0x2b: {  	[tilespmem:s15], [sflag:$0x1] =	stream.indirect.gather [hbm4b:s1+s14], $0x80, s18, s14, $0xb8;
	[tilespmem:$0x1A880] =	vst v63  }
0x2c: {  	_ =	swait.ge [sflag:s16], $0x4000  }
.Ltmp0:
0x2d: {  	[sflag:s16] =	ssyncset.done $0x0;
	(pc) =	sbr.rel @p0 .LBB2_2-.Ltmp0, $4  }
0x2e: {  	[sflag:s16] =	ssyncadd.s32 $0xFFFFC000  }
0x2f: {  	[spmem:s3] =	stream.indirect.scatter.add.f32 [tilespmem:s15], [sflag:$0x2], $0x80, s13, s14, $0xb8;
	[tilespmem:$0x1A880] =	vst v63  }
0x30: {  	_ =	swait.ge [sflag:s12], $0x4000  }
0x31: {  	s20 =	smov.u32 s22;
	s18 =	sadd.s32 $0x80, s18;
	[sflag:s12] =	ssyncset.done $0x0  }
0x32: {  	s19 =	sadd.s32 s19, s10;
	[sflag:s12] =	ssyncadd.s32 $0xFFFFC000  }
0x33: {  	[tilespmem:s13], [sflag:$0x2] =	stream.linear.gather [hbm4b:s19+s4], $0x80, $0x38;
	[tilespmem:$0x1A880] =	vst v63  }
0x34: {  	_ =	swait.ge [sflag:s12], $0x80  }
0x35: {  	[sflag:s12] =	ssyncset.done $0x0  }
0x36: {  	[sflag:s12] =	ssyncadd.s32 $0xFFFFFF80  }
0x37: {  	[tilespmem:s15], [sflag:$0x1] =	stream.indirect.gather [hbm4b:s1+s14], $0x80, s18, s14, $0xb8;
	[tilespmem:$0x1A880] =	vst v63  }
0x38: {  	_ =	swait.ge [sflag:s16], $0x4000  }
0x39: {  	[sflag:s16] =	ssyncset.done $0x0  }
0x3a: {  	[sflag:s16] =	ssyncadd.s32 $0xFFFFC000  }
0x3b: {  	[spmem:s3] =	stream.indirect.scatter.add.f32 [tilespmem:s15], [sflag:$0x2], $0x80, s13, s14, $0xb8;
	[tilespmem:$0x1A880] =	vst v63  }
0x3c: {  	_ =	swait.ge [sflag:s12], $0x4000  }
0x3d: {  	s17 =	sadd.s32 $0x1, s17;
	[sflag:s12] =	ssyncset.done $0x0  }
0x3e: {  	p0 =	sne.s32 s17, s9;
	[sflag:s12] =	ssyncadd.s32 $0xFFFFC000  }
.Ltmp1:
0x3f: {  	[bflag:$0x0] =	sbarrier.arrive $0xFFFF;
	(pc) =	sbr.rel @p0 .LBB2_1-.Ltmp1, $4  }
0x40: {  	[hbm:s8], [sflag:s6] =	dma.local [spmem:s11], $0x2800  }
0x41: {  	_ =	swait.ge [sflag:s12], $0x2800  }
0x42: {  	[sflag:s12] =	ssyncset.done $0x0  }
0x43: {  	[sflag:s12] =	ssyncadd.s32 $0xFFFFD800  }
0x44: {  	_ =	sfence.sel $0x180000  }
0x45: {  	[bflag:$0x0] =	sbarrier.arrive $0xFFFF  }
0x46: {  	p0 =	sne.s32 s0, $0x0;
	_ =	strace $0x90000059  }
0x47: {  	s0 =	sadd.s32 @!p0 $0x100000, s2;
	[bflag:$0x2] =	sbarrier.arrive $0xFFFF  }
0x48: {  	[sflag:s0] =	ssyncadd.tile.s32 @!p0 $0x1;
	_ =	shalt  }
.Lfunc_end2:
_tile_overlayer_lowered:
.L_overlay_start_2:
0x49: {  	(tag) =	ssettag $0x2  }
0x4a: {  	s0 =	rddreg [dreg:$0x0];
	s2 =	stileid.u32  }
0x4b: {  	s1 =	rddreg [dreg:$0x1];
	p0 =	sne.s32 s2, $0x0  }
0x4c: {  	s3 =	rddreg [dreg:$0x2];
	[bflag:$0x3] =	sbarrier.arrive $0xFFFF;
	s2 =	simm.s32 @!p0 $0x1C02  }
0x4d: {  	[timem:s3], [sflag:s2] =	dma.local @!p0 [hbm:s0], s1  }
0x4e: {  	s0 =	simm.s32 @!p0 $0x2  }
0x4f: {  	_ =	swait.ge @!p0 [sflag:s0], s1  }
0x50: {  	s1 =	ssub.s32 @!p0 $0x0, s1;
	[sflag:s0] =	ssyncset.done @!p0 $0x0  }
0x51: {  	[sflag:s0] =	ssyncadd.s32 @!p0 s1  }
0x52: {  	[bflag:$0x3] =	sbarrier.arrive $0xFFFF  }
0x53: {  	_ =	shalt  }

// kernel: kernel.40.cloned.1.call-start
scs
__scs_entry_jumppad:
0x0: {  	(pc) =	sbr.rel $0x88, $3  }
0x1: {  	(tag) =	ssettag $0x0;
	lr =	simm.s32 $0x1  }
0x2: {  	[smem:$0x3F75] =	sst lr;
	_ =	strace $0xD0000000  }
0x3: {  	_ = 	snop  }
0x4: {  	_ = 	snop  }
0x5: {  	_ = 	snop  }
0x6: {  	_ = 	snop  }
0x7: {  	_ = 	snop  }
__scs_overlays_trampoline_lowered:
0x8: {  	[smem:$0x3F84] =	sst s0  }
0x9: {  	[smem:$0x3F85] =	sst s1  }
0xa: {  	[smem:$0x3F86] =	sst s2  }
0xb: {  	[smem:$0x3F87] =	sst s3  }
0xc: {  	[smem:$0x3F88] =	sst s4  }
0xd: {  	[smem:$0x3F89] =	sst s5  }
0xe: {  	[smem:$0x3F8A] =	sst s6  }
0xf: {  	[smem:$0x3F8B] =	sst s7  }
0x10: {  	[smem:$0x3F8C] =	sst s8  }
0x11: {  	[smem:$0x3F8D] =	sst s9;
	s0 =	simm.s32 @!p0 $0x0  }
0x12: {  	s1 =	sld [smem:$0x3F73];
	s0 =	simm.s32 @p0 $0x1  }
0x13: {  	[smem:$0x3F8E] =	sst s0;
	s0 =	simm.s32 @!p1 $0x0  }
0x14: {  	s2 =	sld [smem:$0x3F72];
	s0 =	simm.s32 @p1 $0x1  }
0x15: {  	[smem:$0x3F8F] =	sst s0;
	s0 =	simm.s32 @!p2 $0x0  }
0x16: {  	s3 =	sld [smem:$0x3FDB];
	s0 =	simm.s32 @p2 $0x1  }
0x17: {  	s4 =	simm.s32 $0x1BF5;
	[smem:$0x3F91] =	sst s0  }
0x18: {  	s0 =	sld [smem:$0x3F74];
	_ =	swait.ge [sflag:s4], $0x0  }
0x19: {  	s7 =	sld [smem:$0x3F75]  }
0x1a: {  	s8 =	sadd.s32 $0xFFFFE003, lr  }
0x1b: {  	s9 =	sadd.s32 $0xFFFFFEF7, lr;
	s5 =	simm.s32 $0xFFFFFFFF;
	p2 =	slt.u32 s8, $0xFFFFF086  }
0x1c: {  	p1 =	slt.u32 s9, $0xF7A;
	s5 =	simm.s32 @!p2 $0x0  }
0x1d: {  	s5 =	simm.s32 @p1 $0x1;
	p0 =	seq.s32 s7, s2  }
0x1e: {  	s7 =	smul.u32 @!p0 $0xF7A, s2;
	p2 =	seq.s32 @!p0 s5, $0x0  }
0x1f: {  	s9 =	smul.u32 $0xF7A, s1;
	s8 =	simm.s32 @!p0 $0x1BF5;
	p2 =	por !p2, p0  }
0x20: {  	[sflag:s8] =	ssyncset.s32 @!p0 $0xFFFFF086;
	s6 =	sadd.s32 @!p0 s3, s7;
	s7 =	simm.s32 @!p0 $0x108  }
0x21: {  	s3 =	sadd.s32 s3, s9;
	s6 =	sadd.s32 @!p0 $0x88, s6;
	s7 =	simm.s32 @p2 $0x1082  }
0x22: {  	[simem:s7], [sflag:s8] =	dma.local @!p0 [hbm:s6], $0xF7A  }
0x23: {  	s9 =	sor.u32 $0xD0000000, s2;
	s6 =	simm.s32 $0x108;
	_ =	swait.ge @!p0 [sflag:s8], $0x0  }
0x24: {  	s3 =	sadd.s32 $0x88, s3;
	s6 =	simm.s32 @!p1 $0x1082;
	[sflag:s4] =	ssyncset.s32 $0xFFFFF086  }
0x25: {  	[simem:s6], [sflag:s4] =	dma.local [hbm:s3], $0xF7A  }
0x26: {  	[smem:$0x3F75] =	sst s1;
	(tag) =	ssettag s2;
	_ =	strace s9  }
0x27: {  	s1 =	sld [smem:$0x3F85]  }
0x28: {  	s2 =	sld [smem:$0x3F86]  }
0x29: {  	s4 =	sld [smem:$0x3F88]  }
0x2a: {  	p0 =	seq.s32 s5, $0x0;
	s5 =	sld [smem:$0x3F89]  }
0x2b: {  	s6 =	sld [smem:$0x3F8A]  }
0x2c: {  	s7 =	sld [smem:$0x3F8B]  }
0x2d: {  	s3 =	simm.s32 $0x108;
	s8 =	sld [smem:$0x3F8C]  }
0x2e: {  	s3 =	simm.s32 @!p0 $0x1082;
	s9 =	sld [smem:$0x3F8D]  }
0x2f: {  	lr =	sadd.s32 s0, s3;
	s0 =	sld [smem:$0x3F84]  }
0x30: {  	s3 =	sld [smem:$0x3F87]  }
0x31: {  	[smem:$0x3F90] =	sst s10  }
0x32: {  	s10 =	sld [smem:$0x3F8E];
	_ =	sdelay $0x3  }
0x33: {  	p0 =	seq.s32 s10, $0x1;
	s10 =	sld [smem:$0x3F90];
	_ =	sdelay $0x3  }
0x34: {  	[smem:$0x3F90] =	sst s10  }
0x35: {  	s10 =	sld [smem:$0x3F8F];
	_ =	sdelay $0x3  }
0x36: {  	p1 =	seq.s32 s10, $0x1;
	s10 =	sld [smem:$0x3F90];
	_ =	sdelay $0x3  }
0x37: {  	[smem:$0x3F90] =	sst s10  }
0x38: {  	s10 =	sld [smem:$0x3F91]  }
0x39: {  	_ = 	snop;
	(pc) =	sbr.ind lr, $3  }
0x3a: {  	_ = 	snop  }
0x3b: {  	_ = 	snop  }
0x3c: {  	p2 =	seq.s32 s10, $0x1;
	s10 =	sld [smem:$0x3F90]  }
0x3d: {  	_ =	shalt  }
0x3e: {  	_ =	shalt  }
0x3f: {  	_ =	shalt  }
0x40: {  	_ =	shalt  }
0x41: {  	_ =	shalt  }
0x42: {  	_ =	shalt  }
0x43: {  	_ =	shalt  }
0x44: {  	_ =	shalt  }
0x45: {  	_ =	shalt  }
0x46: {  	_ =	shalt  }
0x47: {  	_ =	shalt  }
0x48: {  	_ =	shalt  }
0x49: {  	_ =	shalt  }
0x4a: {  	_ =	shalt  }
0x4b: {  	_ =	shalt  }
0x4c: {  	_ =	shalt  }
0x4d: {  	_ =	shalt  }
0x4e: {  	_ =	shalt  }
0x4f: {  	_ =	shalt  }
0x50: {  	_ =	shalt  }
0x51: {  	_ =	shalt  }
0x52: {  	_ =	shalt  }
0x53: {  	_ =	shalt  }
0x54: {  	_ =	shalt  }
0x55: {  	_ =	shalt  }
0x56: {  	_ =	shalt  }
0x57: {  	_ =	shalt  }
0x58: {  	_ =	shalt  }
0x59: {  	_ =	shalt  }
0x5a: {  	_ =	shalt  }
0x5b: {  	_ =	shalt  }
0x5c: {  	_ =	shalt  }
0x5d: {  	_ =	shalt  }
0x5e: {  	_ =	shalt  }
0x5f: {  	_ =	shalt  }
0x60: {  	_ =	shalt  }
0x61: {  	_ =	shalt  }
0x62: {  	_ =	shalt  }
0x63: {  	_ =	shalt  }
0x64: {  	_ =	shalt  }
0x65: {  	_ =	shalt  }
0x66: {  	_ =	shalt  }
0x67: {  	_ =	shalt  }
0x68: {  	_ =	shalt  }
0x69: {  	_ =	shalt  }
0x6a: {  	_ =	shalt  }
0x6b: {  	_ =	shalt  }
0x6c: {  	_ =	shalt  }
0x6d: {  	_ =	shalt  }
0x6e: {  	_ =	shalt  }
0x6f: {  	_ =	shalt  }
0x70: {  	_ =	shalt  }
0x71: {  	_ =	shalt  }
0x72: {  	_ =	shalt  }
0x73: {  	_ =	shalt  }
0x74: {  	_ =	shalt  }
0x75: {  	_ =	shalt  }
0x76: {  	_ =	shalt  }
0x77: {  	_ =	shalt  }
0x78: {  	_ =	shalt  }
0x79: {  	_ =	shalt  }
0x7a: {  	_ =	shalt  }
0x7b: {  	_ =	shalt  }
0x7c: {  	_ =	shalt  }
0x7d: {  	_ =	shalt  }
0x7e: {  	_ =	shalt  }
0x7f: {  	_ =	shalt  }
0x80: {  	_ =	shalt  }
0x81: {  	_ =	shalt  }
0x82: {  	_ =	shalt  }
0x83: {  	_ =	shalt  }
0x84: {  	_ =	shalt  }
0x85: {  	_ =	shalt  }
0x86: {  	_ =	shalt  }
0x87: {  	_ =	shalt  }
.Lfunc_end0:
.L_simem_size_0:
called_computation.7_lowered:
.L_overlay_start_0:
0x88: {  	s2 =	sld [smem:$0x3FD9]  }
0x89: {  	s3 =	sld [smem:$0x3FFE];
	_ =	sdelay $0x1  }
0x8a: {  	s1 =	srdreg.scid  }
0x8b: {  	s0 =	sand.u32 $0x1, s1  }
0x8c: {  	s14 =	sshll.u32 s0, $0xA;
	s2 =	sadd.s32 s3, s2  }
0x8d: {  	s2 =	sadd.s32 s2, s14  }
0x8e: {  	[smem:$0x3F9C] =	sst s2  }
0x8f: {  	_ = 	snop  }
0x90: {  	s2 =	sld [smem:$0x3FD0];
	_ =	sdelay $0x2  }
0x91: {  	s15 =	simm.s32 $0xB;
	s4 =	simm.s32 $0x10  }
0x92: {  	[smem:s4], [sflag:s15] =	dma.local [hbm:s2], $0x1  }
0x93: {  	_ =	swait.eq [sflag:s15], $0x1  }
0x94: {  	[sflag:s15] =	ssyncset.done $0x0  }
0x95: {  	[sflag:s15] =	ssyncadd.s32 $0xFFFFFFFF  }
0x96: {  	s16 =	sld [smem:$0x14];
	(tm) =	ssettm $0x1  }
0x97: {  	s17 =	sld [smem:$0x3FFB];
	_ =	sdelay $0x3  }
0x98: {  	_ =	strace s17  }
0x99: {  	s3 =	sld [smem:$0x3FFC];
	_ =	sdelay $0x3  }
0x9a: {  	_ =	strace s3  }
0x9b: {  	s3 =	sld [smem:$0x3FFD];
	_ =	sdelay $0x3  }
0x9c: {  	_ =	strace s3  }
0x9d: {  	_ =	strace $0x8FFFFFFF  }
0x9e: {  	s18 =	sld [smem:$0x3FDB];
	_ =	sdelay $0x1  }
0x9f: {  	s19 =	simm.s32 $_scs_section_size  }
0xa0: {  	s5 =	simm.s32 $_size__tile_overlayer_lowered;
	s6 =	simm.s32 $_tile_overlayer_lowered  }
0xa1: {  	s22 =	simm.s32 $0x1BFF;
	s21 =	sshll.u32 s6, $0x1;
	s3 =	sadd.s32 s19, s18  }
0xa2: {  	s7 =	simm.s32 $0x0;
	s20 =	sshll.u32 s5, $0x1;
	s5 =	sadd.s32 s21, s3  }
0xa3: {  	[timem:s7], [sflag:s22] =	dma.local [hbm:s5], s20  }
0xa4: {  	_ =	swait.ge [sflag:s22], s20  }
0xa5: {  	s4 =	ssub.s32 $0x0, s20;
	[sflag:s22] =	ssyncset.done $0x0  }
0xa6: {  	[sflag:s22] =	ssyncadd.s32 s4;
	_ =	sdelay $0x1  }
0xa7: {  	s23 =	simm.s32 $0x1B8B  }
0xa8: {  	_ =	swait.ge [sflag:s23], $0x1  }
0xa9: {  	[sflag:s23] =	ssyncset.done $0x0  }
0xaa: {  	s25 =	simm.s32 $0x1B8E;
	s24 =	sld [smem:$0x3FFE];
	[sflag:s23] =	ssyncadd.s32 $0xFFFFFFFF  }
0xab: {  	s26 =	simm.s32 $execute0_lowered;
	[smem:$0x3FD2] =	sst s25  }
0xac: {  	s5 =	sshll.u32 s26, $0x1;
	_ =	strace $0x8000005B;
	[dreg:$0x1] =	wrdreg $0xFFFFFFFF  }
0xad: {  	s28 =	simm.s32 $_size_execute0_lowered;
	s3 =	sadd.s32 s3, s5;
	[dreg:$0x0] =	wrdreg $0x0  }
0xae: {  	s5 =	sshll.u32 s28, $0x1;
	[dreg:$0x2] =	wrdreg s3  }
0xaf: {  	[dreg:$0x3] =	wrdreg s5  }
0xb0: {  	[dreg:$0x4] =	wrdreg $0xC0  }
0xb1: {  	_ =	task [dreg:s7], $0x5FFFF  }
0xb2: {  	[dreg:$0x1] =	wrdreg $0xFFFFFFFF  }
0xb3: {  	[dreg:$0x0] =	wrdreg $0x60  }
0xb4: {  	[dreg:$0x2] =	wrdreg s16  }
0xb5: {  	[dreg:$0x3] =	wrdreg s24  }
0xb6: {  	[dreg:$0x4] =	wrdreg $0x68800  }
0xb7: {  	[dreg:$0x5] =	wrdreg $0x9  }
0xb8: {  	_ =	task.clear_ibuf [dreg:s7], $0x6FFFF;
	_ =	strace $0x9000005B  }
0xb9: {  	s29 =	simm.s32 $0x9;
	_ =	strace $0x8000005D  }
0xba: {  	_ =	swait.ge [sflag:s29], $0x1  }
0xbb: {  	[sflag:s29] =	ssyncadd.s32 $0xFFFFFFFF  }
0xbc: {  	_ =	strace $0x9000005D  }
0xbd: {  	_ =	sfence  }
0xbe: {  	s30 =	sld [smem:$0x0];
	_ =	sdelay $0x2  }
0xbf: {  	s31 =	sshll.u32 s1, $0xD;
	s1 =	sshrl.u32 s1, $0x2  }
0xc0: {  	s3 =	sand.u32 $0x4000, s31;
	s1 =	sadd.s32 s1, s30  }
0xc1: {  	s0 =	sor.u32 s3, s0;
	s1 =	sshll.u32 s1, $0x11  }
0xc2: {  	s0 =	sor.u32 s1, s0  }
0xc3: {  	s0 =	sadd.s32 $0x8F2B, s0  }
0xc4: {  	[sflag:s0] =	ssyncadd.remote.s32 $0x1  }
0xc5: {  	_ =	sfence.sel $0xFFFF  }
0xc6: {  	[dreg:$0x0] =	wrdreg $0xFFFFFFFF;
	(pc) =	sbr.abs _section_cstart, $3  }
0xc7: {  	[dreg:$0x1] =	wrdreg $0xFFFFFFFF  }
0xc8: {  	_ =	task.clear_ibuf [dreg:s7], $0x2FFFF;
	_ =	strace $0x9FFFFFFF  }
0xc9: {  	(tm) =	ssettm $0x7FFFFFFF  }
tec
execute0_lowered:
.L_overlay_start_1:
0x0: {  	(tag) =	ssettag $0x1  }
0x1: {  	s1 =	srdreg.scid;
	s2 =	rddreg [dreg:$0x0]  }
0x2: {  	s0 =	stileid.u32;
	s7 =	rddreg [dreg:$0x1]  }
0x3: {  	s3 =	rddreg [dreg:$0x2];
	s4 =	simm.s32 $0x0;
	s8 =	smul.u32 $0x9E0, s0  }
0x4: {  	s16 =	simm.s32 $0x1;
	s17 =	simm.s32 $0x0;
	s10 =	smul.u32 $0x14000, s0  }
0x5: {  	s6 =	sand.u32 $0x1, s1;
	s24 =	sshll.u32 s0, $0x1;
	s29 =	smul.u32 $0x50000, s0  }
0x6: {  	[smem:$0x7FF] =	sst s4;
	s13 =	sshll.u32 s0, $0x6;
	s9 =	smul.u32 $0x140000, s6  }
0x7: {  	s1 =	sor.u32 s6, s24;
	s28 =	ssub.s32 $0x2, s6;
	s14 =	smul.u32 $0x4F0, s6  }
0x8: {  	s6 =	sor.u32 $0x1C02, s13;
	s13 =	simm.s32 $0x2800;
	s5 =	smul.u32 $0x500, s1  }
0x9: {  	s1 =	rddreg [dreg:$0x3];
	_ =	strace $0x8000005C;
	s12 =	sadd.s32 s8, s7  }
0xa: {  	s30 =	sshrl.u32 s28, $0x1;
	s25 =	sadd.s32 s10, s9;
	s10 =	sshrl.u32 s29, $0x2  }
0xb: {  	s9 =	ssub.s32 s28, s30;
	s31 =	sadd.s32 s14, s12;
	s12 =	simm.s32 $0x2  }
0xc: {  	s14 =	simm.s32 $0x80;
	s11 =	sadd.s32 s5, s7;
	s26 =	sshrl.u32 s25, $0x3  }
0xd: {  	s5 =	sadd.s32 $0x1EA00, s7;
	s15 =	sadd.s32 s10, s3;
	s9 =	smax.u32 s9, $0x1  }
0xe: {  	s10 =	sadd.s32 $0xAE00, s31;
	s8 =	sadd.s32 s26, s7;
	s7 =	sadd.s32 $0x111A00, s11  }
0xf: {  	s11 =	sshrl.u32 s15, $0x3;
	s15 =	simm.s32 $0x2880;
	s8 =	sadd.s32 $0xC1A00, s8  }
.LBB2_1:
0x10: {  	[spmem:s11], [sflag:s6] =	dma.local [hbm:s5], $0x2800  }
0x11: {  	_ =	swait.ge [sflag:s12], $0x2800  }
0x12: {  	[sflag:s12] =	ssyncset.done $0x0  }
0x13: {  	[sflag:s12] =	ssyncadd.s32 $0xFFFFD800  }
0x14: {  	[tilespmem:s4], [sflag:$0x2] =	stream.linear.gather [hbm4b:s7+s4], $0x2780, $0x38;
	[tilespmem:$0x1A880] =	vst v63  }
0x15: {  	_ =	swait.ge [sflag:s12], $0x2780  }
0x16: {  	[sflag:s12] =	ssyncset.done $0x0  }
0x17: {  	[sflag:s12] =	ssyncadd.s32 $0xFFFFD880  }
0x18: {  	s18 =	sadd.s32 $0x0, s10;
	[bflag:$0x0] =	sbarrier.arrive $0xFFFF  }
0x19: {  	[tilespmem:s13], [sflag:$0x2] =	stream.linear.gather [hbm4b:s18+s4], $0x80, $0x38;
	[tilespmem:$0x1A880] =	vst v63  }
0x1a: {  	_ =	swait.ge [sflag:s12], $0x80  }
0x1b: {  	[sflag:s12] =	ssyncset.done $0x0  }
0x1c: {  	[sflag:s12] =	ssyncadd.s32 $0xFFFFFF80  }
0x1d: {  	[tilespmem:s15], [sflag:$0x1] =	stream.indirect.gather [hbm4b:s2+s14], $0x80, s4, s14, $0xb8;
	[tilespmem:$0x1A880] =	vst v63  }
0x1e: {  	_ =	swait.ge [sflag:s16], $0x4000  }
0x1f: {  	[sflag:s16] =	ssyncset.done $0x0  }
0x20: {  	[sflag:s16] =	ssyncadd.s32 $0xFFFFC000  }
0x21: {  	[spmem:s3] =	stream.indirect.scatter.add.f32 [tilespmem:s15], [sflag:$0x2], $0x80, s13, s14, $0xb8;
	[tilespmem:$0x1A880] =	vst v63  }
0x22: {  	s19 =	simm.s32 $0x10;
	_ =	swait.ge [sflag:s12], $0x4000  }
0x23: {  	s20 =	simm.s32 $0x20;
	s18 =	simm.s32 $0x80;
	[sflag:s12] =	ssyncset.done $0x0  }
.LBB2_2:
0x24: {  	s21 =	sadd.s32 s19, s10  }
0x25: {  	[sflag:s12] =	ssyncadd.s32 $0xFFFFC000;
	s19 =	smov.u32 s20;
	s22 =	sadd.s32 $0x10, s20  }
0x26: {  	[tilespmem:s13], [sflag:$0x2] =	stream.linear.gather [hbm4b:s21+s4], $0x80, $0x38;
	[tilespmem:$0x1A880] =	vst v63  }
0x27: {  	p0 =	sne.s32 s20, $0x4E0;
	_ =	swait.ge [sflag:s12], $0x80  }
0x28: {  	[sflag:s12] =	ssyncset.done $0x0  }
0x29: {  	[sflag:s12] =	ssyncadd.s32 $0xFFFFFF80  }
0x2a: {  	[tilespmem:s15], [sflag:$0x1] =	stream.indirect.gather [hbm4b:s2+s14], $0x80, s18, s14, $0xb8;
	[tilespmem:$0x1A880] =	vst v63  }
0x2b: {  	_ =	swait.ge [sflag:s16], $0x4000  }
.Ltmp0:
0x2c: {  	[sflag:s16] =	ssyncset.done $0x0;
	(pc) =	sbr.rel @p0 .LBB2_2-.Ltmp0, $4  }
0x2d: {  	[sflag:s16] =	ssyncadd.s32 $0xFFFFC000  }
0x2e: {  	[spmem:s3] =	stream.indirect.scatter.add.f32 [tilespmem:s15], [sflag:$0x2], $0x80, s13, s14, $0xb8;
	[tilespmem:$0x1A880] =	vst v63  }
0x2f: {  	_ =	swait.ge [sflag:s12], $0x4000  }
0x30: {  	s20 =	smov.u32 s22;
	s18 =	sadd.s32 $0x80, s18;
	[sflag:s12] =	ssyncset.done $0x0  }
0x31: {  	s19 =	sadd.s32 s19, s10;
	[sflag:s12] =	ssyncadd.s32 $0xFFFFC000  }
0x32: {  	[tilespmem:s13], [sflag:$0x2] =	stream.linear.gather [hbm4b:s19+s4], $0x80, $0x38;
	[tilespmem:$0x1A880] =	vst v63  }
0x33: {  	_ =	swait.ge [sflag:s12], $0x80  }
0x34: {  	[sflag:s12] =	ssyncset.done $0x0  }
0x35: {  	[sflag:s12] =	ssyncadd.s32 $0xFFFFFF80  }
0x36: {  	[tilespmem:s15], [sflag:$0x1] =	stream.indirect.gather [hbm4b:s2+s14], $0x80, s18, s14, $0xb8;
	[tilespmem:$0x1A880] =	vst v63  }
0x37: {  	_ =	swait.ge [sflag:s16], $0x4000  }
0x38: {  	[sflag:s16] =	ssyncset.done $0x0  }
0x39: {  	[sflag:s16] =	ssyncadd.s32 $0xFFFFC000  }
0x3a: {  	[spmem:s3] =	stream.indirect.scatter.add.f32 [tilespmem:s15], [sflag:$0x2], $0x80, s13, s14, $0xb8;
	[tilespmem:$0x1A880] =	vst v63  }
0x3b: {  	_ =	swait.ge [sflag:s12], $0x4000  }
0x3c: {  	s17 =	sadd.s32 $0x1, s17;
	[sflag:s12] =	ssyncset.done $0x0  }
0x3d: {  	p0 =	sne.s32 s17, s9;
	[sflag:s12] =	ssyncadd.s32 $0xFFFFC000  }
.Ltmp1:
0x3e: {  	[bflag:$0x0] =	sbarrier.arrive $0xFFFF;
	(pc) =	sbr.rel @p0 .LBB2_1-.Ltmp1, $4  }
0x3f: {  	[hbm:s8], [sflag:s6] =	dma.local [spmem:s11], $0x2800  }
0x40: {  	_ =	swait.ge [sflag:s12], $0x2800  }
0x41: {  	[sflag:s12] =	ssyncset.done $0x0  }
0x42: {  	[sflag:s12] =	ssyncadd.s32 $0xFFFFD800  }
0x43: {  	_ =	sfence.sel $0x180000  }
0x44: {  	[bflag:$0x0] =	sbarrier.arrive $0xFFFF  }
0x45: {  	p0 =	sne.s32 s0, $0x0;
	_ =	strace $0x9000005C  }
0x46: {  	s0 =	sadd.s32 @!p0 $0x100000, s1;
	[bflag:$0x2] =	sbarrier.arrive $0xFFFF  }
0x47: {  	[sflag:s0] =	ssyncadd.tile.s32 @!p0 $0x1;
	_ =	shalt  }
.Lfunc_end2:
_tile_overlayer_lowered:
.L_overlay_start_2:
0x48: {  	(tag) =	ssettag $0x2  }
0x49: {  	s0 =	rddreg [dreg:$0x0];
	s2 =	stileid.u32  }
0x4a: {  	s1 =	rddreg [dreg:$0x1];
	p0 =	sne.s32 s2, $0x0  }
0x4b: {  	s3 =	rddreg [dreg:$0x2];
	[bflag:$0x3] =	sbarrier.arrive $0xFFFF;
	s2 =	simm.s32 @!p0 $0x1C02  }
0x4c: {  	[timem:s3], [sflag:s2] =	dma.local @!p0 [hbm:s0], s1  }
0x4d: {  	s0 =	simm.s32 @!p0 $0x2  }
0x4e: {  	_ =	swait.ge @!p0 [sflag:s0], s1  }
0x4f: {  	s1 =	ssub.s32 @!p0 $0x0, s1;
	[sflag:s0] =	ssyncset.done @!p0 $0x0  }
0x50: {  	[sflag:s0] =	ssyncadd.s32 @!p0 s1  }
0x51: {  	[bflag:$0x3] =	sbarrier.arrive $0xFFFF  }
0x52: {  	_ =	shalt  }

</sc_bundles>
